<compile_context>
chip_gen: v7x
topology: tpu7x:2x2x1
jax: 0.10.2.dev20260603
libtpu: 0.0.44.dev20260713+nightly
codegen_flags: <defaults>
</compile_context>

<pallas_src>
import functools

import jax
import jax.numpy as jnp
from jax import lax
from jax.experimental import pallas as pl
from jax.experimental.pallas import tpu as pltpu
from jax.experimental.pallas import tpu_sc as plsc

N = 50000
E = 800000
D = 81
DP = 128
NP = 50176
NB = 512
RNG = 12512
SLAB = RNG + 32
CHUNK = 112
E2 = 806400
CPT = E2 // CHUNK // 16
BE = 3200



def _edge_emb_body(attr_ref, w_ref, b_ref, out_ref):
    out_ref[...] = (
        jnp.dot(attr_ref[...], w_ref[...], preferred_element_type=jnp.float32)
        + b_ref[...]
    )


def _edge_emb(attr_p, w_l, b_l):
    return pl.pallas_call(
        _edge_emb_body,
        grid=(E2 // BE,),
        in_specs=[
            pl.BlockSpec((BE, 8), lambda i: (i, 0)),
            pl.BlockSpec((8, DP), lambda i: (0, 0)),
            pl.BlockSpec((1, DP), lambda i: (0, 0)),
        ],
        out_specs=pl.BlockSpec((BE, DP), lambda i: (i, 0)),
        out_shape=jax.ShapeDtypeStruct((E2, DP), jnp.float32),
    )(attr_p, w_l, b_l)


def _mlp1_body(eps_ref, h_ref, agg_ref, w1_ref, b1_ref, t_ref, stats_ref,
               acc_s, acc_q):
    i = pl.program_id(0)
    z = (1.0 + eps_ref[0]) * h_ref[...] + agg_ref[...]
    t = jnp.dot(z, w1_ref[...], preferred_element_type=jnp.float32) + b1_ref[...]
    t_ref[...] = t
    rows = i * NB + lax.broadcasted_iota(jnp.int32, (NB, 1), 0)
    tm = jnp.where(rows < N, t, 0.0)

    @pl.when(i == 0)
    def _():
        acc_s[...] = jnp.zeros_like(acc_s)
        acc_q[...] = jnp.zeros_like(acc_q)

    acc_s[...] += jnp.sum(tm, axis=0, keepdims=True)
    acc_q[...] += jnp.sum(tm * tm, axis=0, keepdims=True)

    @pl.when(i == pl.num_programs(0) - 1)
    def _():
        mu = acc_s[...] / N
        var = acc_q[...] / N - mu * mu
        stats_ref[0:1, :] = mu
        stats_ref[1:2, :] = var


def _mlp1(h, agg, w1_l, b1_l, eps_l):
    return pl.pallas_call(
        _mlp1_body,
        grid=(NP // NB,),
        in_specs=[
            pl.BlockSpec(memory_space=pltpu.SMEM),
            pl.BlockSpec((NB, DP), lambda i: (i, 0)),
            pl.BlockSpec((NB, DP), lambda i: (i, 0)),
            pl.BlockSpec((DP, DP), lambda i: (0, 0)),
            pl.BlockSpec((1, DP), lambda i: (0, 0)),
        ],
        out_specs=[
            pl.BlockSpec((NB, DP), lambda i: (i, 0)),
            pl.BlockSpec((2, DP), lambda i: (0, 0)),
        ],
        out_shape=[
            jax.ShapeDtypeStruct((NP, DP), jnp.float32),
            jax.ShapeDtypeStruct((2, DP), jnp.float32),
        ],
        scratch_shapes=[
            pltpu.VMEM((1, DP), jnp.float32),
            pltpu.VMEM((1, DP), jnp.float32),
        ],
    )(eps_l, h, agg, w1_l, b1_l)


def _mlp2_body(t_ref, stats_ref, g1_ref, bn1_ref, w2_ref, b2_ref, geff_ref,
               beta_ref, hin_ref, out_ref, *, last):
    mu = stats_ref[0:1, :]
    var = stats_ref[1:2, :]
    tn = (t_ref[...] - mu) * lax.rsqrt(var + 1e-5) * g1_ref[...] + bn1_ref[...]
    tn = jnp.maximum(tn, 0.0)
    u = jnp.dot(tn, w2_ref[...], preferred_element_type=jnp.float32) + b2_ref[...]
    u = jnp.maximum(u, 0.0)
    hb = u * geff_ref[...] + beta_ref[...]
    if not last:
        hb = jnp.maximum(hb, 0.0)
    out_ref[...] = hb + hin_ref[...]


def _mlp2(t, stats, g1_l, bn1_l, w2_l, b2_l, geff_l, beta_l, hin, last):
    return pl.pallas_call(
        functools.partial(_mlp2_body, last=last),
        grid=(NP // NB,),
        in_specs=[
            pl.BlockSpec((NB, DP), lambda i: (i, 0)),
            pl.BlockSpec((2, DP), lambda i: (0, 0)),
            pl.BlockSpec((1, DP), lambda i: (0, 0)),
            pl.BlockSpec((1, DP), lambda i: (0, 0)),
            pl.BlockSpec((DP, DP), lambda i: (0, 0)),
            pl.BlockSpec((1, DP), lambda i: (0, 0)),
            pl.BlockSpec((1, DP), lambda i: (0, 0)),
            pl.BlockSpec((1, DP), lambda i: (0, 0)),
            pl.BlockSpec((NB, DP), lambda i: (i, 0)),
        ],
        out_specs=pl.BlockSpec((NB, DP), lambda i: (i, 0)),
        out_shape=jax.ShapeDtypeStruct((NP, DP), jnp.float32),
    )(t, stats, g1_l, bn1_l, w2_l, b2_l, geff_l, beta_l, hin)



def _edge_agg_body(h_hbm, e_hbm, src_hbm, dst_hbm, agg_hbm,
                   svm, dvm, rvm, evm, hvm, slab, sem):
    c = lax.axis_index("c")
    s = lax.axis_index("s")
    lane = lax.iota(jnp.int32, 16)

    for rb in range(2):
        b = 2 * c + rb
        lo = b * RNG

        def _zrow(i, _):
            for k in range(DP // 16):
                evm[i, pl.ds(k * 16, 16)] = jnp.zeros((16,), jnp.float32)
            return _
        lax.fori_loop(0, CHUNK, _zrow, None)

        def _zslab(k, _):
            pltpu.sync_copy(evm, slab.at[pl.ds(s * 784 + k * 112, 112)])
            return _
        lax.fori_loop(0, 7, _zslab, None)
        plsc.subcore_barrier()

        def _chunk(j, _):
            base = (s * CPT + j) * CHUNK
            pltpu.sync_copy(src_hbm.at[pl.ds(base, CHUNK)], svm)
            pltpu.sync_copy(dst_hbm.at[pl.ds(base, CHUNK)], dvm)
            pltpu.sync_copy(e_hbm.at[pl.ds(base, CHUNK)], evm)

            pltpu.async_copy(h_hbm.at[svm], hvm, sem).wait()

            def _rel(g, _):
                dv = dvm[pl.ds(g * 16, 16)]
                inr = (dv >= lo) & (dv < lo + RNG)
                rel = jnp.where(inr, dv - lo,
                                RNG + lane + 16 * (g % 2))
                rvm[pl.ds(g * 16, 16)] = rel
                return _
            lax.fori_loop(0, CHUNK // 16, _rel, None)

            def _msg(m, _):
                for k in range(DP // 16):
                    hv = hvm[m, pl.ds(k * 16, 16)]
                    ev = evm[m, pl.ds(k * 16, 16)]
                    hvm[m, pl.ds(k * 16, 16)] = jnp.maximum(hv + ev, 0.0)
                return _
            lax.fori_loop(0, CHUNK, _msg, None)

            pltpu.sync_copy(hvm, slab.at[rvm], add=True)
            return _
        lax.fori_loop(0, CPT, _chunk, None)
        plsc.subcore_barrier()

        @pl.when(s < 15)
        def _():
            pltpu.sync_copy(slab.at[pl.ds(s * 784, 784)],
                            agg_hbm.at[pl.ds(lo + s * 784, 784)])

        @pl.when(s == 15)
        def _():
            pltpu.sync_copy(slab.at[pl.ds(15 * 784, 752)],
                            agg_hbm.at[pl.ds(lo + 15 * 784, 752)])
        plsc.subcore_barrier()


def _edge_agg(h, e, src, dst):
    mesh = plsc.VectorSubcoreMesh(core_axis_name="c", subcore_axis_name="s")
    f = functools.partial(
        pl.kernel,
        mesh=mesh,
        out_type=jax.ShapeDtypeStruct((NP, DP), jnp.float32),
        scratch_types=[
            pltpu.VMEM((CHUNK,), jnp.int32),
            pltpu.VMEM((CHUNK,), jnp.int32),
            pltpu.VMEM((CHUNK,), jnp.int32),
            pltpu.VMEM((CHUNK, DP), jnp.float32),
            pltpu.VMEM((CHUNK, DP), jnp.float32),
            pltpu.VMEM_SHARED((SLAB, DP), jnp.float32),
            pltpu.SemaphoreType.DMA,
        ],
    )(_edge_agg_body)
    return f(h, e, src, dst)



def kernel(x, edge_index, edge_attr, We, be, W1, b1, g1, bn1, W2, b2, eps,
           gamma, beta):
    f32 = jnp.float32
    h = jnp.pad(x.astype(f32), ((0, NP - N), (0, DP - D)))
    src = jnp.pad(edge_index[0], (0, E2 - E))
    dst = jnp.pad(edge_index[1], (0, E2 - E), constant_values=NP)
    attr_p = jnp.pad(edge_attr, ((0, E2 - E), (0, 2)))
    We_p = jnp.pad(We, ((0, 0), (0, 2), (0, DP - D)))
    be_p = jnp.pad(be, ((0, 0), (0, DP - D)))
    W1_p = jnp.pad(W1, ((0, 0), (0, DP - D), (0, DP - D)))
    b1_p = jnp.pad(b1, ((0, 0), (0, DP - D)))
    g1_p = jnp.pad(g1, ((0, 0), (0, DP - D)))
    bn1_p = jnp.pad(bn1, ((0, 0), (0, DP - D)))
    W2_p = jnp.pad(W2, ((0, 0), (0, DP - D), (0, DP - D)))
    b2_p = jnp.pad(b2, ((0, 0), (0, DP - D)))
    geff = jnp.pad(gamma / jnp.sqrt(1.0 + 1e-5), ((0, 0), (0, DP - D)))
    beta_p = jnp.pad(beta, ((0, 0), (0, DP - D)))

    L = We.shape[0]
    for l in range(L):
        e = _edge_emb(attr_p, We_p[l], be_p[l].reshape(1, DP))
        agg = _edge_agg(h, e, src, dst)
        t, stats = _mlp1(h, agg, W1_p[l], b1_p[l].reshape(1, DP),
                         eps[l].reshape(1))
        h = _mlp2(t, stats, g1_p[l].reshape(1, DP), bn1_p[l].reshape(1, DP),
                  W2_p[l], b2_p[l].reshape(1, DP), geff[l].reshape(1, DP),
                  beta_p[l].reshape(1, DP), h, last=(l == L - 1))
    return h[:N, :D]

# --- scband reference (transcript-rebuilt; emitter-appended) ---
"""Pipeline reference for scband-ginnode-embedding-31636729103196 (READ-ONLY COPY).

The authoritative reference and input builder live on the scoring server;
editing this copy changes nothing except your own understanding.
"""

import jax, jax.numpy as jnp
import numpy as np

N = 50000
E = 800000
D = 81
ED = 6
L = 3


def setup_inputs(seed: int = 0) -> dict:
    key = jax.random.key(seed)
    ks = jax.random.split(key, 8)
    x = jax.random.randint(ks[0], (N, D), 0, 5, dtype=jnp.int32)
    edge_index = jax.random.randint(ks[1], (2, E), 0, N, dtype=jnp.int32)
    edge_attr = jax.random.normal(ks[2], (E, ED), dtype=jnp.float32)
    s = 1.0 / np.sqrt(D)
    We = jax.random.normal(ks[3], (L, ED, D), dtype=jnp.float32) * (1.0 / np.sqrt(ED))
    be = jnp.zeros((L, D), dtype=jnp.float32)
    W1 = jax.random.normal(ks[4], (L, D, D), dtype=jnp.float32) * s
    b1 = jnp.zeros((L, D), dtype=jnp.float32)
    g1 = jnp.ones((L, D), dtype=jnp.float32)
    bn1 = jnp.zeros((L, D), dtype=jnp.float32)
    W2 = jax.random.normal(ks[5], (L, D, D), dtype=jnp.float32) * s
    b2 = jnp.zeros((L, D), dtype=jnp.float32)
    eps = jnp.zeros((L,), dtype=jnp.float32)
    gamma = jnp.ones((L, D), dtype=jnp.float32)
    beta = jnp.zeros((L, D), dtype=jnp.float32)
    return {"x": x, "edge_index": edge_index, "edge_attr": edge_attr,
            "We": We, "be": be, "W1": W1, "b1": b1, "g1": g1, "bn1": bn1,
            "W2": W2, "b2": b2, "eps": eps, "gamma": gamma, "beta": beta}


def reference(x, edge_index, edge_attr, We, be, W1, b1, g1, bn1, W2, b2, eps, gamma, beta):
    # GINNodeEmbedding forward (eval mode: dropout is identity).
    # x is cast to int64 in the torch code; here it is already integer -> use as float features.
    src = edge_index[0]
    dst = edge_index[1]
    h = x.astype(jnp.float32)
    h_in = h  # h_list[layer]
    for l in range(L):
        h_in = h
        # GINEConv: out = nn((1+eps)*x + sum_j ReLU(x_j + lin_edge(edge_attr)))
        e = edge_attr @ We[l] + be[l]
        msg = jax.nn.relu(h[src] + e)
        agg = jax.ops.segment_sum(msg, dst, num_segments=N)
        z = (1.0 + eps[l]) * h + agg
        # nn = Linear(81, emb) -> BatchNorm1d(track_running_stats=False, batch stats) -> ReLU -> Linear -> ReLU
        t = z @ W1[l] + b1[l]
        mu = jnp.mean(t, axis=0)
        var = jnp.var(t, axis=0)
        t = (t - mu) / jnp.sqrt(var + 1e-5) * g1[l] + bn1[l]
        t = jax.nn.relu(t)
        t = jax.nn.relu(t @ W2[l] + b2[l])
        # outer BatchNorm1d in eval mode uses running stats (mean=0, var=1)
        hb = t / jnp.sqrt(1.0 + 1e-5) * gamma[l] + beta[l]
        if l == L - 1:
            hn = hb  # dropout(identity in eval)
        else:
            hn = jax.nn.relu(hb)
        h = hn + h_in  # residual: h += h_list[layer]
    return h  # JK == 'last'

if __name__ == "__main__":
    import jax
    _d = setup_inputs()
    print(jax.jit(kernel)(*tuple(_d.values())))

</pallas_src>

<mosaic_0001>
#map = affine_map<(d0, d1) -> (0, 0)>
#map1 = affine_map<(d0, d1) -> (0)>
module attributes {stable_mosaic.version = 14 : i64} {
  func.func @_edge_agg_body(%arg0: i32, %arg1: i32, %arg2: memref<50176x128xf32, #tpu.memory_space<hbm>>, %arg3: memref<806400x128xf32, #tpu.memory_space<hbm>>, %arg4: memref<806400xi32, #tpu.memory_space<hbm>>, %arg5: memref<806400xi32, #tpu.memory_space<hbm>>, %arg6: memref<50176x128xf32, #tpu.memory_space<hbm>>, %arg7: memref<112xi32, #tpu.memory_space<vmem>>, %arg8: memref<112xi32, #tpu.memory_space<vmem>>, %arg9: memref<112xi32, #tpu.memory_space<vmem>>, %arg10: memref<112x128xf32, #tpu.memory_space<vmem>>, %arg11: memref<112x128xf32, #tpu.memory_space<vmem>>, %arg12: memref<12544x128xf32, #tpu.memory_space<vmem_shared>>, %arg13: memref<!tpu.dma_semaphore, #tpu.memory_space<semaphore_mem>>) attributes {dimension_semantics = [#tpu.dimension_semantics<core_parallel>, #tpu.dimension_semantics<subcore_parallel>], iteration_bounds = array<i64: 2, 16>, scalar_prefetch = 0 : i64, scratch_operands = 7 : i64, tpu.core_type = #tpu.core_type<sc_vector_subcore>, window_params = [{transform_indices = #map}, {transform_indices = #map}, {transform_indices = #map1}, {transform_indices = #map1}, {transform_indices = #map}]} {
    %iota3A = tpu.iota {dimensions = array<i32: 0>} : vector<16xi32>
    %mul3A = arith.constant 2 : i32
    %mul3A_0 = arith.muli %mul3A, %arg0 : i32
    %add3A = arith.constant 0 : i32
    %add3A_1 = arith.addi %mul3A_0, %add3A : i32
    %mul3A_2 = arith.constant 12512 : i32
    %mul3A_3 = arith.muli %add3A_1, %mul3A_2 : i32
    %scan3A = arith.constant 0 : i32
    %scan3A_4 = arith.constant 112 : i32
    %scan3A_5 = arith.addi %scan3A, %scan3A_4 : i32
    %scan3A_6 = arith.constant 1 : i32
    scf.for %scan3A_60 = %scan3A to %scan3A_5 step %scan3A_6  : i32 {
      %broadcast_in_dim3A = arith.constant 0.000000e+00 : f32
      %broadcast_in_dim3A_61 = vector.broadcast %broadcast_in_dim3A : f32 to vector<16xf32>
      %swap3A = arith.index_cast %scan3A_60 : i32 to index
      %swap3A_62 = arith.constant 0 : index
      %swap3A_63 = tpu.vector_load %arg10[%swap3A, %swap3A_62] {strides = array<i32>} : memref<112x128xf32, #tpu.memory_space<vmem>>, vector<1x16xf32>,
      %swap3A_64 = vector.shape_cast %swap3A_63 : vector<1x16xf32> to vector<16xf32>
      %swap3A_65 = vector.shape_cast %broadcast_in_dim3A_61 : vector<16xf32> to vector<1x16xf32>
      tpu.vector_store %arg10[%swap3A, %swap3A_62], %swap3A_65 {strides = array<i32>} : memref<112x128xf32, #tpu.memory_space<vmem>>, vector<1x16xf32>,
      %broadcast_in_dim3A_66 = arith.constant 0.000000e+00 : f32
      %broadcast_in_dim3A_67 = vector.broadcast %broadcast_in_dim3A_66 : f32 to vector<16xf32>
      %swap3A_68 = arith.index_cast %scan3A_60 : i32 to index
      %swap3A_69 = arith.constant 16 : index
      %swap3A_70 = tpu.vector_load %arg10[%swap3A_68, %swap3A_69] {strides = array<i32>} : memref<112x128xf32, #tpu.memory_space<vmem>>, vector<1x16xf32>,
      %swap3A_71 = vector.shape_cast %swap3A_70 : vector<1x16xf32> to vector<16xf32>
      %swap3A_72 = vector.shape_cast %broadcast_in_dim3A_67 : vector<16xf32> to vector<1x16xf32>
      tpu.vector_store %arg10[%swap3A_68, %swap3A_69], %swap3A_72 {strides = array<i32>} : memref<112x128xf32, #tpu.memory_space<vmem>>, vector<1x16xf32>,
      %broadcast_in_dim3A_73 = arith.constant 0.000000e+00 : f32
      %broadcast_in_dim3A_74 = vector.broadcast %broadcast_in_dim3A_73 : f32 to vector<16xf32>
      %swap3A_75 = arith.index_cast %scan3A_60 : i32 to index
      %swap3A_76 = arith.constant 32 : index
      %swap3A_77 = tpu.vector_load %arg10[%swap3A_75, %swap3A_76] {strides = array<i32>} : memref<112x128xf32, #tpu.memory_space<vmem>>, vector<1x16xf32>,
      %swap3A_78 = vector.shape_cast %swap3A_77 : vector<1x16xf32> to vector<16xf32>
      %swap3A_79 = vector.shape_cast %broadcast_in_dim3A_74 : vector<16xf32> to vector<1x16xf32>
      tpu.vector_store %arg10[%swap3A_75, %swap3A_76], %swap3A_79 {strides = array<i32>} : memref<112x128xf32, #tpu.memory_space<vmem>>, vector<1x16xf32>,
      %broadcast_in_dim3A_80 = arith.constant 0.000000e+00 : f32
      %broadcast_in_dim3A_81 = vector.broadcast %broadcast_in_dim3A_80 : f32 to vector<16xf32>
      %swap3A_82 = arith.index_cast %scan3A_60 : i32 to index
      %swap3A_83 = arith.constant 48 : index
      %swap3A_84 = tpu.vector_load %arg10[%swap3A_82, %swap3A_83] {strides = array<i32>} : memref<112x128xf32, #tpu.memory_space<vmem>>, vector<1x16xf32>,
      %swap3A_85 = vector.shape_cast %swap3A_84 : vector<1x16xf32> to vector<16xf32>
      %swap3A_86 = vector.shape_cast %broadcast_in_dim3A_81 : vector<16xf32> to vector<1x16xf32>
      tpu.vector_store %arg10[%swap3A_82, %swap3A_83], %swap3A_86 {strides = array<i32>} : memref<112x128xf32, #tpu.memory_space<vmem>>, vector<1x16xf32>,
      %broadcast_in_dim3A_87 = arith.constant 0.000000e+00 : f32
      %broadcast_in_dim3A_88 = vector.broadcast %broadcast_in_dim3A_87 : f32 to vector<16xf32>
      %swap3A_89 = arith.index_cast %scan3A_60 : i32 to index
      %swap3A_90 = arith.constant 64 : index
      %swap3A_91 = tpu.vector_load %arg10[%swap3A_89, %swap3A_90] {strides = array<i32>} : memref<112x128xf32, #tpu.memory_space<vmem>>, vector<1x16xf32>,
      %swap3A_92 = vector.shape_cast %swap3A_91 : vector<1x16xf32> to vector<16xf32>
      %swap3A_93 = vector.shape_cast %broadcast_in_dim3A_88 : vector<16xf32> to vector<1x16xf32>
      tpu.vector_store %arg10[%swap3A_89, %swap3A_90], %swap3A_93 {strides = array<i32>} : memref<112x128xf32, #tpu.memory_space<vmem>>, vector<1x16xf32>,
      %broadcast_in_dim3A_94 = arith.constant 0.000000e+00 : f32
      %broadcast_in_dim3A_95 = vector.broadcast %broadcast_in_dim3A_94 : f32 to vector<16xf32>
      %swap3A_96 = arith.index_cast %scan3A_60 : i32 to index
      %swap3A_97 = arith.constant 80 : index
      %swap3A_98 = tpu.vector_load %arg10[%swap3A_96, %swap3A_97] {strides = array<i32>} : memref<112x128xf32, #tpu.memory_space<vmem>>, vector<1x16xf32>,
      %swap3A_99 = vector.shape_cast %swap3A_98 : vector<1x16xf32> to vector<16xf32>
      %swap3A_100 = vector.shape_cast %broadcast_in_dim3A_95 : vector<16xf32> to vector<1x16xf32>
      tpu.vector_store %arg10[%swap3A_96, %swap3A_97], %swap3A_100 {strides = array<i32>} : memref<112x128xf32, #tpu.memory_space<vmem>>, vector<1x16xf32>,
      %broadcast_in_dim3A_101 = arith.constant 0.000000e+00 : f32
      %broadcast_in_dim3A_102 = vector.broadcast %broadcast_in_dim3A_101 : f32 to vector<16xf32>
      %swap3A_103 = arith.index_cast %scan3A_60 : i32 to index
      %swap3A_104 = arith.constant 96 : index
      %swap3A_105 = tpu.vector_load %arg10[%swap3A_103, %swap3A_104] {strides = array<i32>} : memref<112x128xf32, #tpu.memory_space<vmem>>, vector<1x16xf32>,
      %swap3A_106 = vector.shape_cast %swap3A_105 : vector<1x16xf32> to vector<16xf32>
      %swap3A_107 = vector.shape_cast %broadcast_in_dim3A_102 : vector<16xf32> to vector<1x16xf32>
      tpu.vector_store %arg10[%swap3A_103, %swap3A_104], %swap3A_107 {strides = array<i32>} : memref<112x128xf32, #tpu.memory_space<vmem>>, vector<1x16xf32>,
      %broadcast_in_dim3A_108 = arith.constant 0.000000e+00 : f32
      %broadcast_in_dim3A_109 = vector.broadcast %broadcast_in_dim3A_108 : f32 to vector<16xf32>
      %swap3A_110 = arith.index_cast %scan3A_60 : i32 to index
      %swap3A_111 = arith.constant 112 : index
      %swap3A_112 = tpu.vector_load %arg10[%swap3A_110, %swap3A_111] {strides = array<i32>} : memref<112x128xf32, #tpu.memory_space<vmem>>, vector<1x16xf32>,
      %swap3A_113 = vector.shape_cast %swap3A_112 : vector<1x16xf32> to vector<16xf32>
      %swap3A_114 = vector.shape_cast %broadcast_in_dim3A_109 : vector<16xf32> to vector<1x16xf32>
      tpu.vector_store %arg10[%swap3A_110, %swap3A_111], %swap3A_114 {strides = array<i32>} : memref<112x128xf32, #tpu.memory_space<vmem>>, vector<1x16xf32>,
    }
    %scan3A_7 = arith.constant 112 : i32
    %scan3A_8 = arith.constant 0 : i32
    %scan3A_9 = arith.constant 7 : i32
    %scan3A_10 = arith.addi %scan3A_8, %scan3A_9 : i32
    %scan3A_11 = arith.constant 1 : i32
    scf.for %scan3A_60 = %scan3A_8 to %scan3A_10 step %scan3A_11  : i32 {
      %mul3A_61 = arith.constant 784 : i32
      %mul3A_62 = arith.muli %arg1, %mul3A_61 : i32
      %mul3A_63 = arith.constant 112 : i32
      %mul3A_64 = arith.muli %scan3A_60, %mul3A_63 : i32
      %add3A_65 = arith.addi %mul3A_62, %mul3A_64 : i32
      "tpu.region"() ({
        %run_scoped3A = tpu.sem_alloc : memref<!tpu.dma_semaphore, #tpu.memory_space<semaphore_mem>>
        %dma_start3A = arith.constant 0 : i32
        %dma_start3A_66 = tpu.memref_slice %arg12[%add3A_65, %dma_start3A] : memref<12544x128xf32, #tpu.memory_space<vmem_shared>> -> memref<112x128xf32, #tpu.memory_space<vmem_shared>>
        %dma_start3A_67 = arith.constant 0 : i32
        %dma_start3A_68 = tpu.memref_slice %arg12[%add3A_65, %dma_start3A_67] : memref<12544x128xf32, #tpu.memory_space<vmem_shared>> -> memref<112x128xf32, #tpu.memory_space<vmem_shared>>
        tpu.enqueue_dma source(%arg10 : memref<112x128xf32, #tpu.memory_space<vmem>>) target(%dma_start3A_68 : memref<112x128xf32, #tpu.memory_space<vmem_shared>>) target_semaphore(%run_scoped3A : memref<!tpu.dma_semaphore, #tpu.memory_space<semaphore_mem>>)
        %dma_wait3A = arith.constant 0 : i32
        %dma_wait3A_69 = tpu.memref_slice %arg12[%add3A_65, %dma_wait3A] : memref<12544x128xf32, #tpu.memory_space<vmem_shared>> -> memref<112x128xf32, #tpu.memory_space<vmem_shared>>
        %dma_wait3A_70 = arith.constant 0 : i32
        %dma_wait3A_71 = tpu.memref_slice %arg12[%add3A_65, %dma_wait3A_70] : memref<12544x128xf32, #tpu.memory_space<vmem_shared>> -> memref<112x128xf32, #tpu.memory_space<vmem_shared>>
        tpu.wait_dma2 semaphore(%run_scoped3A : memref<!tpu.dma_semaphore, #tpu.memory_space<semaphore_mem>>) src(%arg10 : memref<112x128xf32, #tpu.memory_space<vmem>>) dst(%dma_wait3A_71 : memref<112x128xf32, #tpu.memory_space<vmem_shared>>)
        tpu.yield
      }) : () -> ()
    }
    %scan3A_12 = arith.constant 7 : i32
    %barrier3A = arith.constant 0 : index
    tpu.barrier barrier_id(%barrier3A)
    %scan3A_13 = arith.constant 0 : i32
    %scan3A_14 = arith.constant 450 : i32
    %scan3A_15 = arith.addi %scan3A_13, %scan3A_14 : i32
    %scan3A_16 = arith.constant 1 : i32
    scf.for %scan3A_60 = %scan3A_13 to %scan3A_15 step %scan3A_16  : i32 {
      %mul3A_61 = arith.constant 450 : i32
      %mul3A_62 = arith.muli %arg1, %mul3A_61 : i32
      %add3A_63 = arith.addi %mul3A_62, %scan3A_60 : i32
      %mul3A_64 = arith.constant 112 : i32
      %mul3A_65 = arith.muli %add3A_63, %mul3A_64 : i32
      "tpu.region"() ({
        %run_scoped3A = tpu.sem_alloc : memref<!tpu.dma_semaphore, #tpu.memory_space<semaphore_mem>>
        %dma_start3A_80 = tpu.memref_slice %arg4[%mul3A_65] : memref<806400xi32, #tpu.memory_space<hbm>> -> memref<112xi32, #tpu.memory_space<hbm>>
        %dma_start3A_81 = tpu.memref_slice %arg4[%mul3A_65] : memref<806400xi32, #tpu.memory_space<hbm>> -> memref<112xi32, #tpu.memory_space<hbm>>
        tpu.enqueue_dma source(%dma_start3A_81 : memref<112xi32, #tpu.memory_space<hbm>>) target(%arg7 : memref<112xi32, #tpu.memory_space<vmem>>) target_semaphore(%run_scoped3A : memref<!tpu.dma_semaphore, #tpu.memory_space<semaphore_mem>>)
        %dma_wait3A_82 = tpu.memref_slice %arg4[%mul3A_65] : memref<806400xi32, #tpu.memory_space<hbm>> -> memref<112xi32, #tpu.memory_space<hbm>>
        %dma_wait3A_83 = tpu.memref_slice %arg4[%mul3A_65] : memref<806400xi32, #tpu.memory_space<hbm>> -> memref<112xi32, #tpu.memory_space<hbm>>
        tpu.wait_dma2 semaphore(%run_scoped3A : memref<!tpu.dma_semaphore, #tpu.memory_space<semaphore_mem>>) src(%dma_wait3A_83 : memref<112xi32, #tpu.memory_space<hbm>>) dst(%arg7 : memref<112xi32, #tpu.memory_space<vmem>>)
        tpu.yield
      }) : () -> ()
      "tpu.region"() ({
        %run_scoped3A = tpu.sem_alloc : memref<!tpu.dma_semaphore, #tpu.memory_space<semaphore_mem>>
        %dma_start3A_80 = tpu.memref_slice %arg5[%mul3A_65] : memref<806400xi32, #tpu.memory_space<hbm>> -> memref<112xi32, #tpu.memory_space<hbm>>
        %dma_start3A_81 = tpu.memref_slice %arg5[%mul3A_65] : memref<806400xi32, #tpu.memory_space<hbm>> -> memref<112xi32, #tpu.memory_space<hbm>>
        tpu.enqueue_dma source(%dma_start3A_81 : memref<112xi32, #tpu.memory_space<hbm>>) target(%arg8 : memref<112xi32, #tpu.memory_space<vmem>>) target_semaphore(%run_scoped3A : memref<!tpu.dma_semaphore, #tpu.memory_space<semaphore_mem>>)
        %dma_wait3A_82 = tpu.memref_slice %arg5[%mul3A_65] : memref<806400xi32, #tpu.memory_space<hbm>> -> memref<112xi32, #tpu.memory_space<hbm>>
        %dma_wait3A_83 = tpu.memref_slice %arg5[%mul3A_65] : memref<806400xi32, #tpu.memory_space<hbm>> -> memref<112xi32, #tpu.memory_space<hbm>>
        tpu.wait_dma2 semaphore(%run_scoped3A : memref<!tpu.dma_semaphore, #tpu.memory_space<semaphore_mem>>) src(%dma_wait3A_83 : memref<112xi32, #tpu.memory_space<hbm>>) dst(%arg8 : memref<112xi32, #tpu.memory_space<vmem>>)
        tpu.yield
      }) : () -> ()
      "tpu.region"() ({
        %run_scoped3A = tpu.sem_alloc : memref<!tpu.dma_semaphore, #tpu.memory_space<semaphore_mem>>
        %dma_start3A_80 = arith.constant 0 : i32
        %dma_start3A_81 = tpu.memref_slice %arg3[%mul3A_65, %dma_start3A_80] : memref<806400x128xf32, #tpu.memory_space<hbm>> -> memref<112x128xf32, #tpu.memory_space<hbm>>
        %dma_start3A_82 = arith.constant 0 : i32
        %dma_start3A_83 = tpu.memref_slice %arg3[%mul3A_65, %dma_start3A_82] : memref<806400x128xf32, #tpu.memory_space<hbm>> -> memref<112x128xf32, #tpu.memory_space<hbm>>
        tpu.enqueue_dma source(%dma_start3A_83 : memref<112x128xf32, #tpu.memory_space<hbm>>) target(%arg10 : memref<112x128xf32, #tpu.memory_space<vmem>>) target_semaphore(%run_scoped3A : memref<!tpu.dma_semaphore, #tpu.memory_space<semaphore_mem>>)
        %dma_wait3A_84 = arith.constant 0 : i32
        %dma_wait3A_85 = tpu.memref_slice %arg3[%mul3A_65, %dma_wait3A_84] : memref<806400x128xf32, #tpu.memory_space<hbm>> -> memref<112x128xf32, #tpu.memory_space<hbm>>
        %dma_wait3A_86 = arith.constant 0 : i32
        %dma_wait3A_87 = tpu.memref_slice %arg3[%mul3A_65, %dma_wait3A_86] : memref<806400x128xf32, #tpu.memory_space<hbm>> -> memref<112x128xf32, #tpu.memory_space<hbm>>
        tpu.wait_dma2 semaphore(%run_scoped3A : memref<!tpu.dma_semaphore, #tpu.memory_space<semaphore_mem>>) src(%dma_wait3A_87 : memref<112x128xf32, #tpu.memory_space<hbm>>) dst(%arg10 : memref<112x128xf32, #tpu.memory_space<vmem>>)
        tpu.yield
      }) : () -> ()
      %dma_start3A = arith.constant 0 : i32
      %dma_start3A_66 = arith.constant 0 : i32
      %dma_start3A_67 = tpu.memref_slice %arg2[%dma_start3A, %dma_start3A_66] : memref<50176x128xf32, #tpu.memory_space<hbm>> -> memref<50176x128xf32, #tpu.memory_space<hbm>>
      tpu.enqueue_indirect_dma source(%dma_start3A_67 : memref<50176x128xf32, #tpu.memory_space<hbm>>) target(%arg11 : memref<112x128xf32, #tpu.memory_space<vmem>>) offsets(%arg7 : memref<112xi32, #tpu.memory_space<vmem>>) semaphore(%arg13 : memref<!tpu.dma_semaphore, #tpu.memory_space<semaphore_mem>>)
      %dma_wait3A = arith.constant 0 : i32
      %dma_wait3A_68 = arith.constant 0 : i32
      %dma_wait3A_69 = tpu.memref_slice %arg2[%dma_wait3A, %dma_wait3A_68] : memref<50176x128xf32, #tpu.memory_space<hbm>> -> memref<50176x128xf32, #tpu.memory_space<hbm>>
      tpu.wait_indirect_dma semaphore(%arg13 : memref<!tpu.dma_semaphore, #tpu.memory_space<semaphore_mem>>) src(%dma_wait3A_69 : memref<50176x128xf32, #tpu.memory_space<hbm>>) dst(%arg11 : memref<112x128xf32, #tpu.memory_space<vmem>>)
      %scan3A_70 = arith.constant 0 : i32
      %scan3A_71 = arith.constant 7 : i32
      %scan3A_72 = arith.addi %scan3A_70, %scan3A_71 : i32
      %scan3A_73 = arith.constant 1 : i32
      scf.for %scan3A_80 = %scan3A_70 to %scan3A_72 step %scan3A_73  : i32 {
        %mul3A_81 = arith.constant 16 : i32
        %mul3A_82 = arith.muli %scan3A_80, %mul3A_81 : i32
        %get3A = arith.index_cast %mul3A_82 : i32 to index
        %get3A_83 = tpu.vector_load %arg8[%get3A] {strides = array<i32>} : memref<112xi32, #tpu.memory_space<vmem>>, vector<16xi32>,
        %get3A_84 = vector.shape_cast %get3A_83 : vector<16xi32> to vector<16xi32>
        %ge3A = vector.broadcast %mul3A_3 : i32 to vector<16xi32>
        %ge3A_85 = arith.cmpi sge, %get3A_84, %ge3A : vector<16xi32>
        %add3A_86 = arith.constant 12512 : i32
        %add3A_87 = arith.addi %mul3A_3, %add3A_86 : i32
        %lt3A_88 = vector.broadcast %add3A_87 : i32 to vector<16xi32>
        %lt3A_89 = arith.cmpi slt, %get3A_84, %lt3A_88 : vector<16xi32>
        %and3A = arith.andi %ge3A_85, %lt3A_89 : vector<16xi1>
        %sub3A = vector.broadcast %mul3A_3 : i32 to vector<16xi32>
        %sub3A_90 = arith.subi %get3A_84, %sub3A : vector<16xi32>
        %add3A_91 = arith.constant 12512 : i32
        %add3A_92 = vector.broadcast %add3A_91 : i32 to vector<16xi32>
        %add3A_93 = arith.addi %add3A_92, %iota3A : vector<16xi32>
        %jit3A = arith.constant 2 : i32
        %eq3A_94 = arith.constant 0 : i32
        %eq3A_95 = arith.cmpi eq, %jit3A, %eq3A_94 : i32
        %jit3A_96 = arith.constant 1 : i32
        %select_n3A = arith.select %eq3A_95, %jit3A_96, %jit3A : i32
        %rem3A = arith.remsi %scan3A_80, %select_n3A : i32
        %ne3A = arith.constant 0 : i32
        %ne3A_97 = arith.cmpi ne, %rem3A, %ne3A : i32
        %lt3A_98 = arith.constant 0 : i32
        %lt3A_99 = arith.cmpi slt, %rem3A, %lt3A_98 : i32
        %lt3A_100 = arith.constant 0 : i32
        %lt3A_101 = arith.cmpi slt, %select_n3A, %lt3A_100 : i32
        %ne3A_102 = arith.xori %lt3A_99, %lt3A_101 : i1
        %and3A_103 = arith.andi %ne3A_102, %ne3A_97 : i1
        %add3A_104 = arith.addi %rem3A, %select_n3A : i32
        %select_n3A_105 = arith.select %and3A_103, %add3A_104, %rem3A : i32
        %mul3A_106 = arith.constant 16 : i32
        %mul3A_107 = arith.muli %mul3A_106, %select_n3A_105 : i32
        %add3A_108 = vector.broadcast %mul3A_107 : i32 to vector<16xi32>
        %add3A_109 = arith.addi %add3A_93, %add3A_108 : vector<16xi32>
        %select_n3A_110 = arith.select %and3A, %sub3A_90, %add3A_109 : vector<16xi1>, vector<16xi32>
        %mul3A_111 = arith.constant 16 : i32
        %mul3A_112 = arith.muli %scan3A_80, %mul3A_111 : i32
        %swap3A = arith.index_cast %mul3A_112 : i32 to index
        %swap3A_113 = tpu.vector_load %arg9[%swap3A] {strides = array<i32>} : memref<112xi32, #tpu.memory_space<vmem>>, vector<16xi32>,
        %swap3A_114 = vector.shape_cast %swap3A_113 : vector<16xi32> to vector<16xi32>
        %swap3A_115 = vector.shape_cast %select_n3A_110 : vector<16xi32> to vector<16xi32>
        tpu.vector_store %arg9[%swap3A], %swap3A_115 {strides = array<i32>} : memref<112xi32, #tpu.memory_space<vmem>>, vector<16xi32>,
      }
      %scan3A_74 = arith.constant 7 : i32
      %scan3A_75 = arith.constant 0 : i32
      %scan3A_76 = arith.constant 112 : i32
      %scan3A_77 = arith.addi %scan3A_75, %scan3A_76 : i32
      %scan3A_78 = arith.constant 1 : i32
      scf.for %scan3A_80 = %scan3A_75 to %scan3A_77 step %scan3A_78  : i32 {
        %get3A = arith.index_cast %scan3A_80 : i32 to index
        %get3A_81 = arith.constant 0 : index
        %get3A_82 = tpu.vector_load %arg11[%get3A, %get3A_81] {strides = array<i32>} : memref<112x128xf32, #tpu.memory_space<vmem>>, vector<1x16xf32>,
        %get3A_83 = vector.shape_cast %get3A_82 : vector<1x16xf32> to vector<16xf32>
        %get3A_84 = arith.index_cast %scan3A_80 : i32 to index
        %get3A_85 = arith.constant 0 : index
        %get3A_86 = tpu.vector_load %arg10[%get3A_84, %get3A_85] {strides = array<i32>} : memref<112x128xf32, #tpu.memory_space<vmem>>, vector<1x16xf32>,
        %get3A_87 = vector.shape_cast %get3A_86 : vector<1x16xf32> to vector<16xf32>
        %add3A_88 = arith.addf %get3A_83, %get3A_87 : vector<16xf32>
        %max3A = arith.constant 0.000000e+00 : f32
        %max3A_89 = vector.broadcast %max3A : f32 to vector<16xf32>
        %max3A_90 = arith.maximumf %add3A_88, %max3A_89 : vector<16xf32>
        %swap3A = arith.index_cast %scan3A_80 : i32 to index
        %swap3A_91 = arith.constant 0 : index
        %swap3A_92 = tpu.vector_load %arg11[%swap3A, %swap3A_91] {strides = array<i32>} : memref<112x128xf32, #tpu.memory_space<vmem>>, vector<1x16xf32>,
        %swap3A_93 = vector.shape_cast %swap3A_92 : vector<1x16xf32> to vector<16xf32>
        %swap3A_94 = vector.shape_cast %max3A_90 : vector<16xf32> to vector<1x16xf32>
        tpu.vector_store %arg11[%swap3A, %swap3A_91], %swap3A_94 {strides = array<i32>} : memref<112x128xf32, #tpu.memory_space<vmem>>, vector<1x16xf32>,
        %get3A_95 = arith.index_cast %scan3A_80 : i32 to index
        %get3A_96 = arith.constant 16 : index
        %get3A_97 = tpu.vector_load %arg11[%get3A_95, %get3A_96] {strides = array<i32>} : memref<112x128xf32, #tpu.memory_space<vmem>>, vector<1x16xf32>,
        %get3A_98 = vector.shape_cast %get3A_97 : vector<1x16xf32> to vector<16xf32>
        %get3A_99 = arith.index_cast %scan3A_80 : i32 to index
        %get3A_100 = arith.constant 16 : index
        %get3A_101 = tpu.vector_load %arg10[%get3A_99, %get3A_100] {strides = array<i32>} : memref<112x128xf32, #tpu.memory_space<vmem>>, vector<1x16xf32>,
        %get3A_102 = vector.shape_cast %get3A_101 : vector<1x16xf32> to vector<16xf32>
        %add3A_103 = arith.addf %get3A_98, %get3A_102 : vector<16xf32>
        %max3A_104 = arith.constant 0.000000e+00 : f32
        %max3A_105 = vector.broadcast %max3A_104 : f32 to vector<16xf32>
        %max3A_106 = arith.maximumf %add3A_103, %max3A_105 : vector<16xf32>
        %swap3A_107 = arith.index_cast %scan3A_80 : i32 to index
        %swap3A_108 = arith.constant 16 : index
        %swap3A_109 = tpu.vector_load %arg11[%swap3A_107, %swap3A_108] {strides = array<i32>} : memref<112x128xf32, #tpu.memory_space<vmem>>, vector<1x16xf32>,
        %swap3A_110 = vector.shape_cast %swap3A_109 : vector<1x16xf32> to vector<16xf32>
        %swap3A_111 = vector.shape_cast %max3A_106 : vector<16xf32> to vector<1x16xf32>
        tpu.vector_store %arg11[%swap3A_107, %swap3A_108], %swap3A_111 {strides = array<i32>} : memref<112x128xf32, #tpu.memory_space<vmem>>, vector<1x16xf32>,
        %get3A_112 = arith.index_cast %scan3A_80 : i32 to index
        %get3A_113 = arith.constant 32 : index
        %get3A_114 = tpu.vector_load %arg11[%get3A_112, %get3A_113] {strides = array<i32>} : memref<112x128xf32, #tpu.memory_space<vmem>>, vector<1x16xf32>,
        %get3A_115 = vector.shape_cast %get3A_114 : vector<1x16xf32> to vector<16xf32>
        %get3A_116 = arith.index_cast %scan3A_80 : i32 to index
        %get3A_117 = arith.constant 32 : index
        %get3A_118 = tpu.vector_load %arg10[%get3A_116, %get3A_117] {strides = array<i32>} : memref<112x128xf32, #tpu.memory_space<vmem>>, vector<1x16xf32>,
        %get3A_119 = vector.shape_cast %get3A_118 : vector<1x16xf32> to vector<16xf32>
        %add3A_120 = arith.addf %get3A_115, %get3A_119 : vector<16xf32>
        %max3A_121 = arith.constant 0.000000e+00 : f32
        %max3A_122 = vector.broadcast %max3A_121 : f32 to vector<16xf32>
        %max3A_123 = arith.maximumf %add3A_120, %max3A_122 : vector<16xf32>
        %swap3A_124 = arith.index_cast %scan3A_80 : i32 to index
        %swap3A_125 = arith.constant 32 : index
        %swap3A_126 = tpu.vector_load %arg11[%swap3A_124, %swap3A_125] {strides = array<i32>} : memref<112x128xf32, #tpu.memory_space<vmem>>, vector<1x16xf32>,
        %swap3A_127 = vector.shape_cast %swap3A_126 : vector<1x16xf32> to vector<16xf32>
        %swap3A_128 = vector.shape_cast %max3A_123 : vector<16xf32> to vector<1x16xf32>
        tpu.vector_store %arg11[%swap3A_124, %swap3A_125], %swap3A_128 {strides = array<i32>} : memref<112x128xf32, #tpu.memory_space<vmem>>, vector<1x16xf32>,
        %get3A_129 = arith.index_cast %scan3A_80 : i32 to index
        %get3A_130 = arith.constant 48 : index
        %get3A_131 = tpu.vector_load %arg11[%get3A_129, %get3A_130] {strides = array<i32>} : memref<112x128xf32, #tpu.memory_space<vmem>>, vector<1x16xf32>,
        %get3A_132 = vector.shape_cast %get3A_131 : vector<1x16xf32> to vector<16xf32>
        %get3A_133 = arith.index_cast %scan3A_80 : i32 to index
        %get3A_134 = arith.constant 48 : index
        %get3A_135 = tpu.vector_load %arg10[%get3A_133, %get3A_134] {strides = array<i32>} : memref<112x128xf32, #tpu.memory_space<vmem>>, vector<1x16xf32>,
        %get3A_136 = vector.shape_cast %get3A_135 : vector<1x16xf32> to vector<16xf32>
        %add3A_137 = arith.addf %get3A_132, %get3A_136 : vector<16xf32>
        %max3A_138 = arith.constant 0.000000e+00 : f32
        %max3A_139 = vector.broadcast %max3A_138 : f32 to vector<16xf32>
        %max3A_140 = arith.maximumf %add3A_137, %max3A_139 : vector<16xf32>
        %swap3A_141 = arith.index_cast %scan3A_80 : i32 to index
        %swap3A_142 = arith.constant 48 : index
        %swap3A_143 = tpu.vector_load %arg11[%swap3A_141, %swap3A_142] {strides = array<i32>} : memref<112x128xf32, #tpu.memory_space<vmem>>, vector<1x16xf32>,
        %swap3A_144 = vector.shape_cast %swap3A_143 : vector<1x16xf32> to vector<16xf32>
        %swap3A_145 = vector.shape_cast %max3A_140 : vector<16xf32> to vector<1x16xf32>
        tpu.vector_store %arg11[%swap3A_141, %swap3A_142], %swap3A_145 {strides = array<i32>} : memref<112x128xf32, #tpu.memory_space<vmem>>, vector<1x16xf32>,
        %get3A_146 = arith.index_cast %scan3A_80 : i32 to index
        %get3A_147 = arith.constant 64 : index
        %get3A_148 = tpu.vector_load %arg11[%get3A_146, %get3A_147] {strides = array<i32>} : memref<112x128xf32, #tpu.memory_space<vmem>>, vector<1x16xf32>,
        %get3A_149 = vector.shape_cast %get3A_148 : vector<1x16xf32> to vector<16xf32>
        %get3A_150 = arith.index_cast %scan3A_80 : i32 to index
        %get3A_151 = arith.constant 64 : index
        %get3A_152 = tpu.vector_load %arg10[%get3A_150, %get3A_151] {strides = array<i32>} : memref<112x128xf32, #tpu.memory_space<vmem>>, vector<1x16xf32>,
        %get3A_153 = vector.shape_cast %get3A_152 : vector<1x16xf32> to vector<16xf32>
        %add3A_154 = arith.addf %get3A_149, %get3A_153 : vector<16xf32>
        %max3A_155 = arith.constant 0.000000e+00 : f32
        %max3A_156 = vector.broadcast %max3A_155 : f32 to vector<16xf32>
        %max3A_157 = arith.maximumf %add3A_154, %max3A_156 : vector<16xf32>
        %swap3A_158 = arith.index_cast %scan3A_80 : i32 to index
        %swap3A_159 = arith.constant 64 : index
        %swap3A_160 = tpu.vector_load %arg11[%swap3A_158, %swap3A_159] {strides = array<i32>} : memref<112x128xf32, #tpu.memory_space<vmem>>, vector<1x16xf32>,
        %swap3A_161 = vector.shape_cast %swap3A_160 : vector<1x16xf32> to vector<16xf32>
        %swap3A_162 = vector.shape_cast %max3A_157 : vector<16xf32> to vector<1x16xf32>
        tpu.vector_store %arg11[%swap3A_158, %swap3A_159], %swap3A_162 {strides = array<i32>} : memref<112x128xf32, #tpu.memory_space<vmem>>, vector<1x16xf32>,
        %get3A_163 = arith.index_cast %scan3A_80 : i32 to index
        %get3A_164 = arith.constant 80 : index
        %get3A_165 = tpu.vector_load %arg11[%get3A_163, %get3A_164] {strides = array<i32>} : memref<112x128xf32, #tpu.memory_space<vmem>>, vector<1x16xf32>,
        %get3A_166 = vector.shape_cast %get3A_165 : vector<1x16xf32> to vector<16xf32>
        %get3A_167 = arith.index_cast %scan3A_80 : i32 to index
        %get3A_168 = arith.constant 80 : index
        %get3A_169 = tpu.vector_load %arg10[%get3A_167, %get3A_168] {strides = array<i32>} : memref<112x128xf32, #tpu.memory_space<vmem>>, vector<1x16xf32>,
        %get3A_170 = vector.shape_cast %get3A_169 : vector<1x16xf32> to vector<16xf32>
        %add3A_171 = arith.addf %get3A_166, %get3A_170 : vector<16xf32>
        %max3A_172 = arith.constant 0.000000e+00 : f32
        %max3A_173 = vector.broadcast %max3A_172 : f32 to vector<16xf32>
        %max3A_174 = arith.maximumf %add3A_171, %max3A_173 : vector<16xf32>
        %swap3A_175 = arith.index_cast %scan3A_80 : i32 to index
        %swap3A_176 = arith.constant 80 : index
        %swap3A_177 = tpu.vector_load %arg11[%swap3A_175, %swap3A_176] {strides = array<i32>} : memref<112x128xf32, #tpu.memory_space<vmem>>, vector<1x16xf32>,
        %swap3A_178 = vector.shape_cast %swap3A_177 : vector<1x16xf32> to vector<16xf32>
        %swap3A_179 = vector.shape_cast %max3A_174 : vector<16xf32> to vector<1x16xf32>
        tpu.vector_store %arg11[%swap3A_175, %swap3A_176], %swap3A_179 {strides = array<i32>} : memref<112x128xf32, #tpu.memory_space<vmem>>, vector<1x16xf32>,
        %get3A_180 = arith.index_cast %scan3A_80 : i32 to index
        %get3A_181 = arith.constant 96 : index
        %get3A_182 = tpu.vector_load %arg11[%get3A_180, %get3A_181] {strides = array<i32>} : memref<112x128xf32, #tpu.memory_space<vmem>>, vector<1x16xf32>,
        %get3A_183 = vector.shape_cast %get3A_182 : vector<1x16xf32> to vector<16xf32>
        %get3A_184 = arith.index_cast %scan3A_80 : i32 to index
        %get3A_185 = arith.constant 96 : index
        %get3A_186 = tpu.vector_load %arg10[%get3A_184, %get3A_185] {strides = array<i32>} : memref<112x128xf32, #tpu.memory_space<vmem>>, vector<1x16xf32>,
        %get3A_187 = vector.shape_cast %get3A_186 : vector<1x16xf32> to vector<16xf32>
        %add3A_188 = arith.addf %get3A_183, %get3A_187 : vector<16xf32>
        %max3A_189 = arith.constant 0.000000e+00 : f32
        %max3A_190 = vector.broadcast %max3A_189 : f32 to vector<16xf32>
        %max3A_191 = arith.maximumf %add3A_188, %max3A_190 : vector<16xf32>
        %swap3A_192 = arith.index_cast %scan3A_80 : i32 to index
        %swap3A_193 = arith.constant 96 : index
        %swap3A_194 = tpu.vector_load %arg11[%swap3A_192, %swap3A_193] {strides = array<i32>} : memref<112x128xf32, #tpu.memory_space<vmem>>, vector<1x16xf32>,
        %swap3A_195 = vector.shape_cast %swap3A_194 : vector<1x16xf32> to vector<16xf32>
        %swap3A_196 = vector.shape_cast %max3A_191 : vector<16xf32> to vector<1x16xf32>
        tpu.vector_store %arg11[%swap3A_192, %swap3A_193], %swap3A_196 {strides = array<i32>} : memref<112x128xf32, #tpu.memory_space<vmem>>, vector<1x16xf32>,
        %get3A_197 = arith.index_cast %scan3A_80 : i32 to index
        %get3A_198 = arith.constant 112 : index
        %get3A_199 = tpu.vector_load %arg11[%get3A_197, %get3A_198] {strides = array<i32>} : memref<112x128xf32, #tpu.memory_space<vmem>>, vector<1x16xf32>,
        %get3A_200 = vector.shape_cast %get3A_199 : vector<1x16xf32> to vector<16xf32>
        %get3A_201 = arith.index_cast %scan3A_80 : i32 to index
        %get3A_202 = arith.constant 112 : index
        %get3A_203 = tpu.vector_load %arg10[%get3A_201, %get3A_202] {strides = array<i32>} : memref<112x128xf32, #tpu.memory_space<vmem>>, vector<1x16xf32>,
        %get3A_204 = vector.shape_cast %get3A_203 : vector<1x16xf32> to vector<16xf32>
        %add3A_205 = arith.addf %get3A_200, %get3A_204 : vector<16xf32>
        %max3A_206 = arith.constant 0.000000e+00 : f32
        %max3A_207 = vector.broadcast %max3A_206 : f32 to vector<16xf32>
        %max3A_208 = arith.maximumf %add3A_205, %max3A_207 : vector<16xf32>
        %swap3A_209 = arith.index_cast %scan3A_80 : i32 to index
        %swap3A_210 = arith.constant 112 : index
        %swap3A_211 = tpu.vector_load %arg11[%swap3A_209, %swap3A_210] {strides = array<i32>} : memref<112x128xf32, #tpu.memory_space<vmem>>, vector<1x16xf32>,
        %swap3A_212 = vector.shape_cast %swap3A_211 : vector<1x16xf32> to vector<16xf32>
        %swap3A_213 = vector.shape_cast %max3A_208 : vector<16xf32> to vector<1x16xf32>
        tpu.vector_store %arg11[%swap3A_209, %swap3A_210], %swap3A_213 {strides = array<i32>} : memref<112x128xf32, #tpu.memory_space<vmem>>, vector<1x16xf32>,
      }
      %scan3A_79 = arith.constant 112 : i32
      "tpu.region"() ({
        %run_scoped3A = tpu.sem_alloc : memref<!tpu.dma_semaphore, #tpu.memory_space<semaphore_mem>>
        %dma_start3A_80 = arith.constant 0 : i32
        %dma_start3A_81 = arith.constant 0 : i32
        %dma_start3A_82 = tpu.memref_slice %arg12[%dma_start3A_80, %dma_start3A_81] : memref<12544x128xf32, #tpu.memory_space<vmem_shared>> -> memref<12544x128xf32, #tpu.memory_space<vmem_shared>>
        tpu.enqueue_indirect_dma source(%arg11 : memref<112x128xf32, #tpu.memory_space<vmem>>) target(%dma_start3A_82 : memref<12544x128xf32, #tpu.memory_space<vmem_shared>>) offsets(%arg9 : memref<112xi32, #tpu.memory_space<vmem>>) semaphore(%run_scoped3A : memref<!tpu.dma_semaphore, #tpu.memory_space<semaphore_mem>>) {add = true}
        %dma_wait3A_83 = arith.constant 0 : i32
        %dma_wait3A_84 = arith.constant 0 : i32
        %dma_wait3A_85 = tpu.memref_slice %arg12[%dma_wait3A_83, %dma_wait3A_84] : memref<12544x128xf32, #tpu.memory_space<vmem_shared>> -> memref<12544x128xf32, #tpu.memory_space<vmem_shared>>
        tpu.wait_indirect_dma semaphore(%run_scoped3A : memref<!tpu.dma_semaphore, #tpu.memory_space<semaphore_mem>>) src(%arg11 : memref<112x128xf32, #tpu.memory_space<vmem>>) dst(%dma_wait3A_85 : memref<12544x128xf32, #tpu.memory_space<vmem_shared>>)
        tpu.yield
      }) : () -> ()
    }
    %scan3A_17 = arith.constant 450 : i32
    %barrier3A_18 = arith.constant 0 : index
    tpu.barrier barrier_id(%barrier3A_18)
    %lt3A = arith.constant 15 : i32
    %lt3A_19 = arith.cmpi slt, %arg1, %lt3A : i32
    %convert_element_type3A = arith.extui %lt3A_19 : i1 to i32
    %cond3A = arith.constant 0 : i32
    %cond3A_20 = arith.cmpi ne, %convert_element_type3A, %cond3A : i32
    scf.if %cond3A_20 {
      %mul3A_60 = arith.constant 784 : i32
      %mul3A_61 = arith.muli %arg1, %mul3A_60 : i32
      %mul3A_62 = arith.constant 784 : i32
      %mul3A_63 = arith.muli %arg1, %mul3A_62 : i32
      %add3A_64 = arith.addi %mul3A_3, %mul3A_63 : i32
      "tpu.region"() ({
        %run_scoped3A = tpu.sem_alloc : memref<!tpu.dma_semaphore, #tpu.memory_space<semaphore_mem>>
        %dma_start3A = arith.constant 0 : i32
        %dma_start3A_65 = tpu.memref_slice %arg6[%add3A_64, %dma_start3A] : memref<50176x128xf32, #tpu.memory_space<hbm>> -> memref<784x128xf32, #tpu.memory_space<hbm>>
        %dma_start3A_66 = arith.constant 0 : i32
        %dma_start3A_67 = tpu.memref_slice %arg12[%mul3A_61, %dma_start3A_66] : memref<12544x128xf32, #tpu.memory_space<vmem_shared>> -> memref<784x128xf32, #tpu.memory_space<vmem_shared>>
        tpu.enqueue_dma source(%dma_start3A_67 : memref<784x128xf32, #tpu.memory_space<vmem_shared>>) target(%dma_start3A_65 : memref<784x128xf32, #tpu.memory_space<hbm>>) target_semaphore(%run_scoped3A : memref<!tpu.dma_semaphore, #tpu.memory_space<semaphore_mem>>)
        %dma_wait3A = arith.constant 0 : i32
        %dma_wait3A_68 = tpu.memref_slice %arg6[%add3A_64, %dma_wait3A] : memref<50176x128xf32, #tpu.memory_space<hbm>> -> memref<784x128xf32, #tpu.memory_space<hbm>>
        %dma_wait3A_69 = arith.constant 0 : i32
        %dma_wait3A_70 = tpu.memref_slice %arg12[%mul3A_61, %dma_wait3A_69] : memref<12544x128xf32, #tpu.memory_space<vmem_shared>> -> memref<784x128xf32, #tpu.memory_space<vmem_shared>>
        tpu.wait_dma2 semaphore(%run_scoped3A : memref<!tpu.dma_semaphore, #tpu.memory_space<semaphore_mem>>) src(%dma_wait3A_70 : memref<784x128xf32, #tpu.memory_space<vmem_shared>>) dst(%dma_wait3A_68 : memref<784x128xf32, #tpu.memory_space<hbm>>)
        tpu.yield
      }) : () -> ()
    } else {
    }
    %eq3A = arith.constant 15 : i32
    %eq3A_21 = arith.cmpi eq, %arg1, %eq3A : i32
    %convert_element_type3A_22 = arith.extui %eq3A_21 : i1 to i32
    %cond3A_23 = arith.constant 0 : i32
    %cond3A_24 = arith.cmpi ne, %convert_element_type3A_22, %cond3A_23 : i32
    scf.if %cond3A_24 {
      %add3A_60 = arith.constant 11760 : i32
      %add3A_61 = arith.addi %mul3A_3, %add3A_60 : i32
      "tpu.region"() ({
        %run_scoped3A = tpu.sem_alloc : memref<!tpu.dma_semaphore, #tpu.memory_space<semaphore_mem>>
        %dma_start3A = arith.constant 0 : i32
        %dma_start3A_62 = tpu.memref_slice %arg6[%add3A_61, %dma_start3A] : memref<50176x128xf32, #tpu.memory_space<hbm>> -> memref<752x128xf32, #tpu.memory_space<hbm>>
        %dma_start3A_63 = arith.constant 11760 : i32
        %dma_start3A_64 = arith.constant 0 : i32
        %dma_start3A_65 = tpu.memref_slice %arg12[%dma_start3A_63, %dma_start3A_64] : memref<12544x128xf32, #tpu.memory_space<vmem_shared>> -> memref<752x128xf32, #tpu.memory_space<vmem_shared>>
        tpu.enqueue_dma source(%dma_start3A_65 : memref<752x128xf32, #tpu.memory_space<vmem_shared>>) target(%dma_start3A_62 : memref<752x128xf32, #tpu.memory_space<hbm>>) target_semaphore(%run_scoped3A : memref<!tpu.dma_semaphore, #tpu.memory_space<semaphore_mem>>)
        %dma_wait3A = arith.constant 0 : i32
        %dma_wait3A_66 = tpu.memref_slice %arg6[%add3A_61, %dma_wait3A] : memref<50176x128xf32, #tpu.memory_space<hbm>> -> memref<752x128xf32, #tpu.memory_space<hbm>>
        %dma_wait3A_67 = arith.constant 11760 : i32
        %dma_wait3A_68 = arith.constant 0 : i32
        %dma_wait3A_69 = tpu.memref_slice %arg12[%dma_wait3A_67, %dma_wait3A_68] : memref<12544x128xf32, #tpu.memory_space<vmem_shared>> -> memref<752x128xf32, #tpu.memory_space<vmem_shared>>
        tpu.wait_dma2 semaphore(%run_scoped3A : memref<!tpu.dma_semaphore, #tpu.memory_space<semaphore_mem>>) src(%dma_wait3A_69 : memref<752x128xf32, #tpu.memory_space<vmem_shared>>) dst(%dma_wait3A_66 : memref<752x128xf32, #tpu.memory_space<hbm>>)
        tpu.yield
      }) : () -> ()
    } else {
    }
    %barrier3A_25 = arith.constant 0 : index
    tpu.barrier barrier_id(%barrier3A_25)
    %mul3A_26 = arith.constant 2 : i32
    %mul3A_27 = arith.muli %mul3A_26, %arg0 : i32
    %add3A_28 = arith.constant 1 : i32
    %add3A_29 = arith.addi %mul3A_27, %add3A_28 : i32
    %mul3A_30 = arith.constant 12512 : i32
    %mul3A_31 = arith.muli %add3A_29, %mul3A_30 : i32
    %scan3A_32 = arith.constant 0 : i32
    %scan3A_33 = arith.constant 112 : i32
    %scan3A_34 = arith.addi %scan3A_32, %scan3A_33 : i32
    %scan3A_35 = arith.constant 1 : i32
    scf.for %scan3A_60 = %scan3A_32 to %scan3A_34 step %scan3A_35  : i32 {
      %broadcast_in_dim3A = arith.constant 0.000000e+00 : f32
      %broadcast_in_dim3A_61 = vector.broadcast %broadcast_in_dim3A : f32 to vector<16xf32>
      %swap3A = arith.index_cast %scan3A_60 : i32 to index
      %swap3A_62 = arith.constant 0 : index
      %swap3A_63 = tpu.vector_load %arg10[%swap3A, %swap3A_62] {strides = array<i32>} : memref<112x128xf32, #tpu.memory_space<vmem>>, vector<1x16xf32>,
      %swap3A_64 = vector.shape_cast %swap3A_63 : vector<1x16xf32> to vector<16xf32>
      %swap3A_65 = vector.shape_cast %broadcast_in_dim3A_61 : vector<16xf32> to vector<1x16xf32>
      tpu.vector_store %arg10[%swap3A, %swap3A_62], %swap3A_65 {strides = array<i32>} : memref<112x128xf32, #tpu.memory_space<vmem>>, vector<1x16xf32>,
      %broadcast_in_dim3A_66 = arith.constant 0.000000e+00 : f32
      %broadcast_in_dim3A_67 = vector.broadcast %broadcast_in_dim3A_66 : f32 to vector<16xf32>
      %swap3A_68 = arith.index_cast %scan3A_60 : i32 to index
      %swap3A_69 = arith.constant 16 : index
      %swap3A_70 = tpu.vector_load %arg10[%swap3A_68, %swap3A_69] {strides = array<i32>} : memref<112x128xf32, #tpu.memory_space<vmem>>, vector<1x16xf32>,
      %swap3A_71 = vector.shape_cast %swap3A_70 : vector<1x16xf32> to vector<16xf32>
      %swap3A_72 = vector.shape_cast %broadcast_in_dim3A_67 : vector<16xf32> to vector<1x16xf32>
      tpu.vector_store %arg10[%swap3A_68, %swap3A_69], %swap3A_72 {strides = array<i32>} : memref<112x128xf32, #tpu.memory_space<vmem>>, vector<1x16xf32>,
      %broadcast_in_dim3A_73 = arith.constant 0.000000e+00 : f32
      %broadcast_in_dim3A_74 = vector.broadcast %broadcast_in_dim3A_73 : f32 to vector<16xf32>
      %swap3A_75 = arith.index_cast %scan3A_60 : i32 to index
      %swap3A_76 = arith.constant 32 : index
      %swap3A_77 = tpu.vector_load %arg10[%swap3A_75, %swap3A_76] {strides = array<i32>} : memref<112x128xf32, #tpu.memory_space<vmem>>, vector<1x16xf32>,
      %swap3A_78 = vector.shape_cast %swap3A_77 : vector<1x16xf32> to vector<16xf32>
      %swap3A_79 = vector.shape_cast %broadcast_in_dim3A_74 : vector<16xf32> to vector<1x16xf32>
      tpu.vector_store %arg10[%swap3A_75, %swap3A_76], %swap3A_79 {strides = array<i32>} : memref<112x128xf32, #tpu.memory_space<vmem>>, vector<1x16xf32>,
      %broadcast_in_dim3A_80 = arith.constant 0.000000e+00 : f32
      %broadcast_in_dim3A_81 = vector.broadcast %broadcast_in_dim3A_80 : f32 to vector<16xf32>
      %swap3A_82 = arith.index_cast %scan3A_60 : i32 to index
      %swap3A_83 = arith.constant 48 : index
      %swap3A_84 = tpu.vector_load %arg10[%swap3A_82, %swap3A_83] {strides = array<i32>} : memref<112x128xf32, #tpu.memory_space<vmem>>, vector<1x16xf32>,
      %swap3A_85 = vector.shape_cast %swap3A_84 : vector<1x16xf32> to vector<16xf32>
      %swap3A_86 = vector.shape_cast %broadcast_in_dim3A_81 : vector<16xf32> to vector<1x16xf32>
      tpu.vector_store %arg10[%swap3A_82, %swap3A_83], %swap3A_86 {strides = array<i32>} : memref<112x128xf32, #tpu.memory_space<vmem>>, vector<1x16xf32>,
      %broadcast_in_dim3A_87 = arith.constant 0.000000e+00 : f32
      %broadcast_in_dim3A_88 = vector.broadcast %broadcast_in_dim3A_87 : f32 to vector<16xf32>
      %swap3A_89 = arith.index_cast %scan3A_60 : i32 to index
      %swap3A_90 = arith.constant 64 : index
      %swap3A_91 = tpu.vector_load %arg10[%swap3A_89, %swap3A_90] {strides = array<i32>} : memref<112x128xf32, #tpu.memory_space<vmem>>, vector<1x16xf32>,
      %swap3A_92 = vector.shape_cast %swap3A_91 : vector<1x16xf32> to vector<16xf32>
      %swap3A_93 = vector.shape_cast %broadcast_in_dim3A_88 : vector<16xf32> to vector<1x16xf32>
      tpu.vector_store %arg10[%swap3A_89, %swap3A_90], %swap3A_93 {strides = array<i32>} : memref<112x128xf32, #tpu.memory_space<vmem>>, vector<1x16xf32>,
      %broadcast_in_dim3A_94 = arith.constant 0.000000e+00 : f32
      %broadcast_in_dim3A_95 = vector.broadcast %broadcast_in_dim3A_94 : f32 to vector<16xf32>
      %swap3A_96 = arith.index_cast %scan3A_60 : i32 to index
      %swap3A_97 = arith.constant 80 : index
      %swap3A_98 = tpu.vector_load %arg10[%swap3A_96, %swap3A_97] {strides = array<i32>} : memref<112x128xf32, #tpu.memory_space<vmem>>, vector<1x16xf32>,
      %swap3A_99 = vector.shape_cast %swap3A_98 : vector<1x16xf32> to vector<16xf32>
      %swap3A_100 = vector.shape_cast %broadcast_in_dim3A_95 : vector<16xf32> to vector<1x16xf32>
      tpu.vector_store %arg10[%swap3A_96, %swap3A_97], %swap3A_100 {strides = array<i32>} : memref<112x128xf32, #tpu.memory_space<vmem>>, vector<1x16xf32>,
      %broadcast_in_dim3A_101 = arith.constant 0.000000e+00 : f32
      %broadcast_in_dim3A_102 = vector.broadcast %broadcast_in_dim3A_101 : f32 to vector<16xf32>
      %swap3A_103 = arith.index_cast %scan3A_60 : i32 to index
      %swap3A_104 = arith.constant 96 : index
      %swap3A_105 = tpu.vector_load %arg10[%swap3A_103, %swap3A_104] {strides = array<i32>} : memref<112x128xf32, #tpu.memory_space<vmem>>, vector<1x16xf32>,
      %swap3A_106 = vector.shape_cast %swap3A_105 : vector<1x16xf32> to vector<16xf32>
      %swap3A_107 = vector.shape_cast %broadcast_in_dim3A_102 : vector<16xf32> to vector<1x16xf32>
      tpu.vector_store %arg10[%swap3A_103, %swap3A_104], %swap3A_107 {strides = array<i32>} : memref<112x128xf32, #tpu.memory_space<vmem>>, vector<1x16xf32>,
      %broadcast_in_dim3A_108 = arith.constant 0.000000e+00 : f32
      %broadcast_in_dim3A_109 = vector.broadcast %broadcast_in_dim3A_108 : f32 to vector<16xf32>
      %swap3A_110 = arith.index_cast %scan3A_60 : i32 to index
      %swap3A_111 = arith.constant 112 : index
      %swap3A_112 = tpu.vector_load %arg10[%swap3A_110, %swap3A_111] {strides = array<i32>} : memref<112x128xf32, #tpu.memory_space<vmem>>, vector<1x16xf32>,
      %swap3A_113 = vector.shape_cast %swap3A_112 : vector<1x16xf32> to vector<16xf32>
      %swap3A_114 = vector.shape_cast %broadcast_in_dim3A_109 : vector<16xf32> to vector<1x16xf32>
      tpu.vector_store %arg10[%swap3A_110, %swap3A_111], %swap3A_114 {strides = array<i32>} : memref<112x128xf32, #tpu.memory_space<vmem>>, vector<1x16xf32>,
    }
    %scan3A_36 = arith.constant 112 : i32
    %scan3A_37 = arith.constant 0 : i32
    %scan3A_38 = arith.constant 7 : i32
    %scan3A_39 = arith.addi %scan3A_37, %scan3A_38 : i32
    %scan3A_40 = arith.constant 1 : i32
    scf.for %scan3A_60 = %scan3A_37 to %scan3A_39 step %scan3A_40  : i32 {
      %mul3A_61 = arith.constant 784 : i32
      %mul3A_62 = arith.muli %arg1, %mul3A_61 : i32
      %mul3A_63 = arith.constant 112 : i32
      %mul3A_64 = arith.muli %scan3A_60, %mul3A_63 : i32
      %add3A_65 = arith.addi %mul3A_62, %mul3A_64 : i32
      "tpu.region"() ({
        %run_scoped3A = tpu.sem_alloc : memref<!tpu.dma_semaphore, #tpu.memory_space<semaphore_mem>>
        %dma_start3A = arith.constant 0 : i32
        %dma_start3A_66 = tpu.memref_slice %arg12[%add3A_65, %dma_start3A] : memref<12544x128xf32, #tpu.memory_space<vmem_shared>> -> memref<112x128xf32, #tpu.memory_space<vmem_shared>>
        %dma_start3A_67 = arith.constant 0 : i32
        %dma_start3A_68 = tpu.memref_slice %arg12[%add3A_65, %dma_start3A_67] : memref<12544x128xf32, #tpu.memory_space<vmem_shared>> -> memref<112x128xf32, #tpu.memory_space<vmem_shared>>
        tpu.enqueue_dma source(%arg10 : memref<112x128xf32, #tpu.memory_space<vmem>>) target(%dma_start3A_68 : memref<112x128xf32, #tpu.memory_space<vmem_shared>>) target_semaphore(%run_scoped3A : memref<!tpu.dma_semaphore, #tpu.memory_space<semaphore_mem>>)
        %dma_wait3A = arith.constant 0 : i32
        %dma_wait3A_69 = tpu.memref_slice %arg12[%add3A_65, %dma_wait3A] : memref<12544x128xf32, #tpu.memory_space<vmem_shared>> -> memref<112x128xf32, #tpu.memory_space<vmem_shared>>
        %dma_wait3A_70 = arith.constant 0 : i32
        %dma_wait3A_71 = tpu.memref_slice %arg12[%add3A_65, %dma_wait3A_70] : memref<12544x128xf32, #tpu.memory_space<vmem_shared>> -> memref<112x128xf32, #tpu.memory_space<vmem_shared>>
        tpu.wait_dma2 semaphore(%run_scoped3A : memref<!tpu.dma_semaphore, #tpu.memory_space<semaphore_mem>>) src(%arg10 : memref<112x128xf32, #tpu.memory_space<vmem>>) dst(%dma_wait3A_71 : memref<112x128xf32, #tpu.memory_space<vmem_shared>>)
        tpu.yield
      }) : () -> ()
    }
    %scan3A_41 = arith.constant 7 : i32
    %barrier3A_42 = arith.constant 0 : index
    tpu.barrier barrier_id(%barrier3A_42)
    %scan3A_43 = arith.constant 0 : i32
    %scan3A_44 = arith.constant 450 : i32
    %scan3A_45 = arith.addi %scan3A_43, %scan3A_44 : i32
    %scan3A_46 = arith.constant 1 : i32
    scf.for %scan3A_60 = %scan3A_43 to %scan3A_45 step %scan3A_46  : i32 {
      %mul3A_61 = arith.constant 450 : i32
      %mul3A_62 = arith.muli %arg1, %mul3A_61 : i32
      %add3A_63 = arith.addi %mul3A_62, %scan3A_60 : i32
      %mul3A_64 = arith.constant 112 : i32
      %mul3A_65 = arith.muli %add3A_63, %mul3A_64 : i32
      "tpu.region"() ({
        %run_scoped3A = tpu.sem_alloc : memref<!tpu.dma_semaphore, #tpu.memory_space<semaphore_mem>>
        %dma_start3A_80 = tpu.memref_slice %arg4[%mul3A_65] : memref<806400xi32, #tpu.memory_space<hbm>> -> memref<112xi32, #tpu.memory_space<hbm>>
        %dma_start3A_81 = tpu.memref_slice %arg4[%mul3A_65] : memref<806400xi32, #tpu.memory_space<hbm>> -> memref<112xi32, #tpu.memory_space<hbm>>
        tpu.enqueue_dma source(%dma_start3A_81 : memref<112xi32, #tpu.memory_space<hbm>>) target(%arg7 : memref<112xi32, #tpu.memory_space<vmem>>) target_semaphore(%run_scoped3A : memref<!tpu.dma_semaphore, #tpu.memory_space<semaphore_mem>>)
        %dma_wait3A_82 = tpu.memref_slice %arg4[%mul3A_65] : memref<806400xi32, #tpu.memory_space<hbm>> -> memref<112xi32, #tpu.memory_space<hbm>>
        %dma_wait3A_83 = tpu.memref_slice %arg4[%mul3A_65] : memref<806400xi32, #tpu.memory_space<hbm>> -> memref<112xi32, #tpu.memory_space<hbm>>
        tpu.wait_dma2 semaphore(%run_scoped3A : memref<!tpu.dma_semaphore, #tpu.memory_space<semaphore_mem>>) src(%dma_wait3A_83 : memref<112xi32, #tpu.memory_space<hbm>>) dst(%arg7 : memref<112xi32, #tpu.memory_space<vmem>>)
        tpu.yield
      }) : () -> ()
      "tpu.region"() ({
        %run_scoped3A = tpu.sem_alloc : memref<!tpu.dma_semaphore, #tpu.memory_space<semaphore_mem>>
        %dma_start3A_80 = tpu.memref_slice %arg5[%mul3A_65] : memref<806400xi32, #tpu.memory_space<hbm>> -> memref<112xi32, #tpu.memory_space<hbm>>
        %dma_start3A_81 = tpu.memref_slice %arg5[%mul3A_65] : memref<806400xi32, #tpu.memory_space<hbm>> -> memref<112xi32, #tpu.memory_space<hbm>>
        tpu.enqueue_dma source(%dma_start3A_81 : memref<112xi32, #tpu.memory_space<hbm>>) target(%arg8 : memref<112xi32, #tpu.memory_space<vmem>>) target_semaphore(%run_scoped3A : memref<!tpu.dma_semaphore, #tpu.memory_space<semaphore_mem>>)
        %dma_wait3A_82 = tpu.memref_slice %arg5[%mul3A_65] : memref<806400xi32, #tpu.memory_space<hbm>> -> memref<112xi32, #tpu.memory_space<hbm>>
        %dma_wait3A_83 = tpu.memref_slice %arg5[%mul3A_65] : memref<806400xi32, #tpu.memory_space<hbm>> -> memref<112xi32, #tpu.memory_space<hbm>>
        tpu.wait_dma2 semaphore(%run_scoped3A : memref<!tpu.dma_semaphore, #tpu.memory_space<semaphore_mem>>) src(%dma_wait3A_83 : memref<112xi32, #tpu.memory_space<hbm>>) dst(%arg8 : memref<112xi32, #tpu.memory_space<vmem>>)
        tpu.yield
      }) : () -> ()
      "tpu.region"() ({
        %run_scoped3A = tpu.sem_alloc : memref<!tpu.dma_semaphore, #tpu.memory_space<semaphore_mem>>
        %dma_start3A_80 = arith.constant 0 : i32
        %dma_start3A_81 = tpu.memref_slice %arg3[%mul3A_65, %dma_start3A_80] : memref<806400x128xf32, #tpu.memory_space<hbm>> -> memref<112x128xf32, #tpu.memory_space<hbm>>
        %dma_start3A_82 = arith.constant 0 : i32
        %dma_start3A_83 = tpu.memref_slice %arg3[%mul3A_65, %dma_start3A_82] : memref<806400x128xf32, #tpu.memory_space<hbm>> -> memref<112x128xf32, #tpu.memory_space<hbm>>
        tpu.enqueue_dma source(%dma_start3A_83 : memref<112x128xf32, #tpu.memory_space<hbm>>) target(%arg10 : memref<112x128xf32, #tpu.memory_space<vmem>>) target_semaphore(%run_scoped3A : memref<!tpu.dma_semaphore, #tpu.memory_space<semaphore_mem>>)
        %dma_wait3A_84 = arith.constant 0 : i32
        %dma_wait3A_85 = tpu.memref_slice %arg3[%mul3A_65, %dma_wait3A_84] : memref<806400x128xf32, #tpu.memory_space<hbm>> -> memref<112x128xf32, #tpu.memory_space<hbm>>
        %dma_wait3A_86 = arith.constant 0 : i32
        %dma_wait3A_87 = tpu.memref_slice %arg3[%mul3A_65, %dma_wait3A_86] : memref<806400x128xf32, #tpu.memory_space<hbm>> -> memref<112x128xf32, #tpu.memory_space<hbm>>
        tpu.wait_dma2 semaphore(%run_scoped3A : memref<!tpu.dma_semaphore, #tpu.memory_space<semaphore_mem>>) src(%dma_wait3A_87 : memref<112x128xf32, #tpu.memory_space<hbm>>) dst(%arg10 : memref<112x128xf32, #tpu.memory_space<vmem>>)
        tpu.yield
      }) : () -> ()
      %dma_start3A = arith.constant 0 : i32
      %dma_start3A_66 = arith.constant 0 : i32
      %dma_start3A_67 = tpu.memref_slice %arg2[%dma_start3A, %dma_start3A_66] : memref<50176x128xf32, #tpu.memory_space<hbm>> -> memref<50176x128xf32, #tpu.memory_space<hbm>>
      tpu.enqueue_indirect_dma source(%dma_start3A_67 : memref<50176x128xf32, #tpu.memory_space<hbm>>) target(%arg11 : memref<112x128xf32, #tpu.memory_space<vmem>>) offsets(%arg7 : memref<112xi32, #tpu.memory_space<vmem>>) semaphore(%arg13 : memref<!tpu.dma_semaphore, #tpu.memory_space<semaphore_mem>>)
      %dma_wait3A = arith.constant 0 : i32
      %dma_wait3A_68 = arith.constant 0 : i32
      %dma_wait3A_69 = tpu.memref_slice %arg2[%dma_wait3A, %dma_wait3A_68] : memref<50176x128xf32, #tpu.memory_space<hbm>> -> memref<50176x128xf32, #tpu.memory_space<hbm>>
      tpu.wait_indirect_dma semaphore(%arg13 : memref<!tpu.dma_semaphore, #tpu.memory_space<semaphore_mem>>) src(%dma_wait3A_69 : memref<50176x128xf32, #tpu.memory_space<hbm>>) dst(%arg11 : memref<112x128xf32, #tpu.memory_space<vmem>>)
      %scan3A_70 = arith.constant 0 : i32
      %scan3A_71 = arith.constant 7 : i32
      %scan3A_72 = arith.addi %scan3A_70, %scan3A_71 : i32
      %scan3A_73 = arith.constant 1 : i32
      scf.for %scan3A_80 = %scan3A_70 to %scan3A_72 step %scan3A_73  : i32 {
        %mul3A_81 = arith.constant 16 : i32
        %mul3A_82 = arith.muli %scan3A_80, %mul3A_81 : i32
        %get3A = arith.index_cast %mul3A_82 : i32 to index
        %get3A_83 = tpu.vector_load %arg8[%get3A] {strides = array<i32>} : memref<112xi32, #tpu.memory_space<vmem>>, vector<16xi32>,
        %get3A_84 = vector.shape_cast %get3A_83 : vector<16xi32> to vector<16xi32>
        %ge3A = vector.broadcast %mul3A_31 : i32 to vector<16xi32>
        %ge3A_85 = arith.cmpi sge, %get3A_84, %ge3A : vector<16xi32>
        %add3A_86 = arith.constant 12512 : i32
        %add3A_87 = arith.addi %mul3A_31, %add3A_86 : i32
        %lt3A_88 = vector.broadcast %add3A_87 : i32 to vector<16xi32>
        %lt3A_89 = arith.cmpi slt, %get3A_84, %lt3A_88 : vector<16xi32>
        %and3A = arith.andi %ge3A_85, %lt3A_89 : vector<16xi1>
        %sub3A = vector.broadcast %mul3A_31 : i32 to vector<16xi32>
        %sub3A_90 = arith.subi %get3A_84, %sub3A : vector<16xi32>
        %add3A_91 = arith.constant 12512 : i32
        %add3A_92 = vector.broadcast %add3A_91 : i32 to vector<16xi32>
        %add3A_93 = arith.addi %add3A_92, %iota3A : vector<16xi32>
        %jit3A = arith.constant 2 : i32
        %eq3A_94 = arith.constant 0 : i32
        %eq3A_95 = arith.cmpi eq, %jit3A, %eq3A_94 : i32
        %jit3A_96 = arith.constant 1 : i32
        %select_n3A = arith.select %eq3A_95, %jit3A_96, %jit3A : i32
        %rem3A = arith.remsi %scan3A_80, %select_n3A : i32
        %ne3A = arith.constant 0 : i32
        %ne3A_97 = arith.cmpi ne, %rem3A, %ne3A : i32
        %lt3A_98 = arith.constant 0 : i32
        %lt3A_99 = arith.cmpi slt, %rem3A, %lt3A_98 : i32
        %lt3A_100 = arith.constant 0 : i32
        %lt3A_101 = arith.cmpi slt, %select_n3A, %lt3A_100 : i32
        %ne3A_102 = arith.xori %lt3A_99, %lt3A_101 : i1
        %and3A_103 = arith.andi %ne3A_102, %ne3A_97 : i1
        %add3A_104 = arith.addi %rem3A, %select_n3A : i32
        %select_n3A_105 = arith.select %and3A_103, %add3A_104, %rem3A : i32
        %mul3A_106 = arith.constant 16 : i32
        %mul3A_107 = arith.muli %mul3A_106, %select_n3A_105 : i32
        %add3A_108 = vector.broadcast %mul3A_107 : i32 to vector<16xi32>
        %add3A_109 = arith.addi %add3A_93, %add3A_108 : vector<16xi32>
        %select_n3A_110 = arith.select %and3A, %sub3A_90, %add3A_109 : vector<16xi1>, vector<16xi32>
        %mul3A_111 = arith.constant 16 : i32
        %mul3A_112 = arith.muli %scan3A_80, %mul3A_111 : i32
        %swap3A = arith.index_cast %mul3A_112 : i32 to index
        %swap3A_113 = tpu.vector_load %arg9[%swap3A] {strides = array<i32>} : memref<112xi32, #tpu.memory_space<vmem>>, vector<16xi32>,
        %swap3A_114 = vector.shape_cast %swap3A_113 : vector<16xi32> to vector<16xi32>
        %swap3A_115 = vector.shape_cast %select_n3A_110 : vector<16xi32> to vector<16xi32>
        tpu.vector_store %arg9[%swap3A], %swap3A_115 {strides = array<i32>} : memref<112xi32, #tpu.memory_space<vmem>>, vector<16xi32>,
      }
      %scan3A_74 = arith.constant 7 : i32
      %scan3A_75 = arith.constant 0 : i32
      %scan3A_76 = arith.constant 112 : i32
      %scan3A_77 = arith.addi %scan3A_75, %scan3A_76 : i32
      %scan3A_78 = arith.constant 1 : i32
      scf.for %scan3A_80 = %scan3A_75 to %scan3A_77 step %scan3A_78  : i32 {
        %get3A = arith.index_cast %scan3A_80 : i32 to index
        %get3A_81 = arith.constant 0 : index
        %get3A_82 = tpu.vector_load %arg11[%get3A, %get3A_81] {strides = array<i32>} : memref<112x128xf32, #tpu.memory_space<vmem>>, vector<1x16xf32>,
        %get3A_83 = vector.shape_cast %get3A_82 : vector<1x16xf32> to vector<16xf32>
        %get3A_84 = arith.index_cast %scan3A_80 : i32 to index
        %get3A_85 = arith.constant 0 : index
        %get3A_86 = tpu.vector_load %arg10[%get3A_84, %get3A_85] {strides = array<i32>} : memref<112x128xf32, #tpu.memory_space<vmem>>, vector<1x16xf32>,
        %get3A_87 = vector.shape_cast %get3A_86 : vector<1x16xf32> to vector<16xf32>
        %add3A_88 = arith.addf %get3A_83, %get3A_87 : vector<16xf32>
        %max3A = arith.constant 0.000000e+00 : f32
        %max3A_89 = vector.broadcast %max3A : f32 to vector<16xf32>
        %max3A_90 = arith.maximumf %add3A_88, %max3A_89 : vector<16xf32>
        %swap3A = arith.index_cast %scan3A_80 : i32 to index
        %swap3A_91 = arith.constant 0 : index
        %swap3A_92 = tpu.vector_load %arg11[%swap3A, %swap3A_91] {strides = array<i32>} : memref<112x128xf32, #tpu.memory_space<vmem>>, vector<1x16xf32>,
        %swap3A_93 = vector.shape_cast %swap3A_92 : vector<1x16xf32> to vector<16xf32>
        %swap3A_94 = vector.shape_cast %max3A_90 : vector<16xf32> to vector<1x16xf32>
        tpu.vector_store %arg11[%swap3A, %swap3A_91], %swap3A_94 {strides = array<i32>} : memref<112x128xf32, #tpu.memory_space<vmem>>, vector<1x16xf32>,
        %get3A_95 = arith.index_cast %scan3A_80 : i32 to index
        %get3A_96 = arith.constant 16 : index
        %get3A_97 = tpu.vector_load %arg11[%get3A_95, %get3A_96] {strides = array<i32>} : memref<112x128xf32, #tpu.memory_space<vmem>>, vector<1x16xf32>,
        %get3A_98 = vector.shape_cast %get3A_97 : vector<1x16xf32> to vector<16xf32>
        %get3A_99 = arith.index_cast %scan3A_80 : i32 to index
        %get3A_100 = arith.constant 16 : index
        %get3A_101 = tpu.vector_load %arg10[%get3A_99, %get3A_100] {strides = array<i32>} : memref<112x128xf32, #tpu.memory_space<vmem>>, vector<1x16xf32>,
        %get3A_102 = vector.shape_cast %get3A_101 : vector<1x16xf32> to vector<16xf32>
        %add3A_103 = arith.addf %get3A_98, %get3A_102 : vector<16xf32>
        %max3A_104 = arith.constant 0.000000e+00 : f32
        %max3A_105 = vector.broadcast %max3A_104 : f32 to vector<16xf32>
        %max3A_106 = arith.maximumf %add3A_103, %max3A_105 : vector<16xf32>
        %swap3A_107 = arith.index_cast %scan3A_80 : i32 to index
        %swap3A_108 = arith.constant 16 : index
        %swap3A_109 = tpu.vector_load %arg11[%swap3A_107, %swap3A_108] {strides = array<i32>} : memref<112x128xf32, #tpu.memory_space<vmem>>, vector<1x16xf32>,
        %swap3A_110 = vector.shape_cast %swap3A_109 : vector<1x16xf32> to vector<16xf32>
        %swap3A_111 = vector.shape_cast %max3A_106 : vector<16xf32> to vector<1x16xf32>
        tpu.vector_store %arg11[%swap3A_107, %swap3A_108], %swap3A_111 {strides = array<i32>} : memref<112x128xf32, #tpu.memory_space<vmem>>, vector<1x16xf32>,
        %get3A_112 = arith.index_cast %scan3A_80 : i32 to index
        %get3A_113 = arith.constant 32 : index
        %get3A_114 = tpu.vector_load %arg11[%get3A_112, %get3A_113] {strides = array<i32>} : memref<112x128xf32, #tpu.memory_space<vmem>>, vector<1x16xf32>,
        %get3A_115 = vector.shape_cast %get3A_114 : vector<1x16xf32> to vector<16xf32>
        %get3A_116 = arith.index_cast %scan3A_80 : i32 to index
        %get3A_117 = arith.constant 32 : index
        %get3A_118 = tpu.vector_load %arg10[%get3A_116, %get3A_117] {strides = array<i32>} : memref<112x128xf32, #tpu.memory_space<vmem>>, vector<1x16xf32>,
        %get3A_119 = vector.shape_cast %get3A_118 : vector<1x16xf32> to vector<16xf32>
        %add3A_120 = arith.addf %get3A_115, %get3A_119 : vector<16xf32>
        %max3A_121 = arith.constant 0.000000e+00 : f32
        %max3A_122 = vector.broadcast %max3A_121 : f32 to vector<16xf32>
        %max3A_123 = arith.maximumf %add3A_120, %max3A_122 : vector<16xf32>
        %swap3A_124 = arith.index_cast %scan3A_80 : i32 to index
        %swap3A_125 = arith.constant 32 : index
        %swap3A_126 = tpu.vector_load %arg11[%swap3A_124, %swap3A_125] {strides = array<i32>} : memref<112x128xf32, #tpu.memory_space<vmem>>, vector<1x16xf32>,
        %swap3A_127 = vector.shape_cast %swap3A_126 : vector<1x16xf32> to vector<16xf32>
        %swap3A_128 = vector.shape_cast %max3A_123 : vector<16xf32> to vector<1x16xf32>
        tpu.vector_store %arg11[%swap3A_124, %swap3A_125], %swap3A_128 {strides = array<i32>} : memref<112x128xf32, #tpu.memory_space<vmem>>, vector<1x16xf32>,
        %get3A_129 = arith.index_cast %scan3A_80 : i32 to index
        %get3A_130 = arith.constant 48 : index
        %get3A_131 = tpu.vector_load %arg11[%get3A_129, %get3A_130] {strides = array<i32>} : memref<112x128xf32, #tpu.memory_space<vmem>>, vector<1x16xf32>,
        %get3A_132 = vector.shape_cast %get3A_131 : vector<1x16xf32> to vector<16xf32>
        %get3A_133 = arith.index_cast %scan3A_80 : i32 to index
        %get3A_134 = arith.constant 48 : index
        %get3A_135 = tpu.vector_load %arg10[%get3A_133, %get3A_134] {strides = array<i32>} : memref<112x128xf32, #tpu.memory_space<vmem>>, vector<1x16xf32>,
        %get3A_136 = vector.shape_cast %get3A_135 : vector<1x16xf32> to vector<16xf32>
        %add3A_137 = arith.addf %get3A_132, %get3A_136 : vector<16xf32>
        %max3A_138 = arith.constant 0.000000e+00 : f32
        %max3A_139 = vector.broadcast %max3A_138 : f32 to vector<16xf32>
        %max3A_140 = arith.maximumf %add3A_137, %max3A_139 : vector<16xf32>
        %swap3A_141 = arith.index_cast %scan3A_80 : i32 to index
        %swap3A_142 = arith.constant 48 : index
        %swap3A_143 = tpu.vector_load %arg11[%swap3A_141, %swap3A_142] {strides = array<i32>} : memref<112x128xf32, #tpu.memory_space<vmem>>, vector<1x16xf32>,
        %swap3A_144 = vector.shape_cast %swap3A_143 : vector<1x16xf32> to vector<16xf32>
        %swap3A_145 = vector.shape_cast %max3A_140 : vector<16xf32> to vector<1x16xf32>
        tpu.vector_store %arg11[%swap3A_141, %swap3A_142], %swap3A_145 {strides = array<i32>} : memref<112x128xf32, #tpu.memory_space<vmem>>, vector<1x16xf32>,
        %get3A_146 = arith.index_cast %scan3A_80 : i32 to index
        %get3A_147 = arith.constant 64 : index
        %get3A_148 = tpu.vector_load %arg11[%get3A_146, %get3A_147] {strides = array<i32>} : memref<112x128xf32, #tpu.memory_space<vmem>>, vector<1x16xf32>,
        %get3A_149 = vector.shape_cast %get3A_148 : vector<1x16xf32> to vector<16xf32>
        %get3A_150 = arith.index_cast %scan3A_80 : i32 to index
        %get3A_151 = arith.constant 64 : index
        %get3A_152 = tpu.vector_load %arg10[%get3A_150, %get3A_151] {strides = array<i32>} : memref<112x128xf32, #tpu.memory_space<vmem>>, vector<1x16xf32>,
        %get3A_153 = vector.shape_cast %get3A_152 : vector<1x16xf32> to vector<16xf32>
        %add3A_154 = arith.addf %get3A_149, %get3A_153 : vector<16xf32>
        %max3A_155 = arith.constant 0.000000e+00 : f32
        %max3A_156 = vector.broadcast %max3A_155 : f32 to vector<16xf32>
        %max3A_157 = arith.maximumf %add3A_154, %max3A_156 : vector<16xf32>
        %swap3A_158 = arith.index_cast %scan3A_80 : i32 to index
        %swap3A_159 = arith.constant 64 : index
        %swap3A_160 = tpu.vector_load %arg11[%swap3A_158, %swap3A_159] {strides = array<i32>} : memref<112x128xf32, #tpu.memory_space<vmem>>, vector<1x16xf32>,
        %swap3A_161 = vector.shape_cast %swap3A_160 : vector<1x16xf32> to vector<16xf32>
        %swap3A_162 = vector.shape_cast %max3A_157 : vector<16xf32> to vector<1x16xf32>
        tpu.vector_store %arg11[%swap3A_158, %swap3A_159], %swap3A_162 {strides = array<i32>} : memref<112x128xf32, #tpu.memory_space<vmem>>, vector<1x16xf32>,
        %get3A_163 = arith.index_cast %scan3A_80 : i32 to index
        %get3A_164 = arith.constant 80 : index
        %get3A_165 = tpu.vector_load %arg11[%get3A_163, %get3A_164] {strides = array<i32>} : memref<112x128xf32, #tpu.memory_space<vmem>>, vector<1x16xf32>,
        %get3A_166 = vector.shape_cast %get3A_165 : vector<1x16xf32> to vector<16xf32>
        %get3A_167 = arith.index_cast %scan3A_80 : i32 to index
        %get3A_168 = arith.constant 80 : index
        %get3A_169 = tpu.vector_load %arg10[%get3A_167, %get3A_168] {strides = array<i32>} : memref<112x128xf32, #tpu.memory_space<vmem>>, vector<1x16xf32>,
        %get3A_170 = vector.shape_cast %get3A_169 : vector<1x16xf32> to vector<16xf32>
        %add3A_171 = arith.addf %get3A_166, %get3A_170 : vector<16xf32>
        %max3A_172 = arith.constant 0.000000e+00 : f32
        %max3A_173 = vector.broadcast %max3A_172 : f32 to vector<16xf32>
        %max3A_174 = arith.maximumf %add3A_171, %max3A_173 : vector<16xf32>
        %swap3A_175 = arith.index_cast %scan3A_80 : i32 to index
        %swap3A_176 = arith.constant 80 : index
        %swap3A_177 = tpu.vector_load %arg11[%swap3A_175, %swap3A_176] {strides = array<i32>} : memref<112x128xf32, #tpu.memory_space<vmem>>, vector<1x16xf32>,
        %swap3A_178 = vector.shape_cast %swap3A_177 : vector<1x16xf32> to vector<16xf32>
        %swap3A_179 = vector.shape_cast %max3A_174 : vector<16xf32> to vector<1x16xf32>
        tpu.vector_store %arg11[%swap3A_175, %swap3A_176], %swap3A_179 {strides = array<i32>} : memref<112x128xf32, #tpu.memory_space<vmem>>, vector<1x16xf32>,
        %get3A_180 = arith.index_cast %scan3A_80 : i32 to index
        %get3A_181 = arith.constant 96 : index
        %get3A_182 = tpu.vector_load %arg11[%get3A_180, %get3A_181] {strides = array<i32>} : memref<112x128xf32, #tpu.memory_space<vmem>>, vector<1x16xf32>,
        %get3A_183 = vector.shape_cast %get3A_182 : vector<1x16xf32> to vector<16xf32>
        %get3A_184 = arith.index_cast %scan3A_80 : i32 to index
        %get3A_185 = arith.constant 96 : index
        %get3A_186 = tpu.vector_load %arg10[%get3A_184, %get3A_185] {strides = array<i32>} : memref<112x128xf32, #tpu.memory_space<vmem>>, vector<1x16xf32>,
        %get3A_187 = vector.shape_cast %get3A_186 : vector<1x16xf32> to vector<16xf32>
        %add3A_188 = arith.addf %get3A_183, %get3A_187 : vector<16xf32>
        %max3A_189 = arith.constant 0.000000e+00 : f32
        %max3A_190 = vector.broadcast %max3A_189 : f32 to vector<16xf32>
        %max3A_191 = arith.maximumf %add3A_188, %max3A_190 : vector<16xf32>
        %swap3A_192 = arith.index_cast %scan3A_80 : i32 to index
        %swap3A_193 = arith.constant 96 : index
        %swap3A_194 = tpu.vector_load %arg11[%swap3A_192, %swap3A_193] {strides = array<i32>} : memref<112x128xf32, #tpu.memory_space<vmem>>, vector<1x16xf32>,
        %swap3A_195 = vector.shape_cast %swap3A_194 : vector<1x16xf32> to vector<16xf32>
        %swap3A_196 = vector.shape_cast %max3A_191 : vector<16xf32> to vector<1x16xf32>
        tpu.vector_store %arg11[%swap3A_192, %swap3A_193], %swap3A_196 {strides = array<i32>} : memref<112x128xf32, #tpu.memory_space<vmem>>, vector<1x16xf32>,
        %get3A_197 = arith.index_cast %scan3A_80 : i32 to index
        %get3A_198 = arith.constant 112 : index
        %get3A_199 = tpu.vector_load %arg11[%get3A_197, %get3A_198] {strides = array<i32>} : memref<112x128xf32, #tpu.memory_space<vmem>>, vector<1x16xf32>,
        %get3A_200 = vector.shape_cast %get3A_199 : vector<1x16xf32> to vector<16xf32>
        %get3A_201 = arith.index_cast %scan3A_80 : i32 to index
        %get3A_202 = arith.constant 112 : index
        %get3A_203 = tpu.vector_load %arg10[%get3A_201, %get3A_202] {strides = array<i32>} : memref<112x128xf32, #tpu.memory_space<vmem>>, vector<1x16xf32>,
        %get3A_204 = vector.shape_cast %get3A_203 : vector<1x16xf32> to vector<16xf32>
        %add3A_205 = arith.addf %get3A_200, %get3A_204 : vector<16xf32>
        %max3A_206 = arith.constant 0.000000e+00 : f32
        %max3A_207 = vector.broadcast %max3A_206 : f32 to vector<16xf32>
        %max3A_208 = arith.maximumf %add3A_205, %max3A_207 : vector<16xf32>
        %swap3A_209 = arith.index_cast %scan3A_80 : i32 to index
        %swap3A_210 = arith.constant 112 : index
        %swap3A_211 = tpu.vector_load %arg11[%swap3A_209, %swap3A_210] {strides = array<i32>} : memref<112x128xf32, #tpu.memory_space<vmem>>, vector<1x16xf32>,
        %swap3A_212 = vector.shape_cast %swap3A_211 : vector<1x16xf32> to vector<16xf32>
        %swap3A_213 = vector.shape_cast %max3A_208 : vector<16xf32> to vector<1x16xf32>
        tpu.vector_store %arg11[%swap3A_209, %swap3A_210], %swap3A_213 {strides = array<i32>} : memref<112x128xf32, #tpu.memory_space<vmem>>, vector<1x16xf32>,
      }
      %scan3A_79 = arith.constant 112 : i32
      "tpu.region"() ({
        %run_scoped3A = tpu.sem_alloc : memref<!tpu.dma_semaphore, #tpu.memory_space<semaphore_mem>>
        %dma_start3A_80 = arith.constant 0 : i32
        %dma_start3A_81 = arith.constant 0 : i32
        %dma_start3A_82 = tpu.memref_slice %arg12[%dma_start3A_80, %dma_start3A_81] : memref<12544x128xf32, #tpu.memory_space<vmem_shared>> -> memref<12544x128xf32, #tpu.memory_space<vmem_shared>>
        tpu.enqueue_indirect_dma source(%arg11 : memref<112x128xf32, #tpu.memory_space<vmem>>) target(%dma_start3A_82 : memref<12544x128xf32, #tpu.memory_space<vmem_shared>>) offsets(%arg9 : memref<112xi32, #tpu.memory_space<vmem>>) semaphore(%run_scoped3A : memref<!tpu.dma_semaphore, #tpu.memory_space<semaphore_mem>>) {add = true}
        %dma_wait3A_83 = arith.constant 0 : i32
        %dma_wait3A_84 = arith.constant 0 : i32
        %dma_wait3A_85 = tpu.memref_slice %arg12[%dma_wait3A_83, %dma_wait3A_84] : memref<12544x128xf32, #tpu.memory_space<vmem_shared>> -> memref<12544x128xf32, #tpu.memory_space<vmem_shared>>
        tpu.wait_indirect_dma semaphore(%run_scoped3A : memref<!tpu.dma_semaphore, #tpu.memory_space<semaphore_mem>>) src(%arg11 : memref<112x128xf32, #tpu.memory_space<vmem>>) dst(%dma_wait3A_85 : memref<12544x128xf32, #tpu.memory_space<vmem_shared>>)
        tpu.yield
      }) : () -> ()
    }
    %scan3A_47 = arith.constant 450 : i32
    %barrier3A_48 = arith.constant 0 : index
    tpu.barrier barrier_id(%barrier3A_48)
    %lt3A_49 = arith.constant 15 : i32
    %lt3A_50 = arith.cmpi slt, %arg1, %lt3A_49 : i32
    %convert_element_type3A_51 = arith.extui %lt3A_50 : i1 to i32
    %cond3A_52 = arith.constant 0 : i32
    %cond3A_53 = arith.cmpi ne, %convert_element_type3A_51, %cond3A_52 : i32
    scf.if %cond3A_53 {
      %mul3A_60 = arith.constant 784 : i32
      %mul3A_61 = arith.muli %arg1, %mul3A_60 : i32
      %mul3A_62 = arith.constant 784 : i32
      %mul3A_63 = arith.muli %arg1, %mul3A_62 : i32
      %add3A_64 = arith.addi %mul3A_31, %mul3A_63 : i32
      "tpu.region"() ({
        %run_scoped3A = tpu.sem_alloc : memref<!tpu.dma_semaphore, #tpu.memory_space<semaphore_mem>>
        %dma_start3A = arith.constant 0 : i32
        %dma_start3A_65 = tpu.memref_slice %arg6[%add3A_64, %dma_start3A] : memref<50176x128xf32, #tpu.memory_space<hbm>> -> memref<784x128xf32, #tpu.memory_space<hbm>>
        %dma_start3A_66 = arith.constant 0 : i32
        %dma_start3A_67 = tpu.memref_slice %arg12[%mul3A_61, %dma_start3A_66] : memref<12544x128xf32, #tpu.memory_space<vmem_shared>> -> memref<784x128xf32, #tpu.memory_space<vmem_shared>>
        tpu.enqueue_dma source(%dma_start3A_67 : memref<784x128xf32, #tpu.memory_space<vmem_shared>>) target(%dma_start3A_65 : memref<784x128xf32, #tpu.memory_space<hbm>>) target_semaphore(%run_scoped3A : memref<!tpu.dma_semaphore, #tpu.memory_space<semaphore_mem>>)
        %dma_wait3A = arith.constant 0 : i32
        %dma_wait3A_68 = tpu.memref_slice %arg6[%add3A_64, %dma_wait3A] : memref<50176x128xf32, #tpu.memory_space<hbm>> -> memref<784x128xf32, #tpu.memory_space<hbm>>
        %dma_wait3A_69 = arith.constant 0 : i32
        %dma_wait3A_70 = tpu.memref_slice %arg12[%mul3A_61, %dma_wait3A_69] : memref<12544x128xf32, #tpu.memory_space<vmem_shared>> -> memref<784x128xf32, #tpu.memory_space<vmem_shared>>
        tpu.wait_dma2 semaphore(%run_scoped3A : memref<!tpu.dma_semaphore, #tpu.memory_space<semaphore_mem>>) src(%dma_wait3A_70 : memref<784x128xf32, #tpu.memory_space<vmem_shared>>) dst(%dma_wait3A_68 : memref<784x128xf32, #tpu.memory_space<hbm>>)
        tpu.yield
      }) : () -> ()
    } else {
    }
    %eq3A_54 = arith.constant 15 : i32
    %eq3A_55 = arith.cmpi eq, %arg1, %eq3A_54 : i32
    %convert_element_type3A_56 = arith.extui %eq3A_55 : i1 to i32
    %cond3A_57 = arith.constant 0 : i32
    %cond3A_58 = arith.cmpi ne, %convert_element_type3A_56, %cond3A_57 : i32
    scf.if %cond3A_58 {
      %add3A_60 = arith.constant 11760 : i32
      %add3A_61 = arith.addi %mul3A_31, %add3A_60 : i32
      "tpu.region"() ({
        %run_scoped3A = tpu.sem_alloc : memref<!tpu.dma_semaphore, #tpu.memory_space<semaphore_mem>>
        %dma_start3A = arith.constant 0 : i32
        %dma_start3A_62 = tpu.memref_slice %arg6[%add3A_61, %dma_start3A] : memref<50176x128xf32, #tpu.memory_space<hbm>> -> memref<752x128xf32, #tpu.memory_space<hbm>>
        %dma_start3A_63 = arith.constant 11760 : i32
        %dma_start3A_64 = arith.constant 0 : i32
        %dma_start3A_65 = tpu.memref_slice %arg12[%dma_start3A_63, %dma_start3A_64] : memref<12544x128xf32, #tpu.memory_space<vmem_shared>> -> memref<752x128xf32, #tpu.memory_space<vmem_shared>>
        tpu.enqueue_dma source(%dma_start3A_65 : memref<752x128xf32, #tpu.memory_space<vmem_shared>>) target(%dma_start3A_62 : memref<752x128xf32, #tpu.memory_space<hbm>>) target_semaphore(%run_scoped3A : memref<!tpu.dma_semaphore, #tpu.memory_space<semaphore_mem>>)
        %dma_wait3A = arith.constant 0 : i32
        %dma_wait3A_66 = tpu.memref_slice %arg6[%add3A_61, %dma_wait3A] : memref<50176x128xf32, #tpu.memory_space<hbm>> -> memref<752x128xf32, #tpu.memory_space<hbm>>
        %dma_wait3A_67 = arith.constant 11760 : i32
        %dma_wait3A_68 = arith.constant 0 : i32
        %dma_wait3A_69 = tpu.memref_slice %arg12[%dma_wait3A_67, %dma_wait3A_68] : memref<12544x128xf32, #tpu.memory_space<vmem_shared>> -> memref<752x128xf32, #tpu.memory_space<vmem_shared>>
        tpu.wait_dma2 semaphore(%run_scoped3A : memref<!tpu.dma_semaphore, #tpu.memory_space<semaphore_mem>>) src(%dma_wait3A_69 : memref<752x128xf32, #tpu.memory_space<vmem_shared>>) dst(%dma_wait3A_66 : memref<752x128xf32, #tpu.memory_space<hbm>>)
        tpu.yield
      }) : () -> ()
    } else {
    }
    %barrier3A_59 = arith.constant 0 : index
    tpu.barrier barrier_id(%barrier3A_59)
    return
  }
}

#map = affine_map<(d0, d1) -> (0, 0)>
#map1 = affine_map<(d0, d1) -> (0)>
module attributes {stable_mosaic.version = 14 : i64} {
  func.func @_edge_agg_body(%arg0: i32, %arg1: i32, %arg2: memref<50176x128xf32, #tpu.memory_space<hbm>>, %arg3: memref<806400x128xf32, #tpu.memory_space<hbm>>, %arg4: memref<806400xi32, #tpu.memory_space<hbm>>, %arg5: memref<806400xi32, #tpu.memory_space<hbm>>, %arg6: memref<50176x128xf32, #tpu.memory_space<hbm>>, %arg7: memref<112xi32, #tpu.memory_space<vmem>>, %arg8: memref<112xi32, #tpu.memory_space<vmem>>, %arg9: memref<112xi32, #tpu.memory_space<vmem>>, %arg10: memref<112x128xf32, #tpu.memory_space<vmem>>, %arg11: memref<112x128xf32, #tpu.memory_space<vmem>>, %arg12: memref<12544x128xf32, #tpu.memory_space<vmem_shared>>, %arg13: memref<!tpu.dma_semaphore, #tpu.memory_space<semaphore_mem>>) attributes {dimension_semantics = [#tpu.dimension_semantics<core_parallel>, #tpu.dimension_semantics<subcore_parallel>], iteration_bounds = array<i64: 2, 16>, scalar_prefetch = 0 : i64, scratch_operands = 7 : i64, tpu.core_type = #tpu.core_type<sc_vector_subcore>, window_params = [{transform_indices = #map}, {transform_indices = #map}, {transform_indices = #map1}, {transform_indices = #map1}, {transform_indices = #map}]} {
    %iota3A = tpu.iota {dimensions = array<i32: 0>} : vector<16xi32>
    %mul3A = arith.constant 2 : i32
    %mul3A_0 = arith.muli %mul3A, %arg0 : i32
    %add3A = arith.constant 0 : i32
    %add3A_1 = arith.addi %mul3A_0, %add3A : i32
    %mul3A_2 = arith.constant 12512 : i32
    %mul3A_3 = arith.muli %add3A_1, %mul3A_2 : i32
    %scan3A = arith.constant 0 : i32
    %scan3A_4 = arith.constant 112 : i32
    %scan3A_5 = arith.addi %scan3A, %scan3A_4 : i32
    %scan3A_6 = arith.constant 1 : i32
    scf.for %scan3A_60 = %scan3A to %scan3A_5 step %scan3A_6  : i32 {
      %broadcast_in_dim3A = arith.constant 0.000000e+00 : f32
      %broadcast_in_dim3A_61 = vector.broadcast %broadcast_in_dim3A : f32 to vector<16xf32>
      %swap3A = arith.index_cast %scan3A_60 : i32 to index
      %swap3A_62 = arith.constant 0 : index
      %swap3A_63 = tpu.vector_load %arg10[%swap3A, %swap3A_62] {strides = array<i32>} : memref<112x128xf32, #tpu.memory_space<vmem>>, vector<1x16xf32>,
      %swap3A_64 = vector.shape_cast %swap3A_63 : vector<1x16xf32> to vector<16xf32>
      %swap3A_65 = vector.shape_cast %broadcast_in_dim3A_61 : vector<16xf32> to vector<1x16xf32>
      tpu.vector_store %arg10[%swap3A, %swap3A_62], %swap3A_65 {strides = array<i32>} : memref<112x128xf32, #tpu.memory_space<vmem>>, vector<1x16xf32>,
      %broadcast_in_dim3A_66 = arith.constant 0.000000e+00 : f32
      %broadcast_in_dim3A_67 = vector.broadcast %broadcast_in_dim3A_66 : f32 to vector<16xf32>
      %swap3A_68 = arith.index_cast %scan3A_60 : i32 to index
      %swap3A_69 = arith.constant 16 : index
      %swap3A_70 = tpu.vector_load %arg10[%swap3A_68, %swap3A_69] {strides = array<i32>} : memref<112x128xf32, #tpu.memory_space<vmem>>, vector<1x16xf32>,
      %swap3A_71 = vector.shape_cast %swap3A_70 : vector<1x16xf32> to vector<16xf32>
      %swap3A_72 = vector.shape_cast %broadcast_in_dim3A_67 : vector<16xf32> to vector<1x16xf32>
      tpu.vector_store %arg10[%swap3A_68, %swap3A_69], %swap3A_72 {strides = array<i32>} : memref<112x128xf32, #tpu.memory_space<vmem>>, vector<1x16xf32>,
      %broadcast_in_dim3A_73 = arith.constant 0.000000e+00 : f32
      %broadcast_in_dim3A_74 = vector.broadcast %broadcast_in_dim3A_73 : f32 to vector<16xf32>
      %swap3A_75 = arith.index_cast %scan3A_60 : i32 to index
      %swap3A_76 = arith.constant 32 : index
      %swap3A_77 = tpu.vector_load %arg10[%swap3A_75, %swap3A_76] {strides = array<i32>} : memref<112x128xf32, #tpu.memory_space<vmem>>, vector<1x16xf32>,
      %swap3A_78 = vector.shape_cast %swap3A_77 : vector<1x16xf32> to vector<16xf32>
      %swap3A_79 = vector.shape_cast %broadcast_in_dim3A_74 : vector<16xf32> to vector<1x16xf32>
      tpu.vector_store %arg10[%swap3A_75, %swap3A_76], %swap3A_79 {strides = array<i32>} : memref<112x128xf32, #tpu.memory_space<vmem>>, vector<1x16xf32>,
      %broadcast_in_dim3A_80 = arith.constant 0.000000e+00 : f32
      %broadcast_in_dim3A_81 = vector.broadcast %broadcast_in_dim3A_80 : f32 to vector<16xf32>
      %swap3A_82 = arith.index_cast %scan3A_60 : i32 to index
      %swap3A_83 = arith.constant 48 : index
      %swap3A_84 = tpu.vector_load %arg10[%swap3A_82, %swap3A_83] {strides = array<i32>} : memref<112x128xf32, #tpu.memory_space<vmem>>, vector<1x16xf32>,
      %swap3A_85 = vector.shape_cast %swap3A_84 : vector<1x16xf32> to vector<16xf32>
      %swap3A_86 = vector.shape_cast %broadcast_in_dim3A_81 : vector<16xf32> to vector<1x16xf32>
      tpu.vector_store %arg10[%swap3A_82, %swap3A_83], %swap3A_86 {strides = array<i32>} : memref<112x128xf32, #tpu.memory_space<vmem>>, vector<1x16xf32>,
      %broadcast_in_dim3A_87 = arith.constant 0.000000e+00 : f32
      %broadcast_in_dim3A_88 = vector.broadcast %broadcast_in_dim3A_87 : f32 to vector<16xf32>
      %swap3A_89 = arith.index_cast %scan3A_60 : i32 to index
      %swap3A_90 = arith.constant 64 : index
      %swap3A_91 = tpu.vector_load %arg10[%swap3A_89, %swap3A_90] {strides = array<i32>} : memref<112x128xf32, #tpu.memory_space<vmem>>, vector<1x16xf32>,
      %swap3A_92 = vector.shape_cast %swap3A_91 : vector<1x16xf32> to vector<16xf32>
      %swap3A_93 = vector.shape_cast %broadcast_in_dim3A_88 : vector<16xf32> to vector<1x16xf32>
      tpu.vector_store %arg10[%swap3A_89, %swap3A_90], %swap3A_93 {strides = array<i32>} : memref<112x128xf32, #tpu.memory_space<vmem>>, vector<1x16xf32>,
      %broadcast_in_dim3A_94 = arith.constant 0.000000e+00 : f32
      %broadcast_in_dim3A_95 = vector.broadcast %broadcast_in_dim3A_94 : f32 to vector<16xf32>
      %swap3A_96 = arith.index_cast %scan3A_60 : i32 to index
      %swap3A_97 = arith.constant 80 : index
      %swap3A_98 = tpu.vector_load %arg10[%swap3A_96, %swap3A_97] {strides = array<i32>} : memref<112x128xf32, #tpu.memory_space<vmem>>, vector<1x16xf32>,
      %swap3A_99 = vector.shape_cast %swap3A_98 : vector<1x16xf32> to vector<16xf32>
      %swap3A_100 = vector.shape_cast %broadcast_in_dim3A_95 : vector<16xf32> to vector<1x16xf32>
      tpu.vector_store %arg10[%swap3A_96, %swap3A_97], %swap3A_100 {strides = array<i32>} : memref<112x128xf32, #tpu.memory_space<vmem>>, vector<1x16xf32>,
      %broadcast_in_dim3A_101 = arith.constant 0.000000e+00 : f32
      %broadcast_in_dim3A_102 = vector.broadcast %broadcast_in_dim3A_101 : f32 to vector<16xf32>
      %swap3A_103 = arith.index_cast %scan3A_60 : i32 to index
      %swap3A_104 = arith.constant 96 : index
      %swap3A_105 = tpu.vector_load %arg10[%swap3A_103, %swap3A_104] {strides = array<i32>} : memref<112x128xf32, #tpu.memory_space<vmem>>, vector<1x16xf32>,
      %swap3A_106 = vector.shape_cast %swap3A_105 : vector<1x16xf32> to vector<16xf32>
      %swap3A_107 = vector.shape_cast %broadcast_in_dim3A_102 : vector<16xf32> to vector<1x16xf32>
      tpu.vector_store %arg10[%swap3A_103, %swap3A_104], %swap3A_107 {strides = array<i32>} : memref<112x128xf32, #tpu.memory_space<vmem>>, vector<1x16xf32>,
      %broadcast_in_dim3A_108 = arith.constant 0.000000e+00 : f32
      %broadcast_in_dim3A_109 = vector.broadcast %broadcast_in_dim3A_108 : f32 to vector<16xf32>
      %swap3A_110 = arith.index_cast %scan3A_60 : i32 to index
      %swap3A_111 = arith.constant 112 : index
      %swap3A_112 = tpu.vector_load %arg10[%swap3A_110, %swap3A_111] {strides = array<i32>} : memref<112x128xf32, #tpu.memory_space<vmem>>, vector<1x16xf32>,
      %swap3A_113 = vector.shape_cast %swap3A_112 : vector<1x16xf32> to vector<16xf32>
      %swap3A_114 = vector.shape_cast %broadcast_in_dim3A_109 : vector<16xf32> to vector<1x16xf32>
      tpu.vector_store %arg10[%swap3A_110, %swap3A_111], %swap3A_114 {strides = array<i32>} : memref<112x128xf32, #tpu.memory_space<vmem>>, vector<1x16xf32>,
    }
    %scan3A_7 = arith.constant 112 : i32
    %scan3A_8 = arith.constant 0 : i32
    %scan3A_9 = arith.constant 7 : i32
    %scan3A_10 = arith.addi %scan3A_8, %scan3A_9 : i32
    %scan3A_11 = arith.constant 1 : i32
    scf.for %scan3A_60 = %scan3A_8 to %scan3A_10 step %scan3A_11  : i32 {
      %mul3A_61 = arith.constant 784 : i32
      %mul3A_62 = arith.muli %arg1, %mul3A_61 : i32
      %mul3A_63 = arith.constant 112 : i32
      %mul3A_64 = arith.muli %scan3A_60, %mul3A_63 : i32
      %add3A_65 = arith.addi %mul3A_62, %mul3A_64 : i32
      "tpu.region"() ({
        %run_scoped3A = tpu.sem_alloc : memref<!tpu.dma_semaphore, #tpu.memory_space<semaphore_mem>>
        %dma_start3A = arith.constant 0 : i32
        %dma_start3A_66 = tpu.memref_slice %arg12[%add3A_65, %dma_start3A] : memref<12544x128xf32, #tpu.memory_space<vmem_shared>> -> memref<112x128xf32, #tpu.memory_space<vmem_shared>>
        %dma_start3A_67 = arith.constant 0 : i32
        %dma_start3A_68 = tpu.memref_slice %arg12[%add3A_65, %dma_start3A_67] : memref<12544x128xf32, #tpu.memory_space<vmem_shared>> -> memref<112x128xf32, #tpu.memory_space<vmem_shared>>
        tpu.enqueue_dma source(%arg10 : memref<112x128xf32, #tpu.memory_space<vmem>>) target(%dma_start3A_68 : memref<112x128xf32, #tpu.memory_space<vmem_shared>>) target_semaphore(%run_scoped3A : memref<!tpu.dma_semaphore, #tpu.memory_space<semaphore_mem>>)
        %dma_wait3A = arith.constant 0 : i32
        %dma_wait3A_69 = tpu.memref_slice %arg12[%add3A_65, %dma_wait3A] : memref<12544x128xf32, #tpu.memory_space<vmem_shared>> -> memref<112x128xf32, #tpu.memory_space<vmem_shared>>
        %dma_wait3A_70 = arith.constant 0 : i32
        %dma_wait3A_71 = tpu.memref_slice %arg12[%add3A_65, %dma_wait3A_70] : memref<12544x128xf32, #tpu.memory_space<vmem_shared>> -> memref<112x128xf32, #tpu.memory_space<vmem_shared>>
        tpu.wait_dma2 semaphore(%run_scoped3A : memref<!tpu.dma_semaphore, #tpu.memory_space<semaphore_mem>>) src(%arg10 : memref<112x128xf32, #tpu.memory_space<vmem>>) dst(%dma_wait3A_71 : memref<112x128xf32, #tpu.memory_space<vmem_shared>>)
        tpu.yield
      }) : () -> ()
    }
    %scan3A_12 = arith.constant 7 : i32
    %barrier3A = arith.constant 0 : index
    tpu.barrier barrier_id(%barrier3A)
    %scan3A_13 = arith.constant 0 : i32
    %scan3A_14 = arith.constant 450 : i32
    %scan3A_15 = arith.addi %scan3A_13, %scan3A_14 : i32
    %scan3A_16 = arith.constant 1 : i32
    scf.for %scan3A_60 = %scan3A_13 to %scan3A_15 step %scan3A_16  : i32 {
      %mul3A_61 = arith.constant 450 : i32
      %mul3A_62 = arith.muli %arg1, %mul3A_61 : i32
      %add3A_63 = arith.addi %mul3A_62, %scan3A_60 : i32
      %mul3A_64 = arith.constant 112 : i32
      %mul3A_65 = arith.muli %add3A_63, %mul3A_64 : i32
      "tpu.region"() ({
        %run_scoped3A = tpu.sem_alloc : memref<!tpu.dma_semaphore, #tpu.memory_space<semaphore_mem>>
        %dma_start3A_80 = tpu.memref_slice %arg4[%mul3A_65] : memref<806400xi32, #tpu.memory_space<hbm>> -> memref<112xi32, #tpu.memory_space<hbm>>
        %dma_start3A_81 = tpu.memref_slice %arg4[%mul3A_65] : memref<806400xi32, #tpu.memory_space<hbm>> -> memref<112xi32, #tpu.memory_space<hbm>>
        tpu.enqueue_dma source(%dma_start3A_81 : memref<112xi32, #tpu.memory_space<hbm>>) target(%arg7 : memref<112xi32, #tpu.memory_space<vmem>>) target_semaphore(%run_scoped3A : memref<!tpu.dma_semaphore, #tpu.memory_space<semaphore_mem>>)
        %dma_wait3A_82 = tpu.memref_slice %arg4[%mul3A_65] : memref<806400xi32, #tpu.memory_space<hbm>> -> memref<112xi32, #tpu.memory_space<hbm>>
        %dma_wait3A_83 = tpu.memref_slice %arg4[%mul3A_65] : memref<806400xi32, #tpu.memory_space<hbm>> -> memref<112xi32, #tpu.memory_space<hbm>>
        tpu.wait_dma2 semaphore(%run_scoped3A : memref<!tpu.dma_semaphore, #tpu.memory_space<semaphore_mem>>) src(%dma_wait3A_83 : memref<112xi32, #tpu.memory_space<hbm>>) dst(%arg7 : memref<112xi32, #tpu.memory_space<vmem>>)
        tpu.yield
      }) : () -> ()
      "tpu.region"() ({
        %run_scoped3A = tpu.sem_alloc : memref<!tpu.dma_semaphore, #tpu.memory_space<semaphore_mem>>
        %dma_start3A_80 = tpu.memref_slice %arg5[%mul3A_65] : memref<806400xi32, #tpu.memory_space<hbm>> -> memref<112xi32, #tpu.memory_space<hbm>>
        %dma_start3A_81 = tpu.memref_slice %arg5[%mul3A_65] : memref<806400xi32, #tpu.memory_space<hbm>> -> memref<112xi32, #tpu.memory_space<hbm>>
        tpu.enqueue_dma source(%dma_start3A_81 : memref<112xi32, #tpu.memory_space<hbm>>) target(%arg8 : memref<112xi32, #tpu.memory_space<vmem>>) target_semaphore(%run_scoped3A : memref<!tpu.dma_semaphore, #tpu.memory_space<semaphore_mem>>)
        %dma_wait3A_82 = tpu.memref_slice %arg5[%mul3A_65] : memref<806400xi32, #tpu.memory_space<hbm>> -> memref<112xi32, #tpu.memory_space<hbm>>
        %dma_wait3A_83 = tpu.memref_slice %arg5[%mul3A_65] : memref<806400xi32, #tpu.memory_space<hbm>> -> memref<112xi32, #tpu.memory_space<hbm>>
        tpu.wait_dma2 semaphore(%run_scoped3A : memref<!tpu.dma_semaphore, #tpu.memory_space<semaphore_mem>>) src(%dma_wait3A_83 : memref<112xi32, #tpu.memory_space<hbm>>) dst(%arg8 : memref<112xi32, #tpu.memory_space<vmem>>)
        tpu.yield
      }) : () -> ()
      "tpu.region"() ({
        %run_scoped3A = tpu.sem_alloc : memref<!tpu.dma_semaphore, #tpu.memory_space<semaphore_mem>>
        %dma_start3A_80 = arith.constant 0 : i32
        %dma_start3A_81 = tpu.memref_slice %arg3[%mul3A_65, %dma_start3A_80] : memref<806400x128xf32, #tpu.memory_space<hbm>> -> memref<112x128xf32, #tpu.memory_space<hbm>>
        %dma_start3A_82 = arith.constant 0 : i32
        %dma_start3A_83 = tpu.memref_slice %arg3[%mul3A_65, %dma_start3A_82] : memref<806400x128xf32, #tpu.memory_space<hbm>> -> memref<112x128xf32, #tpu.memory_space<hbm>>
        tpu.enqueue_dma source(%dma_start3A_83 : memref<112x128xf32, #tpu.memory_space<hbm>>) target(%arg10 : memref<112x128xf32, #tpu.memory_space<vmem>>) target_semaphore(%run_scoped3A : memref<!tpu.dma_semaphore, #tpu.memory_space<semaphore_mem>>)
        %dma_wait3A_84 = arith.constant 0 : i32
        %dma_wait3A_85 = tpu.memref_slice %arg3[%mul3A_65, %dma_wait3A_84] : memref<806400x128xf32, #tpu.memory_space<hbm>> -> memref<112x128xf32, #tpu.memory_space<hbm>>
        %dma_wait3A_86 = arith.constant 0 : i32
        %dma_wait3A_87 = tpu.memref_slice %arg3[%mul3A_65, %dma_wait3A_86] : memref<806400x128xf32, #tpu.memory_space<hbm>> -> memref<112x128xf32, #tpu.memory_space<hbm>>
        tpu.wait_dma2 semaphore(%run_scoped3A : memref<!tpu.dma_semaphore, #tpu.memory_space<semaphore_mem>>) src(%dma_wait3A_87 : memref<112x128xf32, #tpu.memory_space<hbm>>) dst(%arg10 : memref<112x128xf32, #tpu.memory_space<vmem>>)
        tpu.yield
      }) : () -> ()
      %dma_start3A = arith.constant 0 : i32
      %dma_start3A_66 = arith.constant 0 : i32
      %dma_start3A_67 = tpu.memref_slice %arg2[%dma_start3A, %dma_start3A_66] : memref<50176x128xf32, #tpu.memory_space<hbm>> -> memref<50176x128xf32, #tpu.memory_space<hbm>>
      tpu.enqueue_indirect_dma source(%dma_start3A_67 : memref<50176x128xf32, #tpu.memory_space<hbm>>) target(%arg11 : memref<112x128xf32, #tpu.memory_space<vmem>>) offsets(%arg7 : memref<112xi32, #tpu.memory_space<vmem>>) semaphore(%arg13 : memref<!tpu.dma_semaphore, #tpu.memory_space<semaphore_mem>>)
      %dma_wait3A = arith.constant 0 : i32
      %dma_wait3A_68 = arith.constant 0 : i32
      %dma_wait3A_69 = tpu.memref_slice %arg2[%dma_wait3A, %dma_wait3A_68] : memref<50176x128xf32, #tpu.memory_space<hbm>> -> memref<50176x128xf32, #tpu.memory_space<hbm>>
      tpu.wait_indirect_dma semaphore(%arg13 : memref<!tpu.dma_semaphore, #tpu.memory_space<semaphore_mem>>) src(%dma_wait3A_69 : memref<50176x128xf32, #tpu.memory_space<hbm>>) dst(%arg11 : memref<112x128xf32, #tpu.memory_space<vmem>>)
      %scan3A_70 = arith.constant 0 : i32
      %scan3A_71 = arith.constant 7 : i32
      %scan3A_72 = arith.addi %scan3A_70, %scan3A_71 : i32
      %scan3A_73 = arith.constant 1 : i32
      scf.for %scan3A_80 = %scan3A_70 to %scan3A_72 step %scan3A_73  : i32 {
        %mul3A_81 = arith.constant 16 : i32
        %mul3A_82 = arith.muli %scan3A_80, %mul3A_81 : i32
        %get3A = arith.index_cast %mul3A_82 : i32 to index
        %get3A_83 = tpu.vector_load %arg8[%get3A] {strides = array<i32>} : memref<112xi32, #tpu.memory_space<vmem>>, vector<16xi32>,
        %get3A_84 = vector.shape_cast %get3A_83 : vector<16xi32> to vector<16xi32>
        %ge3A = vector.broadcast %mul3A_3 : i32 to vector<16xi32>
        %ge3A_85 = arith.cmpi sge, %get3A_84, %ge3A : vector<16xi32>
        %add3A_86 = arith.constant 12512 : i32
        %add3A_87 = arith.addi %mul3A_3, %add3A_86 : i32
        %lt3A_88 = vector.broadcast %add3A_87 : i32 to vector<16xi32>
        %lt3A_89 = arith.cmpi slt, %get3A_84, %lt3A_88 : vector<16xi32>
        %and3A = arith.andi %ge3A_85, %lt3A_89 : vector<16xi1>
        %sub3A = vector.broadcast %mul3A_3 : i32 to vector<16xi32>
        %sub3A_90 = arith.subi %get3A_84, %sub3A : vector<16xi32>
        %add3A_91 = arith.constant 12512 : i32
        %add3A_92 = vector.broadcast %add3A_91 : i32 to vector<16xi32>
        %add3A_93 = arith.addi %add3A_92, %iota3A : vector<16xi32>
        %jit3A = arith.constant 2 : i32
        %eq3A_94 = arith.constant 0 : i32
        %eq3A_95 = arith.cmpi eq, %jit3A, %eq3A_94 : i32
        %jit3A_96 = arith.constant 1 : i32
        %select_n3A = arith.select %eq3A_95, %jit3A_96, %jit3A : i32
        %rem3A = arith.remsi %scan3A_80, %select_n3A : i32
        %ne3A = arith.constant 0 : i32
        %ne3A_97 = arith.cmpi ne, %rem3A, %ne3A : i32
        %lt3A_98 = arith.constant 0 : i32
        %lt3A_99 = arith.cmpi slt, %rem3A, %lt3A_98 : i32
        %lt3A_100 = arith.constant 0 : i32
        %lt3A_101 = arith.cmpi slt, %select_n3A, %lt3A_100 : i32
        %ne3A_102 = arith.xori %lt3A_99, %lt3A_101 : i1
        %and3A_103 = arith.andi %ne3A_102, %ne3A_97 : i1
        %add3A_104 = arith.addi %rem3A, %select_n3A : i32
        %select_n3A_105 = arith.select %and3A_103, %add3A_104, %rem3A : i32
        %mul3A_106 = arith.constant 16 : i32
        %mul3A_107 = arith.muli %mul3A_106, %select_n3A_105 : i32
        %add3A_108 = vector.broadcast %mul3A_107 : i32 to vector<16xi32>
        %add3A_109 = arith.addi %add3A_93, %add3A_108 : vector<16xi32>
        %select_n3A_110 = arith.select %and3A, %sub3A_90, %add3A_109 : vector<16xi1>, vector<16xi32>
        %mul3A_111 = arith.constant 16 : i32
        %mul3A_112 = arith.muli %scan3A_80, %mul3A_111 : i32
        %swap3A = arith.index_cast %mul3A_112 : i32 to index
        %swap3A_113 = tpu.vector_load %arg9[%swap3A] {strides = array<i32>} : memref<112xi32, #tpu.memory_space<vmem>>, vector<16xi32>,
        %swap3A_114 = vector.shape_cast %swap3A_113 : vector<16xi32> to vector<16xi32>
        %swap3A_115 = vector.shape_cast %select_n3A_110 : vector<16xi32> to vector<16xi32>
        tpu.vector_store %arg9[%swap3A], %swap3A_115 {strides = array<i32>} : memref<112xi32, #tpu.memory_space<vmem>>, vector<16xi32>,
      }
      %scan3A_74 = arith.constant 7 : i32
      %scan3A_75 = arith.constant 0 : i32
      %scan3A_76 = arith.constant 112 : i32
      %scan3A_77 = arith.addi %scan3A_75, %scan3A_76 : i32
      %scan3A_78 = arith.constant 1 : i32
      scf.for %scan3A_80 = %scan3A_75 to %scan3A_77 step %scan3A_78  : i32 {
        %get3A = arith.index_cast %scan3A_80 : i32 to index
        %get3A_81 = arith.constant 0 : index
        %get3A_82 = tpu.vector_load %arg11[%get3A, %get3A_81] {strides = array<i32>} : memref<112x128xf32, #tpu.memory_space<vmem>>, vector<1x16xf32>,
        %get3A_83 = vector.shape_cast %get3A_82 : vector<1x16xf32> to vector<16xf32>
        %get3A_84 = arith.index_cast %scan3A_80 : i32 to index
        %get3A_85 = arith.constant 0 : index
        %get3A_86 = tpu.vector_load %arg10[%get3A_84, %get3A_85] {strides = array<i32>} : memref<112x128xf32, #tpu.memory_space<vmem>>, vector<1x16xf32>,
        %get3A_87 = vector.shape_cast %get3A_86 : vector<1x16xf32> to vector<16xf32>
        %add3A_88 = arith.addf %get3A_83, %get3A_87 : vector<16xf32>
        %max3A = arith.constant 0.000000e+00 : f32
        %max3A_89 = vector.broadcast %max3A : f32 to vector<16xf32>
        %max3A_90 = arith.maximumf %add3A_88, %max3A_89 : vector<16xf32>
        %swap3A = arith.index_cast %scan3A_80 : i32 to index
        %swap3A_91 = arith.constant 0 : index
        %swap3A_92 = tpu.vector_load %arg11[%swap3A, %swap3A_91] {strides = array<i32>} : memref<112x128xf32, #tpu.memory_space<vmem>>, vector<1x16xf32>,
        %swap3A_93 = vector.shape_cast %swap3A_92 : vector<1x16xf32> to vector<16xf32>
        %swap3A_94 = vector.shape_cast %max3A_90 : vector<16xf32> to vector<1x16xf32>
        tpu.vector_store %arg11[%swap3A, %swap3A_91], %swap3A_94 {strides = array<i32>} : memref<112x128xf32, #tpu.memory_space<vmem>>, vector<1x16xf32>,
        %get3A_95 = arith.index_cast %scan3A_80 : i32 to index
        %get3A_96 = arith.constant 16 : index
        %get3A_97 = tpu.vector_load %arg11[%get3A_95, %get3A_96] {strides = array<i32>} : memref<112x128xf32, #tpu.memory_space<vmem>>, vector<1x16xf32>,
        %get3A_98 = vector.shape_cast %get3A_97 : vector<1x16xf32> to vector<16xf32>
        %get3A_99 = arith.index_cast %scan3A_80 : i32 to index
        %get3A_100 = arith.constant 16 : index
        %get3A_101 = tpu.vector_load %arg10[%get3A_99, %get3A_100] {strides = array<i32>} : memref<112x128xf32, #tpu.memory_space<vmem>>, vector<1x16xf32>,
        %get3A_102 = vector.shape_cast %get3A_101 : vector<1x16xf32> to vector<16xf32>
        %add3A_103 = arith.addf %get3A_98, %get3A_102 : vector<16xf32>
        %max3A_104 = arith.constant 0.000000e+00 : f32
        %max3A_105 = vector.broadcast %max3A_104 : f32 to vector<16xf32>
        %max3A_106 = arith.maximumf %add3A_103, %max3A_105 : vector<16xf32>
        %swap3A_107 = arith.index_cast %scan3A_80 : i32 to index
        %swap3A_108 = arith.constant 16 : index
        %swap3A_109 = tpu.vector_load %arg11[%swap3A_107, %swap3A_108] {strides = array<i32>} : memref<112x128xf32, #tpu.memory_space<vmem>>, vector<1x16xf32>,
        %swap3A_110 = vector.shape_cast %swap3A_109 : vector<1x16xf32> to vector<16xf32>
        %swap3A_111 = vector.shape_cast %max3A_106 : vector<16xf32> to vector<1x16xf32>
        tpu.vector_store %arg11[%swap3A_107, %swap3A_108], %swap3A_111 {strides = array<i32>} : memref<112x128xf32, #tpu.memory_space<vmem>>, vector<1x16xf32>,
        %get3A_112 = arith.index_cast %scan3A_80 : i32 to index
        %get3A_113 = arith.constant 32 : index
        %get3A_114 = tpu.vector_load %arg11[%get3A_112, %get3A_113] {strides = array<i32>} : memref<112x128xf32, #tpu.memory_space<vmem>>, vector<1x16xf32>,
        %get3A_115 = vector.shape_cast %get3A_114 : vector<1x16xf32> to vector<16xf32>
        %get3A_116 = arith.index_cast %scan3A_80 : i32 to index
        %get3A_117 = arith.constant 32 : index
        %get3A_118 = tpu.vector_load %arg10[%get3A_116, %get3A_117] {strides = array<i32>} : memref<112x128xf32, #tpu.memory_space<vmem>>, vector<1x16xf32>,
        %get3A_119 = vector.shape_cast %get3A_118 : vector<1x16xf32> to vector<16xf32>
        %add3A_120 = arith.addf %get3A_115, %get3A_119 : vector<16xf32>
        %max3A_121 = arith.constant 0.000000e+00 : f32
        %max3A_122 = vector.broadcast %max3A_121 : f32 to vector<16xf32>
        %max3A_123 = arith.maximumf %add3A_120, %max3A_122 : vector<16xf32>
        %swap3A_124 = arith.index_cast %scan3A_80 : i32 to index
        %swap3A_125 = arith.constant 32 : index
        %swap3A_126 = tpu.vector_load %arg11[%swap3A_124, %swap3A_125] {strides = array<i32>} : memref<112x128xf32, #tpu.memory_space<vmem>>, vector<1x16xf32>,
        %swap3A_127 = vector.shape_cast %swap3A_126 : vector<1x16xf32> to vector<16xf32>
        %swap3A_128 = vector.shape_cast %max3A_123 : vector<16xf32> to vector<1x16xf32>
        tpu.vector_store %arg11[%swap3A_124, %swap3A_125], %swap3A_128 {strides = array<i32>} : memref<112x128xf32, #tpu.memory_space<vmem>>, vector<1x16xf32>,
        %get3A_129 = arith.index_cast %scan3A_80 : i32 to index
        %get3A_130 = arith.constant 48 : index
        %get3A_131 = tpu.vector_load %arg11[%get3A_129, %get3A_130] {strides = array<i32>} : memref<112x128xf32, #tpu.memory_space<vmem>>, vector<1x16xf32>,
        %get3A_132 = vector.shape_cast %get3A_131 : vector<1x16xf32> to vector<16xf32>
        %get3A_133 = arith.index_cast %scan3A_80 : i32 to index
        %get3A_134 = arith.constant 48 : index
        %get3A_135 = tpu.vector_load %arg10[%get3A_133, %get3A_134] {strides = array<i32>} : memref<112x128xf32, #tpu.memory_space<vmem>>, vector<1x16xf32>,
        %get3A_136 = vector.shape_cast %get3A_135 : vector<1x16xf32> to vector<16xf32>
        %add3A_137 = arith.addf %get3A_132, %get3A_136 : vector<16xf32>
        %max3A_138 = arith.constant 0.000000e+00 : f32
        %max3A_139 = vector.broadcast %max3A_138 : f32 to vector<16xf32>
        %max3A_140 = arith.maximumf %add3A_137, %max3A_139 : vector<16xf32>
        %swap3A_141 = arith.index_cast %scan3A_80 : i32 to index
        %swap3A_142 = arith.constant 48 : index
        %swap3A_143 = tpu.vector_load %arg11[%swap3A_141, %swap3A_142] {strides = array<i32>} : memref<112x128xf32, #tpu.memory_space<vmem>>, vector<1x16xf32>,
        %swap3A_144 = vector.shape_cast %swap3A_143 : vector<1x16xf32> to vector<16xf32>
        %swap3A_145 = vector.shape_cast %max3A_140 : vector<16xf32> to vector<1x16xf32>
        tpu.vector_store %arg11[%swap3A_141, %swap3A_142], %swap3A_145 {strides = array<i32>} : memref<112x128xf32, #tpu.memory_space<vmem>>, vector<1x16xf32>,
        %get3A_146 = arith.index_cast %scan3A_80 : i32 to index
        %get3A_147 = arith.constant 64 : index
        %get3A_148 = tpu.vector_load %arg11[%get3A_146, %get3A_147] {strides = array<i32>} : memref<112x128xf32, #tpu.memory_space<vmem>>, vector<1x16xf32>,
        %get3A_149 = vector.shape_cast %get3A_148 : vector<1x16xf32> to vector<16xf32>
        %get3A_150 = arith.index_cast %scan3A_80 : i32 to index
        %get3A_151 = arith.constant 64 : index
        %get3A_152 = tpu.vector_load %arg10[%get3A_150, %get3A_151] {strides = array<i32>} : memref<112x128xf32, #tpu.memory_space<vmem>>, vector<1x16xf32>,
        %get3A_153 = vector.shape_cast %get3A_152 : vector<1x16xf32> to vector<16xf32>
        %add3A_154 = arith.addf %get3A_149, %get3A_153 : vector<16xf32>
        %max3A_155 = arith.constant 0.000000e+00 : f32
        %max3A_156 = vector.broadcast %max3A_155 : f32 to vector<16xf32>
        %max3A_157 = arith.maximumf %add3A_154, %max3A_156 : vector<16xf32>
        %swap3A_158 = arith.index_cast %scan3A_80 : i32 to index
        %swap3A_159 = arith.constant 64 : index
        %swap3A_160 = tpu.vector_load %arg11[%swap3A_158, %swap3A_159] {strides = array<i32>} : memref<112x128xf32, #tpu.memory_space<vmem>>, vector<1x16xf32>,
        %swap3A_161 = vector.shape_cast %swap3A_160 : vector<1x16xf32> to vector<16xf32>
        %swap3A_162 = vector.shape_cast %max3A_157 : vector<16xf32> to vector<1x16xf32>
        tpu.vector_store %arg11[%swap3A_158, %swap3A_159], %swap3A_162 {strides = array<i32>} : memref<112x128xf32, #tpu.memory_space<vmem>>, vector<1x16xf32>,
        %get3A_163 = arith.index_cast %scan3A_80 : i32 to index
        %get3A_164 = arith.constant 80 : index
        %get3A_165 = tpu.vector_load %arg11[%get3A_163, %get3A_164] {strides = array<i32>} : memref<112x128xf32, #tpu.memory_space<vmem>>, vector<1x16xf32>,
        %get3A_166 = vector.shape_cast %get3A_165 : vector<1x16xf32> to vector<16xf32>
        %get3A_167 = arith.index_cast %scan3A_80 : i32 to index
        %get3A_168 = arith.constant 80 : index
        %get3A_169 = tpu.vector_load %arg10[%get3A_167, %get3A_168] {strides = array<i32>} : memref<112x128xf32, #tpu.memory_space<vmem>>, vector<1x16xf32>,
        %get3A_170 = vector.shape_cast %get3A_169 : vector<1x16xf32> to vector<16xf32>
        %add3A_171 = arith.addf %get3A_166, %get3A_170 : vector<16xf32>
        %max3A_172 = arith.constant 0.000000e+00 : f32
        %max3A_173 = vector.broadcast %max3A_172 : f32 to vector<16xf32>
        %max3A_174 = arith.maximumf %add3A_171, %max3A_173 : vector<16xf32>
        %swap3A_175 = arith.index_cast %scan3A_80 : i32 to index
        %swap3A_176 = arith.constant 80 : index
        %swap3A_177 = tpu.vector_load %arg11[%swap3A_175, %swap3A_176] {strides = array<i32>} : memref<112x128xf32, #tpu.memory_space<vmem>>, vector<1x16xf32>,
        %swap3A_178 = vector.shape_cast %swap3A_177 : vector<1x16xf32> to vector<16xf32>
        %swap3A_179 = vector.shape_cast %max3A_174 : vector<16xf32> to vector<1x16xf32>
        tpu.vector_store %arg11[%swap3A_175, %swap3A_176], %swap3A_179 {strides = array<i32>} : memref<112x128xf32, #tpu.memory_space<vmem>>, vector<1x16xf32>,
        %get3A_180 = arith.index_cast %scan3A_80 : i32 to index
        %get3A_181 = arith.constant 96 : index
        %get3A_182 = tpu.vector_load %arg11[%get3A_180, %get3A_181] {strides = array<i32>} : memref<112x128xf32, #tpu.memory_space<vmem>>, vector<1x16xf32>,
        %get3A_183 = vector.shape_cast %get3A_182 : vector<1x16xf32> to vector<16xf32>
        %get3A_184 = arith.index_cast %scan3A_80 : i32 to index
        %get3A_185 = arith.constant 96 : index
        %get3A_186 = tpu.vector_load %arg10[%get3A_184, %get3A_185] {strides = array<i32>} : memref<112x128xf32, #tpu.memory_space<vmem>>, vector<1x16xf32>,
        %get3A_187 = vector.shape_cast %get3A_186 : vector<1x16xf32> to vector<16xf32>
        %add3A_188 = arith.addf %get3A_183, %get3A_187 : vector<16xf32>
        %max3A_189 = arith.constant 0.000000e+00 : f32
        %max3A_190 = vector.broadcast %max3A_189 : f32 to vector<16xf32>
        %max3A_191 = arith.maximumf %add3A_188, %max3A_190 : vector<16xf32>
        %swap3A_192 = arith.index_cast %scan3A_80 : i32 to index
        %swap3A_193 = arith.constant 96 : index
        %swap3A_194 = tpu.vector_load %arg11[%swap3A_192, %swap3A_193] {strides = array<i32>} : memref<112x128xf32, #tpu.memory_space<vmem>>, vector<1x16xf32>,
        %swap3A_195 = vector.shape_cast %swap3A_194 : vector<1x16xf32> to vector<16xf32>
        %swap3A_196 = vector.shape_cast %max3A_191 : vector<16xf32> to vector<1x16xf32>
        tpu.vector_store %arg11[%swap3A_192, %swap3A_193], %swap3A_196 {strides = array<i32>} : memref<112x128xf32, #tpu.memory_space<vmem>>, vector<1x16xf32>,
        %get3A_197 = arith.index_cast %scan3A_80 : i32 to index
        %get3A_198 = arith.constant 112 : index
        %get3A_199 = tpu.vector_load %arg11[%get3A_197, %get3A_198] {strides = array<i32>} : memref<112x128xf32, #tpu.memory_space<vmem>>, vector<1x16xf32>,
        %get3A_200 = vector.shape_cast %get3A_199 : vector<1x16xf32> to vector<16xf32>
        %get3A_201 = arith.index_cast %scan3A_80 : i32 to index
        %get3A_202 = arith.constant 112 : index
        %get3A_203 = tpu.vector_load %arg10[%get3A_201, %get3A_202] {strides = array<i32>} : memref<112x128xf32, #tpu.memory_space<vmem>>, vector<1x16xf32>,
        %get3A_204 = vector.shape_cast %get3A_203 : vector<1x16xf32> to vector<16xf32>
        %add3A_205 = arith.addf %get3A_200, %get3A_204 : vector<16xf32>
        %max3A_206 = arith.constant 0.000000e+00 : f32
        %max3A_207 = vector.broadcast %max3A_206 : f32 to vector<16xf32>
        %max3A_208 = arith.maximumf %add3A_205, %max3A_207 : vector<16xf32>
        %swap3A_209 = arith.index_cast %scan3A_80 : i32 to index
        %swap3A_210 = arith.constant 112 : index
        %swap3A_211 = tpu.vector_load %arg11[%swap3A_209, %swap3A_210] {strides = array<i32>} : memref<112x128xf32, #tpu.memory_space<vmem>>, vector<1x16xf32>,
        %swap3A_212 = vector.shape_cast %swap3A_211 : vector<1x16xf32> to vector<16xf32>
        %swap3A_213 = vector.shape_cast %max3A_208 : vector<16xf32> to vector<1x16xf32>
        tpu.vector_store %arg11[%swap3A_209, %swap3A_210], %swap3A_213 {strides = array<i32>} : memref<112x128xf32, #tpu.memory_space<vmem>>, vector<1x16xf32>,
      }
      %scan3A_79 = arith.constant 112 : i32
      "tpu.region"() ({
        %run_scoped3A = tpu.sem_alloc : memref<!tpu.dma_semaphore, #tpu.memory_space<semaphore_mem>>
        %dma_start3A_80 = arith.constant 0 : i32
        %dma_start3A_81 = arith.constant 0 : i32
        %dma_start3A_82 = tpu.memref_slice %arg12[%dma_start3A_80, %dma_start3A_81] : memref<12544x128xf32, #tpu.memory_space<vmem_shared>> -> memref<12544x128xf32, #tpu.memory_space<vmem_shared>>
        tpu.enqueue_indirect_dma source(%arg11 : memref<112x128xf32, #tpu.memory_space<vmem>>) target(%dma_start3A_82 : memref<12544x128xf32, #tpu.memory_space<vmem_shared>>) offsets(%arg9 : memref<112xi32, #tpu.memory_space<vmem>>) semaphore(%run_scoped3A : memref<!tpu.dma_semaphore, #tpu.memory_space<semaphore_mem>>) {add = true}
        %dma_wait3A_83 = arith.constant 0 : i32
        %dma_wait3A_84 = arith.constant 0 : i32
        %dma_wait3A_85 = tpu.memref_slice %arg12[%dma_wait3A_83, %dma_wait3A_84] : memref<12544x128xf32, #tpu.memory_space<vmem_shared>> -> memref<12544x128xf32, #tpu.memory_space<vmem_shared>>
        tpu.wait_indirect_dma semaphore(%run_scoped3A : memref<!tpu.dma_semaphore, #tpu.memory_space<semaphore_mem>>) src(%arg11 : memref<112x128xf32, #tpu.memory_space<vmem>>) dst(%dma_wait3A_85 : memref<12544x128xf32, #tpu.memory_space<vmem_shared>>)
        tpu.yield
      }) : () -> ()
    }
    %scan3A_17 = arith.constant 450 : i32
    %barrier3A_18 = arith.constant 0 : index
    tpu.barrier barrier_id(%barrier3A_18)
    %lt3A = arith.constant 15 : i32
    %lt3A_19 = arith.cmpi slt, %arg1, %lt3A : i32
    %convert_element_type3A = arith.extui %lt3A_19 : i1 to i32
    %cond3A = arith.constant 0 : i32
    %cond3A_20 = arith.cmpi ne, %convert_element_type3A, %cond3A : i32
    scf.if %cond3A_20 {
      %mul3A_60 = arith.constant 784 : i32
      %mul3A_61 = arith.muli %arg1, %mul3A_60 : i32
      %mul3A_62 = arith.constant 784 : i32
      %mul3A_63 = arith.muli %arg1, %mul3A_62 : i32
      %add3A_64 = arith.addi %mul3A_3, %mul3A_63 : i32
      "tpu.region"() ({
        %run_scoped3A = tpu.sem_alloc : memref<!tpu.dma_semaphore, #tpu.memory_space<semaphore_mem>>
        %dma_start3A = arith.constant 0 : i32
        %dma_start3A_65 = tpu.memref_slice %arg6[%add3A_64, %dma_start3A] : memref<50176x128xf32, #tpu.memory_space<hbm>> -> memref<784x128xf32, #tpu.memory_space<hbm>>
        %dma_start3A_66 = arith.constant 0 : i32
        %dma_start3A_67 = tpu.memref_slice %arg12[%mul3A_61, %dma_start3A_66] : memref<12544x128xf32, #tpu.memory_space<vmem_shared>> -> memref<784x128xf32, #tpu.memory_space<vmem_shared>>
        tpu.enqueue_dma source(%dma_start3A_67 : memref<784x128xf32, #tpu.memory_space<vmem_shared>>) target(%dma_start3A_65 : memref<784x128xf32, #tpu.memory_space<hbm>>) target_semaphore(%run_scoped3A : memref<!tpu.dma_semaphore, #tpu.memory_space<semaphore_mem>>)
        %dma_wait3A = arith.constant 0 : i32
        %dma_wait3A_68 = tpu.memref_slice %arg6[%add3A_64, %dma_wait3A] : memref<50176x128xf32, #tpu.memory_space<hbm>> -> memref<784x128xf32, #tpu.memory_space<hbm>>
        %dma_wait3A_69 = arith.constant 0 : i32
        %dma_wait3A_70 = tpu.memref_slice %arg12[%mul3A_61, %dma_wait3A_69] : memref<12544x128xf32, #tpu.memory_space<vmem_shared>> -> memref<784x128xf32, #tpu.memory_space<vmem_shared>>
        tpu.wait_dma2 semaphore(%run_scoped3A : memref<!tpu.dma_semaphore, #tpu.memory_space<semaphore_mem>>) src(%dma_wait3A_70 : memref<784x128xf32, #tpu.memory_space<vmem_shared>>) dst(%dma_wait3A_68 : memref<784x128xf32, #tpu.memory_space<hbm>>)
        tpu.yield
      }) : () -> ()
    } else {
    }
    %eq3A = arith.constant 15 : i32
    %eq3A_21 = arith.cmpi eq, %arg1, %eq3A : i32
    %convert_element_type3A_22 = arith.extui %eq3A_21 : i1 to i32
    %cond3A_23 = arith.constant 0 : i32
    %cond3A_24 = arith.cmpi ne, %convert_element_type3A_22, %cond3A_23 : i32
    scf.if %cond3A_24 {
      %add3A_60 = arith.constant 11760 : i32
      %add3A_61 = arith.addi %mul3A_3, %add3A_60 : i32
      "tpu.region"() ({
        %run_scoped3A = tpu.sem_alloc : memref<!tpu.dma_semaphore, #tpu.memory_space<semaphore_mem>>
        %dma_start3A = arith.constant 0 : i32
        %dma_start3A_62 = tpu.memref_slice %arg6[%add3A_61, %dma_start3A] : memref<50176x128xf32, #tpu.memory_space<hbm>> -> memref<752x128xf32, #tpu.memory_space<hbm>>
        %dma_start3A_63 = arith.constant 11760 : i32
        %dma_start3A_64 = arith.constant 0 : i32
        %dma_start3A_65 = tpu.memref_slice %arg12[%dma_start3A_63, %dma_start3A_64] : memref<12544x128xf32, #tpu.memory_space<vmem_shared>> -> memref<752x128xf32, #tpu.memory_space<vmem_shared>>
        tpu.enqueue_dma source(%dma_start3A_65 : memref<752x128xf32, #tpu.memory_space<vmem_shared>>) target(%dma_start3A_62 : memref<752x128xf32, #tpu.memory_space<hbm>>) target_semaphore(%run_scoped3A : memref<!tpu.dma_semaphore, #tpu.memory_space<semaphore_mem>>)
        %dma_wait3A = arith.constant 0 : i32
        %dma_wait3A_66 = tpu.memref_slice %arg6[%add3A_61, %dma_wait3A] : memref<50176x128xf32, #tpu.memory_space<hbm>> -> memref<752x128xf32, #tpu.memory_space<hbm>>
        %dma_wait3A_67 = arith.constant 11760 : i32
        %dma_wait3A_68 = arith.constant 0 : i32
        %dma_wait3A_69 = tpu.memref_slice %arg12[%dma_wait3A_67, %dma_wait3A_68] : memref<12544x128xf32, #tpu.memory_space<vmem_shared>> -> memref<752x128xf32, #tpu.memory_space<vmem_shared>>
        tpu.wait_dma2 semaphore(%run_scoped3A : memref<!tpu.dma_semaphore, #tpu.memory_space<semaphore_mem>>) src(%dma_wait3A_69 : memref<752x128xf32, #tpu.memory_space<vmem_shared>>) dst(%dma_wait3A_66 : memref<752x128xf32, #tpu.memory_space<hbm>>)
        tpu.yield
      }) : () -> ()
    } else {
    }
    %barrier3A_25 = arith.constant 0 : index
    tpu.barrier barrier_id(%barrier3A_25)
    %mul3A_26 = arith.constant 2 : i32
    %mul3A_27 = arith.muli %mul3A_26, %arg0 : i32
    %add3A_28 = arith.constant 1 : i32
    %add3A_29 = arith.addi %mul3A_27, %add3A_28 : i32
    %mul3A_30 = arith.constant 12512 : i32
    %mul3A_31 = arith.muli %add3A_29, %mul3A_30 : i32
    %scan3A_32 = arith.constant 0 : i32
    %scan3A_33 = arith.constant 112 : i32
    %scan3A_34 = arith.addi %scan3A_32, %scan3A_33 : i32
    %scan3A_35 = arith.constant 1 : i32
    scf.for %scan3A_60 = %scan3A_32 to %scan3A_34 step %scan3A_35  : i32 {
      %broadcast_in_dim3A = arith.constant 0.000000e+00 : f32
      %broadcast_in_dim3A_61 = vector.broadcast %broadcast_in_dim3A : f32 to vector<16xf32>
      %swap3A = arith.index_cast %scan3A_60 : i32 to index
      %swap3A_62 = arith.constant 0 : index
      %swap3A_63 = tpu.vector_load %arg10[%swap3A, %swap3A_62] {strides = array<i32>} : memref<112x128xf32, #tpu.memory_space<vmem>>, vector<1x16xf32>,
      %swap3A_64 = vector.shape_cast %swap3A_63 : vector<1x16xf32> to vector<16xf32>
      %swap3A_65 = vector.shape_cast %broadcast_in_dim3A_61 : vector<16xf32> to vector<1x16xf32>
      tpu.vector_store %arg10[%swap3A, %swap3A_62], %swap3A_65 {strides = array<i32>} : memref<112x128xf32, #tpu.memory_space<vmem>>, vector<1x16xf32>,
      %broadcast_in_dim3A_66 = arith.constant 0.000000e+00 : f32
      %broadcast_in_dim3A_67 = vector.broadcast %broadcast_in_dim3A_66 : f32 to vector<16xf32>
      %swap3A_68 = arith.index_cast %scan3A_60 : i32 to index
      %swap3A_69 = arith.constant 16 : index
      %swap3A_70 = tpu.vector_load %arg10[%swap3A_68, %swap3A_69] {strides = array<i32>} : memref<112x128xf32, #tpu.memory_space<vmem>>, vector<1x16xf32>,
      %swap3A_71 = vector.shape_cast %swap3A_70 : vector<1x16xf32> to vector<16xf32>
      %swap3A_72 = vector.shape_cast %broadcast_in_dim3A_67 : vector<16xf32> to vector<1x16xf32>
      tpu.vector_store %arg10[%swap3A_68, %swap3A_69], %swap3A_72 {strides = array<i32>} : memref<112x128xf32, #tpu.memory_space<vmem>>, vector<1x16xf32>,
      %broadcast_in_dim3A_73 = arith.constant 0.000000e+00 : f32
      %broadcast_in_dim3A_74 = vector.broadcast %broadcast_in_dim3A_73 : f32 to vector<16xf32>
      %swap3A_75 = arith.index_cast %scan3A_60 : i32 to index
      %swap3A_76 = arith.constant 32 : index
      %swap3A_77 = tpu.vector_load %arg10[%swap3A_75, %swap3A_76] {strides = array<i32>} : memref<112x128xf32, #tpu.memory_space<vmem>>, vector<1x16xf32>,
      %swap3A_78 = vector.shape_cast %swap3A_77 : vector<1x16xf32> to vector<16xf32>
      %swap3A_79 = vector.shape_cast %broadcast_in_dim3A_74 : vector<16xf32> to vector<1x16xf32>
      tpu.vector_store %arg10[%swap3A_75, %swap3A_76], %swap3A_79 {strides = array<i32>} : memref<112x128xf32, #tpu.memory_space<vmem>>, vector<1x16xf32>,
      %broadcast_in_dim3A_80 = arith.constant 0.000000e+00 : f32
      %broadcast_in_dim3A_81 = vector.broadcast %broadcast_in_dim3A_80 : f32 to vector<16xf32>
      %swap3A_82 = arith.index_cast %scan3A_60 : i32 to index
      %swap3A_83 = arith.constant 48 : index
      %swap3A_84 = tpu.vector_load %arg10[%swap3A_82, %swap3A_83] {strides = array<i32>} : memref<112x128xf32, #tpu.memory_space<vmem>>, vector<1x16xf32>,
      %swap3A_85 = vector.shape_cast %swap3A_84 : vector<1x16xf32> to vector<16xf32>
      %swap3A_86 = vector.shape_cast %broadcast_in_dim3A_81 : vector<16xf32> to vector<1x16xf32>
      tpu.vector_store %arg10[%swap3A_82, %swap3A_83], %swap3A_86 {strides = array<i32>} : memref<112x128xf32, #tpu.memory_space<vmem>>, vector<1x16xf32>,
      %broadcast_in_dim3A_87 = arith.constant 0.000000e+00 : f32
      %broadcast_in_dim3A_88 = vector.broadcast %broadcast_in_dim3A_87 : f32 to vector<16xf32>
      %swap3A_89 = arith.index_cast %scan3A_60 : i32 to index
      %swap3A_90 = arith.constant 64 : index
      %swap3A_91 = tpu.vector_load %arg10[%swap3A_89, %swap3A_90] {strides = array<i32>} : memref<112x128xf32, #tpu.memory_space<vmem>>, vector<1x16xf32>,
      %swap3A_92 = vector.shape_cast %swap3A_91 : vector<1x16xf32> to vector<16xf32>
      %swap3A_93 = vector.shape_cast %broadcast_in_dim3A_88 : vector<16xf32> to vector<1x16xf32>
      tpu.vector_store %arg10[%swap3A_89, %swap3A_90], %swap3A_93 {strides = array<i32>} : memref<112x128xf32, #tpu.memory_space<vmem>>, vector<1x16xf32>,
      %broadcast_in_dim3A_94 = arith.constant 0.000000e+00 : f32
      %broadcast_in_dim3A_95 = vector.broadcast %broadcast_in_dim3A_94 : f32 to vector<16xf32>
      %swap3A_96 = arith.index_cast %scan3A_60 : i32 to index
      %swap3A_97 = arith.constant 80 : index
      %swap3A_98 = tpu.vector_load %arg10[%swap3A_96, %swap3A_97] {strides = array<i32>} : memref<112x128xf32, #tpu.memory_space<vmem>>, vector<1x16xf32>,
      %swap3A_99 = vector.shape_cast %swap3A_98 : vector<1x16xf32> to vector<16xf32>
      %swap3A_100 = vector.shape_cast %broadcast_in_dim3A_95 : vector<16xf32> to vector<1x16xf32>
      tpu.vector_store %arg10[%swap3A_96, %swap3A_97], %swap3A_100 {strides = array<i32>} : memref<112x128xf32, #tpu.memory_space<vmem>>, vector<1x16xf32>,
      %broadcast_in_dim3A_101 = arith.constant 0.000000e+00 : f32
      %broadcast_in_dim3A_102 = vector.broadcast %broadcast_in_dim3A_101 : f32 to vector<16xf32>
      %swap3A_103 = arith.index_cast %scan3A_60 : i32 to index
      %swap3A_104 = arith.constant 96 : index
      %swap3A_105 = tpu.vector_load %arg10[%swap3A_103, %swap3A_104] {strides = array<i32>} : memref<112x128xf32, #tpu.memory_space<vmem>>, vector<1x16xf32>,
      %swap3A_106 = vector.shape_cast %swap3A_105 : vector<1x16xf32> to vector<16xf32>
      %swap3A_107 = vector.shape_cast %broadcast_in_dim3A_102 : vector<16xf32> to vector<1x16xf32>
      tpu.vector_store %arg10[%swap3A_103, %swap3A_104], %swap3A_107 {strides = array<i32>} : memref<112x128xf32, #tpu.memory_space<vmem>>, vector<1x16xf32>,
      %broadcast_in_dim3A_108 = arith.constant 0.000000e+00 : f32
      %broadcast_in_dim3A_109 = vector.broadcast %broadcast_in_dim3A_108 : f32 to vector<16xf32>
      %swap3A_110 = arith.index_cast %scan3A_60 : i32 to index
      %swap3A_111 = arith.constant 112 : index
      %swap3A_112 = tpu.vector_load %arg10[%swap3A_110, %swap3A_111] {strides = array<i32>} : memref<112x128xf32, #tpu.memory_space<vmem>>, vector<1x16xf32>,
      %swap3A_113 = vector.shape_cast %swap3A_112 : vector<1x16xf32> to vector<16xf32>
      %swap3A_114 = vector.shape_cast %broadcast_in_dim3A_109 : vector<16xf32> to vector<1x16xf32>
      tpu.vector_store %arg10[%swap3A_110, %swap3A_111], %swap3A_114 {strides = array<i32>} : memref<112x128xf32, #tpu.memory_space<vmem>>, vector<1x16xf32>,
    }
    %scan3A_36 = arith.constant 112 : i32
    %scan3A_37 = arith.constant 0 : i32
    %scan3A_38 = arith.constant 7 : i32
    %scan3A_39 = arith.addi %scan3A_37, %scan3A_38 : i32
    %scan3A_40 = arith.constant 1 : i32
    scf.for %scan3A_60 = %scan3A_37 to %scan3A_39 step %scan3A_40  : i32 {
      %mul3A_61 = arith.constant 784 : i32
      %mul3A_62 = arith.muli %arg1, %mul3A_61 : i32
      %mul3A_63 = arith.constant 112 : i32
      %mul3A_64 = arith.muli %scan3A_60, %mul3A_63 : i32
      %add3A_65 = arith.addi %mul3A_62, %mul3A_64 : i32
      "tpu.region"() ({
        %run_scoped3A = tpu.sem_alloc : memref<!tpu.dma_semaphore, #tpu.memory_space<semaphore_mem>>
        %dma_start3A = arith.constant 0 : i32
        %dma_start3A_66 = tpu.memref_slice %arg12[%add3A_65, %dma_start3A] : memref<12544x128xf32, #tpu.memory_space<vmem_shared>> -> memref<112x128xf32, #tpu.memory_space<vmem_shared>>
        %dma_start3A_67 = arith.constant 0 : i32
        %dma_start3A_68 = tpu.memref_slice %arg12[%add3A_65, %dma_start3A_67] : memref<12544x128xf32, #tpu.memory_space<vmem_shared>> -> memref<112x128xf32, #tpu.memory_space<vmem_shared>>
        tpu.enqueue_dma source(%arg10 : memref<112x128xf32, #tpu.memory_space<vmem>>) target(%dma_start3A_68 : memref<112x128xf32, #tpu.memory_space<vmem_shared>>) target_semaphore(%run_scoped3A : memref<!tpu.dma_semaphore, #tpu.memory_space<semaphore_mem>>)
        %dma_wait3A = arith.constant 0 : i32
        %dma_wait3A_69 = tpu.memref_slice %arg12[%add3A_65, %dma_wait3A] : memref<12544x128xf32, #tpu.memory_space<vmem_shared>> -> memref<112x128xf32, #tpu.memory_space<vmem_shared>>
        %dma_wait3A_70 = arith.constant 0 : i32
        %dma_wait3A_71 = tpu.memref_slice %arg12[%add3A_65, %dma_wait3A_70] : memref<12544x128xf32, #tpu.memory_space<vmem_shared>> -> memref<112x128xf32, #tpu.memory_space<vmem_shared>>
        tpu.wait_dma2 semaphore(%run_scoped3A : memref<!tpu.dma_semaphore, #tpu.memory_space<semaphore_mem>>) src(%arg10 : memref<112x128xf32, #tpu.memory_space<vmem>>) dst(%dma_wait3A_71 : memref<112x128xf32, #tpu.memory_space<vmem_shared>>)
        tpu.yield
      }) : () -> ()
    }
    %scan3A_41 = arith.constant 7 : i32
    %barrier3A_42 = arith.constant 0 : index
    tpu.barrier barrier_id(%barrier3A_42)
    %scan3A_43 = arith.constant 0 : i32
    %scan3A_44 = arith.constant 450 : i32
    %scan3A_45 = arith.addi %scan3A_43, %scan3A_44 : i32
    %scan3A_46 = arith.constant 1 : i32
    scf.for %scan3A_60 = %scan3A_43 to %scan3A_45 step %scan3A_46  : i32 {
      %mul3A_61 = arith.constant 450 : i32
      %mul3A_62 = arith.muli %arg1, %mul3A_61 : i32
      %add3A_63 = arith.addi %mul3A_62, %scan3A_60 : i32
      %mul3A_64 = arith.constant 112 : i32
      %mul3A_65 = arith.muli %add3A_63, %mul3A_64 : i32
      "tpu.region"() ({
        %run_scoped3A = tpu.sem_alloc : memref<!tpu.dma_semaphore, #tpu.memory_space<semaphore_mem>>
        %dma_start3A_80 = tpu.memref_slice %arg4[%mul3A_65] : memref<806400xi32, #tpu.memory_space<hbm>> -> memref<112xi32, #tpu.memory_space<hbm>>
        %dma_start3A_81 = tpu.memref_slice %arg4[%mul3A_65] : memref<806400xi32, #tpu.memory_space<hbm>> -> memref<112xi32, #tpu.memory_space<hbm>>
        tpu.enqueue_dma source(%dma_start3A_81 : memref<112xi32, #tpu.memory_space<hbm>>) target(%arg7 : memref<112xi32, #tpu.memory_space<vmem>>) target_semaphore(%run_scoped3A : memref<!tpu.dma_semaphore, #tpu.memory_space<semaphore_mem>>)
        %dma_wait3A_82 = tpu.memref_slice %arg4[%mul3A_65] : memref<806400xi32, #tpu.memory_space<hbm>> -> memref<112xi32, #tpu.memory_space<hbm>>
        %dma_wait3A_83 = tpu.memref_slice %arg4[%mul3A_65] : memref<806400xi32, #tpu.memory_space<hbm>> -> memref<112xi32, #tpu.memory_space<hbm>>
        tpu.wait_dma2 semaphore(%run_scoped3A : memref<!tpu.dma_semaphore, #tpu.memory_space<semaphore_mem>>) src(%dma_wait3A_83 : memref<112xi32, #tpu.memory_space<hbm>>) dst(%arg7 : memref<112xi32, #tpu.memory_space<vmem>>)
        tpu.yield
      }) : () -> ()
      "tpu.region"() ({
        %run_scoped3A = tpu.sem_alloc : memref<!tpu.dma_semaphore, #tpu.memory_space<semaphore_mem>>
        %dma_start3A_80 = tpu.memref_slice %arg5[%mul3A_65] : memref<806400xi32, #tpu.memory_space<hbm>> -> memref<112xi32, #tpu.memory_space<hbm>>
        %dma_start3A_81 = tpu.memref_slice %arg5[%mul3A_65] : memref<806400xi32, #tpu.memory_space<hbm>> -> memref<112xi32, #tpu.memory_space<hbm>>
        tpu.enqueue_dma source(%dma_start3A_81 : memref<112xi32, #tpu.memory_space<hbm>>) target(%arg8 : memref<112xi32, #tpu.memory_space<vmem>>) target_semaphore(%run_scoped3A : memref<!tpu.dma_semaphore, #tpu.memory_space<semaphore_mem>>)
        %dma_wait3A_82 = tpu.memref_slice %arg5[%mul3A_65] : memref<806400xi32, #tpu.memory_space<hbm>> -> memref<112xi32, #tpu.memory_space<hbm>>
        %dma_wait3A_83 = tpu.memref_slice %arg5[%mul3A_65] : memref<806400xi32, #tpu.memory_space<hbm>> -> memref<112xi32, #tpu.memory_space<hbm>>
        tpu.wait_dma2 semaphore(%run_scoped3A : memref<!tpu.dma_semaphore, #tpu.memory_space<semaphore_mem>>) src(%dma_wait3A_83 : memref<112xi32, #tpu.memory_space<hbm>>) dst(%arg8 : memref<112xi32, #tpu.memory_space<vmem>>)
        tpu.yield
      }) : () -> ()
      "tpu.region"() ({
        %run_scoped3A = tpu.sem_alloc : memref<!tpu.dma_semaphore, #tpu.memory_space<semaphore_mem>>
        %dma_start3A_80 = arith.constant 0 : i32
        %dma_start3A_81 = tpu.memref_slice %arg3[%mul3A_65, %dma_start3A_80] : memref<806400x128xf32, #tpu.memory_space<hbm>> -> memref<112x128xf32, #tpu.memory_space<hbm>>
        %dma_start3A_82 = arith.constant 0 : i32
        %dma_start3A_83 = tpu.memref_slice %arg3[%mul3A_65, %dma_start3A_82] : memref<806400x128xf32, #tpu.memory_space<hbm>> -> memref<112x128xf32, #tpu.memory_space<hbm>>
        tpu.enqueue_dma source(%dma_start3A_83 : memref<112x128xf32, #tpu.memory_space<hbm>>) target(%arg10 : memref<112x128xf32, #tpu.memory_space<vmem>>) target_semaphore(%run_scoped3A : memref<!tpu.dma_semaphore, #tpu.memory_space<semaphore_mem>>)
        %dma_wait3A_84 = arith.constant 0 : i32
        %dma_wait3A_85 = tpu.memref_slice %arg3[%mul3A_65, %dma_wait3A_84] : memref<806400x128xf32, #tpu.memory_space<hbm>> -> memref<112x128xf32, #tpu.memory_space<hbm>>
        %dma_wait3A_86 = arith.constant 0 : i32
        %dma_wait3A_87 = tpu.memref_slice %arg3[%mul3A_65, %dma_wait3A_86] : memref<806400x128xf32, #tpu.memory_space<hbm>> -> memref<112x128xf32, #tpu.memory_space<hbm>>
        tpu.wait_dma2 semaphore(%run_scoped3A : memref<!tpu.dma_semaphore, #tpu.memory_space<semaphore_mem>>) src(%dma_wait3A_87 : memref<112x128xf32, #tpu.memory_space<hbm>>) dst(%arg10 : memref<112x128xf32, #tpu.memory_space<vmem>>)
        tpu.yield
      }) : () -> ()
      %dma_start3A = arith.constant 0 : i32
      %dma_start3A_66 = arith.constant 0 : i32
      %dma_start3A_67 = tpu.memref_slice %arg2[%dma_start3A, %dma_start3A_66] : memref<50176x128xf32, #tpu.memory_space<hbm>> -> memref<50176x128xf32, #tpu.memory_space<hbm>>
      tpu.enqueue_indirect_dma source(%dma_start3A_67 : memref<50176x128xf32, #tpu.memory_space<hbm>>) target(%arg11 : memref<112x128xf32, #tpu.memory_space<vmem>>) offsets(%arg7 : memref<112xi32, #tpu.memory_space<vmem>>) semaphore(%arg13 : memref<!tpu.dma_semaphore, #tpu.memory_space<semaphore_mem>>)
      %dma_wait3A = arith.constant 0 : i32
      %dma_wait3A_68 = arith.constant 0 : i32
      %dma_wait3A_69 = tpu.memref_slice %arg2[%dma_wait3A, %dma_wait3A_68] : memref<50176x128xf32, #tpu.memory_space<hbm>> -> memref<50176x128xf32, #tpu.memory_space<hbm>>
      tpu.wait_indirect_dma semaphore(%arg13 : memref<!tpu.dma_semaphore, #tpu.memory_space<semaphore_mem>>) src(%dma_wait3A_69 : memref<50176x128xf32, #tpu.memory_space<hbm>>) dst(%arg11 : memref<112x128xf32, #tpu.memory_space<vmem>>)
      %scan3A_70 = arith.constant 0 : i32
      %scan3A_71 = arith.constant 7 : i32
      %scan3A_72 = arith.addi %scan3A_70, %scan3A_71 : i32
      %scan3A_73 = arith.constant 1 : i32
      scf.for %scan3A_80 = %scan3A_70 to %scan3A_72 step %scan3A_73  : i32 {
        %mul3A_81 = arith.constant 16 : i32
        %mul3A_82 = arith.muli %scan3A_80, %mul3A_81 : i32
        %get3A = arith.index_cast %mul3A_82 : i32 to index
        %get3A_83 = tpu.vector_load %arg8[%get3A] {strides = array<i32>} : memref<112xi32, #tpu.memory_space<vmem>>, vector<16xi32>,
        %get3A_84 = vector.shape_cast %get3A_83 : vector<16xi32> to vector<16xi32>
        %ge3A = vector.broadcast %mul3A_31 : i32 to vector<16xi32>
        %ge3A_85 = arith.cmpi sge, %get3A_84, %ge3A : vector<16xi32>
        %add3A_86 = arith.constant 12512 : i32
        %add3A_87 = arith.addi %mul3A_31, %add3A_86 : i32
        %lt3A_88 = vector.broadcast %add3A_87 : i32 to vector<16xi32>
        %lt3A_89 = arith.cmpi slt, %get3A_84, %lt3A_88 : vector<16xi32>
        %and3A = arith.andi %ge3A_85, %lt3A_89 : vector<16xi1>
        %sub3A = vector.broadcast %mul3A_31 : i32 to vector<16xi32>
        %sub3A_90 = arith.subi %get3A_84, %sub3A : vector<16xi32>
        %add3A_91 = arith.constant 12512 : i32
        %add3A_92 = vector.broadcast %add3A_91 : i32 to vector<16xi32>
        %add3A_93 = arith.addi %add3A_92, %iota3A : vector<16xi32>
        %jit3A = arith.constant 2 : i32
        %eq3A_94 = arith.constant 0 : i32
        %eq3A_95 = arith.cmpi eq, %jit3A, %eq3A_94 : i32
        %jit3A_96 = arith.constant 1 : i32
        %select_n3A = arith.select %eq3A_95, %jit3A_96, %jit3A : i32
        %rem3A = arith.remsi %scan3A_80, %select_n3A : i32
        %ne3A = arith.constant 0 : i32
        %ne3A_97 = arith.cmpi ne, %rem3A, %ne3A : i32
        %lt3A_98 = arith.constant 0 : i32
        %lt3A_99 = arith.cmpi slt, %rem3A, %lt3A_98 : i32
        %lt3A_100 = arith.constant 0 : i32
        %lt3A_101 = arith.cmpi slt, %select_n3A, %lt3A_100 : i32
        %ne3A_102 = arith.xori %lt3A_99, %lt3A_101 : i1
        %and3A_103 = arith.andi %ne3A_102, %ne3A_97 : i1
        %add3A_104 = arith.addi %rem3A, %select_n3A : i32
        %select_n3A_105 = arith.select %and3A_103, %add3A_104, %rem3A : i32
        %mul3A_106 = arith.constant 16 : i32
        %mul3A_107 = arith.muli %mul3A_106, %select_n3A_105 : i32
        %add3A_108 = vector.broadcast %mul3A_107 : i32 to vector<16xi32>
        %add3A_109 = arith.addi %add3A_93, %add3A_108 : vector<16xi32>
        %select_n3A_110 = arith.select %and3A, %sub3A_90, %add3A_109 : vector<16xi1>, vector<16xi32>
        %mul3A_111 = arith.constant 16 : i32
        %mul3A_112 = arith.muli %scan3A_80, %mul3A_111 : i32
        %swap3A = arith.index_cast %mul3A_112 : i32 to index
        %swap3A_113 = tpu.vector_load %arg9[%swap3A] {strides = array<i32>} : memref<112xi32, #tpu.memory_space<vmem>>, vector<16xi32>,
        %swap3A_114 = vector.shape_cast %swap3A_113 : vector<16xi32> to vector<16xi32>
        %swap3A_115 = vector.shape_cast %select_n3A_110 : vector<16xi32> to vector<16xi32>
        tpu.vector_store %arg9[%swap3A], %swap3A_115 {strides = array<i32>} : memref<112xi32, #tpu.memory_space<vmem>>, vector<16xi32>,
      }
      %scan3A_74 = arith.constant 7 : i32
      %scan3A_75 = arith.constant 0 : i32
      %scan3A_76 = arith.constant 112 : i32
      %scan3A_77 = arith.addi %scan3A_75, %scan3A_76 : i32
      %scan3A_78 = arith.constant 1 : i32
      scf.for %scan3A_80 = %scan3A_75 to %scan3A_77 step %scan3A_78  : i32 {
        %get3A = arith.index_cast %scan3A_80 : i32 to index
        %get3A_81 = arith.constant 0 : index
        %get3A_82 = tpu.vector_load %arg11[%get3A, %get3A_81] {strides = array<i32>} : memref<112x128xf32, #tpu.memory_space<vmem>>, vector<1x16xf32>,
        %get3A_83 = vector.shape_cast %get3A_82 : vector<1x16xf32> to vector<16xf32>
        %get3A_84 = arith.index_cast %scan3A_80 : i32 to index
        %get3A_85 = arith.constant 0 : index
        %get3A_86 = tpu.vector_load %arg10[%get3A_84, %get3A_85] {strides = array<i32>} : memref<112x128xf32, #tpu.memory_space<vmem>>, vector<1x16xf32>,
        %get3A_87 = vector.shape_cast %get3A_86 : vector<1x16xf32> to vector<16xf32>
        %add3A_88 = arith.addf %get3A_83, %get3A_87 : vector<16xf32>
        %max3A = arith.constant 0.000000e+00 : f32
        %max3A_89 = vector.broadcast %max3A : f32 to vector<16xf32>
        %max3A_90 = arith.maximumf %add3A_88, %max3A_89 : vector<16xf32>
        %swap3A = arith.index_cast %scan3A_80 : i32 to index
        %swap3A_91 = arith.constant 0 : index
        %swap3A_92 = tpu.vector_load %arg11[%swap3A, %swap3A_91] {strides = array<i32>} : memref<112x128xf32, #tpu.memory_space<vmem>>, vector<1x16xf32>,
        %swap3A_93 = vector.shape_cast %swap3A_92 : vector<1x16xf32> to vector<16xf32>
        %swap3A_94 = vector.shape_cast %max3A_90 : vector<16xf32> to vector<1x16xf32>
        tpu.vector_store %arg11[%swap3A, %swap3A_91], %swap3A_94 {strides = array<i32>} : memref<112x128xf32, #tpu.memory_space<vmem>>, vector<1x16xf32>,
        %get3A_95 = arith.index_cast %scan3A_80 : i32 to index
        %get3A_96 = arith.constant 16 : index
        %get3A_97 = tpu.vector_load %arg11[%get3A_95, %get3A_96] {strides = array<i32>} : memref<112x128xf32, #tpu.memory_space<vmem>>, vector<1x16xf32>,
        %get3A_98 = vector.shape_cast %get3A_97 : vector<1x16xf32> to vector<16xf32>
        %get3A_99 = arith.index_cast %scan3A_80 : i32 to index
        %get3A_100 = arith.constant 16 : index
        %get3A_101 = tpu.vector_load %arg10[%get3A_99, %get3A_100] {strides = array<i32>} : memref<112x128xf32, #tpu.memory_space<vmem>>, vector<1x16xf32>,
        %get3A_102 = vector.shape_cast %get3A_101 : vector<1x16xf32> to vector<16xf32>
        %add3A_103 = arith.addf %get3A_98, %get3A_102 : vector<16xf32>
        %max3A_104 = arith.constant 0.000000e+00 : f32
        %max3A_105 = vector.broadcast %max3A_104 : f32 to vector<16xf32>
        %max3A_106 = arith.maximumf %add3A_103, %max3A_105 : vector<16xf32>
        %swap3A_107 = arith.index_cast %scan3A_80 : i32 to index
        %swap3A_108 = arith.constant 16 : index
        %swap3A_109 = tpu.vector_load %arg11[%swap3A_107, %swap3A_108] {strides = array<i32>} : memref<112x128xf32, #tpu.memory_space<vmem>>, vector<1x16xf32>,
        %swap3A_110 = vector.shape_cast %swap3A_109 : vector<1x16xf32> to vector<16xf32>
        %swap3A_111 = vector.shape_cast %max3A_106 : vector<16xf32> to vector<1x16xf32>
        tpu.vector_store %arg11[%swap3A_107, %swap3A_108], %swap3A_111 {strides = array<i32>} : memref<112x128xf32, #tpu.memory_space<vmem>>, vector<1x16xf32>,
        %get3A_112 = arith.index_cast %scan3A_80 : i32 to index
        %get3A_113 = arith.constant 32 : index
        %get3A_114 = tpu.vector_load %arg11[%get3A_112, %get3A_113] {strides = array<i32>} : memref<112x128xf32, #tpu.memory_space<vmem>>, vector<1x16xf32>,
        %get3A_115 = vector.shape_cast %get3A_114 : vector<1x16xf32> to vector<16xf32>
        %get3A_116 = arith.index_cast %scan3A_80 : i32 to index
        %get3A_117 = arith.constant 32 : index
        %get3A_118 = tpu.vector_load %arg10[%get3A_116, %get3A_117] {strides = array<i32>} : memref<112x128xf32, #tpu.memory_space<vmem>>, vector<1x16xf32>,
        %get3A_119 = vector.shape_cast %get3A_118 : vector<1x16xf32> to vector<16xf32>
        %add3A_120 = arith.addf %get3A_115, %get3A_119 : vector<16xf32>
        %max3A_121 = arith.constant 0.000000e+00 : f32
        %max3A_122 = vector.broadcast %max3A_121 : f32 to vector<16xf32>
        %max3A_123 = arith.maximumf %add3A_120, %max3A_122 : vector<16xf32>
        %swap3A_124 = arith.index_cast %scan3A_80 : i32 to index
        %swap3A_125 = arith.constant 32 : index
        %swap3A_126 = tpu.vector_load %arg11[%swap3A_124, %swap3A_125] {strides = array<i32>} : memref<112x128xf32, #tpu.memory_space<vmem>>, vector<1x16xf32>,
        %swap3A_127 = vector.shape_cast %swap3A_126 : vector<1x16xf32> to vector<16xf32>
        %swap3A_128 = vector.shape_cast %max3A_123 : vector<16xf32> to vector<1x16xf32>
        tpu.vector_store %arg11[%swap3A_124, %swap3A_125], %swap3A_128 {strides = array<i32>} : memref<112x128xf32, #tpu.memory_space<vmem>>, vector<1x16xf32>,
        %get3A_129 = arith.index_cast %scan3A_80 : i32 to index
        %get3A_130 = arith.constant 48 : index
        %get3A_131 = tpu.vector_load %arg11[%get3A_129, %get3A_130] {strides = array<i32>} : memref<112x128xf32, #tpu.memory_space<vmem>>, vector<1x16xf32>,
        %get3A_132 = vector.shape_cast %get3A_131 : vector<1x16xf32> to vector<16xf32>
        %get3A_133 = arith.index_cast %scan3A_80 : i32 to index
        %get3A_134 = arith.constant 48 : index
        %get3A_135 = tpu.vector_load %arg10[%get3A_133, %get3A_134] {strides = array<i32>} : memref<112x128xf32, #tpu.memory_space<vmem>>, vector<1x16xf32>,
        %get3A_136 = vector.shape_cast %get3A_135 : vector<1x16xf32> to vector<16xf32>
        %add3A_137 = arith.addf %get3A_132, %get3A_136 : vector<16xf32>
        %max3A_138 = arith.constant 0.000000e+00 : f32
        %max3A_139 = vector.broadcast %max3A_138 : f32 to vector<16xf32>
        %max3A_140 = arith.maximumf %add3A_137, %max3A_139 : vector<16xf32>
        %swap3A_141 = arith.index_cast %scan3A_80 : i32 to index
        %swap3A_142 = arith.constant 48 : index
        %swap3A_143 = tpu.vector_load %arg11[%swap3A_141, %swap3A_142] {strides = array<i32>} : memref<112x128xf32, #tpu.memory_space<vmem>>, vector<1x16xf32>,
        %swap3A_144 = vector.shape_cast %swap3A_143 : vector<1x16xf32> to vector<16xf32>
        %swap3A_145 = vector.shape_cast %max3A_140 : vector<16xf32> to vector<1x16xf32>
        tpu.vector_store %arg11[%swap3A_141, %swap3A_142], %swap3A_145 {strides = array<i32>} : memref<112x128xf32, #tpu.memory_space<vmem>>, vector<1x16xf32>,
        %get3A_146 = arith.index_cast %scan3A_80 : i32 to index
        %get3A_147 = arith.constant 64 : index
        %get3A_148 = tpu.vector_load %arg11[%get3A_146, %get3A_147] {strides = array<i32>} : memref<112x128xf32, #tpu.memory_space<vmem>>, vector<1x16xf32>,
        %get3A_149 = vector.shape_cast %get3A_148 : vector<1x16xf32> to vector<16xf32>
        %get3A_150 = arith.index_cast %scan3A_80 : i32 to index
        %get3A_151 = arith.constant 64 : index
        %get3A_152 = tpu.vector_load %arg10[%get3A_150, %get3A_151] {strides = array<i32>} : memref<112x128xf32, #tpu.memory_space<vmem>>, vector<1x16xf32>,
        %get3A_153 = vector.shape_cast %get3A_152 : vector<1x16xf32> to vector<16xf32>
        %add3A_154 = arith.addf %get3A_149, %get3A_153 : vector<16xf32>
        %max3A_155 = arith.constant 0.000000e+00 : f32
        %max3A_156 = vector.broadcast %max3A_155 : f32 to vector<16xf32>
        %max3A_157 = arith.maximumf %add3A_154, %max3A_156 : vector<16xf32>
        %swap3A_158 = arith.index_cast %scan3A_80 : i32 to index
        %swap3A_159 = arith.constant 64 : index
        %swap3A_160 = tpu.vector_load %arg11[%swap3A_158, %swap3A_159] {strides = array<i32>} : memref<112x128xf32, #tpu.memory_space<vmem>>, vector<1x16xf32>,
        %swap3A_161 = vector.shape_cast %swap3A_160 : vector<1x16xf32> to vector<16xf32>
        %swap3A_162 = vector.shape_cast %max3A_157 : vector<16xf32> to vector<1x16xf32>
        tpu.vector_store %arg11[%swap3A_158, %swap3A_159], %swap3A_162 {strides = array<i32>} : memref<112x128xf32, #tpu.memory_space<vmem>>, vector<1x16xf32>,
        %get3A_163 = arith.index_cast %scan3A_80 : i32 to index
        %get3A_164 = arith.constant 80 : index
        %get3A_165 = tpu.vector_load %arg11[%get3A_163, %get3A_164] {strides = array<i32>} : memref<112x128xf32, #tpu.memory_space<vmem>>, vector<1x16xf32>,
        %get3A_166 = vector.shape_cast %get3A_165 : vector<1x16xf32> to vector<16xf32>
        %get3A_167 = arith.index_cast %scan3A_80 : i32 to index
        %get3A_168 = arith.constant 80 : index
        %get3A_169 = tpu.vector_load %arg10[%get3A_167, %get3A_168] {strides = array<i32>} : memref<112x128xf32, #tpu.memory_space<vmem>>, vector<1x16xf32>,
        %get3A_170 = vector.shape_cast %get3A_169 : vector<1x16xf32> to vector<16xf32>
        %add3A_171 = arith.addf %get3A_166, %get3A_170 : vector<16xf32>
        %max3A_172 = arith.constant 0.000000e+00 : f32
        %max3A_173 = vector.broadcast %max3A_172 : f32 to vector<16xf32>
        %max3A_174 = arith.maximumf %add3A_171, %max3A_173 : vector<16xf32>
        %swap3A_175 = arith.index_cast %scan3A_80 : i32 to index
        %swap3A_176 = arith.constant 80 : index
        %swap3A_177 = tpu.vector_load %arg11[%swap3A_175, %swap3A_176] {strides = array<i32>} : memref<112x128xf32, #tpu.memory_space<vmem>>, vector<1x16xf32>,
        %swap3A_178 = vector.shape_cast %swap3A_177 : vector<1x16xf32> to vector<16xf32>
        %swap3A_179 = vector.shape_cast %max3A_174 : vector<16xf32> to vector<1x16xf32>
        tpu.vector_store %arg11[%swap3A_175, %swap3A_176], %swap3A_179 {strides = array<i32>} : memref<112x128xf32, #tpu.memory_space<vmem>>, vector<1x16xf32>,
        %get3A_180 = arith.index_cast %scan3A_80 : i32 to index
        %get3A_181 = arith.constant 96 : index
        %get3A_182 = tpu.vector_load %arg11[%get3A_180, %get3A_181] {strides = array<i32>} : memref<112x128xf32, #tpu.memory_space<vmem>>, vector<1x16xf32>,
        %get3A_183 = vector.shape_cast %get3A_182 : vector<1x16xf32> to vector<16xf32>
        %get3A_184 = arith.index_cast %scan3A_80 : i32 to index
        %get3A_185 = arith.constant 96 : index
        %get3A_186 = tpu.vector_load %arg10[%get3A_184, %get3A_185] {strides = array<i32>} : memref<112x128xf32, #tpu.memory_space<vmem>>, vector<1x16xf32>,
        %get3A_187 = vector.shape_cast %get3A_186 : vector<1x16xf32> to vector<16xf32>
        %add3A_188 = arith.addf %get3A_183, %get3A_187 : vector<16xf32>
        %max3A_189 = arith.constant 0.000000e+00 : f32
        %max3A_190 = vector.broadcast %max3A_189 : f32 to vector<16xf32>
        %max3A_191 = arith.maximumf %add3A_188, %max3A_190 : vector<16xf32>
        %swap3A_192 = arith.index_cast %scan3A_80 : i32 to index
        %swap3A_193 = arith.constant 96 : index
        %swap3A_194 = tpu.vector_load %arg11[%swap3A_192, %swap3A_193] {strides = array<i32>} : memref<112x128xf32, #tpu.memory_space<vmem>>, vector<1x16xf32>,
        %swap3A_195 = vector.shape_cast %swap3A_194 : vector<1x16xf32> to vector<16xf32>
        %swap3A_196 = vector.shape_cast %max3A_191 : vector<16xf32> to vector<1x16xf32>
        tpu.vector_store %arg11[%swap3A_192, %swap3A_193], %swap3A_196 {strides = array<i32>} : memref<112x128xf32, #tpu.memory_space<vmem>>, vector<1x16xf32>,
        %get3A_197 = arith.index_cast %scan3A_80 : i32 to index
        %get3A_198 = arith.constant 112 : index
        %get3A_199 = tpu.vector_load %arg11[%get3A_197, %get3A_198] {strides = array<i32>} : memref<112x128xf32, #tpu.memory_space<vmem>>, vector<1x16xf32>,
        %get3A_200 = vector.shape_cast %get3A_199 : vector<1x16xf32> to vector<16xf32>
        %get3A_201 = arith.index_cast %scan3A_80 : i32 to index
        %get3A_202 = arith.constant 112 : index
        %get3A_203 = tpu.vector_load %arg10[%get3A_201, %get3A_202] {strides = array<i32>} : memref<112x128xf32, #tpu.memory_space<vmem>>, vector<1x16xf32>,
        %get3A_204 = vector.shape_cast %get3A_203 : vector<1x16xf32> to vector<16xf32>
        %add3A_205 = arith.addf %get3A_200, %get3A_204 : vector<16xf32>
        %max3A_206 = arith.constant 0.000000e+00 : f32
        %max3A_207 = vector.broadcast %max3A_206 : f32 to vector<16xf32>
        %max3A_208 = arith.maximumf %add3A_205, %max3A_207 : vector<16xf32>
        %swap3A_209 = arith.index_cast %scan3A_80 : i32 to index
        %swap3A_210 = arith.constant 112 : index
        %swap3A_211 = tpu.vector_load %arg11[%swap3A_209, %swap3A_210] {strides = array<i32>} : memref<112x128xf32, #tpu.memory_space<vmem>>, vector<1x16xf32>,
        %swap3A_212 = vector.shape_cast %swap3A_211 : vector<1x16xf32> to vector<16xf32>
        %swap3A_213 = vector.shape_cast %max3A_208 : vector<16xf32> to vector<1x16xf32>
        tpu.vector_store %arg11[%swap3A_209, %swap3A_210], %swap3A_213 {strides = array<i32>} : memref<112x128xf32, #tpu.memory_space<vmem>>, vector<1x16xf32>,
      }
      %scan3A_79 = arith.constant 112 : i32
      "tpu.region"() ({
        %run_scoped3A = tpu.sem_alloc : memref<!tpu.dma_semaphore, #tpu.memory_space<semaphore_mem>>
        %dma_start3A_80 = arith.constant 0 : i32
        %dma_start3A_81 = arith.constant 0 : i32
        %dma_start3A_82 = tpu.memref_slice %arg12[%dma_start3A_80, %dma_start3A_81] : memref<12544x128xf32, #tpu.memory_space<vmem_shared>> -> memref<12544x128xf32, #tpu.memory_space<vmem_shared>>
        tpu.enqueue_indirect_dma source(%arg11 : memref<112x128xf32, #tpu.memory_space<vmem>>) target(%dma_start3A_82 : memref<12544x128xf32, #tpu.memory_space<vmem_shared>>) offsets(%arg9 : memref<112xi32, #tpu.memory_space<vmem>>) semaphore(%run_scoped3A : memref<!tpu.dma_semaphore, #tpu.memory_space<semaphore_mem>>) {add = true}
        %dma_wait3A_83 = arith.constant 0 : i32
        %dma_wait3A_84 = arith.constant 0 : i32
        %dma_wait3A_85 = tpu.memref_slice %arg12[%dma_wait3A_83, %dma_wait3A_84] : memref<12544x128xf32, #tpu.memory_space<vmem_shared>> -> memref<12544x128xf32, #tpu.memory_space<vmem_shared>>
        tpu.wait_indirect_dma semaphore(%run_scoped3A : memref<!tpu.dma_semaphore, #tpu.memory_space<semaphore_mem>>) src(%arg11 : memref<112x128xf32, #tpu.memory_space<vmem>>) dst(%dma_wait3A_85 : memref<12544x128xf32, #tpu.memory_space<vmem_shared>>)
        tpu.yield
      }) : () -> ()
    }
    %scan3A_47 = arith.constant 450 : i32
    %barrier3A_48 = arith.constant 0 : index
    tpu.barrier barrier_id(%barrier3A_48)
    %lt3A_49 = arith.constant 15 : i32
    %lt3A_50 = arith.cmpi slt, %arg1, %lt3A_49 : i32
    %convert_element_type3A_51 = arith.extui %lt3A_50 : i1 to i32
    %cond3A_52 = arith.constant 0 : i32
    %cond3A_53 = arith.cmpi ne, %convert_element_type3A_51, %cond3A_52 : i32
    scf.if %cond3A_53 {
      %mul3A_60 = arith.constant 784 : i32
      %mul3A_61 = arith.muli %arg1, %mul3A_60 : i32
      %mul3A_62 = arith.constant 784 : i32
      %mul3A_63 = arith.muli %arg1, %mul3A_62 : i32
      %add3A_64 = arith.addi %mul3A_31, %mul3A_63 : i32
      "tpu.region"() ({
        %run_scoped3A = tpu.sem_alloc : memref<!tpu.dma_semaphore, #tpu.memory_space<semaphore_mem>>
        %dma_start3A = arith.constant 0 : i32
        %dma_start3A_65 = tpu.memref_slice %arg6[%add3A_64, %dma_start3A] : memref<50176x128xf32, #tpu.memory_space<hbm>> -> memref<784x128xf32, #tpu.memory_space<hbm>>
        %dma_start3A_66 = arith.constant 0 : i32
        %dma_start3A_67 = tpu.memref_slice %arg12[%mul3A_61, %dma_start3A_66] : memref<12544x128xf32, #tpu.memory_space<vmem_shared>> -> memref<784x128xf32, #tpu.memory_space<vmem_shared>>
        tpu.enqueue_dma source(%dma_start3A_67 : memref<784x128xf32, #tpu.memory_space<vmem_shared>>) target(%dma_start3A_65 : memref<784x128xf32, #tpu.memory_space<hbm>>) target_semaphore(%run_scoped3A : memref<!tpu.dma_semaphore, #tpu.memory_space<semaphore_mem>>)
        %dma_wait3A = arith.constant 0 : i32
        %dma_wait3A_68 = tpu.memref_slice %arg6[%add3A_64, %dma_wait3A] : memref<50176x128xf32, #tpu.memory_space<hbm>> -> memref<784x128xf32, #tpu.memory_space<hbm>>
        %dma_wait3A_69 = arith.constant 0 : i32
        %dma_wait3A_70 = tpu.memref_slice %arg12[%mul3A_61, %dma_wait3A_69] : memref<12544x128xf32, #tpu.memory_space<vmem_shared>> -> memref<784x128xf32, #tpu.memory_space<vmem_shared>>
        tpu.wait_dma2 semaphore(%run_scoped3A : memref<!tpu.dma_semaphore, #tpu.memory_space<semaphore_mem>>) src(%dma_wait3A_70 : memref<784x128xf32, #tpu.memory_space<vmem_shared>>) dst(%dma_wait3A_68 : memref<784x128xf32, #tpu.memory_space<hbm>>)
        tpu.yield
      }) : () -> ()
    } else {
    }
    %eq3A_54 = arith.constant 15 : i32
    %eq3A_55 = arith.cmpi eq, %arg1, %eq3A_54 : i32
    %convert_element_type3A_56 = arith.extui %eq3A_55 : i1 to i32
    %cond3A_57 = arith.constant 0 : i32
    %cond3A_58 = arith.cmpi ne, %convert_element_type3A_56, %cond3A_57 : i32
    scf.if %cond3A_58 {
      %add3A_60 = arith.constant 11760 : i32
      %add3A_61 = arith.addi %mul3A_31, %add3A_60 : i32
      "tpu.region"() ({
        %run_scoped3A = tpu.sem_alloc : memref<!tpu.dma_semaphore, #tpu.memory_space<semaphore_mem>>
        %dma_start3A = arith.constant 0 : i32
        %dma_start3A_62 = tpu.memref_slice %arg6[%add3A_61, %dma_start3A] : memref<50176x128xf32, #tpu.memory_space<hbm>> -> memref<752x128xf32, #tpu.memory_space<hbm>>
        %dma_start3A_63 = arith.constant 11760 : i32
        %dma_start3A_64 = arith.constant 0 : i32
        %dma_start3A_65 = tpu.memref_slice %arg12[%dma_start3A_63, %dma_start3A_64] : memref<12544x128xf32, #tpu.memory_space<vmem_shared>> -> memref<752x128xf32, #tpu.memory_space<vmem_shared>>
        tpu.enqueue_dma source(%dma_start3A_65 : memref<752x128xf32, #tpu.memory_space<vmem_shared>>) target(%dma_start3A_62 : memref<752x128xf32, #tpu.memory_space<hbm>>) target_semaphore(%run_scoped3A : memref<!tpu.dma_semaphore, #tpu.memory_space<semaphore_mem>>)
        %dma_wait3A = arith.constant 0 : i32
        %dma_wait3A_66 = tpu.memref_slice %arg6[%add3A_61, %dma_wait3A] : memref<50176x128xf32, #tpu.memory_space<hbm>> -> memref<752x128xf32, #tpu.memory_space<hbm>>
        %dma_wait3A_67 = arith.constant 11760 : i32
        %dma_wait3A_68 = arith.constant 0 : i32
        %dma_wait3A_69 = tpu.memref_slice %arg12[%dma_wait3A_67, %dma_wait3A_68] : memref<12544x128xf32, #tpu.memory_space<vmem_shared>> -> memref<752x128xf32, #tpu.memory_space<vmem_shared>>
        tpu.wait_dma2 semaphore(%run_scoped3A : memref<!tpu.dma_semaphore, #tpu.memory_space<semaphore_mem>>) src(%dma_wait3A_69 : memref<752x128xf32, #tpu.memory_space<vmem_shared>>) dst(%dma_wait3A_66 : memref<752x128xf32, #tpu.memory_space<hbm>>)
        tpu.yield
      }) : () -> ()
    } else {
    }
    %barrier3A_59 = arith.constant 0 : index
    tpu.barrier barrier_id(%barrier3A_59)
    return
  }
}

#map = affine_map<(d0, d1) -> (0, 0)>
#map1 = affine_map<(d0, d1) -> (0)>
module attributes {stable_mosaic.version = 14 : i64} {
  func.func @_edge_agg_body(%arg0: i32, %arg1: i32, %arg2: memref<50176x128xf32, #tpu.memory_space<hbm>>, %arg3: memref<806400x128xf32, #tpu.memory_space<hbm>>, %arg4: memref<806400xi32, #tpu.memory_space<hbm>>, %arg5: memref<806400xi32, #tpu.memory_space<hbm>>, %arg6: memref<50176x128xf32, #tpu.memory_space<hbm>>, %arg7: memref<112xi32, #tpu.memory_space<vmem>>, %arg8: memref<112xi32, #tpu.memory_space<vmem>>, %arg9: memref<112xi32, #tpu.memory_space<vmem>>, %arg10: memref<112x128xf32, #tpu.memory_space<vmem>>, %arg11: memref<112x128xf32, #tpu.memory_space<vmem>>, %arg12: memref<12544x128xf32, #tpu.memory_space<vmem_shared>>, %arg13: memref<!tpu.dma_semaphore, #tpu.memory_space<semaphore_mem>>) attributes {dimension_semantics = [#tpu.dimension_semantics<core_parallel>, #tpu.dimension_semantics<subcore_parallel>], iteration_bounds = array<i64: 2, 16>, scalar_prefetch = 0 : i64, scratch_operands = 7 : i64, tpu.core_type = #tpu.core_type<sc_vector_subcore>, window_params = [{transform_indices = #map}, {transform_indices = #map}, {transform_indices = #map1}, {transform_indices = #map1}, {transform_indices = #map}]} {
    %iota3A = tpu.iota {dimensions = array<i32: 0>} : vector<16xi32>
    %mul3A = arith.constant 2 : i32
    %mul3A_0 = arith.muli %mul3A, %arg0 : i32
    %add3A = arith.constant 0 : i32
    %add3A_1 = arith.addi %mul3A_0, %add3A : i32
    %mul3A_2 = arith.constant 12512 : i32
    %mul3A_3 = arith.muli %add3A_1, %mul3A_2 : i32
    %scan3A = arith.constant 0 : i32
    %scan3A_4 = arith.constant 112 : i32
    %scan3A_5 = arith.addi %scan3A, %scan3A_4 : i32
    %scan3A_6 = arith.constant 1 : i32
    scf.for %scan3A_60 = %scan3A to %scan3A_5 step %scan3A_6  : i32 {
      %broadcast_in_dim3A = arith.constant 0.000000e+00 : f32
      %broadcast_in_dim3A_61 = vector.broadcast %broadcast_in_dim3A : f32 to vector<16xf32>
      %swap3A = arith.index_cast %scan3A_60 : i32 to index
      %swap3A_62 = arith.constant 0 : index
      %swap3A_63 = tpu.vector_load %arg10[%swap3A, %swap3A_62] {strides = array<i32>} : memref<112x128xf32, #tpu.memory_space<vmem>>, vector<1x16xf32>,
      %swap3A_64 = vector.shape_cast %swap3A_63 : vector<1x16xf32> to vector<16xf32>
      %swap3A_65 = vector.shape_cast %broadcast_in_dim3A_61 : vector<16xf32> to vector<1x16xf32>
      tpu.vector_store %arg10[%swap3A, %swap3A_62], %swap3A_65 {strides = array<i32>} : memref<112x128xf32, #tpu.memory_space<vmem>>, vector<1x16xf32>,
      %broadcast_in_dim3A_66 = arith.constant 0.000000e+00 : f32
      %broadcast_in_dim3A_67 = vector.broadcast %broadcast_in_dim3A_66 : f32 to vector<16xf32>
      %swap3A_68 = arith.index_cast %scan3A_60 : i32 to index
      %swap3A_69 = arith.constant 16 : index
      %swap3A_70 = tpu.vector_load %arg10[%swap3A_68, %swap3A_69] {strides = array<i32>} : memref<112x128xf32, #tpu.memory_space<vmem>>, vector<1x16xf32>,
      %swap3A_71 = vector.shape_cast %swap3A_70 : vector<1x16xf32> to vector<16xf32>
      %swap3A_72 = vector.shape_cast %broadcast_in_dim3A_67 : vector<16xf32> to vector<1x16xf32>
      tpu.vector_store %arg10[%swap3A_68, %swap3A_69], %swap3A_72 {strides = array<i32>} : memref<112x128xf32, #tpu.memory_space<vmem>>, vector<1x16xf32>,
      %broadcast_in_dim3A_73 = arith.constant 0.000000e+00 : f32
      %broadcast_in_dim3A_74 = vector.broadcast %broadcast_in_dim3A_73 : f32 to vector<16xf32>
      %swap3A_75 = arith.index_cast %scan3A_60 : i32 to index
      %swap3A_76 = arith.constant 32 : index
      %swap3A_77 = tpu.vector_load %arg10[%swap3A_75, %swap3A_76] {strides = array<i32>} : memref<112x128xf32, #tpu.memory_space<vmem>>, vector<1x16xf32>,
      %swap3A_78 = vector.shape_cast %swap3A_77 : vector<1x16xf32> to vector<16xf32>
      %swap3A_79 = vector.shape_cast %broadcast_in_dim3A_74 : vector<16xf32> to vector<1x16xf32>
      tpu.vector_store %arg10[%swap3A_75, %swap3A_76], %swap3A_79 {strides = array<i32>} : memref<112x128xf32, #tpu.memory_space<vmem>>, vector<1x16xf32>,
      %broadcast_in_dim3A_80 = arith.constant 0.000000e+00 : f32
      %broadcast_in_dim3A_81 = vector.broadcast %broadcast_in_dim3A_80 : f32 to vector<16xf32>
      %swap3A_82 = arith.index_cast %scan3A_60 : i32 to index
      %swap3A_83 = arith.constant 48 : index
      %swap3A_84 = tpu.vector_load %arg10[%swap3A_82, %swap3A_83] {strides = array<i32>} : memref<112x128xf32, #tpu.memory_space<vmem>>, vector<1x16xf32>,
      %swap3A_85 = vector.shape_cast %swap3A_84 : vector<1x16xf32> to vector<16xf32>
      %swap3A_86 = vector.shape_cast %broadcast_in_dim3A_81 : vector<16xf32> to vector<1x16xf32>
      tpu.vector_store %arg10[%swap3A_82, %swap3A_83], %swap3A_86 {strides = array<i32>} : memref<112x128xf32, #tpu.memory_space<vmem>>, vector<1x16xf32>,
      %broadcast_in_dim3A_87 = arith.constant 0.000000e+00 : f32
      %broadcast_in_dim3A_88 = vector.broadcast %broadcast_in_dim3A_87 : f32 to vector<16xf32>
      %swap3A_89 = arith.index_cast %scan3A_60 : i32 to index
      %swap3A_90 = arith.constant 64 : index
      %swap3A_91 = tpu.vector_load %arg10[%swap3A_89, %swap3A_90] {strides = array<i32>} : memref<112x128xf32, #tpu.memory_space<vmem>>, vector<1x16xf32>,
      %swap3A_92 = vector.shape_cast %swap3A_91 : vector<1x16xf32> to vector<16xf32>
      %swap3A_93 = vector.shape_cast %broadcast_in_dim3A_88 : vector<16xf32> to vector<1x16xf32>
      tpu.vector_store %arg10[%swap3A_89, %swap3A_90], %swap3A_93 {strides = array<i32>} : memref<112x128xf32, #tpu.memory_space<vmem>>, vector<1x16xf32>,
      %broadcast_in_dim3A_94 = arith.constant 0.000000e+00 : f32
      %broadcast_in_dim3A_95 = vector.broadcast %broadcast_in_dim3A_94 : f32 to vector<16xf32>
      %swap3A_96 = arith.index_cast %scan3A_60 : i32 to index
      %swap3A_97 = arith.constant 80 : index
      %swap3A_98 = tpu.vector_load %arg10[%swap3A_96, %swap3A_97] {strides = array<i32>} : memref<112x128xf32, #tpu.memory_space<vmem>>, vector<1x16xf32>,
      %swap3A_99 = vector.shape_cast %swap3A_98 : vector<1x16xf32> to vector<16xf32>
      %swap3A_100 = vector.shape_cast %broadcast_in_dim3A_95 : vector<16xf32> to vector<1x16xf32>
      tpu.vector_store %arg10[%swap3A_96, %swap3A_97], %swap3A_100 {strides = array<i32>} : memref<112x128xf32, #tpu.memory_space<vmem>>, vector<1x16xf32>,
      %broadcast_in_dim3A_101 = arith.constant 0.000000e+00 : f32
      %broadcast_in_dim3A_102 = vector.broadcast %broadcast_in_dim3A_101 : f32 to vector<16xf32>
      %swap3A_103 = arith.index_cast %scan3A_60 : i32 to index
      %swap3A_104 = arith.constant 96 : index
      %swap3A_105 = tpu.vector_load %arg10[%swap3A_103, %swap3A_104] {strides = array<i32>} : memref<112x128xf32, #tpu.memory_space<vmem>>, vector<1x16xf32>,
      %swap3A_106 = vector.shape_cast %swap3A_105 : vector<1x16xf32> to vector<16xf32>
      %swap3A_107 = vector.shape_cast %broadcast_in_dim3A_102 : vector<16xf32> to vector<1x16xf32>
      tpu.vector_store %arg10[%swap3A_103, %swap3A_104], %swap3A_107 {strides = array<i32>} : memref<112x128xf32, #tpu.memory_space<vmem>>, vector<1x16xf32>,
      %broadcast_in_dim3A_108 = arith.constant 0.000000e+00 : f32
      %broadcast_in_dim3A_109 = vector.broadcast %broadcast_in_dim3A_108 : f32 to vector<16xf32>
      %swap3A_110 = arith.index_cast %scan3A_60 : i32 to index
      %swap3A_111 = arith.constant 112 : index
      %swap3A_112 = tpu.vector_load %arg10[%swap3A_110, %swap3A_111] {strides = array<i32>} : memref<112x128xf32, #tpu.memory_space<vmem>>, vector<1x16xf32>,
      %swap3A_113 = vector.shape_cast %swap3A_112 : vector<1x16xf32> to vector<16xf32>
      %swap3A_114 = vector.shape_cast %broadcast_in_dim3A_109 : vector<16xf32> to vector<1x16xf32>
      tpu.vector_store %arg10[%swap3A_110, %swap3A_111], %swap3A_114 {strides = array<i32>} : memref<112x128xf32, #tpu.memory_space<vmem>>, vector<1x16xf32>,
    }
    %scan3A_7 = arith.constant 112 : i32
    %scan3A_8 = arith.constant 0 : i32
    %scan3A_9 = arith.constant 7 : i32
    %scan3A_10 = arith.addi %scan3A_8, %scan3A_9 : i32
    %scan3A_11 = arith.constant 1 : i32
    scf.for %scan3A_60 = %scan3A_8 to %scan3A_10 step %scan3A_11  : i32 {
      %mul3A_61 = arith.constant 784 : i32
      %mul3A_62 = arith.muli %arg1, %mul3A_61 : i32
      %mul3A_63 = arith.constant 112 : i32
      %mul3A_64 = arith.muli %scan3A_60, %mul3A_63 : i32
      %add3A_65 = arith.addi %mul3A_62, %mul3A_64 : i32
      "tpu.region"() ({
        %run_scoped3A = tpu.sem_alloc : memref<!tpu.dma_semaphore, #tpu.memory_space<semaphore_mem>>
        %dma_start3A = arith.constant 0 : i32
        %dma_start3A_66 = tpu.memref_slice %arg12[%add3A_65, %dma_start3A] : memref<12544x128xf32, #tpu.memory_space<vmem_shared>> -> memref<112x128xf32, #tpu.memory_space<vmem_shared>>
        %dma_start3A_67 = arith.constant 0 : i32
        %dma_start3A_68 = tpu.memref_slice %arg12[%add3A_65, %dma_start3A_67] : memref<12544x128xf32, #tpu.memory_space<vmem_shared>> -> memref<112x128xf32, #tpu.memory_space<vmem_shared>>
        tpu.enqueue_dma source(%arg10 : memref<112x128xf32, #tpu.memory_space<vmem>>) target(%dma_start3A_68 : memref<112x128xf32, #tpu.memory_space<vmem_shared>>) target_semaphore(%run_scoped3A : memref<!tpu.dma_semaphore, #tpu.memory_space<semaphore_mem>>)
        %dma_wait3A = arith.constant 0 : i32
        %dma_wait3A_69 = tpu.memref_slice %arg12[%add3A_65, %dma_wait3A] : memref<12544x128xf32, #tpu.memory_space<vmem_shared>> -> memref<112x128xf32, #tpu.memory_space<vmem_shared>>
        %dma_wait3A_70 = arith.constant 0 : i32
        %dma_wait3A_71 = tpu.memref_slice %arg12[%add3A_65, %dma_wait3A_70] : memref<12544x128xf32, #tpu.memory_space<vmem_shared>> -> memref<112x128xf32, #tpu.memory_space<vmem_shared>>
        tpu.wait_dma2 semaphore(%run_scoped3A : memref<!tpu.dma_semaphore, #tpu.memory_space<semaphore_mem>>) src(%arg10 : memref<112x128xf32, #tpu.memory_space<vmem>>) dst(%dma_wait3A_71 : memref<112x128xf32, #tpu.memory_space<vmem_shared>>)
        tpu.yield
      }) : () -> ()
    }
    %scan3A_12 = arith.constant 7 : i32
    %barrier3A = arith.constant 0 : index
    tpu.barrier barrier_id(%barrier3A)
    %scan3A_13 = arith.constant 0 : i32
    %scan3A_14 = arith.constant 450 : i32
    %scan3A_15 = arith.addi %scan3A_13, %scan3A_14 : i32
    %scan3A_16 = arith.constant 1 : i32
    scf.for %scan3A_60 = %scan3A_13 to %scan3A_15 step %scan3A_16  : i32 {
      %mul3A_61 = arith.constant 450 : i32
      %mul3A_62 = arith.muli %arg1, %mul3A_61 : i32
      %add3A_63 = arith.addi %mul3A_62, %scan3A_60 : i32
      %mul3A_64 = arith.constant 112 : i32
      %mul3A_65 = arith.muli %add3A_63, %mul3A_64 : i32
      "tpu.region"() ({
        %run_scoped3A = tpu.sem_alloc : memref<!tpu.dma_semaphore, #tpu.memory_space<semaphore_mem>>
        %dma_start3A_80 = tpu.memref_slice %arg4[%mul3A_65] : memref<806400xi32, #tpu.memory_space<hbm>> -> memref<112xi32, #tpu.memory_space<hbm>>
        %dma_start3A_81 = tpu.memref_slice %arg4[%mul3A_65] : memref<806400xi32, #tpu.memory_space<hbm>> -> memref<112xi32, #tpu.memory_space<hbm>>
        tpu.enqueue_dma source(%dma_start3A_81 : memref<112xi32, #tpu.memory_space<hbm>>) target(%arg7 : memref<112xi32, #tpu.memory_space<vmem>>) target_semaphore(%run_scoped3A : memref<!tpu.dma_semaphore, #tpu.memory_space<semaphore_mem>>)
        %dma_wait3A_82 = tpu.memref_slice %arg4[%mul3A_65] : memref<806400xi32, #tpu.memory_space<hbm>> -> memref<112xi32, #tpu.memory_space<hbm>>
        %dma_wait3A_83 = tpu.memref_slice %arg4[%mul3A_65] : memref<806400xi32, #tpu.memory_space<hbm>> -> memref<112xi32, #tpu.memory_space<hbm>>
        tpu.wait_dma2 semaphore(%run_scoped3A : memref<!tpu.dma_semaphore, #tpu.memory_space<semaphore_mem>>) src(%dma_wait3A_83 : memref<112xi32, #tpu.memory_space<hbm>>) dst(%arg7 : memref<112xi32, #tpu.memory_space<vmem>>)
        tpu.yield
      }) : () -> ()
      "tpu.region"() ({
        %run_scoped3A = tpu.sem_alloc : memref<!tpu.dma_semaphore, #tpu.memory_space<semaphore_mem>>
        %dma_start3A_80 = tpu.memref_slice %arg5[%mul3A_65] : memref<806400xi32, #tpu.memory_space<hbm>> -> memref<112xi32, #tpu.memory_space<hbm>>
        %dma_start3A_81 = tpu.memref_slice %arg5[%mul3A_65] : memref<806400xi32, #tpu.memory_space<hbm>> -> memref<112xi32, #tpu.memory_space<hbm>>
        tpu.enqueue_dma source(%dma_start3A_81 : memref<112xi32, #tpu.memory_space<hbm>>) target(%arg8 : memref<112xi32, #tpu.memory_space<vmem>>) target_semaphore(%run_scoped3A : memref<!tpu.dma_semaphore, #tpu.memory_space<semaphore_mem>>)
        %dma_wait3A_82 = tpu.memref_slice %arg5[%mul3A_65] : memref<806400xi32, #tpu.memory_space<hbm>> -> memref<112xi32, #tpu.memory_space<hbm>>
        %dma_wait3A_83 = tpu.memref_slice %arg5[%mul3A_65] : memref<806400xi32, #tpu.memory_space<hbm>> -> memref<112xi32, #tpu.memory_space<hbm>>
        tpu.wait_dma2 semaphore(%run_scoped3A : memref<!tpu.dma_semaphore, #tpu.memory_space<semaphore_mem>>) src(%dma_wait3A_83 : memref<112xi32, #tpu.memory_space<hbm>>) dst(%arg8 : memref<112xi32, #tpu.memory_space<vmem>>)
        tpu.yield
      }) : () -> ()
      "tpu.region"() ({
        %run_scoped3A = tpu.sem_alloc : memref<!tpu.dma_semaphore, #tpu.memory_space<semaphore_mem>>
        %dma_start3A_80 = arith.constant 0 : i32
        %dma_start3A_81 = tpu.memref_slice %arg3[%mul3A_65, %dma_start3A_80] : memref<806400x128xf32, #tpu.memory_space<hbm>> -> memref<112x128xf32, #tpu.memory_space<hbm>>
        %dma_start3A_82 = arith.constant 0 : i32
        %dma_start3A_83 = tpu.memref_slice %arg3[%mul3A_65, %dma_start3A_82] : memref<806400x128xf32, #tpu.memory_space<hbm>> -> memref<112x128xf32, #tpu.memory_space<hbm>>
        tpu.enqueue_dma source(%dma_start3A_83 : memref<112x128xf32, #tpu.memory_space<hbm>>) target(%arg10 : memref<112x128xf32, #tpu.memory_space<vmem>>) target_semaphore(%run_scoped3A : memref<!tpu.dma_semaphore, #tpu.memory_space<semaphore_mem>>)
        %dma_wait3A_84 = arith.constant 0 : i32
        %dma_wait3A_85 = tpu.memref_slice %arg3[%mul3A_65, %dma_wait3A_84] : memref<806400x128xf32, #tpu.memory_space<hbm>> -> memref<112x128xf32, #tpu.memory_space<hbm>>
        %dma_wait3A_86 = arith.constant 0 : i32
        %dma_wait3A_87 = tpu.memref_slice %arg3[%mul3A_65, %dma_wait3A_86] : memref<806400x128xf32, #tpu.memory_space<hbm>> -> memref<112x128xf32, #tpu.memory_space<hbm>>
        tpu.wait_dma2 semaphore(%run_scoped3A : memref<!tpu.dma_semaphore, #tpu.memory_space<semaphore_mem>>) src(%dma_wait3A_87 : memref<112x128xf32, #tpu.memory_space<hbm>>) dst(%arg10 : memref<112x128xf32, #tpu.memory_space<vmem>>)
        tpu.yield
      }) : () -> ()
      %dma_start3A = arith.constant 0 : i32
      %dma_start3A_66 = arith.constant 0 : i32
      %dma_start3A_67 = tpu.memref_slice %arg2[%dma_start3A, %dma_start3A_66] : memref<50176x128xf32, #tpu.memory_space<hbm>> -> memref<50176x128xf32, #tpu.memory_space<hbm>>
      tpu.enqueue_indirect_dma source(%dma_start3A_67 : memref<50176x128xf32, #tpu.memory_space<hbm>>) target(%arg11 : memref<112x128xf32, #tpu.memory_space<vmem>>) offsets(%arg7 : memref<112xi32, #tpu.memory_space<vmem>>) semaphore(%arg13 : memref<!tpu.dma_semaphore, #tpu.memory_space<semaphore_mem>>)
      %dma_wait3A = arith.constant 0 : i32
      %dma_wait3A_68 = arith.constant 0 : i32
      %dma_wait3A_69 = tpu.memref_slice %arg2[%dma_wait3A, %dma_wait3A_68] : memref<50176x128xf32, #tpu.memory_space<hbm>> -> memref<50176x128xf32, #tpu.memory_space<hbm>>
      tpu.wait_indirect_dma semaphore(%arg13 : memref<!tpu.dma_semaphore, #tpu.memory_space<semaphore_mem>>) src(%dma_wait3A_69 : memref<50176x128xf32, #tpu.memory_space<hbm>>) dst(%arg11 : memref<112x128xf32, #tpu.memory_space<vmem>>)
      %scan3A_70 = arith.constant 0 : i32
      %scan3A_71 = arith.constant 7 : i32
      %scan3A_72 = arith.addi %scan3A_70, %scan3A_71 : i32
      %scan3A_73 = arith.constant 1 : i32
      scf.for %scan3A_80 = %scan3A_70 to %scan3A_72 step %scan3A_73  : i32 {
        %mul3A_81 = arith.constant 16 : i32
        %mul3A_82 = arith.muli %scan3A_80, %mul3A_81 : i32
        %get3A = arith.index_cast %mul3A_82 : i32 to index
        %get3A_83 = tpu.vector_load %arg8[%get3A] {strides = array<i32>} : memref<112xi32, #tpu.memory_space<vmem>>, vector<16xi32>,
        %get3A_84 = vector.shape_cast %get3A_83 : vector<16xi32> to vector<16xi32>
        %ge3A = vector.broadcast %mul3A_3 : i32 to vector<16xi32>
        %ge3A_85 = arith.cmpi sge, %get3A_84, %ge3A : vector<16xi32>
        %add3A_86 = arith.constant 12512 : i32
        %add3A_87 = arith.addi %mul3A_3, %add3A_86 : i32
        %lt3A_88 = vector.broadcast %add3A_87 : i32 to vector<16xi32>
        %lt3A_89 = arith.cmpi slt, %get3A_84, %lt3A_88 : vector<16xi32>
        %and3A = arith.andi %ge3A_85, %lt3A_89 : vector<16xi1>
        %sub3A = vector.broadcast %mul3A_3 : i32 to vector<16xi32>
        %sub3A_90 = arith.subi %get3A_84, %sub3A : vector<16xi32>
        %add3A_91 = arith.constant 12512 : i32
        %add3A_92 = vector.broadcast %add3A_91 : i32 to vector<16xi32>
        %add3A_93 = arith.addi %add3A_92, %iota3A : vector<16xi32>
        %jit3A = arith.constant 2 : i32
        %eq3A_94 = arith.constant 0 : i32
        %eq3A_95 = arith.cmpi eq, %jit3A, %eq3A_94 : i32
        %jit3A_96 = arith.constant 1 : i32
        %select_n3A = arith.select %eq3A_95, %jit3A_96, %jit3A : i32
        %rem3A = arith.remsi %scan3A_80, %select_n3A : i32
        %ne3A = arith.constant 0 : i32
        %ne3A_97 = arith.cmpi ne, %rem3A, %ne3A : i32
        %lt3A_98 = arith.constant 0 : i32
        %lt3A_99 = arith.cmpi slt, %rem3A, %lt3A_98 : i32
        %lt3A_100 = arith.constant 0 : i32
        %lt3A_101 = arith.cmpi slt, %select_n3A, %lt3A_100 : i32
        %ne3A_102 = arith.xori %lt3A_99, %lt3A_101 : i1
        %and3A_103 = arith.andi %ne3A_102, %ne3A_97 : i1
        %add3A_104 = arith.addi %rem3A, %select_n3A : i32
        %select_n3A_105 = arith.select %and3A_103, %add3A_104, %rem3A : i32
        %mul3A_106 = arith.constant 16 : i32
        %mul3A_107 = arith.muli %mul3A_106, %select_n3A_105 : i32
        %add3A_108 = vector.broadcast %mul3A_107 : i32 to vector<16xi32>
        %add3A_109 = arith.addi %add3A_93, %add3A_108 : vector<16xi32>
        %select_n3A_110 = arith.select %and3A, %sub3A_90, %add3A_109 : vector<16xi1>, vector<16xi32>
        %mul3A_111 = arith.constant 16 : i32
        %mul3A_112 = arith.muli %scan3A_80, %mul3A_111 : i32
        %swap3A = arith.index_cast %mul3A_112 : i32 to index
        %swap3A_113 = tpu.vector_load %arg9[%swap3A] {strides = array<i32>} : memref<112xi32, #tpu.memory_space<vmem>>, vector<16xi32>,
        %swap3A_114 = vector.shape_cast %swap3A_113 : vector<16xi32> to vector<16xi32>
        %swap3A_115 = vector.shape_cast %select_n3A_110 : vector<16xi32> to vector<16xi32>
        tpu.vector_store %arg9[%swap3A], %swap3A_115 {strides = array<i32>} : memref<112xi32, #tpu.memory_space<vmem>>, vector<16xi32>,
      }
      %scan3A_74 = arith.constant 7 : i32
      %scan3A_75 = arith.constant 0 : i32
      %scan3A_76 = arith.constant 112 : i32
      %scan3A_77 = arith.addi %scan3A_75, %scan3A_76 : i32
      %scan3A_78 = arith.constant 1 : i32
      scf.for %scan3A_80 = %scan3A_75 to %scan3A_77 step %scan3A_78  : i32 {
        %get3A = arith.index_cast %scan3A_80 : i32 to index
        %get3A_81 = arith.constant 0 : index
        %get3A_82 = tpu.vector_load %arg11[%get3A, %get3A_81] {strides = array<i32>} : memref<112x128xf32, #tpu.memory_space<vmem>>, vector<1x16xf32>,
        %get3A_83 = vector.shape_cast %get3A_82 : vector<1x16xf32> to vector<16xf32>
        %get3A_84 = arith.index_cast %scan3A_80 : i32 to index
        %get3A_85 = arith.constant 0 : index
        %get3A_86 = tpu.vector_load %arg10[%get3A_84, %get3A_85] {strides = array<i32>} : memref<112x128xf32, #tpu.memory_space<vmem>>, vector<1x16xf32>,
        %get3A_87 = vector.shape_cast %get3A_86 : vector<1x16xf32> to vector<16xf32>
        %add3A_88 = arith.addf %get3A_83, %get3A_87 : vector<16xf32>
        %max3A = arith.constant 0.000000e+00 : f32
        %max3A_89 = vector.broadcast %max3A : f32 to vector<16xf32>
        %max3A_90 = arith.maximumf %add3A_88, %max3A_89 : vector<16xf32>
        %swap3A = arith.index_cast %scan3A_80 : i32 to index
        %swap3A_91 = arith.constant 0 : index
        %swap3A_92 = tpu.vector_load %arg11[%swap3A, %swap3A_91] {strides = array<i32>} : memref<112x128xf32, #tpu.memory_space<vmem>>, vector<1x16xf32>,
        %swap3A_93 = vector.shape_cast %swap3A_92 : vector<1x16xf32> to vector<16xf32>
        %swap3A_94 = vector.shape_cast %max3A_90 : vector<16xf32> to vector<1x16xf32>
        tpu.vector_store %arg11[%swap3A, %swap3A_91], %swap3A_94 {strides = array<i32>} : memref<112x128xf32, #tpu.memory_space<vmem>>, vector<1x16xf32>,
        %get3A_95 = arith.index_cast %scan3A_80 : i32 to index
        %get3A_96 = arith.constant 16 : index
        %get3A_97 = tpu.vector_load %arg11[%get3A_95, %get3A_96] {strides = array<i32>} : memref<112x128xf32, #tpu.memory_space<vmem>>, vector<1x16xf32>,
        %get3A_98 = vector.shape_cast %get3A_97 : vector<1x16xf32> to vector<16xf32>
        %get3A_99 = arith.index_cast %scan3A_80 : i32 to index
        %get3A_100 = arith.constant 16 : index
        %get3A_101 = tpu.vector_load %arg10[%get3A_99, %get3A_100] {strides = array<i32>} : memref<112x128xf32, #tpu.memory_space<vmem>>, vector<1x16xf32>,
        %get3A_102 = vector.shape_cast %get3A_101 : vector<1x16xf32> to vector<16xf32>
        %add3A_103 = arith.addf %get3A_98, %get3A_102 : vector<16xf32>
        %max3A_104 = arith.constant 0.000000e+00 : f32
        %max3A_105 = vector.broadcast %max3A_104 : f32 to vector<16xf32>
        %max3A_106 = arith.maximumf %add3A_103, %max3A_105 : vector<16xf32>
        %swap3A_107 = arith.index_cast %scan3A_80 : i32 to index
        %swap3A_108 = arith.constant 16 : index
        %swap3A_109 = tpu.vector_load %arg11[%swap3A_107, %swap3A_108] {strides = array<i32>} : memref<112x128xf32, #tpu.memory_space<vmem>>, vector<1x16xf32>,
        %swap3A_110 = vector.shape_cast %swap3A_109 : vector<1x16xf32> to vector<16xf32>
        %swap3A_111 = vector.shape_cast %max3A_106 : vector<16xf32> to vector<1x16xf32>
        tpu.vector_store %arg11[%swap3A_107, %swap3A_108], %swap3A_111 {strides = array<i32>} : memref<112x128xf32, #tpu.memory_space<vmem>>, vector<1x16xf32>,
        %get3A_112 = arith.index_cast %scan3A_80 : i32 to index
        %get3A_113 = arith.constant 32 : index
        %get3A_114 = tpu.vector_load %arg11[%get3A_112, %get3A_113] {strides = array<i32>} : memref<112x128xf32, #tpu.memory_space<vmem>>, vector<1x16xf32>,
        %get3A_115 = vector.shape_cast %get3A_114 : vector<1x16xf32> to vector<16xf32>
        %get3A_116 = arith.index_cast %scan3A_80 : i32 to index
        %get3A_117 = arith.constant 32 : index
        %get3A_118 = tpu.vector_load %arg10[%get3A_116, %get3A_117] {strides = array<i32>} : memref<112x128xf32, #tpu.memory_space<vmem>>, vector<1x16xf32>,
        %get3A_119 = vector.shape_cast %get3A_118 : vector<1x16xf32> to vector<16xf32>
        %add3A_120 = arith.addf %get3A_115, %get3A_119 : vector<16xf32>
        %max3A_121 = arith.constant 0.000000e+00 : f32
        %max3A_122 = vector.broadcast %max3A_121 : f32 to vector<16xf32>
        %max3A_123 = arith.maximumf %add3A_120, %max3A_122 : vector<16xf32>
        %swap3A_124 = arith.index_cast %scan3A_80 : i32 to index
        %swap3A_125 = arith.constant 32 : index
        %swap3A_126 = tpu.vector_load %arg11[%swap3A_124, %swap3A_125] {strides = array<i32>} : memref<112x128xf32, #tpu.memory_space<vmem>>, vector<1x16xf32>,
        %swap3A_127 = vector.shape_cast %swap3A_126 : vector<1x16xf32> to vector<16xf32>
        %swap3A_128 = vector.shape_cast %max3A_123 : vector<16xf32> to vector<1x16xf32>
        tpu.vector_store %arg11[%swap3A_124, %swap3A_125], %swap3A_128 {strides = array<i32>} : memref<112x128xf32, #tpu.memory_space<vmem>>, vector<1x16xf32>,
        %get3A_129 = arith.index_cast %scan3A_80 : i32 to index
        %get3A_130 = arith.constant 48 : index
        %get3A_131 = tpu.vector_load %arg11[%get3A_129, %get3A_130] {strides = array<i32>} : memref<112x128xf32, #tpu.memory_space<vmem>>, vector<1x16xf32>,
        %get3A_132 = vector.shape_cast %get3A_131 : vector<1x16xf32> to vector<16xf32>
        %get3A_133 = arith.index_cast %scan3A_80 : i32 to index
        %get3A_134 = arith.constant 48 : index
        %get3A_135 = tpu.vector_load %arg10[%get3A_133, %get3A_134] {strides = array<i32>} : memref<112x128xf32, #tpu.memory_space<vmem>>, vector<1x16xf32>,
        %get3A_136 = vector.shape_cast %get3A_135 : vector<1x16xf32> to vector<16xf32>
        %add3A_137 = arith.addf %get3A_132, %get3A_136 : vector<16xf32>
        %max3A_138 = arith.constant 0.000000e+00 : f32
        %max3A_139 = vector.broadcast %max3A_138 : f32 to vector<16xf32>
        %max3A_140 = arith.maximumf %add3A_137, %max3A_139 : vector<16xf32>
        %swap3A_141 = arith.index_cast %scan3A_80 : i32 to index
        %swap3A_142 = arith.constant 48 : index
        %swap3A_143 = tpu.vector_load %arg11[%swap3A_141, %swap3A_142] {strides = array<i32>} : memref<112x128xf32, #tpu.memory_space<vmem>>, vector<1x16xf32>,
        %swap3A_144 = vector.shape_cast %swap3A_143 : vector<1x16xf32> to vector<16xf32>
        %swap3A_145 = vector.shape_cast %max3A_140 : vector<16xf32> to vector<1x16xf32>
        tpu.vector_store %arg11[%swap3A_141, %swap3A_142], %swap3A_145 {strides = array<i32>} : memref<112x128xf32, #tpu.memory_space<vmem>>, vector<1x16xf32>,
        %get3A_146 = arith.index_cast %scan3A_80 : i32 to index
        %get3A_147 = arith.constant 64 : index
        %get3A_148 = tpu.vector_load %arg11[%get3A_146, %get3A_147] {strides = array<i32>} : memref<112x128xf32, #tpu.memory_space<vmem>>, vector<1x16xf32>,
        %get3A_149 = vector.shape_cast %get3A_148 : vector<1x16xf32> to vector<16xf32>
        %get3A_150 = arith.index_cast %scan3A_80 : i32 to index
        %get3A_151 = arith.constant 64 : index
        %get3A_152 = tpu.vector_load %arg10[%get3A_150, %get3A_151] {strides = array<i32>} : memref<112x128xf32, #tpu.memory_space<vmem>>, vector<1x16xf32>,
        %get3A_153 = vector.shape_cast %get3A_152 : vector<1x16xf32> to vector<16xf32>
        %add3A_154 = arith.addf %get3A_149, %get3A_153 : vector<16xf32>
        %max3A_155 = arith.constant 0.000000e+00 : f32
        %max3A_156 = vector.broadcast %max3A_155 : f32 to vector<16xf32>
        %max3A_157 = arith.maximumf %add3A_154, %max3A_156 : vector<16xf32>
        %swap3A_158 = arith.index_cast %scan3A_80 : i32 to index
        %swap3A_159 = arith.constant 64 : index
        %swap3A_160 = tpu.vector_load %arg11[%swap3A_158, %swap3A_159] {strides = array<i32>} : memref<112x128xf32, #tpu.memory_space<vmem>>, vector<1x16xf32>,
        %swap3A_161 = vector.shape_cast %swap3A_160 : vector<1x16xf32> to vector<16xf32>
        %swap3A_162 = vector.shape_cast %max3A_157 : vector<16xf32> to vector<1x16xf32>
        tpu.vector_store %arg11[%swap3A_158, %swap3A_159], %swap3A_162 {strides = array<i32>} : memref<112x128xf32, #tpu.memory_space<vmem>>, vector<1x16xf32>,
        %get3A_163 = arith.index_cast %scan3A_80 : i32 to index
        %get3A_164 = arith.constant 80 : index
        %get3A_165 = tpu.vector_load %arg11[%get3A_163, %get3A_164] {strides = array<i32>} : memref<112x128xf32, #tpu.memory_space<vmem>>, vector<1x16xf32>,
        %get3A_166 = vector.shape_cast %get3A_165 : vector<1x16xf32> to vector<16xf32>
        %get3A_167 = arith.index_cast %scan3A_80 : i32 to index
        %get3A_168 = arith.constant 80 : index
        %get3A_169 = tpu.vector_load %arg10[%get3A_167, %get3A_168] {strides = array<i32>} : memref<112x128xf32, #tpu.memory_space<vmem>>, vector<1x16xf32>,
        %get3A_170 = vector.shape_cast %get3A_169 : vector<1x16xf32> to vector<16xf32>
        %add3A_171 = arith.addf %get3A_166, %get3A_170 : vector<16xf32>
        %max3A_172 = arith.constant 0.000000e+00 : f32
        %max3A_173 = vector.broadcast %max3A_172 : f32 to vector<16xf32>
        %max3A_174 = arith.maximumf %add3A_171, %max3A_173 : vector<16xf32>
        %swap3A_175 = arith.index_cast %scan3A_80 : i32 to index
        %swap3A_176 = arith.constant 80 : index
        %swap3A_177 = tpu.vector_load %arg11[%swap3A_175, %swap3A_176] {strides = array<i32>} : memref<112x128xf32, #tpu.memory_space<vmem>>, vector<1x16xf32>,
        %swap3A_178 = vector.shape_cast %swap3A_177 : vector<1x16xf32> to vector<16xf32>
        %swap3A_179 = vector.shape_cast %max3A_174 : vector<16xf32> to vector<1x16xf32>
        tpu.vector_store %arg11[%swap3A_175, %swap3A_176], %swap3A_179 {strides = array<i32>} : memref<112x128xf32, #tpu.memory_space<vmem>>, vector<1x16xf32>,
        %get3A_180 = arith.index_cast %scan3A_80 : i32 to index
        %get3A_181 = arith.constant 96 : index
        %get3A_182 = tpu.vector_load %arg11[%get3A_180, %get3A_181] {strides = array<i32>} : memref<112x128xf32, #tpu.memory_space<vmem>>, vector<1x16xf32>,
        %get3A_183 = vector.shape_cast %get3A_182 : vector<1x16xf32> to vector<16xf32>
        %get3A_184 = arith.index_cast %scan3A_80 : i32 to index
        %get3A_185 = arith.constant 96 : index
        %get3A_186 = tpu.vector_load %arg10[%get3A_184, %get3A_185] {strides = array<i32>} : memref<112x128xf32, #tpu.memory_space<vmem>>, vector<1x16xf32>,
        %get3A_187 = vector.shape_cast %get3A_186 : vector<1x16xf32> to vector<16xf32>
        %add3A_188 = arith.addf %get3A_183, %get3A_187 : vector<16xf32>
        %max3A_189 = arith.constant 0.000000e+00 : f32
        %max3A_190 = vector.broadcast %max3A_189 : f32 to vector<16xf32>
        %max3A_191 = arith.maximumf %add3A_188, %max3A_190 : vector<16xf32>
        %swap3A_192 = arith.index_cast %scan3A_80 : i32 to index
        %swap3A_193 = arith.constant 96 : index
        %swap3A_194 = tpu.vector_load %arg11[%swap3A_192, %swap3A_193] {strides = array<i32>} : memref<112x128xf32, #tpu.memory_space<vmem>>, vector<1x16xf32>,
        %swap3A_195 = vector.shape_cast %swap3A_194 : vector<1x16xf32> to vector<16xf32>
        %swap3A_196 = vector.shape_cast %max3A_191 : vector<16xf32> to vector<1x16xf32>
        tpu.vector_store %arg11[%swap3A_192, %swap3A_193], %swap3A_196 {strides = array<i32>} : memref<112x128xf32, #tpu.memory_space<vmem>>, vector<1x16xf32>,
        %get3A_197 = arith.index_cast %scan3A_80 : i32 to index
        %get3A_198 = arith.constant 112 : index
        %get3A_199 = tpu.vector_load %arg11[%get3A_197, %get3A_198] {strides = array<i32>} : memref<112x128xf32, #tpu.memory_space<vmem>>, vector<1x16xf32>,
        %get3A_200 = vector.shape_cast %get3A_199 : vector<1x16xf32> to vector<16xf32>
        %get3A_201 = arith.index_cast %scan3A_80 : i32 to index
        %get3A_202 = arith.constant 112 : index
        %get3A_203 = tpu.vector_load %arg10[%get3A_201, %get3A_202] {strides = array<i32>} : memref<112x128xf32, #tpu.memory_space<vmem>>, vector<1x16xf32>,
        %get3A_204 = vector.shape_cast %get3A_203 : vector<1x16xf32> to vector<16xf32>
        %add3A_205 = arith.addf %get3A_200, %get3A_204 : vector<16xf32>
        %max3A_206 = arith.constant 0.000000e+00 : f32
        %max3A_207 = vector.broadcast %max3A_206 : f32 to vector<16xf32>
        %max3A_208 = arith.maximumf %add3A_205, %max3A_207 : vector<16xf32>
        %swap3A_209 = arith.index_cast %scan3A_80 : i32 to index
        %swap3A_210 = arith.constant 112 : index
        %swap3A_211 = tpu.vector_load %arg11[%swap3A_209, %swap3A_210] {strides = array<i32>} : memref<112x128xf32, #tpu.memory_space<vmem>>, vector<1x16xf32>,
        %swap3A_212 = vector.shape_cast %swap3A_211 : vector<1x16xf32> to vector<16xf32>
        %swap3A_213 = vector.shape_cast %max3A_208 : vector<16xf32> to vector<1x16xf32>
        tpu.vector_store %arg11[%swap3A_209, %swap3A_210], %swap3A_213 {strides = array<i32>} : memref<112x128xf32, #tpu.memory_space<vmem>>, vector<1x16xf32>,
      }
      %scan3A_79 = arith.constant 112 : i32
      "tpu.region"() ({
        %run_scoped3A = tpu.sem_alloc : memref<!tpu.dma_semaphore, #tpu.memory_space<semaphore_mem>>
        %dma_start3A_80 = arith.constant 0 : i32
        %dma_start3A_81 = arith.constant 0 : i32
        %dma_start3A_82 = tpu.memref_slice %arg12[%dma_start3A_80, %dma_start3A_81] : memref<12544x128xf32, #tpu.memory_space<vmem_shared>> -> memref<12544x128xf32, #tpu.memory_space<vmem_shared>>
        tpu.enqueue_indirect_dma source(%arg11 : memref<112x128xf32, #tpu.memory_space<vmem>>) target(%dma_start3A_82 : memref<12544x128xf32, #tpu.memory_space<vmem_shared>>) offsets(%arg9 : memref<112xi32, #tpu.memory_space<vmem>>) semaphore(%run_scoped3A : memref<!tpu.dma_semaphore, #tpu.memory_space<semaphore_mem>>) {add = true}
        %dma_wait3A_83 = arith.constant 0 : i32
        %dma_wait3A_84 = arith.constant 0 : i32
        %dma_wait3A_85 = tpu.memref_slice %arg12[%dma_wait3A_83, %dma_wait3A_84] : memref<12544x128xf32, #tpu.memory_space<vmem_shared>> -> memref<12544x128xf32, #tpu.memory_space<vmem_shared>>
        tpu.wait_indirect_dma semaphore(%run_scoped3A : memref<!tpu.dma_semaphore, #tpu.memory_space<semaphore_mem>>) src(%arg11 : memref<112x128xf32, #tpu.memory_space<vmem>>) dst(%dma_wait3A_85 : memref<12544x128xf32, #tpu.memory_space<vmem_shared>>)
        tpu.yield
      }) : () -> ()
    }
    %scan3A_17 = arith.constant 450 : i32
    %barrier3A_18 = arith.constant 0 : index
    tpu.barrier barrier_id(%barrier3A_18)
    %lt3A = arith.constant 15 : i32
    %lt3A_19 = arith.cmpi slt, %arg1, %lt3A : i32
    %convert_element_type3A = arith.extui %lt3A_19 : i1 to i32
    %cond3A = arith.constant 0 : i32
    %cond3A_20 = arith.cmpi ne, %convert_element_type3A, %cond3A : i32
    scf.if %cond3A_20 {
      %mul3A_60 = arith.constant 784 : i32
      %mul3A_61 = arith.muli %arg1, %mul3A_60 : i32
      %mul3A_62 = arith.constant 784 : i32
      %mul3A_63 = arith.muli %arg1, %mul3A_62 : i32
      %add3A_64 = arith.addi %mul3A_3, %mul3A_63 : i32
      "tpu.region"() ({
        %run_scoped3A = tpu.sem_alloc : memref<!tpu.dma_semaphore, #tpu.memory_space<semaphore_mem>>
        %dma_start3A = arith.constant 0 : i32
        %dma_start3A_65 = tpu.memref_slice %arg6[%add3A_64, %dma_start3A] : memref<50176x128xf32, #tpu.memory_space<hbm>> -> memref<784x128xf32, #tpu.memory_space<hbm>>
        %dma_start3A_66 = arith.constant 0 : i32
        %dma_start3A_67 = tpu.memref_slice %arg12[%mul3A_61, %dma_start3A_66] : memref<12544x128xf32, #tpu.memory_space<vmem_shared>> -> memref<784x128xf32, #tpu.memory_space<vmem_shared>>
        tpu.enqueue_dma source(%dma_start3A_67 : memref<784x128xf32, #tpu.memory_space<vmem_shared>>) target(%dma_start3A_65 : memref<784x128xf32, #tpu.memory_space<hbm>>) target_semaphore(%run_scoped3A : memref<!tpu.dma_semaphore, #tpu.memory_space<semaphore_mem>>)
        %dma_wait3A = arith.constant 0 : i32
        %dma_wait3A_68 = tpu.memref_slice %arg6[%add3A_64, %dma_wait3A] : memref<50176x128xf32, #tpu.memory_space<hbm>> -> memref<784x128xf32, #tpu.memory_space<hbm>>
        %dma_wait3A_69 = arith.constant 0 : i32
        %dma_wait3A_70 = tpu.memref_slice %arg12[%mul3A_61, %dma_wait3A_69] : memref<12544x128xf32, #tpu.memory_space<vmem_shared>> -> memref<784x128xf32, #tpu.memory_space<vmem_shared>>
        tpu.wait_dma2 semaphore(%run_scoped3A : memref<!tpu.dma_semaphore, #tpu.memory_space<semaphore_mem>>) src(%dma_wait3A_70 : memref<784x128xf32, #tpu.memory_space<vmem_shared>>) dst(%dma_wait3A_68 : memref<784x128xf32, #tpu.memory_space<hbm>>)
        tpu.yield
      }) : () -> ()
    } else {
    }
    %eq3A = arith.constant 15 : i32
    %eq3A_21 = arith.cmpi eq, %arg1, %eq3A : i32
    %convert_element_type3A_22 = arith.extui %eq3A_21 : i1 to i32
    %cond3A_23 = arith.constant 0 : i32
    %cond3A_24 = arith.cmpi ne, %convert_element_type3A_22, %cond3A_23 : i32
    scf.if %cond3A_24 {
      %add3A_60 = arith.constant 11760 : i32
      %add3A_61 = arith.addi %mul3A_3, %add3A_60 : i32
      "tpu.region"() ({
        %run_scoped3A = tpu.sem_alloc : memref<!tpu.dma_semaphore, #tpu.memory_space<semaphore_mem>>
        %dma_start3A = arith.constant 0 : i32
        %dma_start3A_62 = tpu.memref_slice %arg6[%add3A_61, %dma_start3A] : memref<50176x128xf32, #tpu.memory_space<hbm>> -> memref<752x128xf32, #tpu.memory_space<hbm>>
        %dma_start3A_63 = arith.constant 11760 : i32
        %dma_start3A_64 = arith.constant 0 : i32
        %dma_start3A_65 = tpu.memref_slice %arg12[%dma_start3A_63, %dma_start3A_64] : memref<12544x128xf32, #tpu.memory_space<vmem_shared>> -> memref<752x128xf32, #tpu.memory_space<vmem_shared>>
        tpu.enqueue_dma source(%dma_start3A_65 : memref<752x128xf32, #tpu.memory_space<vmem_shared>>) target(%dma_start3A_62 : memref<752x128xf32, #tpu.memory_space<hbm>>) target_semaphore(%run_scoped3A : memref<!tpu.dma_semaphore, #tpu.memory_space<semaphore_mem>>)
        %dma_wait3A = arith.constant 0 : i32
        %dma_wait3A_66 = tpu.memref_slice %arg6[%add3A_61, %dma_wait3A] : memref<50176x128xf32, #tpu.memory_space<hbm>> -> memref<752x128xf32, #tpu.memory_space<hbm>>
        %dma_wait3A_67 = arith.constant 11760 : i32
        %dma_wait3A_68 = arith.constant 0 : i32
        %dma_wait3A_69 = tpu.memref_slice %arg12[%dma_wait3A_67, %dma_wait3A_68] : memref<12544x128xf32, #tpu.memory_space<vmem_shared>> -> memref<752x128xf32, #tpu.memory_space<vmem_shared>>
        tpu.wait_dma2 semaphore(%run_scoped3A : memref<!tpu.dma_semaphore, #tpu.memory_space<semaphore_mem>>) src(%dma_wait3A_69 : memref<752x128xf32, #tpu.memory_space<vmem_shared>>) dst(%dma_wait3A_66 : memref<752x128xf32, #tpu.memory_space<hbm>>)
        tpu.yield
      }) : () -> ()
    } else {
    }
    %barrier3A_25 = arith.constant 0 : index
    tpu.barrier barrier_id(%barrier3A_25)
    %mul3A_26 = arith.constant 2 : i32
    %mul3A_27 = arith.muli %mul3A_26, %arg0 : i32
    %add3A_28 = arith.constant 1 : i32
    %add3A_29 = arith.addi %mul3A_27, %add3A_28 : i32
    %mul3A_30 = arith.constant 12512 : i32
    %mul3A_31 = arith.muli %add3A_29, %mul3A_30 : i32
    %scan3A_32 = arith.constant 0 : i32
    %scan3A_33 = arith.constant 112 : i32
    %scan3A_34 = arith.addi %scan3A_32, %scan3A_33 : i32
    %scan3A_35 = arith.constant 1 : i32
    scf.for %scan3A_60 = %scan3A_32 to %scan3A_34 step %scan3A_35  : i32 {
      %broadcast_in_dim3A = arith.constant 0.000000e+00 : f32
      %broadcast_in_dim3A_61 = vector.broadcast %broadcast_in_dim3A : f32 to vector<16xf32>
      %swap3A = arith.index_cast %scan3A_60 : i32 to index
      %swap3A_62 = arith.constant 0 : index
      %swap3A_63 = tpu.vector_load %arg10[%swap3A, %swap3A_62] {strides = array<i32>} : memref<112x128xf32, #tpu.memory_space<vmem>>, vector<1x16xf32>,
      %swap3A_64 = vector.shape_cast %swap3A_63 : vector<1x16xf32> to vector<16xf32>
      %swap3A_65 = vector.shape_cast %broadcast_in_dim3A_61 : vector<16xf32> to vector<1x16xf32>
      tpu.vector_store %arg10[%swap3A, %swap3A_62], %swap3A_65 {strides = array<i32>} : memref<112x128xf32, #tpu.memory_space<vmem>>, vector<1x16xf32>,
      %broadcast_in_dim3A_66 = arith.constant 0.000000e+00 : f32
      %broadcast_in_dim3A_67 = vector.broadcast %broadcast_in_dim3A_66 : f32 to vector<16xf32>
      %swap3A_68 = arith.index_cast %scan3A_60 : i32 to index
      %swap3A_69 = arith.constant 16 : index
      %swap3A_70 = tpu.vector_load %arg10[%swap3A_68, %swap3A_69] {strides = array<i32>} : memref<112x128xf32, #tpu.memory_space<vmem>>, vector<1x16xf32>,
      %swap3A_71 = vector.shape_cast %swap3A_70 : vector<1x16xf32> to vector<16xf32>
      %swap3A_72 = vector.shape_cast %broadcast_in_dim3A_67 : vector<16xf32> to vector<1x16xf32>
      tpu.vector_store %arg10[%swap3A_68, %swap3A_69], %swap3A_72 {strides = array<i32>} : memref<112x128xf32, #tpu.memory_space<vmem>>, vector<1x16xf32>,
      %broadcast_in_dim3A_73 = arith.constant 0.000000e+00 : f32
      %broadcast_in_dim3A_74 = vector.broadcast %broadcast_in_dim3A_73 : f32 to vector<16xf32>
      %swap3A_75 = arith.index_cast %scan3A_60 : i32 to index
      %swap3A_76 = arith.constant 32 : index
      %swap3A_77 = tpu.vector_load %arg10[%swap3A_75, %swap3A_76] {strides = array<i32>} : memref<112x128xf32, #tpu.memory_space<vmem>>, vector<1x16xf32>,
      %swap3A_78 = vector.shape_cast %swap3A_77 : vector<1x16xf32> to vector<16xf32>
      %swap3A_79 = vector.shape_cast %broadcast_in_dim3A_74 : vector<16xf32> to vector<1x16xf32>
      tpu.vector_store %arg10[%swap3A_75, %swap3A_76], %swap3A_79 {strides = array<i32>} : memref<112x128xf32, #tpu.memory_space<vmem>>, vector<1x16xf32>,
      %broadcast_in_dim3A_80 = arith.constant 0.000000e+00 : f32
      %broadcast_in_dim3A_81 = vector.broadcast %broadcast_in_dim3A_80 : f32 to vector<16xf32>
      %swap3A_82 = arith.index_cast %scan3A_60 : i32 to index
      %swap3A_83 = arith.constant 48 : index
      %swap3A_84 = tpu.vector_load %arg10[%swap3A_82, %swap3A_83] {strides = array<i32>} : memref<112x128xf32, #tpu.memory_space<vmem>>, vector<1x16xf32>,
      %swap3A_85 = vector.shape_cast %swap3A_84 : vector<1x16xf32> to vector<16xf32>
      %swap3A_86 = vector.shape_cast %broadcast_in_dim3A_81 : vector<16xf32> to vector<1x16xf32>
      tpu.vector_store %arg10[%swap3A_82, %swap3A_83], %swap3A_86 {strides = array<i32>} : memref<112x128xf32, #tpu.memory_space<vmem>>, vector<1x16xf32>,
      %broadcast_in_dim3A_87 = arith.constant 0.000000e+00 : f32
      %broadcast_in_dim3A_88 = vector.broadcast %broadcast_in_dim3A_87 : f32 to vector<16xf32>
      %swap3A_89 = arith.index_cast %scan3A_60 : i32 to index
      %swap3A_90 = arith.constant 64 : index
      %swap3A_91 = tpu.vector_load %arg10[%swap3A_89, %swap3A_90] {strides = array<i32>} : memref<112x128xf32, #tpu.memory_space<vmem>>, vector<1x16xf32>,
      %swap3A_92 = vector.shape_cast %swap3A_91 : vector<1x16xf32> to vector<16xf32>
      %swap3A_93 = vector.shape_cast %broadcast_in_dim3A_88 : vector<16xf32> to vector<1x16xf32>
      tpu.vector_store %arg10[%swap3A_89, %swap3A_90], %swap3A_93 {strides = array<i32>} : memref<112x128xf32, #tpu.memory_space<vmem>>, vector<1x16xf32>,
      %broadcast_in_dim3A_94 = arith.constant 0.000000e+00 : f32
      %broadcast_in_dim3A_95 = vector.broadcast %broadcast_in_dim3A_94 : f32 to vector<16xf32>
      %swap3A_96 = arith.index_cast %scan3A_60 : i32 to index
      %swap3A_97 = arith.constant 80 : index
      %swap3A_98 = tpu.vector_load %arg10[%swap3A_96, %swap3A_97] {strides = array<i32>} : memref<112x128xf32, #tpu.memory_space<vmem>>, vector<1x16xf32>,
      %swap3A_99 = vector.shape_cast %swap3A_98 : vector<1x16xf32> to vector<16xf32>
      %swap3A_100 = vector.shape_cast %broadcast_in_dim3A_95 : vector<16xf32> to vector<1x16xf32>
      tpu.vector_store %arg10[%swap3A_96, %swap3A_97], %swap3A_100 {strides = array<i32>} : memref<112x128xf32, #tpu.memory_space<vmem>>, vector<1x16xf32>,
      %broadcast_in_dim3A_101 = arith.constant 0.000000e+00 : f32
      %broadcast_in_dim3A_102 = vector.broadcast %broadcast_in_dim3A_101 : f32 to vector<16xf32>
      %swap3A_103 = arith.index_cast %scan3A_60 : i32 to index
      %swap3A_104 = arith.constant 96 : index
      %swap3A_105 = tpu.vector_load %arg10[%swap3A_103, %swap3A_104] {strides = array<i32>} : memref<112x128xf32, #tpu.memory_space<vmem>>, vector<1x16xf32>,
      %swap3A_106 = vector.shape_cast %swap3A_105 : vector<1x16xf32> to vector<16xf32>
      %swap3A_107 = vector.shape_cast %broadcast_in_dim3A_102 : vector<16xf32> to vector<1x16xf32>
      tpu.vector_store %arg10[%swap3A_103, %swap3A_104], %swap3A_107 {strides = array<i32>} : memref<112x128xf32, #tpu.memory_space<vmem>>, vector<1x16xf32>,
      %broadcast_in_dim3A_108 = arith.constant 0.000000e+00 : f32
      %broadcast_in_dim3A_109 = vector.broadcast %broadcast_in_dim3A_108 : f32 to vector<16xf32>
      %swap3A_110 = arith.index_cast %scan3A_60 : i32 to index
      %swap3A_111 = arith.constant 112 : index
      %swap3A_112 = tpu.vector_load %arg10[%swap3A_110, %swap3A_111] {strides = array<i32>} : memref<112x128xf32, #tpu.memory_space<vmem>>, vector<1x16xf32>,
      %swap3A_113 = vector.shape_cast %swap3A_112 : vector<1x16xf32> to vector<16xf32>
      %swap3A_114 = vector.shape_cast %broadcast_in_dim3A_109 : vector<16xf32> to vector<1x16xf32>
      tpu.vector_store %arg10[%swap3A_110, %swap3A_111], %swap3A_114 {strides = array<i32>} : memref<112x128xf32, #tpu.memory_space<vmem>>, vector<1x16xf32>,
    }
    %scan3A_36 = arith.constant 112 : i32
    %scan3A_37 = arith.constant 0 : i32
    %scan3A_38 = arith.constant 7 : i32
    %scan3A_39 = arith.addi %scan3A_37, %scan3A_38 : i32
    %scan3A_40 = arith.constant 1 : i32
    scf.for %scan3A_60 = %scan3A_37 to %scan3A_39 step %scan3A_40  : i32 {
      %mul3A_61 = arith.constant 784 : i32
      %mul3A_62 = arith.muli %arg1, %mul3A_61 : i32
      %mul3A_63 = arith.constant 112 : i32
      %mul3A_64 = arith.muli %scan3A_60, %mul3A_63 : i32
      %add3A_65 = arith.addi %mul3A_62, %mul3A_64 : i32
      "tpu.region"() ({
        %run_scoped3A = tpu.sem_alloc : memref<!tpu.dma_semaphore, #tpu.memory_space<semaphore_mem>>
        %dma_start3A = arith.constant 0 : i32
        %dma_start3A_66 = tpu.memref_slice %arg12[%add3A_65, %dma_start3A] : memref<12544x128xf32, #tpu.memory_space<vmem_shared>> -> memref<112x128xf32, #tpu.memory_space<vmem_shared>>
        %dma_start3A_67 = arith.constant 0 : i32
        %dma_start3A_68 = tpu.memref_slice %arg12[%add3A_65, %dma_start3A_67] : memref<12544x128xf32, #tpu.memory_space<vmem_shared>> -> memref<112x128xf32, #tpu.memory_space<vmem_shared>>
        tpu.enqueue_dma source(%arg10 : memref<112x128xf32, #tpu.memory_space<vmem>>) target(%dma_start3A_68 : memref<112x128xf32, #tpu.memory_space<vmem_shared>>) target_semaphore(%run_scoped3A : memref<!tpu.dma_semaphore, #tpu.memory_space<semaphore_mem>>)
        %dma_wait3A = arith.constant 0 : i32
        %dma_wait3A_69 = tpu.memref_slice %arg12[%add3A_65, %dma_wait3A] : memref<12544x128xf32, #tpu.memory_space<vmem_shared>> -> memref<112x128xf32, #tpu.memory_space<vmem_shared>>
        %dma_wait3A_70 = arith.constant 0 : i32
        %dma_wait3A_71 = tpu.memref_slice %arg12[%add3A_65, %dma_wait3A_70] : memref<12544x128xf32, #tpu.memory_space<vmem_shared>> -> memref<112x128xf32, #tpu.memory_space<vmem_shared>>
        tpu.wait_dma2 semaphore(%run_scoped3A : memref<!tpu.dma_semaphore, #tpu.memory_space<semaphore_mem>>) src(%arg10 : memref<112x128xf32, #tpu.memory_space<vmem>>) dst(%dma_wait3A_71 : memref<112x128xf32, #tpu.memory_space<vmem_shared>>)
        tpu.yield
      }) : () -> ()
    }
    %scan3A_41 = arith.constant 7 : i32
    %barrier3A_42 = arith.constant 0 : index
    tpu.barrier barrier_id(%barrier3A_42)
    %scan3A_43 = arith.constant 0 : i32
    %scan3A_44 = arith.constant 450 : i32
    %scan3A_45 = arith.addi %scan3A_43, %scan3A_44 : i32
    %scan3A_46 = arith.constant 1 : i32
    scf.for %scan3A_60 = %scan3A_43 to %scan3A_45 step %scan3A_46  : i32 {
      %mul3A_61 = arith.constant 450 : i32
      %mul3A_62 = arith.muli %arg1, %mul3A_61 : i32
      %add3A_63 = arith.addi %mul3A_62, %scan3A_60 : i32
      %mul3A_64 = arith.constant 112 : i32
      %mul3A_65 = arith.muli %add3A_63, %mul3A_64 : i32
      "tpu.region"() ({
        %run_scoped3A = tpu.sem_alloc : memref<!tpu.dma_semaphore, #tpu.memory_space<semaphore_mem>>
        %dma_start3A_80 = tpu.memref_slice %arg4[%mul3A_65] : memref<806400xi32, #tpu.memory_space<hbm>> -> memref<112xi32, #tpu.memory_space<hbm>>
        %dma_start3A_81 = tpu.memref_slice %arg4[%mul3A_65] : memref<806400xi32, #tpu.memory_space<hbm>> -> memref<112xi32, #tpu.memory_space<hbm>>
        tpu.enqueue_dma source(%dma_start3A_81 : memref<112xi32, #tpu.memory_space<hbm>>) target(%arg7 : memref<112xi32, #tpu.memory_space<vmem>>) target_semaphore(%run_scoped3A : memref<!tpu.dma_semaphore, #tpu.memory_space<semaphore_mem>>)
        %dma_wait3A_82 = tpu.memref_slice %arg4[%mul3A_65] : memref<806400xi32, #tpu.memory_space<hbm>> -> memref<112xi32, #tpu.memory_space<hbm>>
        %dma_wait3A_83 = tpu.memref_slice %arg4[%mul3A_65] : memref<806400xi32, #tpu.memory_space<hbm>> -> memref<112xi32, #tpu.memory_space<hbm>>
        tpu.wait_dma2 semaphore(%run_scoped3A : memref<!tpu.dma_semaphore, #tpu.memory_space<semaphore_mem>>) src(%dma_wait3A_83 : memref<112xi32, #tpu.memory_space<hbm>>) dst(%arg7 : memref<112xi32, #tpu.memory_space<vmem>>)
        tpu.yield
      }) : () -> ()
      "tpu.region"() ({
        %run_scoped3A = tpu.sem_alloc : memref<!tpu.dma_semaphore, #tpu.memory_space<semaphore_mem>>
        %dma_start3A_80 = tpu.memref_slice %arg5[%mul3A_65] : memref<806400xi32, #tpu.memory_space<hbm>> -> memref<112xi32, #tpu.memory_space<hbm>>
        %dma_start3A_81 = tpu.memref_slice %arg5[%mul3A_65] : memref<806400xi32, #tpu.memory_space<hbm>> -> memref<112xi32, #tpu.memory_space<hbm>>
        tpu.enqueue_dma source(%dma_start3A_81 : memref<112xi32, #tpu.memory_space<hbm>>) target(%arg8 : memref<112xi32, #tpu.memory_space<vmem>>) target_semaphore(%run_scoped3A : memref<!tpu.dma_semaphore, #tpu.memory_space<semaphore_mem>>)
        %dma_wait3A_82 = tpu.memref_slice %arg5[%mul3A_65] : memref<806400xi32, #tpu.memory_space<hbm>> -> memref<112xi32, #tpu.memory_space<hbm>>
        %dma_wait3A_83 = tpu.memref_slice %arg5[%mul3A_65] : memref<806400xi32, #tpu.memory_space<hbm>> -> memref<112xi32, #tpu.memory_space<hbm>>
        tpu.wait_dma2 semaphore(%run_scoped3A : memref<!tpu.dma_semaphore, #tpu.memory_space<semaphore_mem>>) src(%dma_wait3A_83 : memref<112xi32, #tpu.memory_space<hbm>>) dst(%arg8 : memref<112xi32, #tpu.memory_space<vmem>>)
        tpu.yield
      }) : () -> ()
      "tpu.region"() ({
        %run_scoped3A = tpu.sem_alloc : memref<!tpu.dma_semaphore, #tpu.memory_space<semaphore_mem>>
        %dma_start3A_80 = arith.constant 0 : i32
        %dma_start3A_81 = tpu.memref_slice %arg3[%mul3A_65, %dma_start3A_80] : memref<806400x128xf32, #tpu.memory_space<hbm>> -> memref<112x128xf32, #tpu.memory_space<hbm>>
        %dma_start3A_82 = arith.constant 0 : i32
        %dma_start3A_83 = tpu.memref_slice %arg3[%mul3A_65, %dma_start3A_82] : memref<806400x128xf32, #tpu.memory_space<hbm>> -> memref<112x128xf32, #tpu.memory_space<hbm>>
        tpu.enqueue_dma source(%dma_start3A_83 : memref<112x128xf32, #tpu.memory_space<hbm>>) target(%arg10 : memref<112x128xf32, #tpu.memory_space<vmem>>) target_semaphore(%run_scoped3A : memref<!tpu.dma_semaphore, #tpu.memory_space<semaphore_mem>>)
        %dma_wait3A_84 = arith.constant 0 : i32
        %dma_wait3A_85 = tpu.memref_slice %arg3[%mul3A_65, %dma_wait3A_84] : memref<806400x128xf32, #tpu.memory_space<hbm>> -> memref<112x128xf32, #tpu.memory_space<hbm>>
        %dma_wait3A_86 = arith.constant 0 : i32
        %dma_wait3A_87 = tpu.memref_slice %arg3[%mul3A_65, %dma_wait3A_86] : memref<806400x128xf32, #tpu.memory_space<hbm>> -> memref<112x128xf32, #tpu.memory_space<hbm>>
        tpu.wait_dma2 semaphore(%run_scoped3A : memref<!tpu.dma_semaphore, #tpu.memory_space<semaphore_mem>>) src(%dma_wait3A_87 : memref<112x128xf32, #tpu.memory_space<hbm>>) dst(%arg10 : memref<112x128xf32, #tpu.memory_space<vmem>>)
        tpu.yield
      }) : () -> ()
      %dma_start3A = arith.constant 0 : i32
      %dma_start3A_66 = arith.constant 0 : i32
      %dma_start3A_67 = tpu.memref_slice %arg2[%dma_start3A, %dma_start3A_66] : memref<50176x128xf32, #tpu.memory_space<hbm>> -> memref<50176x128xf32, #tpu.memory_space<hbm>>
      tpu.enqueue_indirect_dma source(%dma_start3A_67 : memref<50176x128xf32, #tpu.memory_space<hbm>>) target(%arg11 : memref<112x128xf32, #tpu.memory_space<vmem>>) offsets(%arg7 : memref<112xi32, #tpu.memory_space<vmem>>) semaphore(%arg13 : memref<!tpu.dma_semaphore, #tpu.memory_space<semaphore_mem>>)
      %dma_wait3A = arith.constant 0 : i32
      %dma_wait3A_68 = arith.constant 0 : i32
      %dma_wait3A_69 = tpu.memref_slice %arg2[%dma_wait3A, %dma_wait3A_68] : memref<50176x128xf32, #tpu.memory_space<hbm>> -> memref<50176x128xf32, #tpu.memory_space<hbm>>
      tpu.wait_indirect_dma semaphore(%arg13 : memref<!tpu.dma_semaphore, #tpu.memory_space<semaphore_mem>>) src(%dma_wait3A_69 : memref<50176x128xf32, #tpu.memory_space<hbm>>) dst(%arg11 : memref<112x128xf32, #tpu.memory_space<vmem>>)
      %scan3A_70 = arith.constant 0 : i32
      %scan3A_71 = arith.constant 7 : i32
      %scan3A_72 = arith.addi %scan3A_70, %scan3A_71 : i32
      %scan3A_73 = arith.constant 1 : i32
      scf.for %scan3A_80 = %scan3A_70 to %scan3A_72 step %scan3A_73  : i32 {
        %mul3A_81 = arith.constant 16 : i32
        %mul3A_82 = arith.muli %scan3A_80, %mul3A_81 : i32
        %get3A = arith.index_cast %mul3A_82 : i32 to index
        %get3A_83 = tpu.vector_load %arg8[%get3A] {strides = array<i32>} : memref<112xi32, #tpu.memory_space<vmem>>, vector<16xi32>,
        %get3A_84 = vector.shape_cast %get3A_83 : vector<16xi32> to vector<16xi32>
        %ge3A = vector.broadcast %mul3A_31 : i32 to vector<16xi32>
        %ge3A_85 = arith.cmpi sge, %get3A_84, %ge3A : vector<16xi32>
        %add3A_86 = arith.constant 12512 : i32
        %add3A_87 = arith.addi %mul3A_31, %add3A_86 : i32
        %lt3A_88 = vector.broadcast %add3A_87 : i32 to vector<16xi32>
        %lt3A_89 = arith.cmpi slt, %get3A_84, %lt3A_88 : vector<16xi32>
        %and3A = arith.andi %ge3A_85, %lt3A_89 : vector<16xi1>
        %sub3A = vector.broadcast %mul3A_31 : i32 to vector<16xi32>
        %sub3A_90 = arith.subi %get3A_84, %sub3A : vector<16xi32>
        %add3A_91 = arith.constant 12512 : i32
        %add3A_92 = vector.broadcast %add3A_91 : i32 to vector<16xi32>
        %add3A_93 = arith.addi %add3A_92, %iota3A : vector<16xi32>
        %jit3A = arith.constant 2 : i32
        %eq3A_94 = arith.constant 0 : i32
        %eq3A_95 = arith.cmpi eq, %jit3A, %eq3A_94 : i32
        %jit3A_96 = arith.constant 1 : i32
        %select_n3A = arith.select %eq3A_95, %jit3A_96, %jit3A : i32
        %rem3A = arith.remsi %scan3A_80, %select_n3A : i32
        %ne3A = arith.constant 0 : i32
        %ne3A_97 = arith.cmpi ne, %rem3A, %ne3A : i32
        %lt3A_98 = arith.constant 0 : i32
        %lt3A_99 = arith.cmpi slt, %rem3A, %lt3A_98 : i32
        %lt3A_100 = arith.constant 0 : i32
        %lt3A_101 = arith.cmpi slt, %select_n3A, %lt3A_100 : i32
        %ne3A_102 = arith.xori %lt3A_99, %lt3A_101 : i1
        %and3A_103 = arith.andi %ne3A_102, %ne3A_97 : i1
        %add3A_104 = arith.addi %rem3A, %select_n3A : i32
        %select_n3A_105 = arith.select %and3A_103, %add3A_104, %rem3A : i32
        %mul3A_106 = arith.constant 16 : i32
        %mul3A_107 = arith.muli %mul3A_106, %select_n3A_105 : i32
        %add3A_108 = vector.broadcast %mul3A_107 : i32 to vector<16xi32>
        %add3A_109 = arith.addi %add3A_93, %add3A_108 : vector<16xi32>
        %select_n3A_110 = arith.select %and3A, %sub3A_90, %add3A_109 : vector<16xi1>, vector<16xi32>
        %mul3A_111 = arith.constant 16 : i32
        %mul3A_112 = arith.muli %scan3A_80, %mul3A_111 : i32
        %swap3A = arith.index_cast %mul3A_112 : i32 to index
        %swap3A_113 = tpu.vector_load %arg9[%swap3A] {strides = array<i32>} : memref<112xi32, #tpu.memory_space<vmem>>, vector<16xi32>,
        %swap3A_114 = vector.shape_cast %swap3A_113 : vector<16xi32> to vector<16xi32>
        %swap3A_115 = vector.shape_cast %select_n3A_110 : vector<16xi32> to vector<16xi32>
        tpu.vector_store %arg9[%swap3A], %swap3A_115 {strides = array<i32>} : memref<112xi32, #tpu.memory_space<vmem>>, vector<16xi32>,
      }
      %scan3A_74 = arith.constant 7 : i32
      %scan3A_75 = arith.constant 0 : i32
      %scan3A_76 = arith.constant 112 : i32
      %scan3A_77 = arith.addi %scan3A_75, %scan3A_76 : i32
      %scan3A_78 = arith.constant 1 : i32
      scf.for %scan3A_80 = %scan3A_75 to %scan3A_77 step %scan3A_78  : i32 {
        %get3A = arith.index_cast %scan3A_80 : i32 to index
        %get3A_81 = arith.constant 0 : index
        %get3A_82 = tpu.vector_load %arg11[%get3A, %get3A_81] {strides = array<i32>} : memref<112x128xf32, #tpu.memory_space<vmem>>, vector<1x16xf32>,
        %get3A_83 = vector.shape_cast %get3A_82 : vector<1x16xf32> to vector<16xf32>
        %get3A_84 = arith.index_cast %scan3A_80 : i32 to index
        %get3A_85 = arith.constant 0 : index
        %get3A_86 = tpu.vector_load %arg10[%get3A_84, %get3A_85] {strides = array<i32>} : memref<112x128xf32, #tpu.memory_space<vmem>>, vector<1x16xf32>,
        %get3A_87 = vector.shape_cast %get3A_86 : vector<1x16xf32> to vector<16xf32>
        %add3A_88 = arith.addf %get3A_83, %get3A_87 : vector<16xf32>
        %max3A = arith.constant 0.000000e+00 : f32
        %max3A_89 = vector.broadcast %max3A : f32 to vector<16xf32>
        %max3A_90 = arith.maximumf %add3A_88, %max3A_89 : vector<16xf32>
        %swap3A = arith.index_cast %scan3A_80 : i32 to index
        %swap3A_91 = arith.constant 0 : index
        %swap3A_92 = tpu.vector_load %arg11[%swap3A, %swap3A_91] {strides = array<i32>} : memref<112x128xf32, #tpu.memory_space<vmem>>, vector<1x16xf32>,
        %swap3A_93 = vector.shape_cast %swap3A_92 : vector<1x16xf32> to vector<16xf32>
        %swap3A_94 = vector.shape_cast %max3A_90 : vector<16xf32> to vector<1x16xf32>
        tpu.vector_store %arg11[%swap3A, %swap3A_91], %swap3A_94 {strides = array<i32>} : memref<112x128xf32, #tpu.memory_space<vmem>>, vector<1x16xf32>,
        %get3A_95 = arith.index_cast %scan3A_80 : i32 to index
        %get3A_96 = arith.constant 16 : index
        %get3A_97 = tpu.vector_load %arg11[%get3A_95, %get3A_96] {strides = array<i32>} : memref<112x128xf32, #tpu.memory_space<vmem>>, vector<1x16xf32>,
        %get3A_98 = vector.shape_cast %get3A_97 : vector<1x16xf32> to vector<16xf32>
        %get3A_99 = arith.index_cast %scan3A_80 : i32 to index
        %get3A_100 = arith.constant 16 : index
        %get3A_101 = tpu.vector_load %arg10[%get3A_99, %get3A_100] {strides = array<i32>} : memref<112x128xf32, #tpu.memory_space<vmem>>, vector<1x16xf32>,
        %get3A_102 = vector.shape_cast %get3A_101 : vector<1x16xf32> to vector<16xf32>
        %add3A_103 = arith.addf %get3A_98, %get3A_102 : vector<16xf32>
        %max3A_104 = arith.constant 0.000000e+00 : f32
        %max3A_105 = vector.broadcast %max3A_104 : f32 to vector<16xf32>
        %max3A_106 = arith.maximumf %add3A_103, %max3A_105 : vector<16xf32>
        %swap3A_107 = arith.index_cast %scan3A_80 : i32 to index
        %swap3A_108 = arith.constant 16 : index
        %swap3A_109 = tpu.vector_load %arg11[%swap3A_107, %swap3A_108] {strides = array<i32>} : memref<112x128xf32, #tpu.memory_space<vmem>>, vector<1x16xf32>,
        %swap3A_110 = vector.shape_cast %swap3A_109 : vector<1x16xf32> to vector<16xf32>
        %swap3A_111 = vector.shape_cast %max3A_106 : vector<16xf32> to vector<1x16xf32>
        tpu.vector_store %arg11[%swap3A_107, %swap3A_108], %swap3A_111 {strides = array<i32>} : memref<112x128xf32, #tpu.memory_space<vmem>>, vector<1x16xf32>,
        %get3A_112 = arith.index_cast %scan3A_80 : i32 to index
        %get3A_113 = arith.constant 32 : index
        %get3A_114 = tpu.vector_load %arg11[%get3A_112, %get3A_113] {strides = array<i32>} : memref<112x128xf32, #tpu.memory_space<vmem>>, vector<1x16xf32>,
        %get3A_115 = vector.shape_cast %get3A_114 : vector<1x16xf32> to vector<16xf32>
        %get3A_116 = arith.index_cast %scan3A_80 : i32 to index
        %get3A_117 = arith.constant 32 : index
        %get3A_118 = tpu.vector_load %arg10[%get3A_116, %get3A_117] {strides = array<i32>} : memref<112x128xf32, #tpu.memory_space<vmem>>, vector<1x16xf32>,
        %get3A_119 = vector.shape_cast %get3A_118 : vector<1x16xf32> to vector<16xf32>
        %add3A_120 = arith.addf %get3A_115, %get3A_119 : vector<16xf32>
        %max3A_121 = arith.constant 0.000000e+00 : f32
        %max3A_122 = vector.broadcast %max3A_121 : f32 to vector<16xf32>
        %max3A_123 = arith.maximumf %add3A_120, %max3A_122 : vector<16xf32>
        %swap3A_124 = arith.index_cast %scan3A_80 : i32 to index
        %swap3A_125 = arith.constant 32 : index
        %swap3A_126 = tpu.vector_load %arg11[%swap3A_124, %swap3A_125] {strides = array<i32>} : memref<112x128xf32, #tpu.memory_space<vmem>>, vector<1x16xf32>,
        %swap3A_127 = vector.shape_cast %swap3A_126 : vector<1x16xf32> to vector<16xf32>
        %swap3A_128 = vector.shape_cast %max3A_123 : vector<16xf32> to vector<1x16xf32>
        tpu.vector_store %arg11[%swap3A_124, %swap3A_125], %swap3A_128 {strides = array<i32>} : memref<112x128xf32, #tpu.memory_space<vmem>>, vector<1x16xf32>,
        %get3A_129 = arith.index_cast %scan3A_80 : i32 to index
        %get3A_130 = arith.constant 48 : index
        %get3A_131 = tpu.vector_load %arg11[%get3A_129, %get3A_130] {strides = array<i32>} : memref<112x128xf32, #tpu.memory_space<vmem>>, vector<1x16xf32>,
        %get3A_132 = vector.shape_cast %get3A_131 : vector<1x16xf32> to vector<16xf32>
        %get3A_133 = arith.index_cast %scan3A_80 : i32 to index
        %get3A_134 = arith.constant 48 : index
        %get3A_135 = tpu.vector_load %arg10[%get3A_133, %get3A_134] {strides = array<i32>} : memref<112x128xf32, #tpu.memory_space<vmem>>, vector<1x16xf32>,
        %get3A_136 = vector.shape_cast %get3A_135 : vector<1x16xf32> to vector<16xf32>
        %add3A_137 = arith.addf %get3A_132, %get3A_136 : vector<16xf32>
        %max3A_138 = arith.constant 0.000000e+00 : f32
        %max3A_139 = vector.broadcast %max3A_138 : f32 to vector<16xf32>
        %max3A_140 = arith.maximumf %add3A_137, %max3A_139 : vector<16xf32>
        %swap3A_141 = arith.index_cast %scan3A_80 : i32 to index
        %swap3A_142 = arith.constant 48 : index
        %swap3A_143 = tpu.vector_load %arg11[%swap3A_141, %swap3A_142] {strides = array<i32>} : memref<112x128xf32, #tpu.memory_space<vmem>>, vector<1x16xf32>,
        %swap3A_144 = vector.shape_cast %swap3A_143 : vector<1x16xf32> to vector<16xf32>
        %swap3A_145 = vector.shape_cast %max3A_140 : vector<16xf32> to vector<1x16xf32>
        tpu.vector_store %arg11[%swap3A_141, %swap3A_142], %swap3A_145 {strides = array<i32>} : memref<112x128xf32, #tpu.memory_space<vmem>>, vector<1x16xf32>,
        %get3A_146 = arith.index_cast %scan3A_80 : i32 to index
        %get3A_147 = arith.constant 64 : index
        %get3A_148 = tpu.vector_load %arg11[%get3A_146, %get3A_147] {strides = array<i32>} : memref<112x128xf32, #tpu.memory_space<vmem>>, vector<1x16xf32>,
        %get3A_149 = vector.shape_cast %get3A_148 : vector<1x16xf32> to vector<16xf32>
        %get3A_150 = arith.index_cast %scan3A_80 : i32 to index
        %get3A_151 = arith.constant 64 : index
        %get3A_152 = tpu.vector_load %arg10[%get3A_150, %get3A_151] {strides = array<i32>} : memref<112x128xf32, #tpu.memory_space<vmem>>, vector<1x16xf32>,
        %get3A_153 = vector.shape_cast %get3A_152 : vector<1x16xf32> to vector<16xf32>
        %add3A_154 = arith.addf %get3A_149, %get3A_153 : vector<16xf32>
        %max3A_155 = arith.constant 0.000000e+00 : f32
        %max3A_156 = vector.broadcast %max3A_155 : f32 to vector<16xf32>
        %max3A_157 = arith.maximumf %add3A_154, %max3A_156 : vector<16xf32>
        %swap3A_158 = arith.index_cast %scan3A_80 : i32 to index
        %swap3A_159 = arith.constant 64 : index
        %swap3A_160 = tpu.vector_load %arg11[%swap3A_158, %swap3A_159] {strides = array<i32>} : memref<112x128xf32, #tpu.memory_space<vmem>>, vector<1x16xf32>,
        %swap3A_161 = vector.shape_cast %swap3A_160 : vector<1x16xf32> to vector<16xf32>
        %swap3A_162 = vector.shape_cast %max3A_157 : vector<16xf32> to vector<1x16xf32>
        tpu.vector_store %arg11[%swap3A_158, %swap3A_159], %swap3A_162 {strides = array<i32>} : memref<112x128xf32, #tpu.memory_space<vmem>>, vector<1x16xf32>,
        %get3A_163 = arith.index_cast %scan3A_80 : i32 to index
        %get3A_164 = arith.constant 80 : index
        %get3A_165 = tpu.vector_load %arg11[%get3A_163, %get3A_164] {strides = array<i32>} : memref<112x128xf32, #tpu.memory_space<vmem>>, vector<1x16xf32>,
        %get3A_166 = vector.shape_cast %get3A_165 : vector<1x16xf32> to vector<16xf32>
        %get3A_167 = arith.index_cast %scan3A_80 : i32 to index
        %get3A_168 = arith.constant 80 : index
        %get3A_169 = tpu.vector_load %arg10[%get3A_167, %get3A_168] {strides = array<i32>} : memref<112x128xf32, #tpu.memory_space<vmem>>, vector<1x16xf32>,
        %get3A_170 = vector.shape_cast %get3A_169 : vector<1x16xf32> to vector<16xf32>
        %add3A_171 = arith.addf %get3A_166, %get3A_170 : vector<16xf32>
        %max3A_172 = arith.constant 0.000000e+00 : f32
        %max3A_173 = vector.broadcast %max3A_172 : f32 to vector<16xf32>
        %max3A_174 = arith.maximumf %add3A_171, %max3A_173 : vector<16xf32>
        %swap3A_175 = arith.index_cast %scan3A_80 : i32 to index
        %swap3A_176 = arith.constant 80 : index
        %swap3A_177 = tpu.vector_load %arg11[%swap3A_175, %swap3A_176] {strides = array<i32>} : memref<112x128xf32, #tpu.memory_space<vmem>>, vector<1x16xf32>,
        %swap3A_178 = vector.shape_cast %swap3A_177 : vector<1x16xf32> to vector<16xf32>
        %swap3A_179 = vector.shape_cast %max3A_174 : vector<16xf32> to vector<1x16xf32>
        tpu.vector_store %arg11[%swap3A_175, %swap3A_176], %swap3A_179 {strides = array<i32>} : memref<112x128xf32, #tpu.memory_space<vmem>>, vector<1x16xf32>,
        %get3A_180 = arith.index_cast %scan3A_80 : i32 to index
        %get3A_181 = arith.constant 96 : index
        %get3A_182 = tpu.vector_load %arg11[%get3A_180, %get3A_181] {strides = array<i32>} : memref<112x128xf32, #tpu.memory_space<vmem>>, vector<1x16xf32>,
        %get3A_183 = vector.shape_cast %get3A_182 : vector<1x16xf32> to vector<16xf32>
        %get3A_184 = arith.index_cast %scan3A_80 : i32 to index
        %get3A_185 = arith.constant 96 : index
        %get3A_186 = tpu.vector_load %arg10[%get3A_184, %get3A_185] {strides = array<i32>} : memref<112x128xf32, #tpu.memory_space<vmem>>, vector<1x16xf32>,
        %get3A_187 = vector.shape_cast %get3A_186 : vector<1x16xf32> to vector<16xf32>
        %add3A_188 = arith.addf %get3A_183, %get3A_187 : vector<16xf32>
        %max3A_189 = arith.constant 0.000000e+00 : f32
        %max3A_190 = vector.broadcast %max3A_189 : f32 to vector<16xf32>
        %max3A_191 = arith.maximumf %add3A_188, %max3A_190 : vector<16xf32>
        %swap3A_192 = arith.index_cast %scan3A_80 : i32 to index
        %swap3A_193 = arith.constant 96 : index
        %swap3A_194 = tpu.vector_load %arg11[%swap3A_192, %swap3A_193] {strides = array<i32>} : memref<112x128xf32, #tpu.memory_space<vmem>>, vector<1x16xf32>,
        %swap3A_195 = vector.shape_cast %swap3A_194 : vector<1x16xf32> to vector<16xf32>
        %swap3A_196 = vector.shape_cast %max3A_191 : vector<16xf32> to vector<1x16xf32>
        tpu.vector_store %arg11[%swap3A_192, %swap3A_193], %swap3A_196 {strides = array<i32>} : memref<112x128xf32, #tpu.memory_space<vmem>>, vector<1x16xf32>,
        %get3A_197 = arith.index_cast %scan3A_80 : i32 to index
        %get3A_198 = arith.constant 112 : index
        %get3A_199 = tpu.vector_load %arg11[%get3A_197, %get3A_198] {strides = array<i32>} : memref<112x128xf32, #tpu.memory_space<vmem>>, vector<1x16xf32>,
        %get3A_200 = vector.shape_cast %get3A_199 : vector<1x16xf32> to vector<16xf32>
        %get3A_201 = arith.index_cast %scan3A_80 : i32 to index
        %get3A_202 = arith.constant 112 : index
        %get3A_203 = tpu.vector_load %arg10[%get3A_201, %get3A_202] {strides = array<i32>} : memref<112x128xf32, #tpu.memory_space<vmem>>, vector<1x16xf32>,
        %get3A_204 = vector.shape_cast %get3A_203 : vector<1x16xf32> to vector<16xf32>
        %add3A_205 = arith.addf %get3A_200, %get3A_204 : vector<16xf32>
        %max3A_206 = arith.constant 0.000000e+00 : f32
        %max3A_207 = vector.broadcast %max3A_206 : f32 to vector<16xf32>
        %max3A_208 = arith.maximumf %add3A_205, %max3A_207 : vector<16xf32>
        %swap3A_209 = arith.index_cast %scan3A_80 : i32 to index
        %swap3A_210 = arith.constant 112 : index
        %swap3A_211 = tpu.vector_load %arg11[%swap3A_209, %swap3A_210] {strides = array<i32>} : memref<112x128xf32, #tpu.memory_space<vmem>>, vector<1x16xf32>,
        %swap3A_212 = vector.shape_cast %swap3A_211 : vector<1x16xf32> to vector<16xf32>
        %swap3A_213 = vector.shape_cast %max3A_208 : vector<16xf32> to vector<1x16xf32>
        tpu.vector_store %arg11[%swap3A_209, %swap3A_210], %swap3A_213 {strides = array<i32>} : memref<112x128xf32, #tpu.memory_space<vmem>>, vector<1x16xf32>,
      }
      %scan3A_79 = arith.constant 112 : i32
      "tpu.region"() ({
        %run_scoped3A = tpu.sem_alloc : memref<!tpu.dma_semaphore, #tpu.memory_space<semaphore_mem>>
        %dma_start3A_80 = arith.constant 0 : i32
        %dma_start3A_81 = arith.constant 0 : i32
        %dma_start3A_82 = tpu.memref_slice %arg12[%dma_start3A_80, %dma_start3A_81] : memref<12544x128xf32, #tpu.memory_space<vmem_shared>> -> memref<12544x128xf32, #tpu.memory_space<vmem_shared>>
        tpu.enqueue_indirect_dma source(%arg11 : memref<112x128xf32, #tpu.memory_space<vmem>>) target(%dma_start3A_82 : memref<12544x128xf32, #tpu.memory_space<vmem_shared>>) offsets(%arg9 : memref<112xi32, #tpu.memory_space<vmem>>) semaphore(%run_scoped3A : memref<!tpu.dma_semaphore, #tpu.memory_space<semaphore_mem>>) {add = true}
        %dma_wait3A_83 = arith.constant 0 : i32
        %dma_wait3A_84 = arith.constant 0 : i32
        %dma_wait3A_85 = tpu.memref_slice %arg12[%dma_wait3A_83, %dma_wait3A_84] : memref<12544x128xf32, #tpu.memory_space<vmem_shared>> -> memref<12544x128xf32, #tpu.memory_space<vmem_shared>>
        tpu.wait_indirect_dma semaphore(%run_scoped3A : memref<!tpu.dma_semaphore, #tpu.memory_space<semaphore_mem>>) src(%arg11 : memref<112x128xf32, #tpu.memory_space<vmem>>) dst(%dma_wait3A_85 : memref<12544x128xf32, #tpu.memory_space<vmem_shared>>)
        tpu.yield
      }) : () -> ()
    }
    %scan3A_47 = arith.constant 450 : i32
    %barrier3A_48 = arith.constant 0 : index
    tpu.barrier barrier_id(%barrier3A_48)
    %lt3A_49 = arith.constant 15 : i32
    %lt3A_50 = arith.cmpi slt, %arg1, %lt3A_49 : i32
    %convert_element_type3A_51 = arith.extui %lt3A_50 : i1 to i32
    %cond3A_52 = arith.constant 0 : i32
    %cond3A_53 = arith.cmpi ne, %convert_element_type3A_51, %cond3A_52 : i32
    scf.if %cond3A_53 {
      %mul3A_60 = arith.constant 784 : i32
      %mul3A_61 = arith.muli %arg1, %mul3A_60 : i32
      %mul3A_62 = arith.constant 784 : i32
      %mul3A_63 = arith.muli %arg1, %mul3A_62 : i32
      %add3A_64 = arith.addi %mul3A_31, %mul3A_63 : i32
      "tpu.region"() ({
        %run_scoped3A = tpu.sem_alloc : memref<!tpu.dma_semaphore, #tpu.memory_space<semaphore_mem>>
        %dma_start3A = arith.constant 0 : i32
        %dma_start3A_65 = tpu.memref_slice %arg6[%add3A_64, %dma_start3A] : memref<50176x128xf32, #tpu.memory_space<hbm>> -> memref<784x128xf32, #tpu.memory_space<hbm>>
        %dma_start3A_66 = arith.constant 0 : i32
        %dma_start3A_67 = tpu.memref_slice %arg12[%mul3A_61, %dma_start3A_66] : memref<12544x128xf32, #tpu.memory_space<vmem_shared>> -> memref<784x128xf32, #tpu.memory_space<vmem_shared>>
        tpu.enqueue_dma source(%dma_start3A_67 : memref<784x128xf32, #tpu.memory_space<vmem_shared>>) target(%dma_start3A_65 : memref<784x128xf32, #tpu.memory_space<hbm>>) target_semaphore(%run_scoped3A : memref<!tpu.dma_semaphore, #tpu.memory_space<semaphore_mem>>)
        %dma_wait3A = arith.constant 0 : i32
        %dma_wait3A_68 = tpu.memref_slice %arg6[%add3A_64, %dma_wait3A] : memref<50176x128xf32, #tpu.memory_space<hbm>> -> memref<784x128xf32, #tpu.memory_space<hbm>>
        %dma_wait3A_69 = arith.constant 0 : i32
        %dma_wait3A_70 = tpu.memref_slice %arg12[%mul3A_61, %dma_wait3A_69] : memref<12544x128xf32, #tpu.memory_space<vmem_shared>> -> memref<784x128xf32, #tpu.memory_space<vmem_shared>>
        tpu.wait_dma2 semaphore(%run_scoped3A : memref<!tpu.dma_semaphore, #tpu.memory_space<semaphore_mem>>) src(%dma_wait3A_70 : memref<784x128xf32, #tpu.memory_space<vmem_shared>>) dst(%dma_wait3A_68 : memref<784x128xf32, #tpu.memory_space<hbm>>)
        tpu.yield
      }) : () -> ()
    } else {
    }
    %eq3A_54 = arith.constant 15 : i32
    %eq3A_55 = arith.cmpi eq, %arg1, %eq3A_54 : i32
    %convert_element_type3A_56 = arith.extui %eq3A_55 : i1 to i32
    %cond3A_57 = arith.constant 0 : i32
    %cond3A_58 = arith.cmpi ne, %convert_element_type3A_56, %cond3A_57 : i32
    scf.if %cond3A_58 {
      %add3A_60 = arith.constant 11760 : i32
      %add3A_61 = arith.addi %mul3A_31, %add3A_60 : i32
      "tpu.region"() ({
        %run_scoped3A = tpu.sem_alloc : memref<!tpu.dma_semaphore, #tpu.memory_space<semaphore_mem>>
        %dma_start3A = arith.constant 0 : i32
        %dma_start3A_62 = tpu.memref_slice %arg6[%add3A_61, %dma_start3A] : memref<50176x128xf32, #tpu.memory_space<hbm>> -> memref<752x128xf32, #tpu.memory_space<hbm>>
        %dma_start3A_63 = arith.constant 11760 : i32
        %dma_start3A_64 = arith.constant 0 : i32
        %dma_start3A_65 = tpu.memref_slice %arg12[%dma_start3A_63, %dma_start3A_64] : memref<12544x128xf32, #tpu.memory_space<vmem_shared>> -> memref<752x128xf32, #tpu.memory_space<vmem_shared>>
        tpu.enqueue_dma source(%dma_start3A_65 : memref<752x128xf32, #tpu.memory_space<vmem_shared>>) target(%dma_start3A_62 : memref<752x128xf32, #tpu.memory_space<hbm>>) target_semaphore(%run_scoped3A : memref<!tpu.dma_semaphore, #tpu.memory_space<semaphore_mem>>)
        %dma_wait3A = arith.constant 0 : i32
        %dma_wait3A_66 = tpu.memref_slice %arg6[%add3A_61, %dma_wait3A] : memref<50176x128xf32, #tpu.memory_space<hbm>> -> memref<752x128xf32, #tpu.memory_space<hbm>>
        %dma_wait3A_67 = arith.constant 11760 : i32
        %dma_wait3A_68 = arith.constant 0 : i32
        %dma_wait3A_69 = tpu.memref_slice %arg12[%dma_wait3A_67, %dma_wait3A_68] : memref<12544x128xf32, #tpu.memory_space<vmem_shared>> -> memref<752x128xf32, #tpu.memory_space<vmem_shared>>
        tpu.wait_dma2 semaphore(%run_scoped3A : memref<!tpu.dma_semaphore, #tpu.memory_space<semaphore_mem>>) src(%dma_wait3A_69 : memref<752x128xf32, #tpu.memory_space<vmem_shared>>) dst(%dma_wait3A_66 : memref<752x128xf32, #tpu.memory_space<hbm>>)
        tpu.yield
      }) : () -> ()
    } else {
    }
    %barrier3A_59 = arith.constant 0 : index
    tpu.barrier barrier_id(%barrier3A_59)
    return
  }
}

module attributes {stable_mosaic.version = 14 : i64} {
  func.func @_edge_emb_body(%arg0: i32, %arg1: memref<3200x8xf32, #tpu.memory_space<vmem>>, %arg2: memref<8x128xf32, #tpu.memory_space<vmem>>, %arg3: memref<1x128xf32, #tpu.memory_space<vmem>>, %arg4: memref<3200x128xf32, #tpu.memory_space<vmem>>) attributes {dimension_semantics = [#tpu.dimension_semantics<arbitrary>], iteration_bounds = array<i64: 252>, scalar_prefetch = 0 : i64, scratch_operands = 0 : i64, tpu.core_type = #tpu.core_type<tc>, window_params = [{transform_indices = @transform_0, window_bounds = array<i64: 3200, 8>}, {pipeline_mode = #tpu.pipeline_mode<synchronous>, transform_indices = @transform_1, window_bounds = array<i64: 8, 128>}, {pipeline_mode = #tpu.pipeline_mode<synchronous>, transform_indices = @transform_2, window_bounds = array<i64: 1, 128>}, {transform_indices = @transform_3, window_bounds = array<i64: 3200, 128>}]} {
    %get3A = arith.constant 0 : index
    %get3A_0 = arith.constant 0 : index
    %get3A_1 = vector.load %arg1[%get3A, %get3A_0] : memref<3200x8xf32, #tpu.memory_space<vmem>>, vector<3200x8xf32>
    %get3A_2 = arith.constant 0 : index
    %get3A_3 = arith.constant 0 : index
    %get3A_4 = vector.load %arg2[%get3A_2, %get3A_3] : memref<8x128xf32, #tpu.memory_space<vmem>>, vector<8x128xf32>
    %dot_general3A = arith.constant dense<0.000000e+00> : vector<3200x128xf32>
    %dot_general3A_5 = tpu.matmul %get3A_1, %get3A_4, %dot_general3A {dimension_numbers = #tpu.dot_dimension_numbers<[1], [0], [0], [1], [0, 0, 1, 1], [], []>, transpose_lhs_hint = false} : vector<3200x8xf32>, vector<8x128xf32>, vector<3200x128xf32> -> vector<3200x128xf32>
    %get3A_6 = arith.constant 0 : index
    %get3A_7 = arith.constant 0 : index
    %get3A_8 = vector.load %arg3[%get3A_6, %get3A_7] : memref<1x128xf32, #tpu.memory_space<vmem>>, vector<1x128xf32>
    %add3A = vector.broadcast %get3A_8 : vector<1x128xf32> to vector<3200x128xf32>
    %add3A_9 = arith.addf %dot_general3A_5, %add3A : vector<3200x128xf32>
    %swap3A = arith.constant 0 : index
    %swap3A_10 = arith.constant 0 : index
    %swap3A_11 = vector.load %arg4[%swap3A, %swap3A_10] : memref<3200x128xf32, #tpu.memory_space<vmem>>, vector<3200x128xf32>
    tpu.vector_store %arg4[%swap3A, %swap3A_10], %add3A_9 {strides = array<i32>} : memref<3200x128xf32, #tpu.memory_space<vmem>>, vector<3200x128xf32>,
    return
  }
  func.func @transform_0(%arg0: i32) -> (i32, i32) {
    %c0_i32 = arith.constant 0 : i32
    %c0_i32_0 = arith.constant 0 : i32
    return %arg0, %c0_i32 : i32, i32
  }
  func.func @transform_1(%arg0: i32) -> (i32, i32) {
    %c0_i32 = arith.constant 0 : i32
    %c0_i32_0 = arith.constant 0 : i32
    %c0_i32_1 = arith.constant 0 : i32
    return %c0_i32, %c0_i32_0 : i32, i32
  }
  func.func @transform_2(%arg0: i32) -> (i32, i32) {
    %c0_i32 = arith.constant 0 : i32
    %c0_i32_0 = arith.constant 0 : i32
    %c0_i32_1 = arith.constant 0 : i32
    return %c0_i32, %c0_i32_0 : i32, i32
  }
  func.func @transform_3(%arg0: i32) -> (i32, i32) {
    %c0_i32 = arith.constant 0 : i32
    %c0_i32_0 = arith.constant 0 : i32
    return %arg0, %c0_i32 : i32, i32
  }
}

module attributes {stable_mosaic.version = 14 : i64} {
  func.func @_mlp1_body(%arg0: i32, %arg1: memref<1xf32, #tpu.memory_space<smem>>, %arg2: memref<512x128xf32, #tpu.memory_space<vmem>>, %arg3: memref<512x128xf32, #tpu.memory_space<vmem>>, %arg4: memref<128x128xf32, #tpu.memory_space<vmem>>, %arg5: memref<1x128xf32, #tpu.memory_space<vmem>>, %arg6: memref<512x128xf32, #tpu.memory_space<vmem>>, %arg7: memref<2x128xf32, #tpu.memory_space<vmem>>, %arg8: memref<1x128xf32, #tpu.memory_space<vmem>>, %arg9: memref<1x128xf32, #tpu.memory_space<vmem>>) attributes {dimension_semantics = [#tpu.dimension_semantics<arbitrary>], iteration_bounds = array<i64: 98>, scalar_prefetch = 0 : i64, scratch_operands = 2 : i64, tpu.core_type = #tpu.core_type<tc>, window_params = [{transform_indices = @transform_0, window_bounds = array<i64: 1>}, {transform_indices = @transform_1, window_bounds = array<i64: 512, 128>}, {transform_indices = @transform_2, window_bounds = array<i64: 512, 128>}, {pipeline_mode = #tpu.pipeline_mode<synchronous>, transform_indices = @transform_3, window_bounds = array<i64: 128, 128>}, {pipeline_mode = #tpu.pipeline_mode<synchronous>, transform_indices = @transform_4, window_bounds = array<i64: 1, 128>}, {transform_indices = @transform_5, window_bounds = array<i64: 512, 128>}, {pipeline_mode = #tpu.pipeline_mode<synchronous>, transform_indices = @transform_6, window_bounds = array<i64: 2, 128>}]} {
    %get3A = arith.constant 0 : index
    %get3A_0 = memref.load %arg1[%get3A] : memref<1xf32, #tpu.memory_space<smem>>
    %add3A = arith.constant 1.000000e+00 : f32
    %add3A_1 = arith.addf %add3A, %get3A_0 : f32
    %get3A_2 = arith.constant 0 : index
    %get3A_3 = arith.constant 0 : index
    %get3A_4 = vector.load %arg2[%get3A_2, %get3A_3] : memref<512x128xf32, #tpu.memory_space<vmem>>, vector<512x128xf32>
    %mul3A = vector.broadcast %add3A_1 : f32 to vector<512x128xf32>
    %mul3A_5 = arith.mulf %mul3A, %get3A_4 : vector<512x128xf32>
    %get3A_6 = arith.constant 0 : index
    %get3A_7 = arith.constant 0 : index
    %get3A_8 = vector.load %arg3[%get3A_6, %get3A_7] : memref<512x128xf32, #tpu.memory_space<vmem>>, vector<512x128xf32>
    %add3A_9 = arith.addf %mul3A_5, %get3A_8 : vector<512x128xf32>
    %get3A_10 = arith.constant 0 : index
    %get3A_11 = arith.constant 0 : index
    %get3A_12 = vector.load %arg4[%get3A_10, %get3A_11] : memref<128x128xf32, #tpu.memory_space<vmem>>, vector<128x128xf32>
    %dot_general3A = arith.constant dense<0.000000e+00> : vector<512x128xf32>
    %dot_general3A_13 = tpu.matmul %add3A_9, %get3A_12, %dot_general3A {dimension_numbers = #tpu.dot_dimension_numbers<[1], [0], [0], [1], [0, 0, 1, 1], [], []>, transpose_lhs_hint = false} : vector<512x128xf32>, vector<128x128xf32>, vector<512x128xf32> -> vector<512x128xf32>
    %get3A_14 = arith.constant 0 : index
    %get3A_15 = arith.constant 0 : index
    %get3A_16 = vector.load %arg5[%get3A_14, %get3A_15] : memref<1x128xf32, #tpu.memory_space<vmem>>, vector<1x128xf32>
    %add3A_17 = vector.broadcast %get3A_16 : vector<1x128xf32> to vector<512x128xf32>
    %add3A_18 = arith.addf %dot_general3A_13, %add3A_17 : vector<512x128xf32>
    %swap3A = arith.constant 0 : index
    %swap3A_19 = arith.constant 0 : index
    %swap3A_20 = vector.load %arg6[%swap3A, %swap3A_19] : memref<512x128xf32, #tpu.memory_space<vmem>>, vector<512x128xf32>
    tpu.vector_store %arg6[%swap3A, %swap3A_19], %add3A_18 {strides = array<i32>} : memref<512x128xf32, #tpu.memory_space<vmem>>, vector<512x128xf32>,
    %mul3A_21 = arith.constant 512 : i32
    %mul3A_22 = arith.muli %arg0, %mul3A_21 : i32
    %iota3A = tpu.iota {dimensions = array<i32: 0>} : vector<512x1xi32>
    %add3A_23 = vector.broadcast %mul3A_22 : i32 to vector<512x1xi32>
    %add3A_24 = arith.addi %add3A_23, %iota3A : vector<512x1xi32>
    %lt3A = arith.constant 50000 : i32
    %lt3A_25 = vector.broadcast %lt3A : i32 to vector<512x1xi32>
    %lt3A_26 = arith.cmpi slt, %add3A_24, %lt3A_25 : vector<512x1xi32>
    %jit3A = arith.constant 0.000000e+00 : f32
    %broadcast_in_dim3A = vector.shape_cast %lt3A_26 : vector<512x1xi1> to vector<512x1xi1>
    %broadcast_in_dim3A_27 = vector.broadcast %broadcast_in_dim3A : vector<512x1xi1> to vector<512x128xi1>
    %broadcast_in_dim3A_28 = vector.broadcast %jit3A : f32 to vector<512x128xf32>
    %select_n3A = arith.select %broadcast_in_dim3A_27, %add3A_18, %broadcast_in_dim3A_28 : vector<512x128xi1>, vector<512x128xf32>
    %eq3A = arith.constant 0 : i32
    %eq3A_29 = arith.cmpi eq, %arg0, %eq3A : i32
    %convert_element_type3A = arith.extui %eq3A_29 : i1 to i32
    %cond3A = arith.constant 0 : i32
    %cond3A_30 = arith.cmpi ne, %convert_element_type3A, %cond3A : i32
    scf.if %cond3A_30 {
      %broadcast_in_dim3A_56 = arith.constant 0.000000e+00 : f32
      %broadcast_in_dim3A_57 = vector.broadcast %broadcast_in_dim3A_56 : f32 to vector<1x128xf32>
      %swap3A_58 = arith.constant 0 : index
      %swap3A_59 = arith.constant 0 : index
      %swap3A_60 = vector.load %arg8[%swap3A_58, %swap3A_59] : memref<1x128xf32, #tpu.memory_space<vmem>>, vector<1x128xf32>
      tpu.vector_store %arg8[%swap3A_58, %swap3A_59], %broadcast_in_dim3A_57 {strides = array<i32>} : memref<1x128xf32, #tpu.memory_space<vmem>>, vector<1x128xf32>,
      %broadcast_in_dim3A_61 = arith.constant 0.000000e+00 : f32
      %broadcast_in_dim3A_62 = vector.broadcast %broadcast_in_dim3A_61 : f32 to vector<1x128xf32>
      %swap3A_63 = arith.constant 0 : index
      %swap3A_64 = arith.constant 0 : index
      %swap3A_65 = vector.load %arg9[%swap3A_63, %swap3A_64] : memref<1x128xf32, #tpu.memory_space<vmem>>, vector<1x128xf32>
      tpu.vector_store %arg9[%swap3A_63, %swap3A_64], %broadcast_in_dim3A_62 {strides = array<i32>} : memref<1x128xf32, #tpu.memory_space<vmem>>, vector<1x128xf32>,
    } else {
    }
    %get3A_31 = arith.constant 0 : index
    %get3A_32 = arith.constant 0 : index
    %get3A_33 = vector.load %arg8[%get3A_31, %get3A_32] : memref<1x128xf32, #tpu.memory_space<vmem>>, vector<1x128xf32>
    %reduce_sum3A = arith.constant dense<0.000000e+00> : vector<128xf32>
    %reduce_sum3A_34 = vector.multi_reduction <add>, %select_n3A, %reduce_sum3A [0] : vector<512x128xf32> to vector<128xf32>
    %broadcast_in_dim3A_35 = vector.shape_cast %reduce_sum3A_34 : vector<128xf32> to vector<1x128xf32>
    %add3A_36 = arith.addf %get3A_33, %broadcast_in_dim3A_35 : vector<1x128xf32>
    %swap3A_37 = arith.constant 0 : index
    %swap3A_38 = arith.constant 0 : index
    %swap3A_39 = vector.load %arg8[%swap3A_37, %swap3A_38] : memref<1x128xf32, #tpu.memory_space<vmem>>, vector<1x128xf32>
    tpu.vector_store %arg8[%swap3A_37, %swap3A_38], %add3A_36 {strides = array<i32>} : memref<1x128xf32, #tpu.memory_space<vmem>>, vector<1x128xf32>,
    %get3A_40 = arith.constant 0 : index
    %get3A_41 = arith.constant 0 : index
    %get3A_42 = vector.load %arg9[%get3A_40, %get3A_41] : memref<1x128xf32, #tpu.memory_space<vmem>>, vector<1x128xf32>
    %mul3A_43 = arith.mulf %select_n3A, %select_n3A : vector<512x128xf32>
    %reduce_sum3A_44 = arith.constant dense<0.000000e+00> : vector<128xf32>
    %reduce_sum3A_45 = vector.multi_reduction <add>, %mul3A_43, %reduce_sum3A_44 [0] : vector<512x128xf32> to vector<128xf32>
    %broadcast_in_dim3A_46 = vector.shape_cast %reduce_sum3A_45 : vector<128xf32> to vector<1x128xf32>
    %add3A_47 = arith.addf %get3A_42, %broadcast_in_dim3A_46 : vector<1x128xf32>
    %swap3A_48 = arith.constant 0 : index
    %swap3A_49 = arith.constant 0 : index
    %swap3A_50 = vector.load %arg9[%swap3A_48, %swap3A_49] : memref<1x128xf32, #tpu.memory_space<vmem>>, vector<1x128xf32>
    tpu.vector_store %arg9[%swap3A_48, %swap3A_49], %add3A_47 {strides = array<i32>} : memref<1x128xf32, #tpu.memory_space<vmem>>, vector<1x128xf32>,
    %eq3A_51 = arith.constant 97 : i32
    %eq3A_52 = arith.cmpi eq, %arg0, %eq3A_51 : i32
    %convert_element_type3A_53 = arith.extui %eq3A_52 : i1 to i32
    %cond3A_54 = arith.constant 0 : i32
    %cond3A_55 = arith.cmpi ne, %convert_element_type3A_53, %cond3A_54 : i32
    scf.if %cond3A_55 {
      %get3A_56 = arith.constant 0 : index
      %get3A_57 = arith.constant 0 : index
      %get3A_58 = vector.load %arg8[%get3A_56, %get3A_57] : memref<1x128xf32, #tpu.memory_space<vmem>>, vector<1x128xf32>
      %div3A = arith.constant 5.000000e+04 : f32
      %div3A_59 = vector.broadcast %div3A : f32 to vector<1x128xf32>
      %div3A_60 = arith.divf %get3A_58, %div3A_59 : vector<1x128xf32>
      %get3A_61 = arith.constant 0 : index
      %get3A_62 = arith.constant 0 : index
      %get3A_63 = vector.load %arg9[%get3A_61, %get3A_62] : memref<1x128xf32, #tpu.memory_space<vmem>>, vector<1x128xf32>
      %div3A_64 = arith.constant 5.000000e+04 : f32
      %div3A_65 = vector.broadcast %div3A_64 : f32 to vector<1x128xf32>
      %div3A_66 = arith.divf %get3A_63, %div3A_65 : vector<1x128xf32>
      %mul3A_67 = arith.mulf %div3A_60, %div3A_60 : vector<1x128xf32>
      %sub3A = arith.subf %div3A_66, %mul3A_67 : vector<1x128xf32>
      %swap3A_68 = arith.constant 0 : index
      %swap3A_69 = arith.constant 0 : index
      %swap3A_70 = vector.load %arg7[%swap3A_68, %swap3A_69] : memref<2x128xf32, #tpu.memory_space<vmem>>, vector<1x128xf32>
      tpu.vector_store %arg7[%swap3A_68, %swap3A_69], %div3A_60 {strides = array<i32>} : memref<2x128xf32, #tpu.memory_space<vmem>>, vector<1x128xf32>,
      %swap3A_71 = arith.constant 1 : index
      %swap3A_72 = arith.constant 0 : index
      %swap3A_73 = vector.load %arg7[%swap3A_71, %swap3A_72] : memref<2x128xf32, #tpu.memory_space<vmem>>, vector<1x128xf32>
      tpu.vector_store %arg7[%swap3A_71, %swap3A_72], %sub3A {strides = array<i32>} : memref<2x128xf32, #tpu.memory_space<vmem>>, vector<1x128xf32>,
    } else {
    }
    return
  }
  func.func @transform_0(%arg0: i32) -> i32 {
    %c0_i32 = arith.constant 0 : i32
    %c0_i32_0 = arith.constant 0 : i32
    return %c0_i32 : i32
  }
  func.func @transform_1(%arg0: i32) -> (i32, i32) {
    %c0_i32 = arith.constant 0 : i32
    %c0_i32_0 = arith.constant 0 : i32
    return %arg0, %c0_i32 : i32, i32
  }
  func.func @transform_2(%arg0: i32) -> (i32, i32) {
    %c0_i32 = arith.constant 0 : i32
    %c0_i32_0 = arith.constant 0 : i32
    return %arg0, %c0_i32 : i32, i32
  }
  func.func @transform_3(%arg0: i32) -> (i32, i32) {
    %c0_i32 = arith.constant 0 : i32
    %c0_i32_0 = arith.constant 0 : i32
    %c0_i32_1 = arith.constant 0 : i32
    return %c0_i32, %c0_i32_0 : i32, i32
  }
  func.func @transform_4(%arg0: i32) -> (i32, i32) {
    %c0_i32 = arith.constant 0 : i32
    %c0_i32_0 = arith.constant 0 : i32
    %c0_i32_1 = arith.constant 0 : i32
    return %c0_i32, %c0_i32_0 : i32, i32
  }
  func.func @transform_5(%arg0: i32) -> (i32, i32) {
    %c0_i32 = arith.constant 0 : i32
    %c0_i32_0 = arith.constant 0 : i32
    return %arg0, %c0_i32 : i32, i32
  }
  func.func @transform_6(%arg0: i32) -> (i32, i32) {
    %c0_i32 = arith.constant 0 : i32
    %c0_i32_0 = arith.constant 0 : i32
    %c0_i32_1 = arith.constant 0 : i32
    return %c0_i32, %c0_i32_0 : i32, i32
  }
}

module attributes {stable_mosaic.version = 14 : i64} {
  func.func @_mlp2_body(%arg0: i32, %arg1: memref<512x128xf32, #tpu.memory_space<vmem>>, %arg2: memref<2x128xf32, #tpu.memory_space<vmem>>, %arg3: memref<1x128xf32, #tpu.memory_space<vmem>>, %arg4: memref<1x128xf32, #tpu.memory_space<vmem>>, %arg5: memref<128x128xf32, #tpu.memory_space<vmem>>, %arg6: memref<1x128xf32, #tpu.memory_space<vmem>>, %arg7: memref<1x128xf32, #tpu.memory_space<vmem>>, %arg8: memref<1x128xf32, #tpu.memory_space<vmem>>, %arg9: memref<512x128xf32, #tpu.memory_space<vmem>>, %arg10: memref<512x128xf32, #tpu.memory_space<vmem>>) attributes {dimension_semantics = [#tpu.dimension_semantics<arbitrary>], iteration_bounds = array<i64: 98>, scalar_prefetch = 0 : i64, scratch_operands = 0 : i64, tpu.core_type = #tpu.core_type<tc>, window_params = [{transform_indices = @transform_0, window_bounds = array<i64: 512, 128>}, {pipeline_mode = #tpu.pipeline_mode<synchronous>, transform_indices = @transform_1, window_bounds = array<i64: 2, 128>}, {pipeline_mode = #tpu.pipeline_mode<synchronous>, transform_indices = @transform_2, window_bounds = array<i64: 1, 128>}, {pipeline_mode = #tpu.pipeline_mode<synchronous>, transform_indices = @transform_3, window_bounds = array<i64: 1, 128>}, {pipeline_mode = #tpu.pipeline_mode<synchronous>, transform_indices = @transform_4, window_bounds = array<i64: 128, 128>}, {pipeline_mode = #tpu.pipeline_mode<synchronous>, transform_indices = @transform_5, window_bounds = array<i64: 1, 128>}, {pipeline_mode = #tpu.pipeline_mode<synchronous>, transform_indices = @transform_6, window_bounds = array<i64: 1, 128>}, {pipeline_mode = #tpu.pipeline_mode<synchronous>, transform_indices = @transform_7, window_bounds = array<i64: 1, 128>}, {transform_indices = @transform_8, window_bounds = array<i64: 512, 128>}, {transform_indices = @transform_9, window_bounds = array<i64: 512, 128>}]} {
    %get3A = arith.constant 0 : index
    %get3A_0 = arith.constant 0 : index
    %get3A_1 = vector.load %arg2[%get3A, %get3A_0] : memref<2x128xf32, #tpu.memory_space<vmem>>, vector<1x128xf32>
    %get3A_2 = arith.constant 1 : index
    %get3A_3 = arith.constant 0 : index
    %get3A_4 = vector.load %arg2[%get3A_2, %get3A_3] : memref<2x128xf32, #tpu.memory_space<vmem>>, vector<1x128xf32>
    %get3A_5 = arith.constant 0 : index
    %get3A_6 = arith.constant 0 : index
    %get3A_7 = vector.load %arg1[%get3A_5, %get3A_6] : memref<512x128xf32, #tpu.memory_space<vmem>>, vector<512x128xf32>
    %sub3A = vector.broadcast %get3A_1 : vector<1x128xf32> to vector<512x128xf32>
    %sub3A_8 = arith.subf %get3A_7, %sub3A : vector<512x128xf32>
    %add3A = arith.constant 9.99999974E-6 : f32
    %add3A_9 = vector.broadcast %add3A : f32 to vector<1x128xf32>
    %add3A_10 = arith.addf %get3A_4, %add3A_9 : vector<1x128xf32>
    %rsqrt3A = math.rsqrt %add3A_10 : vector<1x128xf32>
    %mul3A = vector.broadcast %rsqrt3A : vector<1x128xf32> to vector<512x128xf32>
    %mul3A_11 = arith.mulf %sub3A_8, %mul3A : vector<512x128xf32>
    %get3A_12 = arith.constant 0 : index
    %get3A_13 = arith.constant 0 : index
    %get3A_14 = vector.load %arg3[%get3A_12, %get3A_13] : memref<1x128xf32, #tpu.memory_space<vmem>>, vector<1x128xf32>
    %mul3A_15 = vector.broadcast %get3A_14 : vector<1x128xf32> to vector<512x128xf32>
    %mul3A_16 = arith.mulf %mul3A_11, %mul3A_15 : vector<512x128xf32>
    %get3A_17 = arith.constant 0 : index
    %get3A_18 = arith.constant 0 : index
    %get3A_19 = vector.load %arg4[%get3A_17, %get3A_18] : memref<1x128xf32, #tpu.memory_space<vmem>>, vector<1x128xf32>
    %add3A_20 = vector.broadcast %get3A_19 : vector<1x128xf32> to vector<512x128xf32>
    %add3A_21 = arith.addf %mul3A_16, %add3A_20 : vector<512x128xf32>
    %max3A = arith.constant 0.000000e+00 : f32
    %max3A_22 = vector.broadcast %max3A : f32 to vector<512x128xf32>
    %max3A_23 = arith.maximumf %add3A_21, %max3A_22 : vector<512x128xf32>
    %get3A_24 = arith.constant 0 : index
    %get3A_25 = arith.constant 0 : index
    %get3A_26 = vector.load %arg5[%get3A_24, %get3A_25] : memref<128x128xf32, #tpu.memory_space<vmem>>, vector<128x128xf32>
    %dot_general3A = arith.constant dense<0.000000e+00> : vector<512x128xf32>
    %dot_general3A_27 = tpu.matmul %max3A_23, %get3A_26, %dot_general3A {dimension_numbers = #tpu.dot_dimension_numbers<[1], [0], [0], [1], [0, 0, 1, 1], [], []>, transpose_lhs_hint = false} : vector<512x128xf32>, vector<128x128xf32>, vector<512x128xf32> -> vector<512x128xf32>
    %get3A_28 = arith.constant 0 : index
    %get3A_29 = arith.constant 0 : index
    %get3A_30 = vector.load %arg6[%get3A_28, %get3A_29] : memref<1x128xf32, #tpu.memory_space<vmem>>, vector<1x128xf32>
    %add3A_31 = vector.broadcast %get3A_30 : vector<1x128xf32> to vector<512x128xf32>
    %add3A_32 = arith.addf %dot_general3A_27, %add3A_31 : vector<512x128xf32>
    %max3A_33 = arith.constant 0.000000e+00 : f32
    %max3A_34 = vector.broadcast %max3A_33 : f32 to vector<512x128xf32>
    %max3A_35 = arith.maximumf %add3A_32, %max3A_34 : vector<512x128xf32>
    %get3A_36 = arith.constant 0 : index
    %get3A_37 = arith.constant 0 : index
    %get3A_38 = vector.load %arg7[%get3A_36, %get3A_37] : memref<1x128xf32, #tpu.memory_space<vmem>>, vector<1x128xf32>
    %mul3A_39 = vector.broadcast %get3A_38 : vector<1x128xf32> to vector<512x128xf32>
    %mul3A_40 = arith.mulf %max3A_35, %mul3A_39 : vector<512x128xf32>
    %get3A_41 = arith.constant 0 : index
    %get3A_42 = arith.constant 0 : index
    %get3A_43 = vector.load %arg8[%get3A_41, %get3A_42] : memref<1x128xf32, #tpu.memory_space<vmem>>, vector<1x128xf32>
    %add3A_44 = vector.broadcast %get3A_43 : vector<1x128xf32> to vector<512x128xf32>
    %add3A_45 = arith.addf %mul3A_40, %add3A_44 : vector<512x128xf32>
    %max3A_46 = arith.constant 0.000000e+00 : f32
    %max3A_47 = vector.broadcast %max3A_46 : f32 to vector<512x128xf32>
    %max3A_48 = arith.maximumf %add3A_45, %max3A_47 : vector<512x128xf32>
    %get3A_49 = arith.constant 0 : index
    %get3A_50 = arith.constant 0 : index
    %get3A_51 = vector.load %arg9[%get3A_49, %get3A_50] : memref<512x128xf32, #tpu.memory_space<vmem>>, vector<512x128xf32>
    %add3A_52 = arith.addf %max3A_48, %get3A_51 : vector<512x128xf32>
    %swap3A = arith.constant 0 : index
    %swap3A_53 = arith.constant 0 : index
    %swap3A_54 = vector.load %arg10[%swap3A, %swap3A_53] : memref<512x128xf32, #tpu.memory_space<vmem>>, vector<512x128xf32>
    tpu.vector_store %arg10[%swap3A, %swap3A_53], %add3A_52 {strides = array<i32>} : memref<512x128xf32, #tpu.memory_space<vmem>>, vector<512x128xf32>,
    return
  }
  func.func @transform_0(%arg0: i32) -> (i32, i32) {
    %c0_i32 = arith.constant 0 : i32
    %c0_i32_0 = arith.constant 0 : i32
    return %arg0, %c0_i32 : i32, i32
  }
  func.func @transform_1(%arg0: i32) -> (i32, i32) {
    %c0_i32 = arith.constant 0 : i32
    %c0_i32_0 = arith.constant 0 : i32
    %c0_i32_1 = arith.constant 0 : i32
    return %c0_i32, %c0_i32_0 : i32, i32
  }
  func.func @transform_2(%arg0: i32) -> (i32, i32) {
    %c0_i32 = arith.constant 0 : i32
    %c0_i32_0 = arith.constant 0 : i32
    %c0_i32_1 = arith.constant 0 : i32
    return %c0_i32, %c0_i32_0 : i32, i32
  }
  func.func @transform_3(%arg0: i32) -> (i32, i32) {
    %c0_i32 = arith.constant 0 : i32
    %c0_i32_0 = arith.constant 0 : i32
    %c0_i32_1 = arith.constant 0 : i32
    return %c0_i32, %c0_i32_0 : i32, i32
  }
  func.func @transform_4(%arg0: i32) -> (i32, i32) {
    %c0_i32 = arith.constant 0 : i32
    %c0_i32_0 = arith.constant 0 : i32
    %c0_i32_1 = arith.constant 0 : i32
    return %c0_i32, %c0_i32_0 : i32, i32
  }
  func.func @transform_5(%arg0: i32) -> (i32, i32) {
    %c0_i32 = arith.constant 0 : i32
    %c0_i32_0 = arith.constant 0 : i32
    %c0_i32_1 = arith.constant 0 : i32
    return %c0_i32, %c0_i32_0 : i32, i32
  }
  func.func @transform_6(%arg0: i32) -> (i32, i32) {
    %c0_i32 = arith.constant 0 : i32
    %c0_i32_0 = arith.constant 0 : i32
    %c0_i32_1 = arith.constant 0 : i32
    return %c0_i32, %c0_i32_0 : i32, i32
  }
  func.func @transform_7(%arg0: i32) -> (i32, i32) {
    %c0_i32 = arith.constant 0 : i32
    %c0_i32_0 = arith.constant 0 : i32
    %c0_i32_1 = arith.constant 0 : i32
    return %c0_i32, %c0_i32_0 : i32, i32
  }
  func.func @transform_8(%arg0: i32) -> (i32, i32) {
    %c0_i32 = arith.constant 0 : i32
    %c0_i32_0 = arith.constant 0 : i32
    return %arg0, %c0_i32 : i32, i32
  }
  func.func @transform_9(%arg0: i32) -> (i32, i32) {
    %c0_i32 = arith.constant 0 : i32
    %c0_i32_0 = arith.constant 0 : i32
    return %arg0, %c0_i32 : i32, i32
  }
}

module attributes {stable_mosaic.version = 14 : i64} {
  func.func @_mlp2_body(%arg0: i32, %arg1: memref<512x128xf32, #tpu.memory_space<vmem>>, %arg2: memref<2x128xf32, #tpu.memory_space<vmem>>, %arg3: memref<1x128xf32, #tpu.memory_space<vmem>>, %arg4: memref<1x128xf32, #tpu.memory_space<vmem>>, %arg5: memref<128x128xf32, #tpu.memory_space<vmem>>, %arg6: memref<1x128xf32, #tpu.memory_space<vmem>>, %arg7: memref<1x128xf32, #tpu.memory_space<vmem>>, %arg8: memref<1x128xf32, #tpu.memory_space<vmem>>, %arg9: memref<512x128xf32, #tpu.memory_space<vmem>>, %arg10: memref<512x128xf32, #tpu.memory_space<vmem>>) attributes {dimension_semantics = [#tpu.dimension_semantics<arbitrary>], iteration_bounds = array<i64: 98>, scalar_prefetch = 0 : i64, scratch_operands = 0 : i64, tpu.core_type = #tpu.core_type<tc>, window_params = [{transform_indices = @transform_0, window_bounds = array<i64: 512, 128>}, {pipeline_mode = #tpu.pipeline_mode<synchronous>, transform_indices = @transform_1, window_bounds = array<i64: 2, 128>}, {pipeline_mode = #tpu.pipeline_mode<synchronous>, transform_indices = @transform_2, window_bounds = array<i64: 1, 128>}, {pipeline_mode = #tpu.pipeline_mode<synchronous>, transform_indices = @transform_3, window_bounds = array<i64: 1, 128>}, {pipeline_mode = #tpu.pipeline_mode<synchronous>, transform_indices = @transform_4, window_bounds = array<i64: 128, 128>}, {pipeline_mode = #tpu.pipeline_mode<synchronous>, transform_indices = @transform_5, window_bounds = array<i64: 1, 128>}, {pipeline_mode = #tpu.pipeline_mode<synchronous>, transform_indices = @transform_6, window_bounds = array<i64: 1, 128>}, {pipeline_mode = #tpu.pipeline_mode<synchronous>, transform_indices = @transform_7, window_bounds = array<i64: 1, 128>}, {transform_indices = @transform_8, window_bounds = array<i64: 512, 128>}, {transform_indices = @transform_9, window_bounds = array<i64: 512, 128>}]} {
    %get3A = arith.constant 0 : index
    %get3A_0 = arith.constant 0 : index
    %get3A_1 = vector.load %arg2[%get3A, %get3A_0] : memref<2x128xf32, #tpu.memory_space<vmem>>, vector<1x128xf32>
    %get3A_2 = arith.constant 1 : index
    %get3A_3 = arith.constant 0 : index
    %get3A_4 = vector.load %arg2[%get3A_2, %get3A_3] : memref<2x128xf32, #tpu.memory_space<vmem>>, vector<1x128xf32>
    %get3A_5 = arith.constant 0 : index
    %get3A_6 = arith.constant 0 : index
    %get3A_7 = vector.load %arg1[%get3A_5, %get3A_6] : memref<512x128xf32, #tpu.memory_space<vmem>>, vector<512x128xf32>
    %sub3A = vector.broadcast %get3A_1 : vector<1x128xf32> to vector<512x128xf32>
    %sub3A_8 = arith.subf %get3A_7, %sub3A : vector<512x128xf32>
    %add3A = arith.constant 9.99999974E-6 : f32
    %add3A_9 = vector.broadcast %add3A : f32 to vector<1x128xf32>
    %add3A_10 = arith.addf %get3A_4, %add3A_9 : vector<1x128xf32>
    %rsqrt3A = math.rsqrt %add3A_10 : vector<1x128xf32>
    %mul3A = vector.broadcast %rsqrt3A : vector<1x128xf32> to vector<512x128xf32>
    %mul3A_11 = arith.mulf %sub3A_8, %mul3A : vector<512x128xf32>
    %get3A_12 = arith.constant 0 : index
    %get3A_13 = arith.constant 0 : index
    %get3A_14 = vector.load %arg3[%get3A_12, %get3A_13] : memref<1x128xf32, #tpu.memory_space<vmem>>, vector<1x128xf32>
    %mul3A_15 = vector.broadcast %get3A_14 : vector<1x128xf32> to vector<512x128xf32>
    %mul3A_16 = arith.mulf %mul3A_11, %mul3A_15 : vector<512x128xf32>
    %get3A_17 = arith.constant 0 : index
    %get3A_18 = arith.constant 0 : index
    %get3A_19 = vector.load %arg4[%get3A_17, %get3A_18] : memref<1x128xf32, #tpu.memory_space<vmem>>, vector<1x128xf32>
    %add3A_20 = vector.broadcast %get3A_19 : vector<1x128xf32> to vector<512x128xf32>
    %add3A_21 = arith.addf %mul3A_16, %add3A_20 : vector<512x128xf32>
    %max3A = arith.constant 0.000000e+00 : f32
    %max3A_22 = vector.broadcast %max3A : f32 to vector<512x128xf32>
    %max3A_23 = arith.maximumf %add3A_21, %max3A_22 : vector<512x128xf32>
    %get3A_24 = arith.constant 0 : index
    %get3A_25 = arith.constant 0 : index
    %get3A_26 = vector.load %arg5[%get3A_24, %get3A_25] : memref<128x128xf32, #tpu.memory_space<vmem>>, vector<128x128xf32>
    %dot_general3A = arith.constant dense<0.000000e+00> : vector<512x128xf32>
    %dot_general3A_27 = tpu.matmul %max3A_23, %get3A_26, %dot_general3A {dimension_numbers = #tpu.dot_dimension_numbers<[1], [0], [0], [1], [0, 0, 1, 1], [], []>, transpose_lhs_hint = false} : vector<512x128xf32>, vector<128x128xf32>, vector<512x128xf32> -> vector<512x128xf32>
    %get3A_28 = arith.constant 0 : index
    %get3A_29 = arith.constant 0 : index
    %get3A_30 = vector.load %arg6[%get3A_28, %get3A_29] : memref<1x128xf32, #tpu.memory_space<vmem>>, vector<1x128xf32>
    %add3A_31 = vector.broadcast %get3A_30 : vector<1x128xf32> to vector<512x128xf32>
    %add3A_32 = arith.addf %dot_general3A_27, %add3A_31 : vector<512x128xf32>
    %max3A_33 = arith.constant 0.000000e+00 : f32
    %max3A_34 = vector.broadcast %max3A_33 : f32 to vector<512x128xf32>
    %max3A_35 = arith.maximumf %add3A_32, %max3A_34 : vector<512x128xf32>
    %get3A_36 = arith.constant 0 : index
    %get3A_37 = arith.constant 0 : index
    %get3A_38 = vector.load %arg7[%get3A_36, %get3A_37] : memref<1x128xf32, #tpu.memory_space<vmem>>, vector<1x128xf32>
    %mul3A_39 = vector.broadcast %get3A_38 : vector<1x128xf32> to vector<512x128xf32>
    %mul3A_40 = arith.mulf %max3A_35, %mul3A_39 : vector<512x128xf32>
    %get3A_41 = arith.constant 0 : index
    %get3A_42 = arith.constant 0 : index
    %get3A_43 = vector.load %arg8[%get3A_41, %get3A_42] : memref<1x128xf32, #tpu.memory_space<vmem>>, vector<1x128xf32>
    %add3A_44 = vector.broadcast %get3A_43 : vector<1x128xf32> to vector<512x128xf32>
    %add3A_45 = arith.addf %mul3A_40, %add3A_44 : vector<512x128xf32>
    %get3A_46 = arith.constant 0 : index
    %get3A_47 = arith.constant 0 : index
    %get3A_48 = vector.load %arg9[%get3A_46, %get3A_47] : memref<512x128xf32, #tpu.memory_space<vmem>>, vector<512x128xf32>
    %add3A_49 = arith.addf %add3A_45, %get3A_48 : vector<512x128xf32>
    %swap3A = arith.constant 0 : index
    %swap3A_50 = arith.constant 0 : index
    %swap3A_51 = vector.load %arg10[%swap3A, %swap3A_50] : memref<512x128xf32, #tpu.memory_space<vmem>>, vector<512x128xf32>
    tpu.vector_store %arg10[%swap3A, %swap3A_50], %add3A_49 {strides = array<i32>} : memref<512x128xf32, #tpu.memory_space<vmem>>, vector<512x128xf32>,
    return
  }
  func.func @transform_0(%arg0: i32) -> (i32, i32) {
    %c0_i32 = arith.constant 0 : i32
    %c0_i32_0 = arith.constant 0 : i32
    return %arg0, %c0_i32 : i32, i32
  }
  func.func @transform_1(%arg0: i32) -> (i32, i32) {
    %c0_i32 = arith.constant 0 : i32
    %c0_i32_0 = arith.constant 0 : i32
    %c0_i32_1 = arith.constant 0 : i32
    return %c0_i32, %c0_i32_0 : i32, i32
  }
  func.func @transform_2(%arg0: i32) -> (i32, i32) {
    %c0_i32 = arith.constant 0 : i32
    %c0_i32_0 = arith.constant 0 : i32
    %c0_i32_1 = arith.constant 0 : i32
    return %c0_i32, %c0_i32_0 : i32, i32
  }
  func.func @transform_3(%arg0: i32) -> (i32, i32) {
    %c0_i32 = arith.constant 0 : i32
    %c0_i32_0 = arith.constant 0 : i32
    %c0_i32_1 = arith.constant 0 : i32
    return %c0_i32, %c0_i32_0 : i32, i32
  }
  func.func @transform_4(%arg0: i32) -> (i32, i32) {
    %c0_i32 = arith.constant 0 : i32
    %c0_i32_0 = arith.constant 0 : i32
    %c0_i32_1 = arith.constant 0 : i32
    return %c0_i32, %c0_i32_0 : i32, i32
  }
  func.func @transform_5(%arg0: i32) -> (i32, i32) {
    %c0_i32 = arith.constant 0 : i32
    %c0_i32_0 = arith.constant 0 : i32
    %c0_i32_1 = arith.constant 0 : i32
    return %c0_i32, %c0_i32_0 : i32, i32
  }
  func.func @transform_6(%arg0: i32) -> (i32, i32) {
    %c0_i32 = arith.constant 0 : i32
    %c0_i32_0 = arith.constant 0 : i32
    %c0_i32_1 = arith.constant 0 : i32
    return %c0_i32, %c0_i32_0 : i32, i32
  }
  func.func @transform_7(%arg0: i32) -> (i32, i32) {
    %c0_i32 = arith.constant 0 : i32
    %c0_i32_0 = arith.constant 0 : i32
    %c0_i32_1 = arith.constant 0 : i32
    return %c0_i32, %c0_i32_0 : i32, i32
  }
  func.func @transform_8(%arg0: i32) -> (i32, i32) {
    %c0_i32 = arith.constant 0 : i32
    %c0_i32_0 = arith.constant 0 : i32
    return %arg0, %c0_i32 : i32, i32
  }
  func.func @transform_9(%arg0: i32) -> (i32, i32) {
    %c0_i32 = arith.constant 0 : i32
    %c0_i32_0 = arith.constant 0 : i32
    return %arg0, %c0_i32 : i32, i32
  }
}

</mosaic_0001>

<sc_bundles>
// kernel: kernel.14.cloned.1.call-start
scs
__scs_entry_jumppad:
0x0: {  	(pc) =	sbr.rel $0x88, $3  }
0x1: {  	(tag) =	ssettag $0x0;
	lr =	simm.s32 $0x1  }
0x2: {  	[smem:$0x3F93] =	sst lr;
	_ =	strace $0xD0000000  }
0x3: {  	_ = 	snop  }
0x4: {  	_ = 	snop  }
0x5: {  	_ = 	snop  }
0x6: {  	_ = 	snop  }
0x7: {  	_ = 	snop  }
__scs_overlays_trampoline_lowered:
0x8: {  	[smem:$0x3FA2] =	sst s0  }
0x9: {  	[smem:$0x3FA3] =	sst s1  }
0xa: {  	[smem:$0x3FA4] =	sst s2  }
0xb: {  	[smem:$0x3FA5] =	sst s3  }
0xc: {  	[smem:$0x3FA6] =	sst s4  }
0xd: {  	[smem:$0x3FA7] =	sst s5  }
0xe: {  	[smem:$0x3FA8] =	sst s6  }
0xf: {  	[smem:$0x3FA9] =	sst s7  }
0x10: {  	[smem:$0x3FAA] =	sst s8  }
0x11: {  	[smem:$0x3FAB] =	sst s9;
	s0 =	simm.s32 @!p0 $0x0  }
0x12: {  	s1 =	sld [smem:$0x3F91];
	s0 =	simm.s32 @p0 $0x1  }
0x13: {  	[smem:$0x3FAC] =	sst s0;
	s0 =	simm.s32 @!p1 $0x0  }
0x14: {  	s2 =	sld [smem:$0x3F90];
	s0 =	simm.s32 @p1 $0x1  }
0x15: {  	[smem:$0x3FAD] =	sst s0;
	s0 =	simm.s32 @!p2 $0x0  }
0x16: {  	s3 =	sld [smem:$0x3FDB];
	s0 =	simm.s32 @p2 $0x1  }
0x17: {  	s4 =	simm.s32 $0x1BF5;
	[smem:$0x3FAF] =	sst s0  }
0x18: {  	s0 =	sld [smem:$0x3F92];
	_ =	swait.ge [sflag:s4], $0x0  }
0x19: {  	s7 =	sld [smem:$0x3F93]  }
0x1a: {  	s8 =	sadd.s32 $0xFFFFE003, lr  }
0x1b: {  	s9 =	sadd.s32 $0xFFFFFEF7, lr;
	s5 =	simm.s32 $0xFFFFFFFF;
	p2 =	slt.u32 s8, $0xFFFFF086  }
0x1c: {  	p1 =	slt.u32 s9, $0xF7A;
	s5 =	simm.s32 @!p2 $0x0  }
0x1d: {  	s5 =	simm.s32 @p1 $0x1;
	p0 =	seq.s32 s7, s2  }
0x1e: {  	s7 =	smul.u32 @!p0 $0xF7A, s2;
	p2 =	seq.s32 @!p0 s5, $0x0  }
0x1f: {  	s9 =	smul.u32 $0xF7A, s1;
	s8 =	simm.s32 @!p0 $0x1BF5;
	p2 =	por !p2, p0  }
0x20: {  	[sflag:s8] =	ssyncset.s32 @!p0 $0xFFFFF086;
	s6 =	sadd.s32 @!p0 s3, s7;
	s7 =	simm.s32 @!p0 $0x108  }
0x21: {  	s3 =	sadd.s32 s3, s9;
	s6 =	sadd.s32 @!p0 $0x88, s6;
	s7 =	simm.s32 @p2 $0x1082  }
0x22: {  	[simem:s7], [sflag:s8] =	dma.local @!p0 [hbm:s6], $0xF7A  }
0x23: {  	s9 =	sor.u32 $0xD0000000, s2;
	s6 =	simm.s32 $0x108;
	_ =	swait.ge @!p0 [sflag:s8], $0x0  }
0x24: {  	s3 =	sadd.s32 $0x88, s3;
	s6 =	simm.s32 @!p1 $0x1082;
	[sflag:s4] =	ssyncset.s32 $0xFFFFF086  }
0x25: {  	[simem:s6], [sflag:s4] =	dma.local [hbm:s3], $0xF7A  }
0x26: {  	[smem:$0x3F93] =	sst s1;
	(tag) =	ssettag s2;
	_ =	strace s9  }
0x27: {  	s1 =	sld [smem:$0x3FA3]  }
0x28: {  	s2 =	sld [smem:$0x3FA4]  }
0x29: {  	s4 =	sld [smem:$0x3FA6]  }
0x2a: {  	p0 =	seq.s32 s5, $0x0;
	s5 =	sld [smem:$0x3FA7]  }
0x2b: {  	s6 =	sld [smem:$0x3FA8]  }
0x2c: {  	s7 =	sld [smem:$0x3FA9]  }
0x2d: {  	s3 =	simm.s32 $0x108;
	s8 =	sld [smem:$0x3FAA]  }
0x2e: {  	s3 =	simm.s32 @!p0 $0x1082;
	s9 =	sld [smem:$0x3FAB]  }
0x2f: {  	lr =	sadd.s32 s0, s3;
	s0 =	sld [smem:$0x3FA2]  }
0x30: {  	s3 =	sld [smem:$0x3FA5]  }
0x31: {  	[smem:$0x3FAE] =	sst s10  }
0x32: {  	s10 =	sld [smem:$0x3FAC];
	_ =	sdelay $0x3  }
0x33: {  	p0 =	seq.s32 s10, $0x1;
	s10 =	sld [smem:$0x3FAE];
	_ =	sdelay $0x3  }
0x34: {  	[smem:$0x3FAE] =	sst s10  }
0x35: {  	s10 =	sld [smem:$0x3FAD];
	_ =	sdelay $0x3  }
0x36: {  	p1 =	seq.s32 s10, $0x1;
	s10 =	sld [smem:$0x3FAE];
	_ =	sdelay $0x3  }
0x37: {  	[smem:$0x3FAE] =	sst s10  }
0x38: {  	s10 =	sld [smem:$0x3FAF]  }
0x39: {  	_ = 	snop;
	(pc) =	sbr.ind lr, $3  }
0x3a: {  	_ = 	snop  }
0x3b: {  	_ = 	snop  }
0x3c: {  	p2 =	seq.s32 s10, $0x1;
	s10 =	sld [smem:$0x3FAE]  }
0x3d: {  	_ =	shalt  }
0x3e: {  	_ =	shalt  }
0x3f: {  	_ =	shalt  }
0x40: {  	_ =	shalt  }
0x41: {  	_ =	shalt  }
0x42: {  	_ =	shalt  }
0x43: {  	_ =	shalt  }
0x44: {  	_ =	shalt  }
0x45: {  	_ =	shalt  }
0x46: {  	_ =	shalt  }
0x47: {  	_ =	shalt  }
0x48: {  	_ =	shalt  }
0x49: {  	_ =	shalt  }
0x4a: {  	_ =	shalt  }
0x4b: {  	_ =	shalt  }
0x4c: {  	_ =	shalt  }
0x4d: {  	_ =	shalt  }
0x4e: {  	_ =	shalt  }
0x4f: {  	_ =	shalt  }
0x50: {  	_ =	shalt  }
0x51: {  	_ =	shalt  }
0x52: {  	_ =	shalt  }
0x53: {  	_ =	shalt  }
0x54: {  	_ =	shalt  }
0x55: {  	_ =	shalt  }
0x56: {  	_ =	shalt  }
0x57: {  	_ =	shalt  }
0x58: {  	_ =	shalt  }
0x59: {  	_ =	shalt  }
0x5a: {  	_ =	shalt  }
0x5b: {  	_ =	shalt  }
0x5c: {  	_ =	shalt  }
0x5d: {  	_ =	shalt  }
0x5e: {  	_ =	shalt  }
0x5f: {  	_ =	shalt  }
0x60: {  	_ =	shalt  }
0x61: {  	_ =	shalt  }
0x62: {  	_ =	shalt  }
0x63: {  	_ =	shalt  }
0x64: {  	_ =	shalt  }
0x65: {  	_ =	shalt  }
0x66: {  	_ =	shalt  }
0x67: {  	_ =	shalt  }
0x68: {  	_ =	shalt  }
0x69: {  	_ =	shalt  }
0x6a: {  	_ =	shalt  }
0x6b: {  	_ =	shalt  }
0x6c: {  	_ =	shalt  }
0x6d: {  	_ =	shalt  }
0x6e: {  	_ =	shalt  }
0x6f: {  	_ =	shalt  }
0x70: {  	_ =	shalt  }
0x71: {  	_ =	shalt  }
0x72: {  	_ =	shalt  }
0x73: {  	_ =	shalt  }
0x74: {  	_ =	shalt  }
0x75: {  	_ =	shalt  }
0x76: {  	_ =	shalt  }
0x77: {  	_ =	shalt  }
0x78: {  	_ =	shalt  }
0x79: {  	_ =	shalt  }
0x7a: {  	_ =	shalt  }
0x7b: {  	_ =	shalt  }
0x7c: {  	_ =	shalt  }
0x7d: {  	_ =	shalt  }
0x7e: {  	_ =	shalt  }
0x7f: {  	_ =	shalt  }
0x80: {  	_ =	shalt  }
0x81: {  	_ =	shalt  }
0x82: {  	_ =	shalt  }
0x83: {  	_ =	shalt  }
0x84: {  	_ =	shalt  }
0x85: {  	_ =	shalt  }
0x86: {  	_ =	shalt  }
0x87: {  	_ =	shalt  }
.Lfunc_end0:
.L_simem_size_0:
called_computation_lowered:
.L_overlay_start_0:
0x88: {  	s2 =	sld [smem:$0x3FD9]  }
0x89: {  	s3 =	sld [smem:$0x3FFE];
	_ =	sdelay $0x1  }
0x8a: {  	s1 =	srdreg.scid  }
0x8b: {  	s0 =	sand.u32 $0x1, s1  }
0x8c: {  	s17 =	sshll.u32 s0, $0xA;
	s2 =	sadd.s32 s3, s2  }
0x8d: {  	s2 =	sadd.s32 s2, s17  }
0x8e: {  	[smem:$0x3FBA] =	sst s2  }
0x8f: {  	_ = 	snop  }
0x90: {  	s2 =	sld [smem:$0x3FD0];
	(tm) =	ssettm $0x1  }
0x91: {  	s18 =	sld [smem:$0x3FFB];
	_ =	sdelay $0x3  }
0x92: {  	_ =	strace s18  }
0x93: {  	s3 =	sld [smem:$0x3FFC];
	_ =	sdelay $0x3  }
0x94: {  	_ =	strace s3  }
0x95: {  	s3 =	sld [smem:$0x3FFD];
	_ =	sdelay $0x3  }
0x96: {  	_ =	strace s3  }
0x97: {  	_ =	strace $0x8FFFFFFF  }
0x98: {  	s19 =	sld [smem:$0x3FDB];
	_ =	sdelay $0x1  }
0x99: {  	s4 =	simm.s32 $_scs_section_size  }
0x9a: {  	s5 =	simm.s32 $_size__tile_overlayer_lowered;
	s6 =	simm.s32 $_tile_overlayer_lowered  }
0x9b: {  	s22 =	simm.s32 $0x1BFF;
	s21 =	sshll.u32 s6, $0x1;
	s3 =	sadd.s32 s4, s19  }
0x9c: {  	s7 =	simm.s32 $0x0;
	s20 =	sshll.u32 s5, $0x1;
	s5 =	sadd.s32 s21, s3  }
0x9d: {  	[timem:s7], [sflag:s22] =	dma.local [hbm:s5], s20  }
0x9e: {  	_ =	swait.ge [sflag:s22], s20  }
0x9f: {  	s4 =	ssub.s32 $0x0, s20;
	[sflag:s22] =	ssyncset.done $0x0  }
0xa0: {  	[sflag:s22] =	ssyncadd.s32 s4;
	_ =	sdelay $0x1  }
0xa1: {  	s23 =	simm.s32 $0x1B8B  }
0xa2: {  	_ =	swait.ge [sflag:s23], $0x1  }
0xa3: {  	[sflag:s23] =	ssyncset.done $0x0  }
0xa4: {  	s25 =	simm.s32 $0x1B8E;
	s24 =	sld [smem:$0x3FFE];
	[sflag:s23] =	ssyncadd.s32 $0xFFFFFFFF  }
0xa5: {  	s26 =	simm.s32 $execute0_lowered;
	[smem:$0x3FD2] =	sst s25  }
0xa6: {  	s5 =	sshll.u32 s26, $0x1;
	_ =	strace $0x80000046;
	[dreg:$0x1] =	wrdreg $0xFFFFFFFF  }
0xa7: {  	s28 =	simm.s32 $_size_execute0_lowered;
	s3 =	sadd.s32 s3, s5;
	[dreg:$0x0] =	wrdreg $0x0  }
0xa8: {  	s5 =	sshll.u32 s28, $0x1;
	[dreg:$0x2] =	wrdreg s3  }
0xa9: {  	[dreg:$0x3] =	wrdreg s5  }
0xaa: {  	[dreg:$0x4] =	wrdreg $0xC0  }
0xab: {  	_ =	task [dreg:s7], $0x5FFFF  }
0xac: {  	[dreg:$0x1] =	wrdreg $0xFFFFFFFF  }
0xad: {  	[dreg:$0x0] =	wrdreg $0x60  }
0xae: {  	[dreg:$0x2] =	wrdreg s24  }
0xaf: {  	[dreg:$0x3] =	wrdreg s2  }
0xb0: {  	[dreg:$0x4] =	wrdreg $0x71800  }
0xb1: {  	[dreg:$0x5] =	wrdreg $0x9  }
0xb2: {  	_ =	task.clear_ibuf [dreg:s7], $0x6FFFF;
	_ =	strace $0x90000046  }
0xb3: {  	s29 =	simm.s32 $0x9;
	_ =	strace $0x80000048  }
0xb4: {  	_ =	swait.ge [sflag:s29], $0x1  }
0xb5: {  	[sflag:s29] =	ssyncadd.s32 $0xFFFFFFFF  }
0xb6: {  	_ =	strace $0x90000048  }
0xb7: {  	_ =	sfence  }
0xb8: {  	s30 =	sld [smem:$0x0];
	_ =	sdelay $0x2  }
0xb9: {  	s31 =	sshll.u32 s1, $0xD;
	s1 =	sshrl.u32 s1, $0x2  }
0xba: {  	s3 =	sand.u32 $0x4000, s31;
	s1 =	sadd.s32 s1, s30  }
0xbb: {  	s0 =	sor.u32 s3, s0;
	s1 =	sshll.u32 s1, $0x11  }
0xbc: {  	s0 =	sor.u32 s1, s0  }
0xbd: {  	s0 =	sadd.s32 $0x8F2B, s0  }
0xbe: {  	[sflag:s0] =	ssyncadd.remote.s32 $0x1  }
0xbf: {  	_ =	sfence.sel $0xFFFF  }
0xc0: {  	[dreg:$0x0] =	wrdreg $0xFFFFFFFF;
	(pc) =	sbr.abs _section_cstart, $3  }
0xc1: {  	[dreg:$0x1] =	wrdreg $0xFFFFFFFF  }
0xc2: {  	_ =	task.clear_ibuf [dreg:s7], $0x2FFFF;
	_ =	strace $0x9FFFFFFF  }
0xc3: {  	(tm) =	ssettm $0x7FFFFFFF  }
tec
execute0_lowered:
.L_overlay_start_1:
0x0: {  	(tag) =	ssettag $0x1  }
0x1: {  	s0 =	rddreg [dreg:$0x0]  }
0x2: {  	s1 =	rddreg [dreg:$0x1]  }
0x3: {  	s2 =	rddreg [dreg:$0x2];
	s3 =	simm.s32 $0x0  }
0x4: {  	s4 =	srdreg.scid;
	s26 =	stileid.u32;
	s22 =	simm.s32 $0x180  }
0x5: {  	s28 =	simm.s32 $0x1;
	s29 =	simm.s32 $0x100;
	[smem:$0x7FF] =	sst s3  }
0x6: {  	s4 =	sand.u32 $0x1, s4;
	s5 =	sadd.s32 $0xC3AC00, s0;
	s11 =	smul.u32 $0x310, s26  }
0x7: {  	s6 =	sadd.s32 $0x194CC00, s0;
	s7 =	smul.u32 $0x1C2, s26;
	s8 =	sadd.s32 $0x6400, s0  }
0x8: {  	s13 =	smul.u32 $0x62000, s26;
	s0 =	sadd.s32 $0x1EE00, s0;
	s30 =	sadd.s32 $0x16F800, s2  }
0x9: {  	p0 =	seq.s32 s26, $0xF;
	s26 =	simm.s32 $0x3980;
	s10 =	smul.u32 $0x61C0, s4  }
0xa: {  	_ =	strace $0x80000047;
	s9 =	ssub.s32 $0x2, s4;
	s4 =	smul.u32 $0x30E000, s4  }
0xb: {  	[dreg:$0x5] =	wrdreg s30;
	s12 =	sshrl.u32 s9, $0x1;
	s23 =	sshrl.u32 s13, $0x2  }
0xc: {  	s12 =	ssub.s32 s9, s12;
	s24 =	sadd.s32 $0x30E0, s10;
	s25 =	sadd.s32 s11, s10  }
0xd: {  	s9 =	sadd.s32 s23, s2;
	s4 =	sshrl.u32 s4, $0x3;
	s23 =	simm.s32 $0x2  }
0xe: {  	s13 =	sshll.u32 s25, $0x4;
	s4 =	sadd.s32 s0, s4;
	s11 =	sadd.s32 s11, s24  }
0xf: {  	s25 =	sadd.s32 $0x61C0, s10;
	s15 =	smax.u32 s12, $0x1;
	s16 =	sadd.s32 $0x3800, s9  }
0x10: {  	s17 =	sadd.s32 $0x7000, s9;
	s18 =	sadd.s32 $0xA800, s9;
	s19 =	sadd.s32 $0xE000, s9  }
0x11: {  	s20 =	sadd.s32 $0x11800, s9;
	s21 =	sadd.s32 $0x15000, s9;
	s13 =	sadd.s32 s0, s13  }
0x12: {  	v5 =	vlaneseq.u32;
	s31 =	sadd.s32 $0x2DF00, s4;
	s11 =	sshll.u32 s11, $0x4;
	[dreg:$0x4] =	wrdreg s13  }
0x13: {  	v3 =	vimm.f32 $0.0e+00;
	v4 =	vor.u32 $0x30E0, v5;
	v1 =	vmov s24;
	s24 =	simm.s32 $0x80;
	[dreg:$0x6] =	wrdreg s31;
	s0 =	sadd.s32 s0, s11  }
0x14: {  	v5 =	vor.u32 $0x30F0, v5;
	v0 =	vmov s10;
	s14 =	sadd.s32 $0x5ED00, s4;
	v2 =	vmov s25;
	s25 =	simm.s32 $0x70;
	[dreg:$0x7] =	wrdreg s0  }
.LBB2_1:
0x15: {  	s0 =	simm.s32 $0x0;
	s4 =	simm.s32 $0x200  }
.LBB2_2:
0x16: {  	p1 =	sne.s32 s4, $0xDE00;
	[tilespmem:s0+$0x1F0] =	vst v3  }
0x17: {  	[tilespmem:s0+$0x180] =	vst v3  }
0x18: {  	[tilespmem:s0+$0x190] =	vst v3  }
.Ltmp0:
0x19: {  	[tilespmem:s0+$0x1A0] =	vst v3;
	(pc) =	sbr.rel @p1 .LBB2_2-.Ltmp0, $4  }
0x1a: {  	[tilespmem:s0+$0x1B0] =	vst v3  }
0x1b: {  	[tilespmem:s0+$0x1C0] =	vst v3  }
0x1c: {  	[tilespmem:s0+$0x1D0] =	vst v3  }
0x1d: {  	[tilespmem:s0+$0x1E0] =	vst v3;
	s0 =	sshra.s32 s4, $0x2;
	s4 =	sadd.s32 $0x200, s4  }
0x1e: {  	[tilespmem:s0+$0x1F0] =	vst v3  }
0x1f: {  	[tilespmem:s0+$0x180] =	vst v3  }
0x20: {  	[tilespmem:s0+$0x190] =	vst v3  }
0x21: {  	[tilespmem:s0+$0x1A0] =	vst v3  }
0x22: {  	[tilespmem:s0+$0x1B0] =	vst v3  }
0x23: {  	[tilespmem:s0+$0x1C0] =	vst v3  }
0x24: {  	[tilespmem:s0+$0x1D0] =	vst v3  }
0x25: {  	[tilespmem:s0+$0x1E0] =	vst v3  }
0x26: {  	[spmem:s9] =	stream.linear.scatter [tilespmem:s22], [sflag:$0x2], $0x3800, $0x38;
	[tilespmem:$0x1F980] =	vst v63  }
0x27: {  	_ =	swait.ge [sflag:s23], $0x3800  }
0x28: {  	[sflag:s23] =	ssyncset.done $0x0  }
0x29: {  	[sflag:s23] =	ssyncadd.s32 $0xFFFFC800  }
0x2a: {  	[spmem:s16] =	stream.linear.scatter [tilespmem:s22], [sflag:$0x2], $0x3800, $0x38;
	[tilespmem:$0x1F980] =	vst v63  }
0x2b: {  	_ =	swait.ge [sflag:s23], $0x3800  }
0x2c: {  	[sflag:s23] =	ssyncset.done $0x0  }
0x2d: {  	[sflag:s23] =	ssyncadd.s32 $0xFFFFC800  }
0x2e: {  	[spmem:s17] =	stream.linear.scatter [tilespmem:s22], [sflag:$0x2], $0x3800, $0x38;
	[tilespmem:$0x1F980] =	vst v63  }
0x2f: {  	_ =	swait.ge [sflag:s23], $0x3800  }
0x30: {  	[sflag:s23] =	ssyncset.done $0x0  }
0x31: {  	[sflag:s23] =	ssyncadd.s32 $0xFFFFC800  }
0x32: {  	[spmem:s18] =	stream.linear.scatter [tilespmem:s22], [sflag:$0x2], $0x3800, $0x38;
	[tilespmem:$0x1F980] =	vst v63  }
0x33: {  	_ =	swait.ge [sflag:s23], $0x3800  }
0x34: {  	[sflag:s23] =	ssyncset.done $0x0  }
0x35: {  	[sflag:s23] =	ssyncadd.s32 $0xFFFFC800  }
0x36: {  	[spmem:s19] =	stream.linear.scatter [tilespmem:s22], [sflag:$0x2], $0x3800, $0x38;
	[tilespmem:$0x1F980] =	vst v63  }
0x37: {  	_ =	swait.ge [sflag:s23], $0x3800  }
0x38: {  	[sflag:s23] =	ssyncset.done $0x0  }
0x39: {  	[sflag:s23] =	ssyncadd.s32 $0xFFFFC800  }
0x3a: {  	[spmem:s20] =	stream.linear.scatter [tilespmem:s22], [sflag:$0x2], $0x3800, $0x38;
	[tilespmem:$0x1F980] =	vst v63  }
0x3b: {  	_ =	swait.ge [sflag:s23], $0x3800  }
0x3c: {  	[sflag:s23] =	ssyncset.done $0x0  }
0x3d: {  	[sflag:s23] =	ssyncadd.s32 $0xFFFFC800  }
0x3e: {  	[spmem:s21] =	stream.linear.scatter [tilespmem:s22], [sflag:$0x2], $0x3800, $0x38;
	[tilespmem:$0x1F980] =	vst v63  }
0x3f: {  	_ =	swait.ge [sflag:s23], $0x3800  }
0x40: {  	[sflag:s23] =	ssyncset.done $0x0  }
0x41: {  	[sflag:s23] =	ssyncadd.s32 $0xFFFFC800  }
0x42: {  	s0 =	simm.s32 $0x0;
	s4 =	simm.s32 $0x0;
	[bflag:$0x0] =	sbarrier.arrive $0xFFFF  }
.LBB2_4:
0x43: {  	s10 =	sadd.s32 s7, s4  }
0x44: {  	s11 =	smul.u32 $0xE, s10;
	_ =	sdelay $0x1  }
0x45: {  	s12 =	sadd.s32 s1, s11  }
0x46: {  	[tilespmem:s0], [sflag:$0x2] =	stream.linear.gather [hbm4b:s12+s0], $0x70, $0x38;
	[tilespmem:$0x1F980] =	vst v63  }
0x47: {  	_ =	swait.ge [sflag:s23], $0x70  }
0x48: {  	[sflag:s23] =	ssyncset.done $0x0  }
0x49: {  	s11 =	sadd.s32 s8, s11;
	[sflag:s23] =	ssyncadd.s32 $0xFFFFFF90  }
0x4a: {  	[tilespmem:s24], [sflag:$0x2] =	stream.linear.gather [hbm4b:s11+s0], $0x70, $0x38;
	[tilespmem:$0x1F980] =	vst v63  }
0x4b: {  	s10 =	smul.u32 $0x700, s10;
	_ =	swait.ge [sflag:s23], $0x70  }
0x4c: {  	[sflag:s23] =	ssyncset.done $0x0  }
0x4d: {  	s10 =	sadd.s32 s6, s10;
	[sflag:s23] =	ssyncadd.s32 $0xFFFFFF90  }
0x4e: {  	[tilespmem:s22], [sflag:$0x2] =	stream.linear.gather [hbm4b:s10+s0], $0x3800, $0x38;
	[tilespmem:$0x1F980] =	vst v63  }
0x4f: {  	_ =	swait.ge [sflag:s23], $0x3800  }
0x50: {  	[sflag:s23] =	ssyncset.done $0x0  }
0x51: {  	[sflag:s23] =	ssyncadd.s32 $0xFFFFC800  }
0x52: {  	[tilespmem:s26], [sflag:$0x1] =	stream.indirect.gather [hbm4b:s5+s25], $0x80, s0, s25, $0xb8;
	[tilespmem:$0x1F980] =	vst v63  }
0x53: {  	_ =	swait.ge [sflag:s28], $0x3800  }
0x54: {  	[sflag:s28] =	ssyncset.done $0x0  }
0x55: {  	[sflag:s28] =	ssyncadd.s32 $0xFFFFC800  }
0x56: {  	v6 =	vld [tilespmem:$0x80]  }
0x57: {  	v7 =	vld [tilespmem:$0x90]  }
0x58: {  	v8 =	vld [tilespmem:$0xA0]  }
0x59: {  	v9 =	vld [tilespmem:$0xB0]  }
0x5a: {  	v10 =	vld [tilespmem:$0xC0]  }
0x5b: {  	v11 =	vld [tilespmem:$0xD0];
	vm0 =	vge.s32 v6, v0  }
0x5c: {  	v12 =	vld [tilespmem:$0xE0];
	vm1 =	vlt.s32 v6, v1;
	v6 =	vsub.s32 v6, v0;
	vm15 =	vge.s32 v7, v0  }
0x5d: {  	vm4 =	vlt.s32 v7, v1;
	vm5 =	vge.s32 v8, v0;
	vm2 =	vlt.s32 v8, v1  }
0x5e: {  	v7 =	vsub.s32 v7, v0;
	v8 =	vsub.s32 v8, v0;
	vm6 =	vge.s32 v9, v0  }
0x5f: {  	vm7 =	vlt.s32 v9, v1;
	vm8 =	vge.s32 v10, v0;
	vm3 =	vlt.s32 v10, v1  }
0x60: {  	vm10 =	vge.s32 v11, v0;
	vm11 =	vlt.s32 v11, v1;
	vm0 =	vmand vm0, vm1  }
0x61: {  	vm13 =	vge.s32 v12, v0;
	vm1 =	vmand vm5, vm2;
	v6 =	vsel vm0, v6, v4  }
0x62: {  	vm14 =	vlt.s32 v12, v1;
	vm0 =	vmand vm15, vm4;
	v8 =	vsel vm1, v8, v4;
	[tilespmem:$0x100] =	vst v6  }
0x63: {  	v7 =	vsel vm0, v7, v5;
	vm0 =	vmand vm6, vm7;
	v6 =	vsub.s32 v9, v0;
	[tilespmem:$0x120] =	vst v8  }
0x64: {  	vm9 =	vmand vm8, vm3;
	[tilespmem:$0x110] =	vst v7;
	v7 =	vsub.s32 v10, v0;
	v6 =	vsel vm0, v6, v5  }
0x65: {  	vm12 =	vmand vm10, vm11;
	v7 =	vsel vm9, v7, v4;
	[tilespmem:$0x130] =	vst v6;
	v6 =	vsub.s32 v11, v0  }
0x66: {  	vm15 =	vmand vm13, vm14;
	v6 =	vsel vm12, v6, v5;
	[tilespmem:$0x140] =	vst v7;
	v7 =	vsub.s32 v12, v0  }
0x67: {  	[tilespmem:$0x150] =	vst v6;
	v6 =	vsel vm15, v7, v4  }
0x68: {  	s10 =	simm.s32 $0x0;
	[tilespmem:$0x160] =	vst v6  }
0x69: {  	v12 =	vld [tilespmem:s10+$0x180]  }
0x6a: {  	v17 =	vld [tilespmem:s10+$0x190]  }
0x6b: {  	v11 =	vld [tilespmem:s10+$0x1A0]  }
0x6c: {  	v10 =	vld [tilespmem:s10+$0x1B0]  }
0x6d: {  	v9 =	vld [tilespmem:s10+$0x1C0]  }
0x6e: {  	v8 =	vld [tilespmem:s10+$0x1D0]  }
0x6f: {  	v7 =	vld [tilespmem:s10+$0x1E0]  }
0x70: {  	v6 =	vld [tilespmem:s10+$0x1F0]  }
0x71: {  	v18 =	vld [tilespmem:s10+$0x3980]  }
0x72: {  	v19 =	vld [tilespmem:s10+$0x3990]  }
0x73: {  	v16 =	vld [tilespmem:s10+$0x39A0]  }
0x74: {  	v15 =	vld [tilespmem:s10+$0x39B0]  }
0x75: {  	v14 =	vld [tilespmem:s10+$0x39C0]  }
0x76: {  	v13 =	vld [tilespmem:s10+$0x39D0];
	v18 =	vadd.f32 v12, v18  }
0x77: {  	s11 =	simm.s32 $0x200;
	v17 =	vadd.f32 v17, v19;
	v12 =	vld [tilespmem:s10+$0x39E0]  }
.LBB2_5:
0x78: {  	s12 =	sshra.s32 s11, $0x2;
	p1 =	sne.s32 s11, $0xDE00;
	v18 =	vmax.f32 v18, $0.0e+00;
	v11 =	vadd.f32 v11, v16;
	v16 =	vld [tilespmem:s10+$0x39F0]  }
0x79: {  	v19 =	vld [tilespmem:s12+$0x180];
	[tilespmem:s10+$0x3980] =	vst v18;
	v17 =	vmax.f32 v17, $0.0e+00;
	v10 =	vadd.f32 v10, v15  }
0x7a: {  	v20 =	vld [tilespmem:s12+$0x190];
	[tilespmem:s10+$0x3990] =	vst v17;
	v15 =	vmax.f32 v11, $0.0e+00;
	v9 =	vadd.f32 v9, v14  }
0x7b: {  	v11 =	vld [tilespmem:s12+$0x1A0];
	[tilespmem:s10+$0x39A0] =	vst v15;
	v14 =	vmax.f32 v10, $0.0e+00;
	v8 =	vadd.f32 v8, v13  }
0x7c: {  	v10 =	vld [tilespmem:s12+$0x1B0];
	[tilespmem:s10+$0x39B0] =	vst v14;
	v13 =	vmax.f32 v9, $0.0e+00;
	v7 =	vadd.f32 v7, v12  }
0x7d: {  	v9 =	vld [tilespmem:s12+$0x1C0];
	[tilespmem:s10+$0x39C0] =	vst v13;
	v12 =	vmax.f32 v8, $0.0e+00;
	v6 =	vadd.f32 v6, v16  }
0x7e: {  	v8 =	vld [tilespmem:s12+$0x1D0];
	[tilespmem:s10+$0x39D0] =	vst v12;
	v12 =	vmax.f32 v7, $0.0e+00  }
0x7f: {  	v7 =	vld [tilespmem:s12+$0x1E0];
	[tilespmem:s10+$0x39E0] =	vst v12;
	v12 =	vmax.f32 v6, $0.0e+00  }
0x80: {  	v6 =	vld [tilespmem:s12+$0x1F0];
	[tilespmem:s10+$0x39F0] =	vst v12;
	s10 =	smov.u32 s12  }
0x81: {  	v12 =	vld [tilespmem:s10+$0x3980]  }
0x82: {  	v17 =	vld [tilespmem:s10+$0x3990]  }
.Ltmp1:
0x83: {  	v16 =	vld [tilespmem:s10+$0x39A0];
	(pc) =	sbr.rel @p1 .LBB2_5-.Ltmp1, $4  }
0x84: {  	v15 =	vld [tilespmem:s10+$0x39B0]  }
0x85: {  	v14 =	vld [tilespmem:s10+$0x39C0]  }
0x86: {  	v18 =	vadd.f32 v19, v12;
	v13 =	vld [tilespmem:s10+$0x39D0]  }
0x87: {  	s11 =	sadd.s32 $0x200, s11;
	v17 =	vadd.f32 v20, v17;
	v12 =	vld [tilespmem:s10+$0x39E0]  }
0x88: {  	v18 =	vmax.f32 v18, $0.0e+00;
	v11 =	vadd.f32 v11, v16;
	v63 =	vld [tilespmem:s10+$0x39F0]  }
0x89: {  	[tilespmem:s10+$0x3980] =	vst v18;
	v17 =	vmax.f32 v17, $0.0e+00;
	v10 =	vadd.f32 v10, v15  }
0x8a: {  	[tilespmem:s10+$0x3990] =	vst v17;
	v11 =	vmax.f32 v11, $0.0e+00;
	v9 =	vadd.f32 v9, v14  }
0x8b: {  	[tilespmem:s10+$0x39A0] =	vst v11;
	v10 =	vmax.f32 v10, $0.0e+00;
	v8 =	vadd.f32 v8, v13  }
0x8c: {  	[tilespmem:s10+$0x39B0] =	vst v10;
	v9 =	vmax.f32 v9, $0.0e+00;
	v7 =	vadd.f32 v7, v12  }
0x8d: {  	[tilespmem:s10+$0x39C0] =	vst v9;
	v8 =	vmax.f32 v8, $0.0e+00;
	v6 =	vadd.f32 v6, v63  }
0x8e: {  	s4 =	sadd.s32 $0x1, s4;
	[tilespmem:s10+$0x39D0] =	vst v8;
	v7 =	vmax.f32 v7, $0.0e+00  }
0x8f: {  	p1 =	sne.s32 s4, $0x1C2;
	[tilespmem:s10+$0x39E0] =	vst v7;
	v6 =	vmax.f32 v6, $0.0e+00  }
.Ltmp2:
0x90: {  	[tilespmem:s10+$0x39F0] =	vst v6;
	(pc) =	sbr.rel @p1 .LBB2_4-.Ltmp2, $4  }
0x91: {  	[spmem:s2] =	stream.indirect.scatter.add.f32 [tilespmem:s26], [sflag:$0x2], $0x80, s29, s25, $0xb8;
	[tilespmem:$0x1F980] =	vst v63  }
0x92: {  	_ =	swait.ge [sflag:s23], $0x3800  }
0x93: {  	[sflag:s23] =	ssyncset.done $0x0  }
0x94: {  	[sflag:s23] =	ssyncadd.s32 $0xFFFFC800  }
0x95: {  	[bflag:$0x0] =	sbarrier.arrive $0xFFFF  }
0x96: {  	s0 =	rddreg [dreg:$0x5]  }
0x97: {  	s4 =	rddreg [dreg:$0x6];
	s30 =	sshrl.u32 @p0 s0, $0x3;
	s0 =	simm.s32 @p0 $0x1FC2  }
0x98: {  	[hbm:s4], [sflag:s0] =	dma.local @p0 [spmem:s30], $0x2F00  }
0x99: {  	s0 =	simm.s32 @p0 $0x2;
	s4 =	stileid.u32  }
0x9a: {  	_ =	swait.ge @p0 [sflag:s0], $0x2F00;
	s4 =	sshll.u32 @!p0 s4, $0x6  }
0x9b: {  	[sflag:s0] =	ssyncset.done @p0 $0x0;
	s31 =	sor.u32 @!p0 $0x1C02, s4  }
0x9c: {  	s4 =	rddreg [dreg:$0x4];
	[sflag:s0] =	ssyncadd.s32 @p0 $0xFFFFD100;
	s0 =	sshrl.u32 @!p0 s9, $0x3  }
0x9d: {  	[hbm:s4], [sflag:s31] =	dma.local @!p0 [spmem:s0], $0x3100  }
0x9e: {  	s4 =	simm.s32 @!p0 $0x2  }
0x9f: {  	_ =	swait.ge @!p0 [sflag:s4], $0x3100  }
0xa0: {  	[sflag:s4] =	ssyncset.done @!p0 $0x0  }
0xa1: {  	[sflag:s4] =	ssyncadd.s32 @!p0 $0xFFFFCF00  }
0xa2: {  	s10 =	simm.s32 $0x200;
	s4 =	simm.s32 $0x0;
	[bflag:$0x0] =	sbarrier.arrive $0xFFFF  }
.LBB2_8:
0xa3: {  	p1 =	seq.s32 s10, $0xDE00;
	[tilespmem:s4+$0x1F0] =	vst v3  }
0xa4: {  	[tilespmem:s4+$0x180] =	vst v3  }
0xa5: {  	[tilespmem:s4+$0x190] =	vst v3  }
.Ltmp3:
0xa6: {  	[tilespmem:s4+$0x1A0] =	vst v3;
	(pc) =	sbr.rel @!p1 .LBB2_8-.Ltmp3, $4  }
0xa7: {  	[tilespmem:s4+$0x1B0] =	vst v3  }
0xa8: {  	[tilespmem:s4+$0x1C0] =	vst v3  }
0xa9: {  	[tilespmem:s4+$0x1D0] =	vst v3  }
0xaa: {  	[tilespmem:s4+$0x1E0] =	vst v3;
	s4 =	sshra.s32 s10, $0x2;
	s10 =	sadd.s32 $0x200, s10  }
0xab: {  	[tilespmem:s4+$0x1F0] =	vst v3  }
0xac: {  	[tilespmem:s4+$0x180] =	vst v3  }
0xad: {  	[tilespmem:s4+$0x190] =	vst v3  }
0xae: {  	[tilespmem:s4+$0x1A0] =	vst v3  }
0xaf: {  	[tilespmem:s4+$0x1B0] =	vst v3  }
0xb0: {  	[tilespmem:s4+$0x1C0] =	vst v3  }
0xb1: {  	[tilespmem:s4+$0x1D0] =	vst v3  }
0xb2: {  	[tilespmem:s4+$0x1E0] =	vst v3  }
0xb3: {  	[spmem:s9] =	stream.linear.scatter [tilespmem:s22], [sflag:$0x2], $0x3800, $0x38;
	[tilespmem:$0x1F980] =	vst v63  }
0xb4: {  	_ =	swait.ge [sflag:s23], $0x3800  }
0xb5: {  	[sflag:s23] =	ssyncset.done $0x0  }
0xb6: {  	[sflag:s23] =	ssyncadd.s32 $0xFFFFC800  }
0xb7: {  	[spmem:s16] =	stream.linear.scatter [tilespmem:s22], [sflag:$0x2], $0x3800, $0x38;
	[tilespmem:$0x1F980] =	vst v63  }
0xb8: {  	_ =	swait.ge [sflag:s23], $0x3800  }
0xb9: {  	[sflag:s23] =	ssyncset.done $0x0  }
0xba: {  	[sflag:s23] =	ssyncadd.s32 $0xFFFFC800  }
0xbb: {  	[spmem:s17] =	stream.linear.scatter [tilespmem:s22], [sflag:$0x2], $0x3800, $0x38;
	[tilespmem:$0x1F980] =	vst v63  }
0xbc: {  	_ =	swait.ge [sflag:s23], $0x3800  }
0xbd: {  	[sflag:s23] =	ssyncset.done $0x0  }
0xbe: {  	[sflag:s23] =	ssyncadd.s32 $0xFFFFC800  }
0xbf: {  	[spmem:s18] =	stream.linear.scatter [tilespmem:s22], [sflag:$0x2], $0x3800, $0x38;
	[tilespmem:$0x1F980] =	vst v63  }
0xc0: {  	_ =	swait.ge [sflag:s23], $0x3800  }
0xc1: {  	[sflag:s23] =	ssyncset.done $0x0  }
0xc2: {  	[sflag:s23] =	ssyncadd.s32 $0xFFFFC800  }
0xc3: {  	[spmem:s19] =	stream.linear.scatter [tilespmem:s22], [sflag:$0x2], $0x3800, $0x38;
	[tilespmem:$0x1F980] =	vst v63  }
0xc4: {  	_ =	swait.ge [sflag:s23], $0x3800  }
0xc5: {  	[sflag:s23] =	ssyncset.done $0x0  }
0xc6: {  	[sflag:s23] =	ssyncadd.s32 $0xFFFFC800  }
0xc7: {  	[spmem:s20] =	stream.linear.scatter [tilespmem:s22], [sflag:$0x2], $0x3800, $0x38;
	[tilespmem:$0x1F980] =	vst v63  }
0xc8: {  	_ =	swait.ge [sflag:s23], $0x3800  }
0xc9: {  	[sflag:s23] =	ssyncset.done $0x0  }
0xca: {  	[sflag:s23] =	ssyncadd.s32 $0xFFFFC800  }
0xcb: {  	[spmem:s21] =	stream.linear.scatter [tilespmem:s22], [sflag:$0x2], $0x3800, $0x38;
	[tilespmem:$0x1F980] =	vst v63  }
0xcc: {  	_ =	swait.ge [sflag:s23], $0x3800  }
0xcd: {  	[sflag:s23] =	ssyncset.done $0x0  }
0xce: {  	[sflag:s23] =	ssyncadd.s32 $0xFFFFC800  }
0xcf: {  	s4 =	simm.s32 $0x0;
	s10 =	simm.s32 $0x0;
	[bflag:$0x0] =	sbarrier.arrive $0xFFFF  }
.LBB2_10:
0xd0: {  	s11 =	sadd.s32 s7, s10  }
0xd1: {  	s12 =	smul.u32 $0xE, s11;
	_ =	sdelay $0x1  }
0xd2: {  	s13 =	sadd.s32 s1, s12  }
0xd3: {  	[tilespmem:s4], [sflag:$0x2] =	stream.linear.gather [hbm4b:s13+s4], $0x70, $0x38;
	[tilespmem:$0x1F980] =	vst v63  }
0xd4: {  	_ =	swait.ge [sflag:s23], $0x70  }
0xd5: {  	[sflag:s23] =	ssyncset.done $0x0  }
0xd6: {  	s12 =	sadd.s32 s8, s12;
	[sflag:s23] =	ssyncadd.s32 $0xFFFFFF90  }
0xd7: {  	[tilespmem:s24], [sflag:$0x2] =	stream.linear.gather [hbm4b:s12+s4], $0x70, $0x38;
	[tilespmem:$0x1F980] =	vst v63  }
0xd8: {  	s11 =	smul.u32 $0x700, s11;
	_ =	swait.ge [sflag:s23], $0x70  }
0xd9: {  	[sflag:s23] =	ssyncset.done $0x0  }
0xda: {  	s11 =	sadd.s32 s6, s11;
	[sflag:s23] =	ssyncadd.s32 $0xFFFFFF90  }
0xdb: {  	[tilespmem:s22], [sflag:$0x2] =	stream.linear.gather [hbm4b:s11+s4], $0x3800, $0x38;
	[tilespmem:$0x1F980] =	vst v63  }
0xdc: {  	_ =	swait.ge [sflag:s23], $0x3800  }
0xdd: {  	[sflag:s23] =	ssyncset.done $0x0  }
0xde: {  	[sflag:s23] =	ssyncadd.s32 $0xFFFFC800  }
0xdf: {  	[tilespmem:s26], [sflag:$0x1] =	stream.indirect.gather [hbm4b:s5+s25], $0x80, s4, s25, $0xb8;
	[tilespmem:$0x1F980] =	vst v63  }
0xe0: {  	_ =	swait.ge [sflag:s28], $0x3800  }
0xe1: {  	[sflag:s28] =	ssyncset.done $0x0  }
0xe2: {  	[sflag:s28] =	ssyncadd.s32 $0xFFFFC800  }
0xe3: {  	v6 =	vld [tilespmem:$0x80]  }
0xe4: {  	v7 =	vld [tilespmem:$0x90]  }
0xe5: {  	v8 =	vld [tilespmem:$0xA0]  }
0xe6: {  	v9 =	vld [tilespmem:$0xB0]  }
0xe7: {  	v10 =	vld [tilespmem:$0xC0]  }
0xe8: {  	v11 =	vld [tilespmem:$0xD0];
	vm0 =	vge.s32 v6, v1  }
0xe9: {  	v12 =	vld [tilespmem:$0xE0];
	vm1 =	vlt.s32 v6, v2;
	v6 =	vsub.s32 v6, v1;
	vm15 =	vge.s32 v7, v1  }
0xea: {  	vm4 =	vlt.s32 v7, v2;
	vm5 =	vge.s32 v8, v1;
	vm2 =	vlt.s32 v8, v2  }
0xeb: {  	v7 =	vsub.s32 v7, v1;
	v8 =	vsub.s32 v8, v1;
	vm6 =	vge.s32 v9, v1  }
0xec: {  	vm7 =	vlt.s32 v9, v2;
	vm8 =	vge.s32 v10, v1;
	vm3 =	vlt.s32 v10, v2  }
0xed: {  	vm10 =	vge.s32 v11, v1;
	vm11 =	vlt.s32 v11, v2;
	vm0 =	vmand vm0, vm1  }
0xee: {  	vm13 =	vge.s32 v12, v1;
	vm1 =	vmand vm5, vm2;
	v6 =	vsel vm0, v6, v4  }
0xef: {  	vm14 =	vlt.s32 v12, v2;
	vm0 =	vmand vm15, vm4;
	v8 =	vsel vm1, v8, v4;
	[tilespmem:$0x100] =	vst v6  }
0xf0: {  	v7 =	vsel vm0, v7, v5;
	vm0 =	vmand vm6, vm7;
	v6 =	vsub.s32 v9, v1;
	[tilespmem:$0x120] =	vst v8  }
0xf1: {  	vm9 =	vmand vm8, vm3;
	[tilespmem:$0x110] =	vst v7;
	v7 =	vsub.s32 v10, v1;
	v6 =	vsel vm0, v6, v5  }
0xf2: {  	vm12 =	vmand vm10, vm11;
	v7 =	vsel vm9, v7, v4;
	[tilespmem:$0x130] =	vst v6;
	v6 =	vsub.s32 v11, v1  }
0xf3: {  	vm15 =	vmand vm13, vm14;
	v6 =	vsel vm12, v6, v5;
	[tilespmem:$0x140] =	vst v7;
	v7 =	vsub.s32 v12, v1  }
0xf4: {  	[tilespmem:$0x150] =	vst v6;
	v6 =	vsel vm15, v7, v4  }
0xf5: {  	s11 =	simm.s32 $0x0;
	[tilespmem:$0x160] =	vst v6  }
0xf6: {  	v12 =	vld [tilespmem:s11+$0x180]  }
0xf7: {  	v17 =	vld [tilespmem:s11+$0x190]  }
0xf8: {  	v11 =	vld [tilespmem:s11+$0x1A0]  }
0xf9: {  	v10 =	vld [tilespmem:s11+$0x1B0]  }
0xfa: {  	v9 =	vld [tilespmem:s11+$0x1C0]  }
0xfb: {  	v8 =	vld [tilespmem:s11+$0x1D0]  }
0xfc: {  	v7 =	vld [tilespmem:s11+$0x1E0]  }
0xfd: {  	v6 =	vld [tilespmem:s11+$0x1F0]  }
0xfe: {  	v18 =	vld [tilespmem:s11+$0x3980]  }
0xff: {  	v19 =	vld [tilespmem:s11+$0x3990]  }
0x100: {  	v16 =	vld [tilespmem:s11+$0x39A0]  }
0x101: {  	v15 =	vld [tilespmem:s11+$0x39B0]  }
0x102: {  	v14 =	vld [tilespmem:s11+$0x39C0]  }
0x103: {  	v13 =	vld [tilespmem:s11+$0x39D0];
	v18 =	vadd.f32 v12, v18  }
0x104: {  	s12 =	simm.s32 $0x200;
	v17 =	vadd.f32 v17, v19;
	v12 =	vld [tilespmem:s11+$0x39E0]  }
.LBB2_11:
0x105: {  	s13 =	sshra.s32 s12, $0x2;
	p1 =	sne.s32 s12, $0xDE00;
	v18 =	vmax.f32 v18, $0.0e+00;
	v11 =	vadd.f32 v11, v16;
	v16 =	vld [tilespmem:s11+$0x39F0]  }
0x106: {  	v19 =	vld [tilespmem:s13+$0x180];
	[tilespmem:s11+$0x3980] =	vst v18;
	v17 =	vmax.f32 v17, $0.0e+00;
	v10 =	vadd.f32 v10, v15  }
0x107: {  	v20 =	vld [tilespmem:s13+$0x190];
	[tilespmem:s11+$0x3990] =	vst v17;
	v15 =	vmax.f32 v11, $0.0e+00;
	v9 =	vadd.f32 v9, v14  }
0x108: {  	v11 =	vld [tilespmem:s13+$0x1A0];
	[tilespmem:s11+$0x39A0] =	vst v15;
	v14 =	vmax.f32 v10, $0.0e+00;
	v8 =	vadd.f32 v8, v13  }
0x109: {  	v10 =	vld [tilespmem:s13+$0x1B0];
	[tilespmem:s11+$0x39B0] =	vst v14;
	v13 =	vmax.f32 v9, $0.0e+00;
	v7 =	vadd.f32 v7, v12  }
0x10a: {  	v9 =	vld [tilespmem:s13+$0x1C0];
	[tilespmem:s11+$0x39C0] =	vst v13;
	v12 =	vmax.f32 v8, $0.0e+00;
	v6 =	vadd.f32 v6, v16  }
0x10b: {  	v8 =	vld [tilespmem:s13+$0x1D0];
	[tilespmem:s11+$0x39D0] =	vst v12;
	v12 =	vmax.f32 v7, $0.0e+00  }
0x10c: {  	v7 =	vld [tilespmem:s13+$0x1E0];
	[tilespmem:s11+$0x39E0] =	vst v12;
	v12 =	vmax.f32 v6, $0.0e+00  }
0x10d: {  	v6 =	vld [tilespmem:s13+$0x1F0];
	[tilespmem:s11+$0x39F0] =	vst v12;
	s11 =	smov.u32 s13  }
0x10e: {  	v12 =	vld [tilespmem:s11+$0x3980]  }
0x10f: {  	v17 =	vld [tilespmem:s11+$0x3990]  }
.Ltmp4:
0x110: {  	v16 =	vld [tilespmem:s11+$0x39A0];
	(pc) =	sbr.rel @p1 .LBB2_11-.Ltmp4, $4  }
0x111: {  	v15 =	vld [tilespmem:s11+$0x39B0]  }
0x112: {  	v14 =	vld [tilespmem:s11+$0x39C0]  }
0x113: {  	v18 =	vadd.f32 v19, v12;
	v13 =	vld [tilespmem:s11+$0x39D0]  }
0x114: {  	s12 =	sadd.s32 $0x200, s12;
	v17 =	vadd.f32 v20, v17;
	v12 =	vld [tilespmem:s11+$0x39E0]  }
0x115: {  	v18 =	vmax.f32 v18, $0.0e+00;
	v11 =	vadd.f32 v11, v16;
	v63 =	vld [tilespmem:s11+$0x39F0]  }
0x116: {  	[tilespmem:s11+$0x3980] =	vst v18;
	v17 =	vmax.f32 v17, $0.0e+00;
	v10 =	vadd.f32 v10, v15  }
0x117: {  	[tilespmem:s11+$0x3990] =	vst v17;
	v11 =	vmax.f32 v11, $0.0e+00;
	v9 =	vadd.f32 v9, v14  }
0x118: {  	[tilespmem:s11+$0x39A0] =	vst v11;
	v10 =	vmax.f32 v10, $0.0e+00;
	v8 =	vadd.f32 v8, v13  }
0x119: {  	[tilespmem:s11+$0x39B0] =	vst v10;
	v9 =	vmax.f32 v9, $0.0e+00;
	v7 =	vadd.f32 v7, v12  }
0x11a: {  	[tilespmem:s11+$0x39C0] =	vst v9;
	v8 =	vmax.f32 v8, $0.0e+00;
	v6 =	vadd.f32 v6, v63  }
0x11b: {  	s10 =	sadd.s32 $0x1, s10;
	[tilespmem:s11+$0x39D0] =	vst v8;
	v7 =	vmax.f32 v7, $0.0e+00  }
0x11c: {  	p1 =	sne.s32 s10, $0x1C2;
	[tilespmem:s11+$0x39E0] =	vst v7;
	v6 =	vmax.f32 v6, $0.0e+00  }
.Ltmp5:
0x11d: {  	[tilespmem:s11+$0x39F0] =	vst v6;
	(pc) =	sbr.rel @p1 .LBB2_10-.Ltmp5, $4  }
0x11e: {  	[spmem:s2] =	stream.indirect.scatter.add.f32 [tilespmem:s26], [sflag:$0x2], $0x80, s29, s25, $0xb8;
	[tilespmem:$0x1F980] =	vst v63  }
0x11f: {  	_ =	swait.ge [sflag:s23], $0x3800  }
0x120: {  	[sflag:s23] =	ssyncset.done $0x0  }
0x121: {  	[sflag:s23] =	ssyncadd.s32 $0xFFFFC800  }
0x122: {  	[bflag:$0x0] =	sbarrier.arrive $0xFFFF;
	s4 =	simm.s32 @p0 $0x1FC2  }
0x123: {  	[hbm:s14], [sflag:s4] =	dma.local @p0 [spmem:s30], $0x2F00  }
0x124: {  	s4 =	simm.s32 @p0 $0x2  }
0x125: {  	_ =	swait.ge @p0 [sflag:s4], $0x2F00  }
0x126: {  	[sflag:s4] =	ssyncset.done @p0 $0x0  }
0x127: {  	s3 =	sadd.s32 $0x1, s3;
	[sflag:s4] =	ssyncadd.s32 @p0 $0xFFFFD100;
	s4 =	rddreg [dreg:$0x7]  }
0x128: {  	[hbm:s4], [sflag:s31] =	dma.local @!p0 [spmem:s0], $0x3100  }
0x129: {  	p1 =	sne.s32 s3, s15;
	s0 =	simm.s32 @!p0 $0x2  }
.Ltmp6:
0x12a: {  	_ =	swait.ge @!p0 [sflag:s0], $0x3100;
	(pc) =	sbr.rel @p1 .LBB2_1-.Ltmp6, $3  }
0x12b: {  	[sflag:s0] =	ssyncset.done @!p0 $0x0  }
0x12c: {  	[sflag:s0] =	ssyncadd.s32 @!p0 $0xFFFFCF00  }
0x12d: {  	[bflag:$0x0] =	sbarrier.arrive $0xFFFF;
	_ =	sdelay $0x1  }
0x12e: {  	_ =	sfence.sel $0x180000  }
0x12f: {  	[bflag:$0x0] =	sbarrier.arrive $0xFFFF  }
0x130: {  	_ =	strace $0x90000047  }
0x131: {  	s0 =	stileid.u32;
	[bflag:$0x2] =	sbarrier.arrive $0xFFFF  }
0x132: {  	p0 =	sne.s32 s0, $0x0;
	s0 =	rddreg [dreg:$0x3]  }
0x133: {  	s0 =	sadd.s32 @!p0 $0x100000, s0  }
0x134: {  	[sflag:s0] =	ssyncadd.tile.s32 @!p0 $0x1;
	_ =	shalt  }
.Lfunc_end2:
_tile_overlayer_lowered:
.L_overlay_start_2:
0x135: {  	(tag) =	ssettag $0x2  }
0x136: {  	s0 =	rddreg [dreg:$0x0];
	s2 =	stileid.u32  }
0x137: {  	s1 =	rddreg [dreg:$0x1];
	p0 =	sne.s32 s2, $0x0  }
0x138: {  	s3 =	rddreg [dreg:$0x2];
	[bflag:$0x3] =	sbarrier.arrive $0xFFFF;
	s2 =	simm.s32 @!p0 $0x1C02  }
0x139: {  	[timem:s3], [sflag:s2] =	dma.local @!p0 [hbm:s0], s1  }
0x13a: {  	s0 =	simm.s32 @!p0 $0x2  }
0x13b: {  	_ =	swait.ge @!p0 [sflag:s0], s1  }
0x13c: {  	s1 =	ssub.s32 @!p0 $0x0, s1;
	[sflag:s0] =	ssyncset.done @!p0 $0x0  }
0x13d: {  	[sflag:s0] =	ssyncadd.s32 @!p0 s1  }
0x13e: {  	[bflag:$0x3] =	sbarrier.arrive $0xFFFF  }
0x13f: {  	_ =	shalt  }

// kernel: kernel.17.cloned.1.call-start
scs
__scs_entry_jumppad:
0x0: {  	(pc) =	sbr.rel $0x88, $3  }
0x1: {  	(tag) =	ssettag $0x0;
	lr =	simm.s32 $0x1  }
0x2: {  	[smem:$0x3F93] =	sst lr;
	_ =	strace $0xD0000000  }
0x3: {  	_ = 	snop  }
0x4: {  	_ = 	snop  }
0x5: {  	_ = 	snop  }
0x6: {  	_ = 	snop  }
0x7: {  	_ = 	snop  }
__scs_overlays_trampoline_lowered:
0x8: {  	[smem:$0x3FA2] =	sst s0  }
0x9: {  	[smem:$0x3FA3] =	sst s1  }
0xa: {  	[smem:$0x3FA4] =	sst s2  }
0xb: {  	[smem:$0x3FA5] =	sst s3  }
0xc: {  	[smem:$0x3FA6] =	sst s4  }
0xd: {  	[smem:$0x3FA7] =	sst s5  }
0xe: {  	[smem:$0x3FA8] =	sst s6  }
0xf: {  	[smem:$0x3FA9] =	sst s7  }
0x10: {  	[smem:$0x3FAA] =	sst s8  }
0x11: {  	[smem:$0x3FAB] =	sst s9;
	s0 =	simm.s32 @!p0 $0x0  }
0x12: {  	s1 =	sld [smem:$0x3F91];
	s0 =	simm.s32 @p0 $0x1  }
0x13: {  	[smem:$0x3FAC] =	sst s0;
	s0 =	simm.s32 @!p1 $0x0  }
0x14: {  	s2 =	sld [smem:$0x3F90];
	s0 =	simm.s32 @p1 $0x1  }
0x15: {  	[smem:$0x3FAD] =	sst s0;
	s0 =	simm.s32 @!p2 $0x0  }
0x16: {  	s3 =	sld [smem:$0x3FDB];
	s0 =	simm.s32 @p2 $0x1  }
0x17: {  	s4 =	simm.s32 $0x1BF5;
	[smem:$0x3FAF] =	sst s0  }
0x18: {  	s0 =	sld [smem:$0x3F92];
	_ =	swait.ge [sflag:s4], $0x0  }
0x19: {  	s7 =	sld [smem:$0x3F93]  }
0x1a: {  	s8 =	sadd.s32 $0xFFFFE003, lr  }
0x1b: {  	s9 =	sadd.s32 $0xFFFFFEF7, lr;
	s5 =	simm.s32 $0xFFFFFFFF;
	p2 =	slt.u32 s8, $0xFFFFF086  }
0x1c: {  	p1 =	slt.u32 s9, $0xF7A;
	s5 =	simm.s32 @!p2 $0x0  }
0x1d: {  	s5 =	simm.s32 @p1 $0x1;
	p0 =	seq.s32 s7, s2  }
0x1e: {  	s7 =	smul.u32 @!p0 $0xF7A, s2;
	p2 =	seq.s32 @!p0 s5, $0x0  }
0x1f: {  	s9 =	smul.u32 $0xF7A, s1;
	s8 =	simm.s32 @!p0 $0x1BF5;
	p2 =	por !p2, p0  }
0x20: {  	[sflag:s8] =	ssyncset.s32 @!p0 $0xFFFFF086;
	s6 =	sadd.s32 @!p0 s3, s7;
	s7 =	simm.s32 @!p0 $0x108  }
0x21: {  	s3 =	sadd.s32 s3, s9;
	s6 =	sadd.s32 @!p0 $0x88, s6;
	s7 =	simm.s32 @p2 $0x1082  }
0x22: {  	[simem:s7], [sflag:s8] =	dma.local @!p0 [hbm:s6], $0xF7A  }
0x23: {  	s9 =	sor.u32 $0xD0000000, s2;
	s6 =	simm.s32 $0x108;
	_ =	swait.ge @!p0 [sflag:s8], $0x0  }
0x24: {  	s3 =	sadd.s32 $0x88, s3;
	s6 =	simm.s32 @!p1 $0x1082;
	[sflag:s4] =	ssyncset.s32 $0xFFFFF086  }
0x25: {  	[simem:s6], [sflag:s4] =	dma.local [hbm:s3], $0xF7A  }
0x26: {  	[smem:$0x3F93] =	sst s1;
	(tag) =	ssettag s2;
	_ =	strace s9  }
0x27: {  	s1 =	sld [smem:$0x3FA3]  }
0x28: {  	s2 =	sld [smem:$0x3FA4]  }
0x29: {  	s4 =	sld [smem:$0x3FA6]  }
0x2a: {  	p0 =	seq.s32 s5, $0x0;
	s5 =	sld [smem:$0x3FA7]  }
0x2b: {  	s6 =	sld [smem:$0x3FA8]  }
0x2c: {  	s7 =	sld [smem:$0x3FA9]  }
0x2d: {  	s3 =	simm.s32 $0x108;
	s8 =	sld [smem:$0x3FAA]  }
0x2e: {  	s3 =	simm.s32 @!p0 $0x1082;
	s9 =	sld [smem:$0x3FAB]  }
0x2f: {  	lr =	sadd.s32 s0, s3;
	s0 =	sld [smem:$0x3FA2]  }
0x30: {  	s3 =	sld [smem:$0x3FA5]  }
0x31: {  	[smem:$0x3FAE] =	sst s10  }
0x32: {  	s10 =	sld [smem:$0x3FAC];
	_ =	sdelay $0x3  }
0x33: {  	p0 =	seq.s32 s10, $0x1;
	s10 =	sld [smem:$0x3FAE];
	_ =	sdelay $0x3  }
0x34: {  	[smem:$0x3FAE] =	sst s10  }
0x35: {  	s10 =	sld [smem:$0x3FAD];
	_ =	sdelay $0x3  }
0x36: {  	p1 =	seq.s32 s10, $0x1;
	s10 =	sld [smem:$0x3FAE];
	_ =	sdelay $0x3  }
0x37: {  	[smem:$0x3FAE] =	sst s10  }
0x38: {  	s10 =	sld [smem:$0x3FAF]  }
0x39: {  	_ = 	snop;
	(pc) =	sbr.ind lr, $3  }
0x3a: {  	_ = 	snop  }
0x3b: {  	_ = 	snop  }
0x3c: {  	p2 =	seq.s32 s10, $0x1;
	s10 =	sld [smem:$0x3FAE]  }
0x3d: {  	_ =	shalt  }
0x3e: {  	_ =	shalt  }
0x3f: {  	_ =	shalt  }
0x40: {  	_ =	shalt  }
0x41: {  	_ =	shalt  }
0x42: {  	_ =	shalt  }
0x43: {  	_ =	shalt  }
0x44: {  	_ =	shalt  }
0x45: {  	_ =	shalt  }
0x46: {  	_ =	shalt  }
0x47: {  	_ =	shalt  }
0x48: {  	_ =	shalt  }
0x49: {  	_ =	shalt  }
0x4a: {  	_ =	shalt  }
0x4b: {  	_ =	shalt  }
0x4c: {  	_ =	shalt  }
0x4d: {  	_ =	shalt  }
0x4e: {  	_ =	shalt  }
0x4f: {  	_ =	shalt  }
0x50: {  	_ =	shalt  }
0x51: {  	_ =	shalt  }
0x52: {  	_ =	shalt  }
0x53: {  	_ =	shalt  }
0x54: {  	_ =	shalt  }
0x55: {  	_ =	shalt  }
0x56: {  	_ =	shalt  }
0x57: {  	_ =	shalt  }
0x58: {  	_ =	shalt  }
0x59: {  	_ =	shalt  }
0x5a: {  	_ =	shalt  }
0x5b: {  	_ =	shalt  }
0x5c: {  	_ =	shalt  }
0x5d: {  	_ =	shalt  }
0x5e: {  	_ =	shalt  }
0x5f: {  	_ =	shalt  }
0x60: {  	_ =	shalt  }
0x61: {  	_ =	shalt  }
0x62: {  	_ =	shalt  }
0x63: {  	_ =	shalt  }
0x64: {  	_ =	shalt  }
0x65: {  	_ =	shalt  }
0x66: {  	_ =	shalt  }
0x67: {  	_ =	shalt  }
0x68: {  	_ =	shalt  }
0x69: {  	_ =	shalt  }
0x6a: {  	_ =	shalt  }
0x6b: {  	_ =	shalt  }
0x6c: {  	_ =	shalt  }
0x6d: {  	_ =	shalt  }
0x6e: {  	_ =	shalt  }
0x6f: {  	_ =	shalt  }
0x70: {  	_ =	shalt  }
0x71: {  	_ =	shalt  }
0x72: {  	_ =	shalt  }
0x73: {  	_ =	shalt  }
0x74: {  	_ =	shalt  }
0x75: {  	_ =	shalt  }
0x76: {  	_ =	shalt  }
0x77: {  	_ =	shalt  }
0x78: {  	_ =	shalt  }
0x79: {  	_ =	shalt  }
0x7a: {  	_ =	shalt  }
0x7b: {  	_ =	shalt  }
0x7c: {  	_ =	shalt  }
0x7d: {  	_ =	shalt  }
0x7e: {  	_ =	shalt  }
0x7f: {  	_ =	shalt  }
0x80: {  	_ =	shalt  }
0x81: {  	_ =	shalt  }
0x82: {  	_ =	shalt  }
0x83: {  	_ =	shalt  }
0x84: {  	_ =	shalt  }
0x85: {  	_ =	shalt  }
0x86: {  	_ =	shalt  }
0x87: {  	_ =	shalt  }
.Lfunc_end0:
.L_simem_size_0:
called_computation.1_lowered:
.L_overlay_start_0:
0x88: {  	s2 =	sld [smem:$0x3FD9]  }
0x89: {  	s3 =	sld [smem:$0x3FFE];
	_ =	sdelay $0x1  }
0x8a: {  	s1 =	srdreg.scid  }
0x8b: {  	s0 =	sand.u32 $0x1, s1  }
0x8c: {  	s17 =	sshll.u32 s0, $0xA;
	s2 =	sadd.s32 s3, s2  }
0x8d: {  	s2 =	sadd.s32 s2, s17  }
0x8e: {  	[smem:$0x3FBA] =	sst s2  }
0x8f: {  	_ = 	snop  }
0x90: {  	s2 =	sld [smem:$0x3FD0];
	(tm) =	ssettm $0x1  }
0x91: {  	s18 =	sld [smem:$0x3FFB];
	_ =	sdelay $0x3  }
0x92: {  	_ =	strace s18  }
0x93: {  	s3 =	sld [smem:$0x3FFC];
	_ =	sdelay $0x3  }
0x94: {  	_ =	strace s3  }
0x95: {  	s3 =	sld [smem:$0x3FFD];
	_ =	sdelay $0x3  }
0x96: {  	_ =	strace s3  }
0x97: {  	_ =	strace $0x8FFFFFFF  }
0x98: {  	s19 =	sld [smem:$0x3FDB];
	_ =	sdelay $0x1  }
0x99: {  	s4 =	simm.s32 $_scs_section_size  }
0x9a: {  	s5 =	simm.s32 $_size__tile_overlayer_lowered;
	s6 =	simm.s32 $_tile_overlayer_lowered  }
0x9b: {  	s22 =	simm.s32 $0x1BFF;
	s21 =	sshll.u32 s6, $0x1;
	s3 =	sadd.s32 s4, s19  }
0x9c: {  	s7 =	simm.s32 $0x0;
	s20 =	sshll.u32 s5, $0x1;
	s5 =	sadd.s32 s21, s3  }
0x9d: {  	[timem:s7], [sflag:s22] =	dma.local [hbm:s5], s20  }
0x9e: {  	_ =	swait.ge [sflag:s22], s20  }
0x9f: {  	s4 =	ssub.s32 $0x0, s20;
	[sflag:s22] =	ssyncset.done $0x0  }
0xa0: {  	[sflag:s22] =	ssyncadd.s32 s4;
	_ =	sdelay $0x1  }
0xa1: {  	s23 =	simm.s32 $0x1B8B  }
0xa2: {  	_ =	swait.ge [sflag:s23], $0x1  }
0xa3: {  	[sflag:s23] =	ssyncset.done $0x0  }
0xa4: {  	s25 =	simm.s32 $0x1B8E;
	s24 =	sld [smem:$0x3FFE];
	[sflag:s23] =	ssyncadd.s32 $0xFFFFFFFF  }
0xa5: {  	s26 =	simm.s32 $execute0_lowered;
	[smem:$0x3FD2] =	sst s25  }
0xa6: {  	s5 =	sshll.u32 s26, $0x1;
	_ =	strace $0x80000049;
	[dreg:$0x1] =	wrdreg $0xFFFFFFFF  }
0xa7: {  	s28 =	simm.s32 $_size_execute0_lowered;
	s3 =	sadd.s32 s3, s5;
	[dreg:$0x0] =	wrdreg $0x0  }
0xa8: {  	s5 =	sshll.u32 s28, $0x1;
	[dreg:$0x2] =	wrdreg s3  }
0xa9: {  	[dreg:$0x3] =	wrdreg s5  }
0xaa: {  	[dreg:$0x4] =	wrdreg $0xC0  }
0xab: {  	_ =	task [dreg:s7], $0x5FFFF  }
0xac: {  	[dreg:$0x1] =	wrdreg $0xFFFFFFFF  }
0xad: {  	[dreg:$0x0] =	wrdreg $0x60  }
0xae: {  	[dreg:$0x2] =	wrdreg s24  }
0xaf: {  	[dreg:$0x3] =	wrdreg s2  }
0xb0: {  	[dreg:$0x4] =	wrdreg $0x71800  }
0xb1: {  	[dreg:$0x5] =	wrdreg $0x9  }
0xb2: {  	_ =	task.clear_ibuf [dreg:s7], $0x6FFFF;
	_ =	strace $0x90000049  }
0xb3: {  	s29 =	simm.s32 $0x9;
	_ =	strace $0x8000004B  }
0xb4: {  	_ =	swait.ge [sflag:s29], $0x1  }
0xb5: {  	[sflag:s29] =	ssyncadd.s32 $0xFFFFFFFF  }
0xb6: {  	_ =	strace $0x9000004B  }
0xb7: {  	_ =	sfence  }
0xb8: {  	s30 =	sld [smem:$0x0];
	_ =	sdelay $0x2  }
0xb9: {  	s31 =	sshll.u32 s1, $0xD;
	s1 =	sshrl.u32 s1, $0x2  }
0xba: {  	s3 =	sand.u32 $0x4000, s31;
	s1 =	sadd.s32 s1, s30  }
0xbb: {  	s0 =	sor.u32 s3, s0;
	s1 =	sshll.u32 s1, $0x11  }
0xbc: {  	s0 =	sor.u32 s1, s0  }
0xbd: {  	s0 =	sadd.s32 $0x8F2B, s0  }
0xbe: {  	[sflag:s0] =	ssyncadd.remote.s32 $0x1  }
0xbf: {  	_ =	sfence.sel $0xFFFF  }
0xc0: {  	[dreg:$0x0] =	wrdreg $0xFFFFFFFF;
	(pc) =	sbr.abs _section_cstart, $3  }
0xc1: {  	[dreg:$0x1] =	wrdreg $0xFFFFFFFF  }
0xc2: {  	_ =	task.clear_ibuf [dreg:s7], $0x2FFFF;
	_ =	strace $0x9FFFFFFF  }
0xc3: {  	(tm) =	ssettm $0x7FFFFFFF  }
tec
execute0_lowered:
.L_overlay_start_1:
0x0: {  	(tag) =	ssettag $0x1  }
0x1: {  	s0 =	rddreg [dreg:$0x0]  }
0x2: {  	s1 =	rddreg [dreg:$0x1]  }
0x3: {  	s2 =	rddreg [dreg:$0x2];
	s4 =	simm.s32 $0x0  }
0x4: {  	s3 =	srdreg.scid;
	s26 =	stileid.u32;
	s22 =	simm.s32 $0x180  }
0x5: {  	s28 =	simm.s32 $0x1;
	s29 =	simm.s32 $0x100;
	[smem:$0x7FF] =	sst s4  }
0x6: {  	s3 =	sand.u32 $0x1, s3;
	s5 =	sadd.s32 $0x1EE00, s0;
	s11 =	smul.u32 $0x310, s26  }
0x7: {  	s6 =	sadd.s32 $0x259AC00, s0;
	s7 =	smul.u32 $0x1C2, s26;
	s8 =	sadd.s32 $0x6400, s0  }
0x8: {  	s13 =	smul.u32 $0x62000, s26;
	s0 =	sadd.s32 $0xE6800, s0;
	s30 =	sadd.s32 $0x16F800, s2  }
0x9: {  	p0 =	seq.s32 s26, $0xF;
	s26 =	simm.s32 $0x3980;
	s10 =	smul.u32 $0x61C0, s3  }
0xa: {  	_ =	strace $0x8000004A;
	s9 =	ssub.s32 $0x2, s3;
	s3 =	smul.u32 $0x30E000, s3  }
0xb: {  	[dreg:$0x5] =	wrdreg s30;
	s12 =	sshrl.u32 s9, $0x1;
	s23 =	sshrl.u32 s13, $0x2  }
0xc: {  	s12 =	ssub.s32 s9, s12;
	s24 =	sadd.s32 $0x30E0, s10;
	s25 =	sadd.s32 s11, s10  }
0xd: {  	s9 =	sadd.s32 s23, s2;
	s3 =	sshrl.u32 s3, $0x3;
	s23 =	simm.s32 $0x2  }
0xe: {  	s13 =	sshll.u32 s25, $0x4;
	s3 =	sadd.s32 s0, s3;
	s11 =	sadd.s32 s11, s24  }
0xf: {  	s25 =	sadd.s32 $0x61C0, s10;
	s15 =	smax.u32 s12, $0x1;
	s16 =	sadd.s32 $0x3800, s9  }
0x10: {  	s17 =	sadd.s32 $0x7000, s9;
	s18 =	sadd.s32 $0xA800, s9;
	s19 =	sadd.s32 $0xE000, s9  }
0x11: {  	s20 =	sadd.s32 $0x11800, s9;
	s21 =	sadd.s32 $0x15000, s9;
	s13 =	sadd.s32 s0, s13  }
0x12: {  	v5 =	vlaneseq.u32;
	s31 =	sadd.s32 $0x2DF00, s3;
	s11 =	sshll.u32 s11, $0x4;
	[dreg:$0x4] =	wrdreg s13  }
0x13: {  	v3 =	vimm.f32 $0.0e+00;
	v4 =	vor.u32 $0x30E0, v5;
	v1 =	vmov s24;
	s24 =	simm.s32 $0x80;
	[dreg:$0x6] =	wrdreg s31;
	s0 =	sadd.s32 s0, s11  }
0x14: {  	v5 =	vor.u32 $0x30F0, v5;
	v0 =	vmov s10;
	s14 =	sadd.s32 $0x5ED00, s3;
	v2 =	vmov s25;
	s25 =	simm.s32 $0x70;
	[dreg:$0x7] =	wrdreg s0  }
.LBB2_1:
0x15: {  	s0 =	simm.s32 $0x0;
	s3 =	simm.s32 $0x200  }
.LBB2_2:
0x16: {  	p1 =	sne.s32 s3, $0xDE00;
	[tilespmem:s0+$0x1F0] =	vst v3  }
0x17: {  	[tilespmem:s0+$0x180] =	vst v3  }
0x18: {  	[tilespmem:s0+$0x190] =	vst v3  }
.Ltmp0:
0x19: {  	[tilespmem:s0+$0x1A0] =	vst v3;
	(pc) =	sbr.rel @p1 .LBB2_2-.Ltmp0, $4  }
0x1a: {  	[tilespmem:s0+$0x1B0] =	vst v3  }
0x1b: {  	[tilespmem:s0+$0x1C0] =	vst v3  }
0x1c: {  	[tilespmem:s0+$0x1D0] =	vst v3  }
0x1d: {  	[tilespmem:s0+$0x1E0] =	vst v3;
	s0 =	sshra.s32 s3, $0x2;
	s3 =	sadd.s32 $0x200, s3  }
0x1e: {  	[tilespmem:s0+$0x1F0] =	vst v3  }
0x1f: {  	[tilespmem:s0+$0x180] =	vst v3  }
0x20: {  	[tilespmem:s0+$0x190] =	vst v3  }
0x21: {  	[tilespmem:s0+$0x1A0] =	vst v3  }
0x22: {  	[tilespmem:s0+$0x1B0] =	vst v3  }
0x23: {  	[tilespmem:s0+$0x1C0] =	vst v3  }
0x24: {  	[tilespmem:s0+$0x1D0] =	vst v3  }
0x25: {  	[tilespmem:s0+$0x1E0] =	vst v3  }
0x26: {  	[spmem:s9] =	stream.linear.scatter [tilespmem:s22], [sflag:$0x2], $0x3800, $0x38;
	[tilespmem:$0x1F980] =	vst v63  }
0x27: {  	_ =	swait.ge [sflag:s23], $0x3800  }
0x28: {  	[sflag:s23] =	ssyncset.done $0x0  }
0x29: {  	[sflag:s23] =	ssyncadd.s32 $0xFFFFC800  }
0x2a: {  	[spmem:s16] =	stream.linear.scatter [tilespmem:s22], [sflag:$0x2], $0x3800, $0x38;
	[tilespmem:$0x1F980] =	vst v63  }
0x2b: {  	_ =	swait.ge [sflag:s23], $0x3800  }
0x2c: {  	[sflag:s23] =	ssyncset.done $0x0  }
0x2d: {  	[sflag:s23] =	ssyncadd.s32 $0xFFFFC800  }
0x2e: {  	[spmem:s17] =	stream.linear.scatter [tilespmem:s22], [sflag:$0x2], $0x3800, $0x38;
	[tilespmem:$0x1F980] =	vst v63  }
0x2f: {  	_ =	swait.ge [sflag:s23], $0x3800  }
0x30: {  	[sflag:s23] =	ssyncset.done $0x0  }
0x31: {  	[sflag:s23] =	ssyncadd.s32 $0xFFFFC800  }
0x32: {  	[spmem:s18] =	stream.linear.scatter [tilespmem:s22], [sflag:$0x2], $0x3800, $0x38;
	[tilespmem:$0x1F980] =	vst v63  }
0x33: {  	_ =	swait.ge [sflag:s23], $0x3800  }
0x34: {  	[sflag:s23] =	ssyncset.done $0x0  }
0x35: {  	[sflag:s23] =	ssyncadd.s32 $0xFFFFC800  }
0x36: {  	[spmem:s19] =	stream.linear.scatter [tilespmem:s22], [sflag:$0x2], $0x3800, $0x38;
	[tilespmem:$0x1F980] =	vst v63  }
0x37: {  	_ =	swait.ge [sflag:s23], $0x3800  }
0x38: {  	[sflag:s23] =	ssyncset.done $0x0  }
0x39: {  	[sflag:s23] =	ssyncadd.s32 $0xFFFFC800  }
0x3a: {  	[spmem:s20] =	stream.linear.scatter [tilespmem:s22], [sflag:$0x2], $0x3800, $0x38;
	[tilespmem:$0x1F980] =	vst v63  }
0x3b: {  	_ =	swait.ge [sflag:s23], $0x3800  }
0x3c: {  	[sflag:s23] =	ssyncset.done $0x0  }
0x3d: {  	[sflag:s23] =	ssyncadd.s32 $0xFFFFC800  }
0x3e: {  	[spmem:s21] =	stream.linear.scatter [tilespmem:s22], [sflag:$0x2], $0x3800, $0x38;
	[tilespmem:$0x1F980] =	vst v63  }
0x3f: {  	_ =	swait.ge [sflag:s23], $0x3800  }
0x40: {  	[sflag:s23] =	ssyncset.done $0x0  }
0x41: {  	[sflag:s23] =	ssyncadd.s32 $0xFFFFC800  }
0x42: {  	s0 =	simm.s32 $0x0;
	s3 =	simm.s32 $0x0;
	[bflag:$0x0] =	sbarrier.arrive $0xFFFF  }
.LBB2_4:
0x43: {  	s10 =	sadd.s32 s7, s3  }
0x44: {  	s11 =	smul.u32 $0xE, s10;
	_ =	sdelay $0x1  }
0x45: {  	s12 =	sadd.s32 s1, s11  }
0x46: {  	[tilespmem:s0], [sflag:$0x2] =	stream.linear.gather [hbm4b:s12+s0], $0x70, $0x38;
	[tilespmem:$0x1F980] =	vst v63  }
0x47: {  	_ =	swait.ge [sflag:s23], $0x70  }
0x48: {  	[sflag:s23] =	ssyncset.done $0x0  }
0x49: {  	s11 =	sadd.s32 s8, s11;
	[sflag:s23] =	ssyncadd.s32 $0xFFFFFF90  }
0x4a: {  	[tilespmem:s24], [sflag:$0x2] =	stream.linear.gather [hbm4b:s11+s0], $0x70, $0x38;
	[tilespmem:$0x1F980] =	vst v63  }
0x4b: {  	s10 =	smul.u32 $0x700, s10;
	_ =	swait.ge [sflag:s23], $0x70  }
0x4c: {  	[sflag:s23] =	ssyncset.done $0x0  }
0x4d: {  	s10 =	sadd.s32 s6, s10;
	[sflag:s23] =	ssyncadd.s32 $0xFFFFFF90  }
0x4e: {  	[tilespmem:s22], [sflag:$0x2] =	stream.linear.gather [hbm4b:s10+s0], $0x3800, $0x38;
	[tilespmem:$0x1F980] =	vst v63  }
0x4f: {  	_ =	swait.ge [sflag:s23], $0x3800  }
0x50: {  	[sflag:s23] =	ssyncset.done $0x0  }
0x51: {  	[sflag:s23] =	ssyncadd.s32 $0xFFFFC800  }
0x52: {  	[tilespmem:s26], [sflag:$0x1] =	stream.indirect.gather [hbm4b:s5+s25], $0x80, s0, s25, $0xb8;
	[tilespmem:$0x1F980] =	vst v63  }
0x53: {  	_ =	swait.ge [sflag:s28], $0x3800  }
0x54: {  	[sflag:s28] =	ssyncset.done $0x0  }
0x55: {  	[sflag:s28] =	ssyncadd.s32 $0xFFFFC800  }
0x56: {  	v6 =	vld [tilespmem:$0x80]  }
0x57: {  	v7 =	vld [tilespmem:$0x90]  }
0x58: {  	v8 =	vld [tilespmem:$0xA0]  }
0x59: {  	v9 =	vld [tilespmem:$0xB0]  }
0x5a: {  	v10 =	vld [tilespmem:$0xC0]  }
0x5b: {  	v11 =	vld [tilespmem:$0xD0];
	vm0 =	vge.s32 v6, v0  }
0x5c: {  	v12 =	vld [tilespmem:$0xE0];
	vm1 =	vlt.s32 v6, v1;
	v6 =	vsub.s32 v6, v0;
	vm15 =	vge.s32 v7, v0  }
0x5d: {  	vm4 =	vlt.s32 v7, v1;
	vm5 =	vge.s32 v8, v0;
	vm2 =	vlt.s32 v8, v1  }
0x5e: {  	v7 =	vsub.s32 v7, v0;
	v8 =	vsub.s32 v8, v0;
	vm6 =	vge.s32 v9, v0  }
0x5f: {  	vm7 =	vlt.s32 v9, v1;
	vm8 =	vge.s32 v10, v0;
	vm3 =	vlt.s32 v10, v1  }
0x60: {  	vm10 =	vge.s32 v11, v0;
	vm11 =	vlt.s32 v11, v1;
	vm0 =	vmand vm0, vm1  }
0x61: {  	vm13 =	vge.s32 v12, v0;
	vm1 =	vmand vm5, vm2;
	v6 =	vsel vm0, v6, v4  }
0x62: {  	vm14 =	vlt.s32 v12, v1;
	vm0 =	vmand vm15, vm4;
	v8 =	vsel vm1, v8, v4;
	[tilespmem:$0x100] =	vst v6  }
0x63: {  	v7 =	vsel vm0, v7, v5;
	vm0 =	vmand vm6, vm7;
	v6 =	vsub.s32 v9, v0;
	[tilespmem:$0x120] =	vst v8  }
0x64: {  	vm9 =	vmand vm8, vm3;
	[tilespmem:$0x110] =	vst v7;
	v7 =	vsub.s32 v10, v0;
	v6 =	vsel vm0, v6, v5  }
0x65: {  	vm12 =	vmand vm10, vm11;
	v7 =	vsel vm9, v7, v4;
	[tilespmem:$0x130] =	vst v6;
	v6 =	vsub.s32 v11, v0  }
0x66: {  	vm15 =	vmand vm13, vm14;
	v6 =	vsel vm12, v6, v5;
	[tilespmem:$0x140] =	vst v7;
	v7 =	vsub.s32 v12, v0  }
0x67: {  	[tilespmem:$0x150] =	vst v6;
	v6 =	vsel vm15, v7, v4  }
0x68: {  	s10 =	simm.s32 $0x0;
	[tilespmem:$0x160] =	vst v6  }
0x69: {  	v12 =	vld [tilespmem:s10+$0x180]  }
0x6a: {  	v17 =	vld [tilespmem:s10+$0x190]  }
0x6b: {  	v11 =	vld [tilespmem:s10+$0x1A0]  }
0x6c: {  	v10 =	vld [tilespmem:s10+$0x1B0]  }
0x6d: {  	v9 =	vld [tilespmem:s10+$0x1C0]  }
0x6e: {  	v8 =	vld [tilespmem:s10+$0x1D0]  }
0x6f: {  	v7 =	vld [tilespmem:s10+$0x1E0]  }
0x70: {  	v6 =	vld [tilespmem:s10+$0x1F0]  }
0x71: {  	v18 =	vld [tilespmem:s10+$0x3980]  }
0x72: {  	v19 =	vld [tilespmem:s10+$0x3990]  }
0x73: {  	v16 =	vld [tilespmem:s10+$0x39A0]  }
0x74: {  	v15 =	vld [tilespmem:s10+$0x39B0]  }
0x75: {  	v14 =	vld [tilespmem:s10+$0x39C0]  }
0x76: {  	v13 =	vld [tilespmem:s10+$0x39D0];
	v18 =	vadd.f32 v12, v18  }
0x77: {  	s11 =	simm.s32 $0x200;
	v17 =	vadd.f32 v17, v19;
	v12 =	vld [tilespmem:s10+$0x39E0]  }
.LBB2_5:
0x78: {  	s12 =	sshra.s32 s11, $0x2;
	p1 =	sne.s32 s11, $0xDE00;
	v18 =	vmax.f32 v18, $0.0e+00;
	v11 =	vadd.f32 v11, v16;
	v16 =	vld [tilespmem:s10+$0x39F0]  }
0x79: {  	v19 =	vld [tilespmem:s12+$0x180];
	[tilespmem:s10+$0x3980] =	vst v18;
	v17 =	vmax.f32 v17, $0.0e+00;
	v10 =	vadd.f32 v10, v15  }
0x7a: {  	v20 =	vld [tilespmem:s12+$0x190];
	[tilespmem:s10+$0x3990] =	vst v17;
	v15 =	vmax.f32 v11, $0.0e+00;
	v9 =	vadd.f32 v9, v14  }
0x7b: {  	v11 =	vld [tilespmem:s12+$0x1A0];
	[tilespmem:s10+$0x39A0] =	vst v15;
	v14 =	vmax.f32 v10, $0.0e+00;
	v8 =	vadd.f32 v8, v13  }
0x7c: {  	v10 =	vld [tilespmem:s12+$0x1B0];
	[tilespmem:s10+$0x39B0] =	vst v14;
	v13 =	vmax.f32 v9, $0.0e+00;
	v7 =	vadd.f32 v7, v12  }
0x7d: {  	v9 =	vld [tilespmem:s12+$0x1C0];
	[tilespmem:s10+$0x39C0] =	vst v13;
	v12 =	vmax.f32 v8, $0.0e+00;
	v6 =	vadd.f32 v6, v16  }
0x7e: {  	v8 =	vld [tilespmem:s12+$0x1D0];
	[tilespmem:s10+$0x39D0] =	vst v12;
	v12 =	vmax.f32 v7, $0.0e+00  }
0x7f: {  	v7 =	vld [tilespmem:s12+$0x1E0];
	[tilespmem:s10+$0x39E0] =	vst v12;
	v12 =	vmax.f32 v6, $0.0e+00  }
0x80: {  	v6 =	vld [tilespmem:s12+$0x1F0];
	[tilespmem:s10+$0x39F0] =	vst v12;
	s10 =	smov.u32 s12  }
0x81: {  	v12 =	vld [tilespmem:s10+$0x3980]  }
0x82: {  	v17 =	vld [tilespmem:s10+$0x3990]  }
.Ltmp1:
0x83: {  	v16 =	vld [tilespmem:s10+$0x39A0];
	(pc) =	sbr.rel @p1 .LBB2_5-.Ltmp1, $4  }
0x84: {  	v15 =	vld [tilespmem:s10+$0x39B0]  }
0x85: {  	v14 =	vld [tilespmem:s10+$0x39C0]  }
0x86: {  	v18 =	vadd.f32 v19, v12;
	v13 =	vld [tilespmem:s10+$0x39D0]  }
0x87: {  	s11 =	sadd.s32 $0x200, s11;
	v17 =	vadd.f32 v20, v17;
	v12 =	vld [tilespmem:s10+$0x39E0]  }
0x88: {  	v18 =	vmax.f32 v18, $0.0e+00;
	v11 =	vadd.f32 v11, v16;
	v63 =	vld [tilespmem:s10+$0x39F0]  }
0x89: {  	[tilespmem:s10+$0x3980] =	vst v18;
	v17 =	vmax.f32 v17, $0.0e+00;
	v10 =	vadd.f32 v10, v15  }
0x8a: {  	[tilespmem:s10+$0x3990] =	vst v17;
	v11 =	vmax.f32 v11, $0.0e+00;
	v9 =	vadd.f32 v9, v14  }
0x8b: {  	[tilespmem:s10+$0x39A0] =	vst v11;
	v10 =	vmax.f32 v10, $0.0e+00;
	v8 =	vadd.f32 v8, v13  }
0x8c: {  	[tilespmem:s10+$0x39B0] =	vst v10;
	v9 =	vmax.f32 v9, $0.0e+00;
	v7 =	vadd.f32 v7, v12  }
0x8d: {  	[tilespmem:s10+$0x39C0] =	vst v9;
	v8 =	vmax.f32 v8, $0.0e+00;
	v6 =	vadd.f32 v6, v63  }
0x8e: {  	s3 =	sadd.s32 $0x1, s3;
	[tilespmem:s10+$0x39D0] =	vst v8;
	v7 =	vmax.f32 v7, $0.0e+00  }
0x8f: {  	p1 =	sne.s32 s3, $0x1C2;
	[tilespmem:s10+$0x39E0] =	vst v7;
	v6 =	vmax.f32 v6, $0.0e+00  }
.Ltmp2:
0x90: {  	[tilespmem:s10+$0x39F0] =	vst v6;
	(pc) =	sbr.rel @p1 .LBB2_4-.Ltmp2, $4  }
0x91: {  	[spmem:s2] =	stream.indirect.scatter.add.f32 [tilespmem:s26], [sflag:$0x2], $0x80, s29, s25, $0xb8;
	[tilespmem:$0x1F980] =	vst v63  }
0x92: {  	_ =	swait.ge [sflag:s23], $0x3800  }
0x93: {  	[sflag:s23] =	ssyncset.done $0x0  }
0x94: {  	[sflag:s23] =	ssyncadd.s32 $0xFFFFC800  }
0x95: {  	[bflag:$0x0] =	sbarrier.arrive $0xFFFF  }
0x96: {  	s0 =	rddreg [dreg:$0x5]  }
0x97: {  	s3 =	rddreg [dreg:$0x6];
	s30 =	sshrl.u32 @p0 s0, $0x3;
	s0 =	simm.s32 @p0 $0x1FC2  }
0x98: {  	[hbm:s3], [sflag:s0] =	dma.local @p0 [spmem:s30], $0x2F00  }
0x99: {  	s0 =	simm.s32 @p0 $0x2;
	s3 =	stileid.u32  }
0x9a: {  	_ =	swait.ge @p0 [sflag:s0], $0x2F00;
	s3 =	sshll.u32 @!p0 s3, $0x6  }
0x9b: {  	[sflag:s0] =	ssyncset.done @p0 $0x0;
	s31 =	sor.u32 @!p0 $0x1C02, s3  }
0x9c: {  	s3 =	rddreg [dreg:$0x4];
	[sflag:s0] =	ssyncadd.s32 @p0 $0xFFFFD100;
	s0 =	sshrl.u32 @!p0 s9, $0x3  }
0x9d: {  	[hbm:s3], [sflag:s31] =	dma.local @!p0 [spmem:s0], $0x3100  }
0x9e: {  	s3 =	simm.s32 @!p0 $0x2  }
0x9f: {  	_ =	swait.ge @!p0 [sflag:s3], $0x3100  }
0xa0: {  	[sflag:s3] =	ssyncset.done @!p0 $0x0  }
0xa1: {  	[sflag:s3] =	ssyncadd.s32 @!p0 $0xFFFFCF00  }
0xa2: {  	s10 =	simm.s32 $0x200;
	s3 =	simm.s32 $0x0;
	[bflag:$0x0] =	sbarrier.arrive $0xFFFF  }
.LBB2_8:
0xa3: {  	p1 =	seq.s32 s10, $0xDE00;
	[tilespmem:s3+$0x1F0] =	vst v3  }
0xa4: {  	[tilespmem:s3+$0x180] =	vst v3  }
0xa5: {  	[tilespmem:s3+$0x190] =	vst v3  }
.Ltmp3:
0xa6: {  	[tilespmem:s3+$0x1A0] =	vst v3;
	(pc) =	sbr.rel @!p1 .LBB2_8-.Ltmp3, $4  }
0xa7: {  	[tilespmem:s3+$0x1B0] =	vst v3  }
0xa8: {  	[tilespmem:s3+$0x1C0] =	vst v3  }
0xa9: {  	[tilespmem:s3+$0x1D0] =	vst v3  }
0xaa: {  	[tilespmem:s3+$0x1E0] =	vst v3;
	s3 =	sshra.s32 s10, $0x2;
	s10 =	sadd.s32 $0x200, s10  }
0xab: {  	[tilespmem:s3+$0x1F0] =	vst v3  }
0xac: {  	[tilespmem:s3+$0x180] =	vst v3  }
0xad: {  	[tilespmem:s3+$0x190] =	vst v3  }
0xae: {  	[tilespmem:s3+$0x1A0] =	vst v3  }
0xaf: {  	[tilespmem:s3+$0x1B0] =	vst v3  }
0xb0: {  	[tilespmem:s3+$0x1C0] =	vst v3  }
0xb1: {  	[tilespmem:s3+$0x1D0] =	vst v3  }
0xb2: {  	[tilespmem:s3+$0x1E0] =	vst v3  }
0xb3: {  	[spmem:s9] =	stream.linear.scatter [tilespmem:s22], [sflag:$0x2], $0x3800, $0x38;
	[tilespmem:$0x1F980] =	vst v63  }
0xb4: {  	_ =	swait.ge [sflag:s23], $0x3800  }
0xb5: {  	[sflag:s23] =	ssyncset.done $0x0  }
0xb6: {  	[sflag:s23] =	ssyncadd.s32 $0xFFFFC800  }
0xb7: {  	[spmem:s16] =	stream.linear.scatter [tilespmem:s22], [sflag:$0x2], $0x3800, $0x38;
	[tilespmem:$0x1F980] =	vst v63  }
0xb8: {  	_ =	swait.ge [sflag:s23], $0x3800  }
0xb9: {  	[sflag:s23] =	ssyncset.done $0x0  }
0xba: {  	[sflag:s23] =	ssyncadd.s32 $0xFFFFC800  }
0xbb: {  	[spmem:s17] =	stream.linear.scatter [tilespmem:s22], [sflag:$0x2], $0x3800, $0x38;
	[tilespmem:$0x1F980] =	vst v63  }
0xbc: {  	_ =	swait.ge [sflag:s23], $0x3800  }
0xbd: {  	[sflag:s23] =	ssyncset.done $0x0  }
0xbe: {  	[sflag:s23] =	ssyncadd.s32 $0xFFFFC800  }
0xbf: {  	[spmem:s18] =	stream.linear.scatter [tilespmem:s22], [sflag:$0x2], $0x3800, $0x38;
	[tilespmem:$0x1F980] =	vst v63  }
0xc0: {  	_ =	swait.ge [sflag:s23], $0x3800  }
0xc1: {  	[sflag:s23] =	ssyncset.done $0x0  }
0xc2: {  	[sflag:s23] =	ssyncadd.s32 $0xFFFFC800  }
0xc3: {  	[spmem:s19] =	stream.linear.scatter [tilespmem:s22], [sflag:$0x2], $0x3800, $0x38;
	[tilespmem:$0x1F980] =	vst v63  }
0xc4: {  	_ =	swait.ge [sflag:s23], $0x3800  }
0xc5: {  	[sflag:s23] =	ssyncset.done $0x0  }
0xc6: {  	[sflag:s23] =	ssyncadd.s32 $0xFFFFC800  }
0xc7: {  	[spmem:s20] =	stream.linear.scatter [tilespmem:s22], [sflag:$0x2], $0x3800, $0x38;
	[tilespmem:$0x1F980] =	vst v63  }
0xc8: {  	_ =	swait.ge [sflag:s23], $0x3800  }
0xc9: {  	[sflag:s23] =	ssyncset.done $0x0  }
0xca: {  	[sflag:s23] =	ssyncadd.s32 $0xFFFFC800  }
0xcb: {  	[spmem:s21] =	stream.linear.scatter [tilespmem:s22], [sflag:$0x2], $0x3800, $0x38;
	[tilespmem:$0x1F980] =	vst v63  }
0xcc: {  	_ =	swait.ge [sflag:s23], $0x3800  }
0xcd: {  	[sflag:s23] =	ssyncset.done $0x0  }
0xce: {  	[sflag:s23] =	ssyncadd.s32 $0xFFFFC800  }
0xcf: {  	s3 =	simm.s32 $0x0;
	s10 =	simm.s32 $0x0;
	[bflag:$0x0] =	sbarrier.arrive $0xFFFF  }
.LBB2_10:
0xd0: {  	s11 =	sadd.s32 s7, s10  }
0xd1: {  	s12 =	smul.u32 $0xE, s11;
	_ =	sdelay $0x1  }
0xd2: {  	s13 =	sadd.s32 s1, s12  }
0xd3: {  	[tilespmem:s3], [sflag:$0x2] =	stream.linear.gather [hbm4b:s13+s3], $0x70, $0x38;
	[tilespmem:$0x1F980] =	vst v63  }
0xd4: {  	_ =	swait.ge [sflag:s23], $0x70  }
0xd5: {  	[sflag:s23] =	ssyncset.done $0x0  }
0xd6: {  	s12 =	sadd.s32 s8, s12;
	[sflag:s23] =	ssyncadd.s32 $0xFFFFFF90  }
0xd7: {  	[tilespmem:s24], [sflag:$0x2] =	stream.linear.gather [hbm4b:s12+s3], $0x70, $0x38;
	[tilespmem:$0x1F980] =	vst v63  }
0xd8: {  	s11 =	smul.u32 $0x700, s11;
	_ =	swait.ge [sflag:s23], $0x70  }
0xd9: {  	[sflag:s23] =	ssyncset.done $0x0  }
0xda: {  	s11 =	sadd.s32 s6, s11;
	[sflag:s23] =	ssyncadd.s32 $0xFFFFFF90  }
0xdb: {  	[tilespmem:s22], [sflag:$0x2] =	stream.linear.gather [hbm4b:s11+s3], $0x3800, $0x38;
	[tilespmem:$0x1F980] =	vst v63  }
0xdc: {  	_ =	swait.ge [sflag:s23], $0x3800  }
0xdd: {  	[sflag:s23] =	ssyncset.done $0x0  }
0xde: {  	[sflag:s23] =	ssyncadd.s32 $0xFFFFC800  }
0xdf: {  	[tilespmem:s26], [sflag:$0x1] =	stream.indirect.gather [hbm4b:s5+s25], $0x80, s3, s25, $0xb8;
	[tilespmem:$0x1F980] =	vst v63  }
0xe0: {  	_ =	swait.ge [sflag:s28], $0x3800  }
0xe1: {  	[sflag:s28] =	ssyncset.done $0x0  }
0xe2: {  	[sflag:s28] =	ssyncadd.s32 $0xFFFFC800  }
0xe3: {  	v6 =	vld [tilespmem:$0x80]  }
0xe4: {  	v7 =	vld [tilespmem:$0x90]  }
0xe5: {  	v8 =	vld [tilespmem:$0xA0]  }
0xe6: {  	v9 =	vld [tilespmem:$0xB0]  }
0xe7: {  	v10 =	vld [tilespmem:$0xC0]  }
0xe8: {  	v11 =	vld [tilespmem:$0xD0];
	vm0 =	vge.s32 v6, v1  }
0xe9: {  	v12 =	vld [tilespmem:$0xE0];
	vm1 =	vlt.s32 v6, v2;
	v6 =	vsub.s32 v6, v1;
	vm15 =	vge.s32 v7, v1  }
0xea: {  	vm4 =	vlt.s32 v7, v2;
	vm5 =	vge.s32 v8, v1;
	vm2 =	vlt.s32 v8, v2  }
0xeb: {  	v7 =	vsub.s32 v7, v1;
	v8 =	vsub.s32 v8, v1;
	vm6 =	vge.s32 v9, v1  }
0xec: {  	vm7 =	vlt.s32 v9, v2;
	vm8 =	vge.s32 v10, v1;
	vm3 =	vlt.s32 v10, v2  }
0xed: {  	vm10 =	vge.s32 v11, v1;
	vm11 =	vlt.s32 v11, v2;
	vm0 =	vmand vm0, vm1  }
0xee: {  	vm13 =	vge.s32 v12, v1;
	vm1 =	vmand vm5, vm2;
	v6 =	vsel vm0, v6, v4  }
0xef: {  	vm14 =	vlt.s32 v12, v2;
	vm0 =	vmand vm15, vm4;
	v8 =	vsel vm1, v8, v4;
	[tilespmem:$0x100] =	vst v6  }
0xf0: {  	v7 =	vsel vm0, v7, v5;
	vm0 =	vmand vm6, vm7;
	v6 =	vsub.s32 v9, v1;
	[tilespmem:$0x120] =	vst v8  }
0xf1: {  	vm9 =	vmand vm8, vm3;
	[tilespmem:$0x110] =	vst v7;
	v7 =	vsub.s32 v10, v1;
	v6 =	vsel vm0, v6, v5  }
0xf2: {  	vm12 =	vmand vm10, vm11;
	v7 =	vsel vm9, v7, v4;
	[tilespmem:$0x130] =	vst v6;
	v6 =	vsub.s32 v11, v1  }
0xf3: {  	vm15 =	vmand vm13, vm14;
	v6 =	vsel vm12, v6, v5;
	[tilespmem:$0x140] =	vst v7;
	v7 =	vsub.s32 v12, v1  }
0xf4: {  	[tilespmem:$0x150] =	vst v6;
	v6 =	vsel vm15, v7, v4  }
0xf5: {  	s11 =	simm.s32 $0x0;
	[tilespmem:$0x160] =	vst v6  }
0xf6: {  	v12 =	vld [tilespmem:s11+$0x180]  }
0xf7: {  	v17 =	vld [tilespmem:s11+$0x190]  }
0xf8: {  	v11 =	vld [tilespmem:s11+$0x1A0]  }
0xf9: {  	v10 =	vld [tilespmem:s11+$0x1B0]  }
0xfa: {  	v9 =	vld [tilespmem:s11+$0x1C0]  }
0xfb: {  	v8 =	vld [tilespmem:s11+$0x1D0]  }
0xfc: {  	v7 =	vld [tilespmem:s11+$0x1E0]  }
0xfd: {  	v6 =	vld [tilespmem:s11+$0x1F0]  }
0xfe: {  	v18 =	vld [tilespmem:s11+$0x3980]  }
0xff: {  	v19 =	vld [tilespmem:s11+$0x3990]  }
0x100: {  	v16 =	vld [tilespmem:s11+$0x39A0]  }
0x101: {  	v15 =	vld [tilespmem:s11+$0x39B0]  }
0x102: {  	v14 =	vld [tilespmem:s11+$0x39C0]  }
0x103: {  	v13 =	vld [tilespmem:s11+$0x39D0];
	v18 =	vadd.f32 v12, v18  }
0x104: {  	s12 =	simm.s32 $0x200;
	v17 =	vadd.f32 v17, v19;
	v12 =	vld [tilespmem:s11+$0x39E0]  }
.LBB2_11:
0x105: {  	s13 =	sshra.s32 s12, $0x2;
	p1 =	sne.s32 s12, $0xDE00;
	v18 =	vmax.f32 v18, $0.0e+00;
	v11 =	vadd.f32 v11, v16;
	v16 =	vld [tilespmem:s11+$0x39F0]  }
0x106: {  	v19 =	vld [tilespmem:s13+$0x180];
	[tilespmem:s11+$0x3980] =	vst v18;
	v17 =	vmax.f32 v17, $0.0e+00;
	v10 =	vadd.f32 v10, v15  }
0x107: {  	v20 =	vld [tilespmem:s13+$0x190];
	[tilespmem:s11+$0x3990] =	vst v17;
	v15 =	vmax.f32 v11, $0.0e+00;
	v9 =	vadd.f32 v9, v14  }
0x108: {  	v11 =	vld [tilespmem:s13+$0x1A0];
	[tilespmem:s11+$0x39A0] =	vst v15;
	v14 =	vmax.f32 v10, $0.0e+00;
	v8 =	vadd.f32 v8, v13  }
0x109: {  	v10 =	vld [tilespmem:s13+$0x1B0];
	[tilespmem:s11+$0x39B0] =	vst v14;
	v13 =	vmax.f32 v9, $0.0e+00;
	v7 =	vadd.f32 v7, v12  }
0x10a: {  	v9 =	vld [tilespmem:s13+$0x1C0];
	[tilespmem:s11+$0x39C0] =	vst v13;
	v12 =	vmax.f32 v8, $0.0e+00;
	v6 =	vadd.f32 v6, v16  }
0x10b: {  	v8 =	vld [tilespmem:s13+$0x1D0];
	[tilespmem:s11+$0x39D0] =	vst v12;
	v12 =	vmax.f32 v7, $0.0e+00  }
0x10c: {  	v7 =	vld [tilespmem:s13+$0x1E0];
	[tilespmem:s11+$0x39E0] =	vst v12;
	v12 =	vmax.f32 v6, $0.0e+00  }
0x10d: {  	v6 =	vld [tilespmem:s13+$0x1F0];
	[tilespmem:s11+$0x39F0] =	vst v12;
	s11 =	smov.u32 s13  }
0x10e: {  	v12 =	vld [tilespmem:s11+$0x3980]  }
0x10f: {  	v17 =	vld [tilespmem:s11+$0x3990]  }
.Ltmp4:
0x110: {  	v16 =	vld [tilespmem:s11+$0x39A0];
	(pc) =	sbr.rel @p1 .LBB2_11-.Ltmp4, $4  }
0x111: {  	v15 =	vld [tilespmem:s11+$0x39B0]  }
0x112: {  	v14 =	vld [tilespmem:s11+$0x39C0]  }
0x113: {  	v18 =	vadd.f32 v19, v12;
	v13 =	vld [tilespmem:s11+$0x39D0]  }
0x114: {  	s12 =	sadd.s32 $0x200, s12;
	v17 =	vadd.f32 v20, v17;
	v12 =	vld [tilespmem:s11+$0x39E0]  }
0x115: {  	v18 =	vmax.f32 v18, $0.0e+00;
	v11 =	vadd.f32 v11, v16;
	v63 =	vld [tilespmem:s11+$0x39F0]  }
0x116: {  	[tilespmem:s11+$0x3980] =	vst v18;
	v17 =	vmax.f32 v17, $0.0e+00;
	v10 =	vadd.f32 v10, v15  }
0x117: {  	[tilespmem:s11+$0x3990] =	vst v17;
	v11 =	vmax.f32 v11, $0.0e+00;
	v9 =	vadd.f32 v9, v14  }
0x118: {  	[tilespmem:s11+$0x39A0] =	vst v11;
	v10 =	vmax.f32 v10, $0.0e+00;
	v8 =	vadd.f32 v8, v13  }
0x119: {  	[tilespmem:s11+$0x39B0] =	vst v10;
	v9 =	vmax.f32 v9, $0.0e+00;
	v7 =	vadd.f32 v7, v12  }
0x11a: {  	[tilespmem:s11+$0x39C0] =	vst v9;
	v8 =	vmax.f32 v8, $0.0e+00;
	v6 =	vadd.f32 v6, v63  }
0x11b: {  	s10 =	sadd.s32 $0x1, s10;
	[tilespmem:s11+$0x39D0] =	vst v8;
	v7 =	vmax.f32 v7, $0.0e+00  }
0x11c: {  	p1 =	sne.s32 s10, $0x1C2;
	[tilespmem:s11+$0x39E0] =	vst v7;
	v6 =	vmax.f32 v6, $0.0e+00  }
.Ltmp5:
0x11d: {  	[tilespmem:s11+$0x39F0] =	vst v6;
	(pc) =	sbr.rel @p1 .LBB2_10-.Ltmp5, $4  }
0x11e: {  	[spmem:s2] =	stream.indirect.scatter.add.f32 [tilespmem:s26], [sflag:$0x2], $0x80, s29, s25, $0xb8;
	[tilespmem:$0x1F980] =	vst v63  }
0x11f: {  	_ =	swait.ge [sflag:s23], $0x3800  }
0x120: {  	[sflag:s23] =	ssyncset.done $0x0  }
0x121: {  	[sflag:s23] =	ssyncadd.s32 $0xFFFFC800  }
0x122: {  	[bflag:$0x0] =	sbarrier.arrive $0xFFFF;
	s3 =	simm.s32 @p0 $0x1FC2  }
0x123: {  	[hbm:s14], [sflag:s3] =	dma.local @p0 [spmem:s30], $0x2F00  }
0x124: {  	s3 =	simm.s32 @p0 $0x2  }
0x125: {  	_ =	swait.ge @p0 [sflag:s3], $0x2F00  }
0x126: {  	[sflag:s3] =	ssyncset.done @p0 $0x0  }
0x127: {  	s4 =	sadd.s32 $0x1, s4;
	[sflag:s3] =	ssyncadd.s32 @p0 $0xFFFFD100;
	s3 =	rddreg [dreg:$0x7]  }
0x128: {  	[hbm:s3], [sflag:s31] =	dma.local @!p0 [spmem:s0], $0x3100  }
0x129: {  	p1 =	sne.s32 s4, s15;
	s0 =	simm.s32 @!p0 $0x2  }
.Ltmp6:
0x12a: {  	_ =	swait.ge @!p0 [sflag:s0], $0x3100;
	(pc) =	sbr.rel @p1 .LBB2_1-.Ltmp6, $3  }
0x12b: {  	[sflag:s0] =	ssyncset.done @!p0 $0x0  }
0x12c: {  	[sflag:s0] =	ssyncadd.s32 @!p0 $0xFFFFCF00  }
0x12d: {  	[bflag:$0x0] =	sbarrier.arrive $0xFFFF;
	_ =	sdelay $0x1  }
0x12e: {  	_ =	sfence.sel $0x180000  }
0x12f: {  	[bflag:$0x0] =	sbarrier.arrive $0xFFFF  }
0x130: {  	_ =	strace $0x9000004A  }
0x131: {  	s0 =	stileid.u32;
	[bflag:$0x2] =	sbarrier.arrive $0xFFFF  }
0x132: {  	p0 =	sne.s32 s0, $0x0;
	s0 =	rddreg [dreg:$0x3]  }
0x133: {  	s0 =	sadd.s32 @!p0 $0x100000, s0  }
0x134: {  	[sflag:s0] =	ssyncadd.tile.s32 @!p0 $0x1;
	_ =	shalt  }
.Lfunc_end2:
_tile_overlayer_lowered:
.L_overlay_start_2:
0x135: {  	(tag) =	ssettag $0x2  }
0x136: {  	s0 =	rddreg [dreg:$0x0];
	s2 =	stileid.u32  }
0x137: {  	s1 =	rddreg [dreg:$0x1];
	p0 =	sne.s32 s2, $0x0  }
0x138: {  	s3 =	rddreg [dreg:$0x2];
	[bflag:$0x3] =	sbarrier.arrive $0xFFFF;
	s2 =	simm.s32 @!p0 $0x1C02  }
0x139: {  	[timem:s3], [sflag:s2] =	dma.local @!p0 [hbm:s0], s1  }
0x13a: {  	s0 =	simm.s32 @!p0 $0x2  }
0x13b: {  	_ =	swait.ge @!p0 [sflag:s0], s1  }
0x13c: {  	s1 =	ssub.s32 @!p0 $0x0, s1;
	[sflag:s0] =	ssyncset.done @!p0 $0x0  }
0x13d: {  	[sflag:s0] =	ssyncadd.s32 @!p0 s1  }
0x13e: {  	[bflag:$0x3] =	sbarrier.arrive $0xFFFF  }
0x13f: {  	_ =	shalt  }

// kernel: kernel.20.cloned.1.call-start
scs
__scs_entry_jumppad:
0x0: {  	(pc) =	sbr.rel $0x88, $3  }
0x1: {  	(tag) =	ssettag $0x0;
	lr =	simm.s32 $0x1  }
0x2: {  	[smem:$0x3F93] =	sst lr;
	_ =	strace $0xD0000000  }
0x3: {  	_ = 	snop  }
0x4: {  	_ = 	snop  }
0x5: {  	_ = 	snop  }
0x6: {  	_ = 	snop  }
0x7: {  	_ = 	snop  }
__scs_overlays_trampoline_lowered:
0x8: {  	[smem:$0x3FA2] =	sst s0  }
0x9: {  	[smem:$0x3FA3] =	sst s1  }
0xa: {  	[smem:$0x3FA4] =	sst s2  }
0xb: {  	[smem:$0x3FA5] =	sst s3  }
0xc: {  	[smem:$0x3FA6] =	sst s4  }
0xd: {  	[smem:$0x3FA7] =	sst s5  }
0xe: {  	[smem:$0x3FA8] =	sst s6  }
0xf: {  	[smem:$0x3FA9] =	sst s7  }
0x10: {  	[smem:$0x3FAA] =	sst s8  }
0x11: {  	[smem:$0x3FAB] =	sst s9;
	s0 =	simm.s32 @!p0 $0x0  }
0x12: {  	s1 =	sld [smem:$0x3F91];
	s0 =	simm.s32 @p0 $0x1  }
0x13: {  	[smem:$0x3FAC] =	sst s0;
	s0 =	simm.s32 @!p1 $0x0  }
0x14: {  	s2 =	sld [smem:$0x3F90];
	s0 =	simm.s32 @p1 $0x1  }
0x15: {  	[smem:$0x3FAD] =	sst s0;
	s0 =	simm.s32 @!p2 $0x0  }
0x16: {  	s3 =	sld [smem:$0x3FDB];
	s0 =	simm.s32 @p2 $0x1  }
0x17: {  	s4 =	simm.s32 $0x1BF5;
	[smem:$0x3FAF] =	sst s0  }
0x18: {  	s0 =	sld [smem:$0x3F92];
	_ =	swait.ge [sflag:s4], $0x0  }
0x19: {  	s7 =	sld [smem:$0x3F93]  }
0x1a: {  	s8 =	sadd.s32 $0xFFFFE003, lr  }
0x1b: {  	s9 =	sadd.s32 $0xFFFFFEF7, lr;
	s5 =	simm.s32 $0xFFFFFFFF;
	p2 =	slt.u32 s8, $0xFFFFF086  }
0x1c: {  	p1 =	slt.u32 s9, $0xF7A;
	s5 =	simm.s32 @!p2 $0x0  }
0x1d: {  	s5 =	simm.s32 @p1 $0x1;
	p0 =	seq.s32 s7, s2  }
0x1e: {  	s7 =	smul.u32 @!p0 $0xF7A, s2;
	p2 =	seq.s32 @!p0 s5, $0x0  }
0x1f: {  	s9 =	smul.u32 $0xF7A, s1;
	s8 =	simm.s32 @!p0 $0x1BF5;
	p2 =	por !p2, p0  }
0x20: {  	[sflag:s8] =	ssyncset.s32 @!p0 $0xFFFFF086;
	s6 =	sadd.s32 @!p0 s3, s7;
	s7 =	simm.s32 @!p0 $0x108  }
0x21: {  	s3 =	sadd.s32 s3, s9;
	s6 =	sadd.s32 @!p0 $0x88, s6;
	s7 =	simm.s32 @p2 $0x1082  }
0x22: {  	[simem:s7], [sflag:s8] =	dma.local @!p0 [hbm:s6], $0xF7A  }
0x23: {  	s9 =	sor.u32 $0xD0000000, s2;
	s6 =	simm.s32 $0x108;
	_ =	swait.ge @!p0 [sflag:s8], $0x0  }
0x24: {  	s3 =	sadd.s32 $0x88, s3;
	s6 =	simm.s32 @!p1 $0x1082;
	[sflag:s4] =	ssyncset.s32 $0xFFFFF086  }
0x25: {  	[simem:s6], [sflag:s4] =	dma.local [hbm:s3], $0xF7A  }
0x26: {  	[smem:$0x3F93] =	sst s1;
	(tag) =	ssettag s2;
	_ =	strace s9  }
0x27: {  	s1 =	sld [smem:$0x3FA3]  }
0x28: {  	s2 =	sld [smem:$0x3FA4]  }
0x29: {  	s4 =	sld [smem:$0x3FA6]  }
0x2a: {  	p0 =	seq.s32 s5, $0x0;
	s5 =	sld [smem:$0x3FA7]  }
0x2b: {  	s6 =	sld [smem:$0x3FA8]  }
0x2c: {  	s7 =	sld [smem:$0x3FA9]  }
0x2d: {  	s3 =	simm.s32 $0x108;
	s8 =	sld [smem:$0x3FAA]  }
0x2e: {  	s3 =	simm.s32 @!p0 $0x1082;
	s9 =	sld [smem:$0x3FAB]  }
0x2f: {  	lr =	sadd.s32 s0, s3;
	s0 =	sld [smem:$0x3FA2]  }
0x30: {  	s3 =	sld [smem:$0x3FA5]  }
0x31: {  	[smem:$0x3FAE] =	sst s10  }
0x32: {  	s10 =	sld [smem:$0x3FAC];
	_ =	sdelay $0x3  }
0x33: {  	p0 =	seq.s32 s10, $0x1;
	s10 =	sld [smem:$0x3FAE];
	_ =	sdelay $0x3  }
0x34: {  	[smem:$0x3FAE] =	sst s10  }
0x35: {  	s10 =	sld [smem:$0x3FAD];
	_ =	sdelay $0x3  }
0x36: {  	p1 =	seq.s32 s10, $0x1;
	s10 =	sld [smem:$0x3FAE];
	_ =	sdelay $0x3  }
0x37: {  	[smem:$0x3FAE] =	sst s10  }
0x38: {  	s10 =	sld [smem:$0x3FAF]  }
0x39: {  	_ = 	snop;
	(pc) =	sbr.ind lr, $3  }
0x3a: {  	_ = 	snop  }
0x3b: {  	_ = 	snop  }
0x3c: {  	p2 =	seq.s32 s10, $0x1;
	s10 =	sld [smem:$0x3FAE]  }
0x3d: {  	_ =	shalt  }
0x3e: {  	_ =	shalt  }
0x3f: {  	_ =	shalt  }
0x40: {  	_ =	shalt  }
0x41: {  	_ =	shalt  }
0x42: {  	_ =	shalt  }
0x43: {  	_ =	shalt  }
0x44: {  	_ =	shalt  }
0x45: {  	_ =	shalt  }
0x46: {  	_ =	shalt  }
0x47: {  	_ =	shalt  }
0x48: {  	_ =	shalt  }
0x49: {  	_ =	shalt  }
0x4a: {  	_ =	shalt  }
0x4b: {  	_ =	shalt  }
0x4c: {  	_ =	shalt  }
0x4d: {  	_ =	shalt  }
0x4e: {  	_ =	shalt  }
0x4f: {  	_ =	shalt  }
0x50: {  	_ =	shalt  }
0x51: {  	_ =	shalt  }
0x52: {  	_ =	shalt  }
0x53: {  	_ =	shalt  }
0x54: {  	_ =	shalt  }
0x55: {  	_ =	shalt  }
0x56: {  	_ =	shalt  }
0x57: {  	_ =	shalt  }
0x58: {  	_ =	shalt  }
0x59: {  	_ =	shalt  }
0x5a: {  	_ =	shalt  }
0x5b: {  	_ =	shalt  }
0x5c: {  	_ =	shalt  }
0x5d: {  	_ =	shalt  }
0x5e: {  	_ =	shalt  }
0x5f: {  	_ =	shalt  }
0x60: {  	_ =	shalt  }
0x61: {  	_ =	shalt  }
0x62: {  	_ =	shalt  }
0x63: {  	_ =	shalt  }
0x64: {  	_ =	shalt  }
0x65: {  	_ =	shalt  }
0x66: {  	_ =	shalt  }
0x67: {  	_ =	shalt  }
0x68: {  	_ =	shalt  }
0x69: {  	_ =	shalt  }
0x6a: {  	_ =	shalt  }
0x6b: {  	_ =	shalt  }
0x6c: {  	_ =	shalt  }
0x6d: {  	_ =	shalt  }
0x6e: {  	_ =	shalt  }
0x6f: {  	_ =	shalt  }
0x70: {  	_ =	shalt  }
0x71: {  	_ =	shalt  }
0x72: {  	_ =	shalt  }
0x73: {  	_ =	shalt  }
0x74: {  	_ =	shalt  }
0x75: {  	_ =	shalt  }
0x76: {  	_ =	shalt  }
0x77: {  	_ =	shalt  }
0x78: {  	_ =	shalt  }
0x79: {  	_ =	shalt  }
0x7a: {  	_ =	shalt  }
0x7b: {  	_ =	shalt  }
0x7c: {  	_ =	shalt  }
0x7d: {  	_ =	shalt  }
0x7e: {  	_ =	shalt  }
0x7f: {  	_ =	shalt  }
0x80: {  	_ =	shalt  }
0x81: {  	_ =	shalt  }
0x82: {  	_ =	shalt  }
0x83: {  	_ =	shalt  }
0x84: {  	_ =	shalt  }
0x85: {  	_ =	shalt  }
0x86: {  	_ =	shalt  }
0x87: {  	_ =	shalt  }
.Lfunc_end0:
.L_simem_size_0:
called_computation.2_lowered:
.L_overlay_start_0:
0x88: {  	s2 =	sld [smem:$0x3FD9]  }
0x89: {  	s3 =	sld [smem:$0x3FFE];
	_ =	sdelay $0x1  }
0x8a: {  	s1 =	srdreg.scid  }
0x8b: {  	s0 =	sand.u32 $0x1, s1  }
0x8c: {  	s17 =	sshll.u32 s0, $0xA;
	s2 =	sadd.s32 s3, s2  }
0x8d: {  	s2 =	sadd.s32 s2, s17  }
0x8e: {  	[smem:$0x3FBA] =	sst s2  }
0x8f: {  	_ = 	snop  }
0x90: {  	s2 =	sld [smem:$0x3FD0];
	(tm) =	ssettm $0x1  }
0x91: {  	s18 =	sld [smem:$0x3FFB];
	_ =	sdelay $0x3  }
0x92: {  	_ =	strace s18  }
0x93: {  	s3 =	sld [smem:$0x3FFC];
	_ =	sdelay $0x3  }
0x94: {  	_ =	strace s3  }
0x95: {  	s3 =	sld [smem:$0x3FFD];
	_ =	sdelay $0x3  }
0x96: {  	_ =	strace s3  }
0x97: {  	_ =	strace $0x8FFFFFFF  }
0x98: {  	s19 =	sld [smem:$0x3FDB];
	_ =	sdelay $0x1  }
0x99: {  	s4 =	simm.s32 $_scs_section_size  }
0x9a: {  	s5 =	simm.s32 $_size__tile_overlayer_lowered;
	s6 =	simm.s32 $_tile_overlayer_lowered  }
0x9b: {  	s22 =	simm.s32 $0x1BFF;
	s21 =	sshll.u32 s6, $0x1;
	s3 =	sadd.s32 s4, s19  }
0x9c: {  	s7 =	simm.s32 $0x0;
	s20 =	sshll.u32 s5, $0x1;
	s5 =	sadd.s32 s21, s3  }
0x9d: {  	[timem:s7], [sflag:s22] =	dma.local [hbm:s5], s20  }
0x9e: {  	_ =	swait.ge [sflag:s22], s20  }
0x9f: {  	s4 =	ssub.s32 $0x0, s20;
	[sflag:s22] =	ssyncset.done $0x0  }
0xa0: {  	[sflag:s22] =	ssyncadd.s32 s4;
	_ =	sdelay $0x1  }
0xa1: {  	s23 =	simm.s32 $0x1B8B  }
0xa2: {  	_ =	swait.ge [sflag:s23], $0x1  }
0xa3: {  	[sflag:s23] =	ssyncset.done $0x0  }
0xa4: {  	s25 =	simm.s32 $0x1B8E;
	s24 =	sld [smem:$0x3FFE];
	[sflag:s23] =	ssyncadd.s32 $0xFFFFFFFF  }
0xa5: {  	s26 =	simm.s32 $execute0_lowered;
	[smem:$0x3FD2] =	sst s25  }
0xa6: {  	s5 =	sshll.u32 s26, $0x1;
	_ =	strace $0x8000004C;
	[dreg:$0x1] =	wrdreg $0xFFFFFFFF  }
0xa7: {  	s28 =	simm.s32 $_size_execute0_lowered;
	s3 =	sadd.s32 s3, s5;
	[dreg:$0x0] =	wrdreg $0x0  }
0xa8: {  	s5 =	sshll.u32 s28, $0x1;
	[dreg:$0x2] =	wrdreg s3  }
0xa9: {  	[dreg:$0x3] =	wrdreg s5  }
0xaa: {  	[dreg:$0x4] =	wrdreg $0xC0  }
0xab: {  	_ =	task [dreg:s7], $0x5FFFF  }
0xac: {  	[dreg:$0x1] =	wrdreg $0xFFFFFFFF  }
0xad: {  	[dreg:$0x0] =	wrdreg $0x60  }
0xae: {  	[dreg:$0x2] =	wrdreg s24  }
0xaf: {  	[dreg:$0x3] =	wrdreg s2  }
0xb0: {  	[dreg:$0x4] =	wrdreg $0x71800  }
0xb1: {  	[dreg:$0x5] =	wrdreg $0x9  }
0xb2: {  	_ =	task.clear_ibuf [dreg:s7], $0x6FFFF;
	_ =	strace $0x9000004C  }
0xb3: {  	s29 =	simm.s32 $0x9;
	_ =	strace $0x8000004E  }
0xb4: {  	_ =	swait.ge [sflag:s29], $0x1  }
0xb5: {  	[sflag:s29] =	ssyncadd.s32 $0xFFFFFFFF  }
0xb6: {  	_ =	strace $0x9000004E  }
0xb7: {  	_ =	sfence  }
0xb8: {  	s30 =	sld [smem:$0x0];
	_ =	sdelay $0x2  }
0xb9: {  	s31 =	sshll.u32 s1, $0xD;
	s1 =	sshrl.u32 s1, $0x2  }
0xba: {  	s3 =	sand.u32 $0x4000, s31;
	s1 =	sadd.s32 s1, s30  }
0xbb: {  	s0 =	sor.u32 s3, s0;
	s1 =	sshll.u32 s1, $0x11  }
0xbc: {  	s0 =	sor.u32 s1, s0  }
0xbd: {  	s0 =	sadd.s32 $0x8F2B, s0  }
0xbe: {  	[sflag:s0] =	ssyncadd.remote.s32 $0x1  }
0xbf: {  	_ =	sfence.sel $0xFFFF  }
0xc0: {  	[dreg:$0x0] =	wrdreg $0xFFFFFFFF;
	(pc) =	sbr.abs _section_cstart, $3  }
0xc1: {  	[dreg:$0x1] =	wrdreg $0xFFFFFFFF  }
0xc2: {  	_ =	task.clear_ibuf [dreg:s7], $0x2FFFF;
	_ =	strace $0x9FFFFFFF  }
0xc3: {  	(tm) =	ssettm $0x7FFFFFFF  }
tec
execute0_lowered:
.L_overlay_start_1:
0x0: {  	(tag) =	ssettag $0x1  }
0x1: {  	s0 =	rddreg [dreg:$0x0]  }
0x2: {  	s1 =	rddreg [dreg:$0x1]  }
0x3: {  	s2 =	rddreg [dreg:$0x2];
	s4 =	simm.s32 $0x0  }
0x4: {  	s3 =	srdreg.scid;
	s26 =	stileid.u32;
	s22 =	simm.s32 $0x180  }
0x5: {  	s28 =	simm.s32 $0x1;
	s29 =	simm.s32 $0x100;
	[smem:$0x7FF] =	sst s4  }
0x6: {  	s3 =	sand.u32 $0x1, s3;
	s5 =	sadd.s32 $0xE6800, s0;
	s11 =	smul.u32 $0x310, s26  }
0x7: {  	s6 =	sadd.s32 $0x194CC00, s0;
	s7 =	smul.u32 $0x1C2, s26;
	s8 =	sadd.s32 $0x6400, s0  }
0x8: {  	s13 =	smul.u32 $0x62000, s26;
	s0 =	sadd.s32 $0x1EE00, s0;
	s30 =	sadd.s32 $0x16F800, s2  }
0x9: {  	p0 =	seq.s32 s26, $0xF;
	s26 =	simm.s32 $0x3980;
	s10 =	smul.u32 $0x61C0, s3  }
0xa: {  	_ =	strace $0x8000004D;
	s9 =	ssub.s32 $0x2, s3;
	s3 =	smul.u32 $0x30E000, s3  }
0xb: {  	[dreg:$0x5] =	wrdreg s30;
	s12 =	sshrl.u32 s9, $0x1;
	s23 =	sshrl.u32 s13, $0x2  }
0xc: {  	s12 =	ssub.s32 s9, s12;
	s24 =	sadd.s32 $0x30E0, s10;
	s25 =	sadd.s32 s11, s10  }
0xd: {  	s9 =	sadd.s32 s23, s2;
	s3 =	sshrl.u32 s3, $0x3;
	s23 =	simm.s32 $0x2  }
0xe: {  	s13 =	sshll.u32 s25, $0x4;
	s3 =	sadd.s32 s0, s3;
	s11 =	sadd.s32 s11, s24  }
0xf: {  	s25 =	sadd.s32 $0x61C0, s10;
	s15 =	smax.u32 s12, $0x1;
	s16 =	sadd.s32 $0x3800, s9  }
0x10: {  	s17 =	sadd.s32 $0x7000, s9;
	s18 =	sadd.s32 $0xA800, s9;
	s19 =	sadd.s32 $0xE000, s9  }
0x11: {  	s20 =	sadd.s32 $0x11800, s9;
	s21 =	sadd.s32 $0x15000, s9;
	s13 =	sadd.s32 s0, s13  }
0x12: {  	v5 =	vlaneseq.u32;
	s31 =	sadd.s32 $0x2DF00, s3;
	s11 =	sshll.u32 s11, $0x4;
	[dreg:$0x4] =	wrdreg s13  }
0x13: {  	v3 =	vimm.f32 $0.0e+00;
	v4 =	vor.u32 $0x30E0, v5;
	v1 =	vmov s24;
	s24 =	simm.s32 $0x80;
	[dreg:$0x6] =	wrdreg s31;
	s0 =	sadd.s32 s0, s11  }
0x14: {  	v5 =	vor.u32 $0x30F0, v5;
	v0 =	vmov s10;
	s14 =	sadd.s32 $0x5ED00, s3;
	v2 =	vmov s25;
	s25 =	simm.s32 $0x70;
	[dreg:$0x7] =	wrdreg s0  }
.LBB2_1:
0x15: {  	s0 =	simm.s32 $0x0;
	s3 =	simm.s32 $0x200  }
.LBB2_2:
0x16: {  	p1 =	sne.s32 s3, $0xDE00;
	[tilespmem:s0+$0x1F0] =	vst v3  }
0x17: {  	[tilespmem:s0+$0x180] =	vst v3  }
0x18: {  	[tilespmem:s0+$0x190] =	vst v3  }
.Ltmp0:
0x19: {  	[tilespmem:s0+$0x1A0] =	vst v3;
	(pc) =	sbr.rel @p1 .LBB2_2-.Ltmp0, $4  }
0x1a: {  	[tilespmem:s0+$0x1B0] =	vst v3  }
0x1b: {  	[tilespmem:s0+$0x1C0] =	vst v3  }
0x1c: {  	[tilespmem:s0+$0x1D0] =	vst v3  }
0x1d: {  	[tilespmem:s0+$0x1E0] =	vst v3;
	s0 =	sshra.s32 s3, $0x2;
	s3 =	sadd.s32 $0x200, s3  }
0x1e: {  	[tilespmem:s0+$0x1F0] =	vst v3  }
0x1f: {  	[tilespmem:s0+$0x180] =	vst v3  }
0x20: {  	[tilespmem:s0+$0x190] =	vst v3  }
0x21: {  	[tilespmem:s0+$0x1A0] =	vst v3  }
0x22: {  	[tilespmem:s0+$0x1B0] =	vst v3  }
0x23: {  	[tilespmem:s0+$0x1C0] =	vst v3  }
0x24: {  	[tilespmem:s0+$0x1D0] =	vst v3  }
0x25: {  	[tilespmem:s0+$0x1E0] =	vst v3  }
0x26: {  	[spmem:s9] =	stream.linear.scatter [tilespmem:s22], [sflag:$0x2], $0x3800, $0x38;
	[tilespmem:$0x1F980] =	vst v63  }
0x27: {  	_ =	swait.ge [sflag:s23], $0x3800  }
0x28: {  	[sflag:s23] =	ssyncset.done $0x0  }
0x29: {  	[sflag:s23] =	ssyncadd.s32 $0xFFFFC800  }
0x2a: {  	[spmem:s16] =	stream.linear.scatter [tilespmem:s22], [sflag:$0x2], $0x3800, $0x38;
	[tilespmem:$0x1F980] =	vst v63  }
0x2b: {  	_ =	swait.ge [sflag:s23], $0x3800  }
0x2c: {  	[sflag:s23] =	ssyncset.done $0x0  }
0x2d: {  	[sflag:s23] =	ssyncadd.s32 $0xFFFFC800  }
0x2e: {  	[spmem:s17] =	stream.linear.scatter [tilespmem:s22], [sflag:$0x2], $0x3800, $0x38;
	[tilespmem:$0x1F980] =	vst v63  }
0x2f: {  	_ =	swait.ge [sflag:s23], $0x3800  }
0x30: {  	[sflag:s23] =	ssyncset.done $0x0  }
0x31: {  	[sflag:s23] =	ssyncadd.s32 $0xFFFFC800  }
0x32: {  	[spmem:s18] =	stream.linear.scatter [tilespmem:s22], [sflag:$0x2], $0x3800, $0x38;
	[tilespmem:$0x1F980] =	vst v63  }
0x33: {  	_ =	swait.ge [sflag:s23], $0x3800  }
0x34: {  	[sflag:s23] =	ssyncset.done $0x0  }
0x35: {  	[sflag:s23] =	ssyncadd.s32 $0xFFFFC800  }
0x36: {  	[spmem:s19] =	stream.linear.scatter [tilespmem:s22], [sflag:$0x2], $0x3800, $0x38;
	[tilespmem:$0x1F980] =	vst v63  }
0x37: {  	_ =	swait.ge [sflag:s23], $0x3800  }
0x38: {  	[sflag:s23] =	ssyncset.done $0x0  }
0x39: {  	[sflag:s23] =	ssyncadd.s32 $0xFFFFC800  }
0x3a: {  	[spmem:s20] =	stream.linear.scatter [tilespmem:s22], [sflag:$0x2], $0x3800, $0x38;
	[tilespmem:$0x1F980] =	vst v63  }
0x3b: {  	_ =	swait.ge [sflag:s23], $0x3800  }
0x3c: {  	[sflag:s23] =	ssyncset.done $0x0  }
0x3d: {  	[sflag:s23] =	ssyncadd.s32 $0xFFFFC800  }
0x3e: {  	[spmem:s21] =	stream.linear.scatter [tilespmem:s22], [sflag:$0x2], $0x3800, $0x38;
	[tilespmem:$0x1F980] =	vst v63  }
0x3f: {  	_ =	swait.ge [sflag:s23], $0x3800  }
0x40: {  	[sflag:s23] =	ssyncset.done $0x0  }
0x41: {  	[sflag:s23] =	ssyncadd.s32 $0xFFFFC800  }
0x42: {  	s0 =	simm.s32 $0x0;
	s3 =	simm.s32 $0x0;
	[bflag:$0x0] =	sbarrier.arrive $0xFFFF  }
.LBB2_4:
0x43: {  	s10 =	sadd.s32 s7, s3  }
0x44: {  	s11 =	smul.u32 $0xE, s10;
	_ =	sdelay $0x1  }
0x45: {  	s12 =	sadd.s32 s1, s11  }
0x46: {  	[tilespmem:s0], [sflag:$0x2] =	stream.linear.gather [hbm4b:s12+s0], $0x70, $0x38;
	[tilespmem:$0x1F980] =	vst v63  }
0x47: {  	_ =	swait.ge [sflag:s23], $0x70  }
0x48: {  	[sflag:s23] =	ssyncset.done $0x0  }
0x49: {  	s11 =	sadd.s32 s8, s11;
	[sflag:s23] =	ssyncadd.s32 $0xFFFFFF90  }
0x4a: {  	[tilespmem:s24], [sflag:$0x2] =	stream.linear.gather [hbm4b:s11+s0], $0x70, $0x38;
	[tilespmem:$0x1F980] =	vst v63  }
0x4b: {  	s10 =	smul.u32 $0x700, s10;
	_ =	swait.ge [sflag:s23], $0x70  }
0x4c: {  	[sflag:s23] =	ssyncset.done $0x0  }
0x4d: {  	s10 =	sadd.s32 s6, s10;
	[sflag:s23] =	ssyncadd.s32 $0xFFFFFF90  }
0x4e: {  	[tilespmem:s22], [sflag:$0x2] =	stream.linear.gather [hbm4b:s10+s0], $0x3800, $0x38;
	[tilespmem:$0x1F980] =	vst v63  }
0x4f: {  	_ =	swait.ge [sflag:s23], $0x3800  }
0x50: {  	[sflag:s23] =	ssyncset.done $0x0  }
0x51: {  	[sflag:s23] =	ssyncadd.s32 $0xFFFFC800  }
0x52: {  	[tilespmem:s26], [sflag:$0x1] =	stream.indirect.gather [hbm4b:s5+s25], $0x80, s0, s25, $0xb8;
	[tilespmem:$0x1F980] =	vst v63  }
0x53: {  	_ =	swait.ge [sflag:s28], $0x3800  }
0x54: {  	[sflag:s28] =	ssyncset.done $0x0  }
0x55: {  	[sflag:s28] =	ssyncadd.s32 $0xFFFFC800  }
0x56: {  	v6 =	vld [tilespmem:$0x80]  }
0x57: {  	v7 =	vld [tilespmem:$0x90]  }
0x58: {  	v8 =	vld [tilespmem:$0xA0]  }
0x59: {  	v9 =	vld [tilespmem:$0xB0]  }
0x5a: {  	v10 =	vld [tilespmem:$0xC0]  }
0x5b: {  	v11 =	vld [tilespmem:$0xD0];
	vm0 =	vge.s32 v6, v0  }
0x5c: {  	v12 =	vld [tilespmem:$0xE0];
	vm1 =	vlt.s32 v6, v1;
	v6 =	vsub.s32 v6, v0;
	vm15 =	vge.s32 v7, v0  }
0x5d: {  	vm4 =	vlt.s32 v7, v1;
	vm5 =	vge.s32 v8, v0;
	vm2 =	vlt.s32 v8, v1  }
0x5e: {  	v7 =	vsub.s32 v7, v0;
	v8 =	vsub.s32 v8, v0;
	vm6 =	vge.s32 v9, v0  }
0x5f: {  	vm7 =	vlt.s32 v9, v1;
	vm8 =	vge.s32 v10, v0;
	vm3 =	vlt.s32 v10, v1  }
0x60: {  	vm10 =	vge.s32 v11, v0;
	vm11 =	vlt.s32 v11, v1;
	vm0 =	vmand vm0, vm1  }
0x61: {  	vm13 =	vge.s32 v12, v0;
	vm1 =	vmand vm5, vm2;
	v6 =	vsel vm0, v6, v4  }
0x62: {  	vm14 =	vlt.s32 v12, v1;
	vm0 =	vmand vm15, vm4;
	v8 =	vsel vm1, v8, v4;
	[tilespmem:$0x100] =	vst v6  }
0x63: {  	v7 =	vsel vm0, v7, v5;
	vm0 =	vmand vm6, vm7;
	v6 =	vsub.s32 v9, v0;
	[tilespmem:$0x120] =	vst v8  }
0x64: {  	vm9 =	vmand vm8, vm3;
	[tilespmem:$0x110] =	vst v7;
	v7 =	vsub.s32 v10, v0;
	v6 =	vsel vm0, v6, v5  }
0x65: {  	vm12 =	vmand vm10, vm11;
	v7 =	vsel vm9, v7, v4;
	[tilespmem:$0x130] =	vst v6;
	v6 =	vsub.s32 v11, v0  }
0x66: {  	vm15 =	vmand vm13, vm14;
	v6 =	vsel vm12, v6, v5;
	[tilespmem:$0x140] =	vst v7;
	v7 =	vsub.s32 v12, v0  }
0x67: {  	[tilespmem:$0x150] =	vst v6;
	v6 =	vsel vm15, v7, v4  }
0x68: {  	s10 =	simm.s32 $0x0;
	[tilespmem:$0x160] =	vst v6  }
0x69: {  	v12 =	vld [tilespmem:s10+$0x180]  }
0x6a: {  	v17 =	vld [tilespmem:s10+$0x190]  }
0x6b: {  	v11 =	vld [tilespmem:s10+$0x1A0]  }
0x6c: {  	v10 =	vld [tilespmem:s10+$0x1B0]  }
0x6d: {  	v9 =	vld [tilespmem:s10+$0x1C0]  }
0x6e: {  	v8 =	vld [tilespmem:s10+$0x1D0]  }
0x6f: {  	v7 =	vld [tilespmem:s10+$0x1E0]  }
0x70: {  	v6 =	vld [tilespmem:s10+$0x1F0]  }
0x71: {  	v18 =	vld [tilespmem:s10+$0x3980]  }
0x72: {  	v19 =	vld [tilespmem:s10+$0x3990]  }
0x73: {  	v16 =	vld [tilespmem:s10+$0x39A0]  }
0x74: {  	v15 =	vld [tilespmem:s10+$0x39B0]  }
0x75: {  	v14 =	vld [tilespmem:s10+$0x39C0]  }
0x76: {  	v13 =	vld [tilespmem:s10+$0x39D0];
	v18 =	vadd.f32 v12, v18  }
0x77: {  	s11 =	simm.s32 $0x200;
	v17 =	vadd.f32 v17, v19;
	v12 =	vld [tilespmem:s10+$0x39E0]  }
.LBB2_5:
0x78: {  	s12 =	sshra.s32 s11, $0x2;
	p1 =	sne.s32 s11, $0xDE00;
	v18 =	vmax.f32 v18, $0.0e+00;
	v11 =	vadd.f32 v11, v16;
	v16 =	vld [tilespmem:s10+$0x39F0]  }
0x79: {  	v19 =	vld [tilespmem:s12+$0x180];
	[tilespmem:s10+$0x3980] =	vst v18;
	v17 =	vmax.f32 v17, $0.0e+00;
	v10 =	vadd.f32 v10, v15  }
0x7a: {  	v20 =	vld [tilespmem:s12+$0x190];
	[tilespmem:s10+$0x3990] =	vst v17;
	v15 =	vmax.f32 v11, $0.0e+00;
	v9 =	vadd.f32 v9, v14  }
0x7b: {  	v11 =	vld [tilespmem:s12+$0x1A0];
	[tilespmem:s10+$0x39A0] =	vst v15;
	v14 =	vmax.f32 v10, $0.0e+00;
	v8 =	vadd.f32 v8, v13  }
0x7c: {  	v10 =	vld [tilespmem:s12+$0x1B0];
	[tilespmem:s10+$0x39B0] =	vst v14;
	v13 =	vmax.f32 v9, $0.0e+00;
	v7 =	vadd.f32 v7, v12  }
0x7d: {  	v9 =	vld [tilespmem:s12+$0x1C0];
	[tilespmem:s10+$0x39C0] =	vst v13;
	v12 =	vmax.f32 v8, $0.0e+00;
	v6 =	vadd.f32 v6, v16  }
0x7e: {  	v8 =	vld [tilespmem:s12+$0x1D0];
	[tilespmem:s10+$0x39D0] =	vst v12;
	v12 =	vmax.f32 v7, $0.0e+00  }
0x7f: {  	v7 =	vld [tilespmem:s12+$0x1E0];
	[tilespmem:s10+$0x39E0] =	vst v12;
	v12 =	vmax.f32 v6, $0.0e+00  }
0x80: {  	v6 =	vld [tilespmem:s12+$0x1F0];
	[tilespmem:s10+$0x39F0] =	vst v12;
	s10 =	smov.u32 s12  }
0x81: {  	v12 =	vld [tilespmem:s10+$0x3980]  }
0x82: {  	v17 =	vld [tilespmem:s10+$0x3990]  }
.Ltmp1:
0x83: {  	v16 =	vld [tilespmem:s10+$0x39A0];
	(pc) =	sbr.rel @p1 .LBB2_5-.Ltmp1, $4  }
0x84: {  	v15 =	vld [tilespmem:s10+$0x39B0]  }
0x85: {  	v14 =	vld [tilespmem:s10+$0x39C0]  }
0x86: {  	v18 =	vadd.f32 v19, v12;
	v13 =	vld [tilespmem:s10+$0x39D0]  }
0x87: {  	s11 =	sadd.s32 $0x200, s11;
	v17 =	vadd.f32 v20, v17;
	v12 =	vld [tilespmem:s10+$0x39E0]  }
0x88: {  	v18 =	vmax.f32 v18, $0.0e+00;
	v11 =	vadd.f32 v11, v16;
	v63 =	vld [tilespmem:s10+$0x39F0]  }
0x89: {  	[tilespmem:s10+$0x3980] =	vst v18;
	v17 =	vmax.f32 v17, $0.0e+00;
	v10 =	vadd.f32 v10, v15  }
0x8a: {  	[tilespmem:s10+$0x3990] =	vst v17;
	v11 =	vmax.f32 v11, $0.0e+00;
	v9 =	vadd.f32 v9, v14  }
0x8b: {  	[tilespmem:s10+$0x39A0] =	vst v11;
	v10 =	vmax.f32 v10, $0.0e+00;
	v8 =	vadd.f32 v8, v13  }
0x8c: {  	[tilespmem:s10+$0x39B0] =	vst v10;
	v9 =	vmax.f32 v9, $0.0e+00;
	v7 =	vadd.f32 v7, v12  }
0x8d: {  	[tilespmem:s10+$0x39C0] =	vst v9;
	v8 =	vmax.f32 v8, $0.0e+00;
	v6 =	vadd.f32 v6, v63  }
0x8e: {  	s3 =	sadd.s32 $0x1, s3;
	[tilespmem:s10+$0x39D0] =	vst v8;
	v7 =	vmax.f32 v7, $0.0e+00  }
0x8f: {  	p1 =	sne.s32 s3, $0x1C2;
	[tilespmem:s10+$0x39E0] =	vst v7;
	v6 =	vmax.f32 v6, $0.0e+00  }
.Ltmp2:
0x90: {  	[tilespmem:s10+$0x39F0] =	vst v6;
	(pc) =	sbr.rel @p1 .LBB2_4-.Ltmp2, $4  }
0x91: {  	[spmem:s2] =	stream.indirect.scatter.add.f32 [tilespmem:s26], [sflag:$0x2], $0x80, s29, s25, $0xb8;
	[tilespmem:$0x1F980] =	vst v63  }
0x92: {  	_ =	swait.ge [sflag:s23], $0x3800  }
0x93: {  	[sflag:s23] =	ssyncset.done $0x0  }
0x94: {  	[sflag:s23] =	ssyncadd.s32 $0xFFFFC800  }
0x95: {  	[bflag:$0x0] =	sbarrier.arrive $0xFFFF  }
0x96: {  	s0 =	rddreg [dreg:$0x5]  }
0x97: {  	s3 =	rddreg [dreg:$0x6];
	s30 =	sshrl.u32 @p0 s0, $0x3;
	s0 =	simm.s32 @p0 $0x1FC2  }
0x98: {  	[hbm:s3], [sflag:s0] =	dma.local @p0 [spmem:s30], $0x2F00  }
0x99: {  	s0 =	simm.s32 @p0 $0x2;
	s3 =	stileid.u32  }
0x9a: {  	_ =	swait.ge @p0 [sflag:s0], $0x2F00;
	s3 =	sshll.u32 @!p0 s3, $0x6  }
0x9b: {  	[sflag:s0] =	ssyncset.done @p0 $0x0;
	s31 =	sor.u32 @!p0 $0x1C02, s3  }
0x9c: {  	s3 =	rddreg [dreg:$0x4];
	[sflag:s0] =	ssyncadd.s32 @p0 $0xFFFFD100;
	s0 =	sshrl.u32 @!p0 s9, $0x3  }
0x9d: {  	[hbm:s3], [sflag:s31] =	dma.local @!p0 [spmem:s0], $0x3100  }
0x9e: {  	s3 =	simm.s32 @!p0 $0x2  }
0x9f: {  	_ =	swait.ge @!p0 [sflag:s3], $0x3100  }
0xa0: {  	[sflag:s3] =	ssyncset.done @!p0 $0x0  }
0xa1: {  	[sflag:s3] =	ssyncadd.s32 @!p0 $0xFFFFCF00  }
0xa2: {  	s10 =	simm.s32 $0x200;
	s3 =	simm.s32 $0x0;
	[bflag:$0x0] =	sbarrier.arrive $0xFFFF  }
.LBB2_8:
0xa3: {  	p1 =	seq.s32 s10, $0xDE00;
	[tilespmem:s3+$0x1F0] =	vst v3  }
0xa4: {  	[tilespmem:s3+$0x180] =	vst v3  }
0xa5: {  	[tilespmem:s3+$0x190] =	vst v3  }
.Ltmp3:
0xa6: {  	[tilespmem:s3+$0x1A0] =	vst v3;
	(pc) =	sbr.rel @!p1 .LBB2_8-.Ltmp3, $4  }
0xa7: {  	[tilespmem:s3+$0x1B0] =	vst v3  }
0xa8: {  	[tilespmem:s3+$0x1C0] =	vst v3  }
0xa9: {  	[tilespmem:s3+$0x1D0] =	vst v3  }
0xaa: {  	[tilespmem:s3+$0x1E0] =	vst v3;
	s3 =	sshra.s32 s10, $0x2;
	s10 =	sadd.s32 $0x200, s10  }
0xab: {  	[tilespmem:s3+$0x1F0] =	vst v3  }
0xac: {  	[tilespmem:s3+$0x180] =	vst v3  }
0xad: {  	[tilespmem:s3+$0x190] =	vst v3  }
0xae: {  	[tilespmem:s3+$0x1A0] =	vst v3  }
0xaf: {  	[tilespmem:s3+$0x1B0] =	vst v3  }
0xb0: {  	[tilespmem:s3+$0x1C0] =	vst v3  }
0xb1: {  	[tilespmem:s3+$0x1D0] =	vst v3  }
0xb2: {  	[tilespmem:s3+$0x1E0] =	vst v3  }
0xb3: {  	[spmem:s9] =	stream.linear.scatter [tilespmem:s22], [sflag:$0x2], $0x3800, $0x38;
	[tilespmem:$0x1F980] =	vst v63  }
0xb4: {  	_ =	swait.ge [sflag:s23], $0x3800  }
0xb5: {  	[sflag:s23] =	ssyncset.done $0x0  }
0xb6: {  	[sflag:s23] =	ssyncadd.s32 $0xFFFFC800  }
0xb7: {  	[spmem:s16] =	stream.linear.scatter [tilespmem:s22], [sflag:$0x2], $0x3800, $0x38;
	[tilespmem:$0x1F980] =	vst v63  }
0xb8: {  	_ =	swait.ge [sflag:s23], $0x3800  }
0xb9: {  	[sflag:s23] =	ssyncset.done $0x0  }
0xba: {  	[sflag:s23] =	ssyncadd.s32 $0xFFFFC800  }
0xbb: {  	[spmem:s17] =	stream.linear.scatter [tilespmem:s22], [sflag:$0x2], $0x3800, $0x38;
	[tilespmem:$0x1F980] =	vst v63  }
0xbc: {  	_ =	swait.ge [sflag:s23], $0x3800  }
0xbd: {  	[sflag:s23] =	ssyncset.done $0x0  }
0xbe: {  	[sflag:s23] =	ssyncadd.s32 $0xFFFFC800  }
0xbf: {  	[spmem:s18] =	stream.linear.scatter [tilespmem:s22], [sflag:$0x2], $0x3800, $0x38;
	[tilespmem:$0x1F980] =	vst v63  }
0xc0: {  	_ =	swait.ge [sflag:s23], $0x3800  }
0xc1: {  	[sflag:s23] =	ssyncset.done $0x0  }
0xc2: {  	[sflag:s23] =	ssyncadd.s32 $0xFFFFC800  }
0xc3: {  	[spmem:s19] =	stream.linear.scatter [tilespmem:s22], [sflag:$0x2], $0x3800, $0x38;
	[tilespmem:$0x1F980] =	vst v63  }
0xc4: {  	_ =	swait.ge [sflag:s23], $0x3800  }
0xc5: {  	[sflag:s23] =	ssyncset.done $0x0  }
0xc6: {  	[sflag:s23] =	ssyncadd.s32 $0xFFFFC800  }
0xc7: {  	[spmem:s20] =	stream.linear.scatter [tilespmem:s22], [sflag:$0x2], $0x3800, $0x38;
	[tilespmem:$0x1F980] =	vst v63  }
0xc8: {  	_ =	swait.ge [sflag:s23], $0x3800  }
0xc9: {  	[sflag:s23] =	ssyncset.done $0x0  }
0xca: {  	[sflag:s23] =	ssyncadd.s32 $0xFFFFC800  }
0xcb: {  	[spmem:s21] =	stream.linear.scatter [tilespmem:s22], [sflag:$0x2], $0x3800, $0x38;
	[tilespmem:$0x1F980] =	vst v63  }
0xcc: {  	_ =	swait.ge [sflag:s23], $0x3800  }
0xcd: {  	[sflag:s23] =	ssyncset.done $0x0  }
0xce: {  	[sflag:s23] =	ssyncadd.s32 $0xFFFFC800  }
0xcf: {  	s3 =	simm.s32 $0x0;
	s10 =	simm.s32 $0x0;
	[bflag:$0x0] =	sbarrier.arrive $0xFFFF  }
.LBB2_10:
0xd0: {  	s11 =	sadd.s32 s7, s10  }
0xd1: {  	s12 =	smul.u32 $0xE, s11;
	_ =	sdelay $0x1  }
0xd2: {  	s13 =	sadd.s32 s1, s12  }
0xd3: {  	[tilespmem:s3], [sflag:$0x2] =	stream.linear.gather [hbm4b:s13+s3], $0x70, $0x38;
	[tilespmem:$0x1F980] =	vst v63  }
0xd4: {  	_ =	swait.ge [sflag:s23], $0x70  }
0xd5: {  	[sflag:s23] =	ssyncset.done $0x0  }
0xd6: {  	s12 =	sadd.s32 s8, s12;
	[sflag:s23] =	ssyncadd.s32 $0xFFFFFF90  }
0xd7: {  	[tilespmem:s24], [sflag:$0x2] =	stream.linear.gather [hbm4b:s12+s3], $0x70, $0x38;
	[tilespmem:$0x1F980] =	vst v63  }
0xd8: {  	s11 =	smul.u32 $0x700, s11;
	_ =	swait.ge [sflag:s23], $0x70  }
0xd9: {  	[sflag:s23] =	ssyncset.done $0x0  }
0xda: {  	s11 =	sadd.s32 s6, s11;
	[sflag:s23] =	ssyncadd.s32 $0xFFFFFF90  }
0xdb: {  	[tilespmem:s22], [sflag:$0x2] =	stream.linear.gather [hbm4b:s11+s3], $0x3800, $0x38;
	[tilespmem:$0x1F980] =	vst v63  }
0xdc: {  	_ =	swait.ge [sflag:s23], $0x3800  }
0xdd: {  	[sflag:s23] =	ssyncset.done $0x0  }
0xde: {  	[sflag:s23] =	ssyncadd.s32 $0xFFFFC800  }
0xdf: {  	[tilespmem:s26], [sflag:$0x1] =	stream.indirect.gather [hbm4b:s5+s25], $0x80, s3, s25, $0xb8;
	[tilespmem:$0x1F980] =	vst v63  }
0xe0: {  	_ =	swait.ge [sflag:s28], $0x3800  }
0xe1: {  	[sflag:s28] =	ssyncset.done $0x0  }
0xe2: {  	[sflag:s28] =	ssyncadd.s32 $0xFFFFC800  }
0xe3: {  	v6 =	vld [tilespmem:$0x80]  }
0xe4: {  	v7 =	vld [tilespmem:$0x90]  }
0xe5: {  	v8 =	vld [tilespmem:$0xA0]  }
0xe6: {  	v9 =	vld [tilespmem:$0xB0]  }
0xe7: {  	v10 =	vld [tilespmem:$0xC0]  }
0xe8: {  	v11 =	vld [tilespmem:$0xD0];
	vm0 =	vge.s32 v6, v1  }
0xe9: {  	v12 =	vld [tilespmem:$0xE0];
	vm1 =	vlt.s32 v6, v2;
	v6 =	vsub.s32 v6, v1;
	vm15 =	vge.s32 v7, v1  }
0xea: {  	vm4 =	vlt.s32 v7, v2;
	vm5 =	vge.s32 v8, v1;
	vm2 =	vlt.s32 v8, v2  }
0xeb: {  	v7 =	vsub.s32 v7, v1;
	v8 =	vsub.s32 v8, v1;
	vm6 =	vge.s32 v9, v1  }
0xec: {  	vm7 =	vlt.s32 v9, v2;
	vm8 =	vge.s32 v10, v1;
	vm3 =	vlt.s32 v10, v2  }
0xed: {  	vm10 =	vge.s32 v11, v1;
	vm11 =	vlt.s32 v11, v2;
	vm0 =	vmand vm0, vm1  }
0xee: {  	vm13 =	vge.s32 v12, v1;
	vm1 =	vmand vm5, vm2;
	v6 =	vsel vm0, v6, v4  }
0xef: {  	vm14 =	vlt.s32 v12, v2;
	vm0 =	vmand vm15, vm4;
	v8 =	vsel vm1, v8, v4;
	[tilespmem:$0x100] =	vst v6  }
0xf0: {  	v7 =	vsel vm0, v7, v5;
	vm0 =	vmand vm6, vm7;
	v6 =	vsub.s32 v9, v1;
	[tilespmem:$0x120] =	vst v8  }
0xf1: {  	vm9 =	vmand vm8, vm3;
	[tilespmem:$0x110] =	vst v7;
	v7 =	vsub.s32 v10, v1;
	v6 =	vsel vm0, v6, v5  }
0xf2: {  	vm12 =	vmand vm10, vm11;
	v7 =	vsel vm9, v7, v4;
	[tilespmem:$0x130] =	vst v6;
	v6 =	vsub.s32 v11, v1  }
0xf3: {  	vm15 =	vmand vm13, vm14;
	v6 =	vsel vm12, v6, v5;
	[tilespmem:$0x140] =	vst v7;
	v7 =	vsub.s32 v12, v1  }
0xf4: {  	[tilespmem:$0x150] =	vst v6;
	v6 =	vsel vm15, v7, v4  }
0xf5: {  	s11 =	simm.s32 $0x0;
	[tilespmem:$0x160] =	vst v6  }
0xf6: {  	v12 =	vld [tilespmem:s11+$0x180]  }
0xf7: {  	v17 =	vld [tilespmem:s11+$0x190]  }
0xf8: {  	v11 =	vld [tilespmem:s11+$0x1A0]  }
0xf9: {  	v10 =	vld [tilespmem:s11+$0x1B0]  }
0xfa: {  	v9 =	vld [tilespmem:s11+$0x1C0]  }
0xfb: {  	v8 =	vld [tilespmem:s11+$0x1D0]  }
0xfc: {  	v7 =	vld [tilespmem:s11+$0x1E0]  }
0xfd: {  	v6 =	vld [tilespmem:s11+$0x1F0]  }
0xfe: {  	v18 =	vld [tilespmem:s11+$0x3980]  }
0xff: {  	v19 =	vld [tilespmem:s11+$0x3990]  }
0x100: {  	v16 =	vld [tilespmem:s11+$0x39A0]  }
0x101: {  	v15 =	vld [tilespmem:s11+$0x39B0]  }
0x102: {  	v14 =	vld [tilespmem:s11+$0x39C0]  }
0x103: {  	v13 =	vld [tilespmem:s11+$0x39D0];
	v18 =	vadd.f32 v12, v18  }
0x104: {  	s12 =	simm.s32 $0x200;
	v17 =	vadd.f32 v17, v19;
	v12 =	vld [tilespmem:s11+$0x39E0]  }
.LBB2_11:
0x105: {  	s13 =	sshra.s32 s12, $0x2;
	p1 =	sne.s32 s12, $0xDE00;
	v18 =	vmax.f32 v18, $0.0e+00;
	v11 =	vadd.f32 v11, v16;
	v16 =	vld [tilespmem:s11+$0x39F0]  }
0x106: {  	v19 =	vld [tilespmem:s13+$0x180];
	[tilespmem:s11+$0x3980] =	vst v18;
	v17 =	vmax.f32 v17, $0.0e+00;
	v10 =	vadd.f32 v10, v15  }
0x107: {  	v20 =	vld [tilespmem:s13+$0x190];
	[tilespmem:s11+$0x3990] =	vst v17;
	v15 =	vmax.f32 v11, $0.0e+00;
	v9 =	vadd.f32 v9, v14  }
0x108: {  	v11 =	vld [tilespmem:s13+$0x1A0];
	[tilespmem:s11+$0x39A0] =	vst v15;
	v14 =	vmax.f32 v10, $0.0e+00;
	v8 =	vadd.f32 v8, v13  }
0x109: {  	v10 =	vld [tilespmem:s13+$0x1B0];
	[tilespmem:s11+$0x39B0] =	vst v14;
	v13 =	vmax.f32 v9, $0.0e+00;
	v7 =	vadd.f32 v7, v12  }
0x10a: {  	v9 =	vld [tilespmem:s13+$0x1C0];
	[tilespmem:s11+$0x39C0] =	vst v13;
	v12 =	vmax.f32 v8, $0.0e+00;
	v6 =	vadd.f32 v6, v16  }
0x10b: {  	v8 =	vld [tilespmem:s13+$0x1D0];
	[tilespmem:s11+$0x39D0] =	vst v12;
	v12 =	vmax.f32 v7, $0.0e+00  }
0x10c: {  	v7 =	vld [tilespmem:s13+$0x1E0];
	[tilespmem:s11+$0x39E0] =	vst v12;
	v12 =	vmax.f32 v6, $0.0e+00  }
0x10d: {  	v6 =	vld [tilespmem:s13+$0x1F0];
	[tilespmem:s11+$0x39F0] =	vst v12;
	s11 =	smov.u32 s13  }
0x10e: {  	v12 =	vld [tilespmem:s11+$0x3980]  }
0x10f: {  	v17 =	vld [tilespmem:s11+$0x3990]  }
.Ltmp4:
0x110: {  	v16 =	vld [tilespmem:s11+$0x39A0];
	(pc) =	sbr.rel @p1 .LBB2_11-.Ltmp4, $4  }
0x111: {  	v15 =	vld [tilespmem:s11+$0x39B0]  }
0x112: {  	v14 =	vld [tilespmem:s11+$0x39C0]  }
0x113: {  	v18 =	vadd.f32 v19, v12;
	v13 =	vld [tilespmem:s11+$0x39D0]  }
0x114: {  	s12 =	sadd.s32 $0x200, s12;
	v17 =	vadd.f32 v20, v17;
	v12 =	vld [tilespmem:s11+$0x39E0]  }
0x115: {  	v18 =	vmax.f32 v18, $0.0e+00;
	v11 =	vadd.f32 v11, v16;
	v63 =	vld [tilespmem:s11+$0x39F0]  }
0x116: {  	[tilespmem:s11+$0x3980] =	vst v18;
	v17 =	vmax.f32 v17, $0.0e+00;
	v10 =	vadd.f32 v10, v15  }
0x117: {  	[tilespmem:s11+$0x3990] =	vst v17;
	v11 =	vmax.f32 v11, $0.0e+00;
	v9 =	vadd.f32 v9, v14  }
0x118: {  	[tilespmem:s11+$0x39A0] =	vst v11;
	v10 =	vmax.f32 v10, $0.0e+00;
	v8 =	vadd.f32 v8, v13  }
0x119: {  	[tilespmem:s11+$0x39B0] =	vst v10;
	v9 =	vmax.f32 v9, $0.0e+00;
	v7 =	vadd.f32 v7, v12  }
0x11a: {  	[tilespmem:s11+$0x39C0] =	vst v9;
	v8 =	vmax.f32 v8, $0.0e+00;
	v6 =	vadd.f32 v6, v63  }
0x11b: {  	s10 =	sadd.s32 $0x1, s10;
	[tilespmem:s11+$0x39D0] =	vst v8;
	v7 =	vmax.f32 v7, $0.0e+00  }
0x11c: {  	p1 =	sne.s32 s10, $0x1C2;
	[tilespmem:s11+$0x39E0] =	vst v7;
	v6 =	vmax.f32 v6, $0.0e+00  }
.Ltmp5:
0x11d: {  	[tilespmem:s11+$0x39F0] =	vst v6;
	(pc) =	sbr.rel @p1 .LBB2_10-.Ltmp5, $4  }
0x11e: {  	[spmem:s2] =	stream.indirect.scatter.add.f32 [tilespmem:s26], [sflag:$0x2], $0x80, s29, s25, $0xb8;
	[tilespmem:$0x1F980] =	vst v63  }
0x11f: {  	_ =	swait.ge [sflag:s23], $0x3800  }
0x120: {  	[sflag:s23] =	ssyncset.done $0x0  }
0x121: {  	[sflag:s23] =	ssyncadd.s32 $0xFFFFC800  }
0x122: {  	[bflag:$0x0] =	sbarrier.arrive $0xFFFF;
	s3 =	simm.s32 @p0 $0x1FC2  }
0x123: {  	[hbm:s14], [sflag:s3] =	dma.local @p0 [spmem:s30], $0x2F00  }
0x124: {  	s3 =	simm.s32 @p0 $0x2  }
0x125: {  	_ =	swait.ge @p0 [sflag:s3], $0x2F00  }
0x126: {  	[sflag:s3] =	ssyncset.done @p0 $0x0  }
0x127: {  	s4 =	sadd.s32 $0x1, s4;
	[sflag:s3] =	ssyncadd.s32 @p0 $0xFFFFD100;
	s3 =	rddreg [dreg:$0x7]  }
0x128: {  	[hbm:s3], [sflag:s31] =	dma.local @!p0 [spmem:s0], $0x3100  }
0x129: {  	p1 =	sne.s32 s4, s15;
	s0 =	simm.s32 @!p0 $0x2  }
.Ltmp6:
0x12a: {  	_ =	swait.ge @!p0 [sflag:s0], $0x3100;
	(pc) =	sbr.rel @p1 .LBB2_1-.Ltmp6, $3  }
0x12b: {  	[sflag:s0] =	ssyncset.done @!p0 $0x0  }
0x12c: {  	[sflag:s0] =	ssyncadd.s32 @!p0 $0xFFFFCF00  }
0x12d: {  	[bflag:$0x0] =	sbarrier.arrive $0xFFFF;
	_ =	sdelay $0x1  }
0x12e: {  	_ =	sfence.sel $0x180000  }
0x12f: {  	[bflag:$0x0] =	sbarrier.arrive $0xFFFF  }
0x130: {  	_ =	strace $0x9000004D  }
0x131: {  	s0 =	stileid.u32;
	[bflag:$0x2] =	sbarrier.arrive $0xFFFF  }
0x132: {  	p0 =	sne.s32 s0, $0x0;
	s0 =	rddreg [dreg:$0x3]  }
0x133: {  	s0 =	sadd.s32 @!p0 $0x100000, s0  }
0x134: {  	[sflag:s0] =	ssyncadd.tile.s32 @!p0 $0x1;
	_ =	shalt  }
.Lfunc_end2:
_tile_overlayer_lowered:
.L_overlay_start_2:
0x135: {  	(tag) =	ssettag $0x2  }
0x136: {  	s0 =	rddreg [dreg:$0x0];
	s2 =	stileid.u32  }
0x137: {  	s1 =	rddreg [dreg:$0x1];
	p0 =	sne.s32 s2, $0x0  }
0x138: {  	s3 =	rddreg [dreg:$0x2];
	[bflag:$0x3] =	sbarrier.arrive $0xFFFF;
	s2 =	simm.s32 @!p0 $0x1C02  }
0x139: {  	[timem:s3], [sflag:s2] =	dma.local @!p0 [hbm:s0], s1  }
0x13a: {  	s0 =	simm.s32 @!p0 $0x2  }
0x13b: {  	_ =	swait.ge @!p0 [sflag:s0], s1  }
0x13c: {  	s1 =	ssub.s32 @!p0 $0x0, s1;
	[sflag:s0] =	ssyncset.done @!p0 $0x0  }
0x13d: {  	[sflag:s0] =	ssyncadd.s32 @!p0 s1  }
0x13e: {  	[bflag:$0x3] =	sbarrier.arrive $0xFFFF  }
0x13f: {  	_ =	shalt  }

</sc_bundles>
